<compile_context>
chip_gen: v7x
topology: tpu7x:2x2x1
jax: 0.10.2.dev20260603
libtpu: 0.0.44.dev20260713+nightly
codegen_flags: <defaults>
</compile_context>

<pallas_src>
import functools

import jax
import jax.numpy as jnp
from jax import lax
from jax.experimental import pallas as pl
from jax.experimental.pallas import tpu as pltpu
from jax.experimental.pallas import tpu_sc as plsc

NC = 2
NS = 16
NW = NC * NS
CHUNK = 128

_HIGH = lax.Precision.HIGHEST


def _cdiv(a, b):
    return -(-a // b)



def _make_deg_kernel(npad, ch_per_w):
    def body(dst_hbm, out_hbm, dst_v, degbuf):
        c = lax.axis_index("c")
        s = lax.axis_index("s")
        w = s * NC + c
        start = w * ch_per_w
        z16 = jnp.zeros((16,), jnp.float32)
        o16 = jnp.ones((16,), jnp.float32)

        def fill(i, _):
            degbuf[pl.ds(i * 16, 16)] = z16
            return 0

        lax.fori_loop(0, npad // 16, fill, 0)
        pltpu.sync_copy(dst_hbm.at[pl.ds(start, ch_per_w)], dst_v)

        def edge_chunk(j, _):
            for k in range(CHUNK // 16):
                idx = dst_v[j, pl.ds(k * 16, 16)]
                plsc.addupdate_scatter(degbuf, [idx], o16)
            return 0

        lax.fori_loop(0, ch_per_w, edge_chunk, 0)
        pltpu.sync_copy(degbuf, out_hbm.at[w])

    mesh = plsc.VectorSubcoreMesh(core_axis_name="c", subcore_axis_name="s")
    return pl.kernel(
        body,
        out_type=jax.ShapeDtypeStruct((NW, npad), jnp.float32),
        mesh=mesh,
        scratch_types=[
            pltpu.VMEM((ch_per_w, CHUNK), jnp.int32),
            pltpu.VMEM((npad,), jnp.float32),
        ],
        compiler_params=pltpu.CompilerParams(needs_layout_passes=False),
    )


def _make_agg_kernel(npad, d, ch_light, ch_heavy, light_c):
    rows_per_tile = npad // NS
    copy_sizes = [CHUNK] * (rows_per_tile // CHUNK)
    if rows_per_tile % CHUNK:
        copy_sizes.append(rows_per_tile % CHUNK)

    NBUF = 2

    def body(hp_hbm, src_hbm, dst_hbm, out_hbm, srcb, dstb,
             b0, b1, acc, g0, g1):
        bufs = [b0, b1]
        gs = [g0, g1]
        c = lax.axis_index("c")
        s = lax.axis_index("s")
        w = s * NC + c
        is_light = c == light_c
        start = jnp.where(is_light, s * ch_light,
                          NS * ch_light + s * ch_heavy)
        cnt = jnp.where(is_light, ch_light, ch_heavy)
        rounds = cnt // NBUF
        z16 = jnp.zeros((16,), jnp.float32)

        def fill(i, _):
            for k in range(d // 16):
                b0[i, pl.ds(k * 16, 16)] = z16
            return 0

        lax.fori_loop(0, CHUNK, fill, 0)
        base = s * rows_per_tile
        off = 0
        for sz in copy_sizes:
            pltpu.sync_copy(b0.at[pl.ds(0, sz)],
                            acc.at[pl.ds(base + off, sz)])
            off += sz
        plsc.subcore_barrier()

        for b in range(NBUF):
            pltpu.sync_copy(src_hbm.at[start + b], srcb.at[b])
            pltpu.sync_copy(dst_hbm.at[start + b], dstb.at[b])
            pltpu.async_copy(hp_hbm.at[srcb.at[b]], bufs[b], gs[b])

        def round_body(i, _):
            for b in range(NBUF):
                j = NBUF * i + b
                pltpu.make_async_copy(
                    hp_hbm.at[srcb.at[b]], bufs[b], gs[b]).wait()
                pltpu.sync_copy(bufs[b], acc.at[dstb.at[b]], add=True)

                @pl.when(i < rounds - 1)
                def _():
                    pltpu.sync_copy(src_hbm.at[start + j + NBUF], srcb.at[b])
                    pltpu.sync_copy(dst_hbm.at[start + j + NBUF], dstb.at[b])
                    pltpu.async_copy(hp_hbm.at[srcb.at[b]], bufs[b], gs[b])
            return 0

        lax.fori_loop(0, rounds, round_body, 0)
        plsc.subcore_barrier()
        off = 0
        for sz in copy_sizes:
            pltpu.sync_copy(acc.at[pl.ds(base + off, sz)],
                            b0.at[pl.ds(0, sz)])
            pltpu.sync_copy(b0.at[pl.ds(0, sz)],
                            out_hbm.at[w, pl.ds(off, sz)])
            off += sz

    mesh = plsc.VectorSubcoreMesh(core_axis_name="c", subcore_axis_name="s")
    return pl.kernel(
        body,
        out_type=jax.ShapeDtypeStruct((NW, rows_per_tile, d), jnp.float32),
        mesh=mesh,
        scratch_types=[
            pltpu.VMEM((NBUF, CHUNK), jnp.int32),
            pltpu.VMEM((NBUF, CHUNK), jnp.int32),
            pltpu.VMEM((CHUNK, d), jnp.float32),
            pltpu.VMEM((CHUNK, d), jnp.float32),
            pltpu.VMEM_SHARED((npad, d), jnp.float32),
            pltpu.SemaphoreType.DMA,
            pltpu.SemaphoreType.DMA,
        ],
    )



def _prep_call(dacc, xpad, w0, bn):
    npad, d = xpad.shape
    h = w0.shape[1]
    nb = npad // bn

    def body(dacc_ref, x_ref, w_ref, hp_ref, dis_ref):
        deg = jnp.sum(dacc_ref[...], axis=1, keepdims=True) + 1.0
        dis = lax.rsqrt(deg)
        hm = jnp.dot(x_ref[...], w_ref[...],
                     preferred_element_type=jnp.float32, precision=_HIGH)
        hp_ref[...] = dis * hm
        dis_ref[...] = dis

    return pl.pallas_call(
        body,
        grid=(nb,),
        in_specs=[
            pl.BlockSpec((bn, NW), lambda j: (j, 0)),
            pl.BlockSpec((bn, d), lambda j: (j, 0)),
            pl.BlockSpec((d, h), lambda j: (0, 0)),
        ],
        out_specs=[
            pl.BlockSpec((bn, h), lambda j: (j, 0)),
            pl.BlockSpec((bn, 1), lambda j: (j, 0)),
        ],
        out_shape=[
            jax.ShapeDtypeStruct((npad, h), jnp.float32),
            jax.ShapeDtypeStruct((npad, 1), jnp.float32),
        ],
    )(dacc, xpad, w0)


def _post_call(sacc4, hp, dis, b, wn, xres, bn):
    npad, h = hp.shape
    rpt = sacc4.shape[2]
    hn = wn.shape[1]
    nb = npad // bn
    has_res = xres is not None

    def body(sacc_ref, hp_ref, dis_ref, b_ref, w_ref, *rest):
        if has_res:
            xres_ref, xout_ref, hn_ref = rest
        else:
            xout_ref, hn_ref = rest
        t = sacc_ref[0, 0] + sacc_ref[0, 1] + hp_ref[...]
        y = jnp.maximum(dis_ref[...] * t + b_ref[...], 0.0)
        xout_ref[...] = y
        xin = y + xres_ref[...] if has_res else y
        hm = jnp.dot(xin, w_ref[...],
                     preferred_element_type=jnp.float32, precision=_HIGH)
        hn_ref[...] = dis_ref[...] * hm

    in_specs = [
        pl.BlockSpec((1, NC, rpt, h), lambda j: (j, 0, 0, 0)),
        pl.BlockSpec((bn, h), lambda j: (j, 0)),
        pl.BlockSpec((bn, 1), lambda j: (j, 0)),
        pl.BlockSpec((1, h), lambda j: (0, 0)),
        pl.BlockSpec((h, hn), lambda j: (0, 0)),
    ]
    args = [sacc4, hp, dis, b, wn]
    if has_res:
        in_specs.append(pl.BlockSpec((bn, h), lambda j: (j, 0)))
        args.append(xres)
    return pl.pallas_call(
        body,
        grid=(nb,),
        in_specs=in_specs,
        out_specs=[
            pl.BlockSpec((bn, h), lambda j: (j, 0)),
            pl.BlockSpec((bn, hn), lambda j: (j, 0)),
        ],
        out_shape=[
            jax.ShapeDtypeStruct((npad, h), jnp.float32),
            jax.ShapeDtypeStruct((npad, hn), jnp.float32),
        ],
    )(*args)


def _final_call(sacc4, hp, dis, b, batch2d, wl, bl, g, bn):
    npad, h = hp.shape
    rpt = sacc4.shape[2]
    c = wl.shape[1]
    nb = npad // bn

    def body(sacc_ref, hp_ref, dis_ref, b_ref, batch_ref, wl_ref, bl_ref,
             y_ref, gm_ref, gsum, gcnt):
        j = pl.program_id(0)
        t = sacc_ref[0, 0] + sacc_ref[0, 1] + hp_ref[...]
        x3 = jnp.maximum(dis_ref[...] * t + b_ref[...], 0.0)
        gids = lax.broadcasted_iota(jnp.int32, (1, g), 1)
        onehot = (batch_ref[...] == gids).astype(jnp.float32)
        part = lax.dot_general(onehot, x3, (((0,), (0,)), ((), ())),
                               preferred_element_type=jnp.float32,
                               precision=_HIGH)
        ones_col = jnp.ones((bn, 1), jnp.float32)
        cpart = lax.dot_general(onehot, ones_col, (((0,), (0,)), ((), ())),
                                preferred_element_type=jnp.float32,
                                precision=_HIGH)

        @pl.when(j == 0)
        def _():
            gsum[...] = part
            gcnt[...] = cpart

        @pl.when(j > 0)
        def _():
            gsum[...] += part
            gcnt[...] += cpart

        @pl.when(j == nb - 1)
        def _():
            gm = gsum[...] / jnp.maximum(gcnt[...], 1.0)
            gm_ref[...] = gm
            y_ref[...] = jnp.dot(gm, wl_ref[...],
                                 preferred_element_type=jnp.float32,
                                 precision=_HIGH) + bl_ref[...]

    return pl.pallas_call(
        body,
        grid=(nb,),
        in_specs=[
            pl.BlockSpec((1, NC, rpt, h), lambda j: (j, 0, 0, 0)),
            pl.BlockSpec((bn, h), lambda j: (j, 0)),
            pl.BlockSpec((bn, 1), lambda j: (j, 0)),
            pl.BlockSpec((1, h), lambda j: (0, 0)),
            pl.BlockSpec((bn, 1), lambda j: (j, 0)),
            pl.BlockSpec((h, c), lambda j: (0, 0)),
            pl.BlockSpec((1, c), lambda j: (0, 0)),
        ],
        out_specs=[
            pl.BlockSpec((g, c), lambda j: (0, 0)),
            pl.BlockSpec((g, h), lambda j: (0, 0)),
        ],
        out_shape=[
            jax.ShapeDtypeStruct((g, c), jnp.float32),
            jax.ShapeDtypeStruct((g, h), jnp.float32),
        ],
        scratch_shapes=[
            pltpu.VMEM((g, h), jnp.float32),
            pltpu.VMEM((g, 1), jnp.float32),
        ],
    )(sacc4, hp, dis, b, batch2d, wl, bl)



def kernel(x, edge_index, batch, W0, b0, W1, b1, W2, b2, Wl, bl):
    n, d = x.shape
    h = W0.shape[1]
    c_out = Wl.shape[1]
    g = 64
    e = edge_index.shape[1]

    ct = _cdiv(e, CHUNK)
    ch_light = 16 * max(1, round(ct * 0.5 / NS / 16))
    ch_heavy = 16 * _cdiv(max(ct - NS * ch_light, NS * 16), NS * 16)
    ct_pad = NS * (ch_light + ch_heavy)
    e_pad = ct_pad * CHUNK
    light_c = 0
    npad = _cdiv(n + 1, NS * 8) * NS * 8
    rpt = npad // NS
    bn = rpt

    src = edge_index[0].astype(jnp.int32)
    dst = edge_index[1].astype(jnp.int32)
    pad = e_pad - e
    src3 = jnp.concatenate([src, jnp.zeros((pad,), jnp.int32)]
                           ).reshape(ct_pad, CHUNK)
    dst3 = jnp.concatenate([dst, jnp.full((pad,), n, jnp.int32)]
                           ).reshape(ct_pad, CHUNK)
    xpad = jnp.pad(x, ((0, npad - n), (0, 0)))
    batch2d = jnp.pad(batch.astype(jnp.int32), (0, npad - n),
                      constant_values=-1).reshape(npad, 1)
    b0r = b0.reshape(1, h)
    b1r = b1.reshape(1, h)
    b2r = b2.reshape(1, h)
    blr = bl.reshape(1, c_out)

    deg_k = _make_deg_kernel(npad, ct_pad // NW)
    agg_k = _make_agg_kernel(npad, h, ch_light, ch_heavy, light_c)

    def agg4(hp):
        return agg_k(hp, src3, dst3).reshape(NS, NC, rpt, h)

    dacc = jnp.transpose(deg_k(dst3))
    h0p, dis = _prep_call(dacc, xpad, W0, bn)
    s1 = agg4(h0p)
    x1, h1p = _post_call(s1, h0p, dis, b0r, W1, None, bn)
    s2 = agg4(h1p)
    _, h2p = _post_call(s2, h1p, dis, b1r, W2, x1, bn)
    s3 = agg4(h2p)
    y, gm = _final_call(s3, h2p, dis, b2r, batch2d, Wl, blr, g, bn)
    return (y, gm)

# --- scband reference (transcript-rebuilt; emitter-appended) ---
"""Pipeline reference for scband-res-block-gnn-64080912056839 (READ-ONLY COPY).

The authoritative reference and input builder live on the scoring server;
editing this copy changes nothing except your own understanding.
"""

import jax, jax.numpy as jnp
import numpy as np

N = 10000
E = 320000
D = 128
H = 128
C = 16
G = 64
HIDDEN_LAYERS = 2


def gcn_conv(x, edge_index, W, b):
    n = x.shape[0]
    src = edge_index[0]
    dst = edge_index[1]
    loop = jnp.arange(n, dtype=src.dtype)
    src = jnp.concatenate([src, loop])
    dst = jnp.concatenate([dst, loop])
    deg = jnp.zeros((n,), x.dtype).at[dst].add(1.0)
    dis = jnp.where(deg > 0, 1.0 / jnp.sqrt(deg), 0.0)
    norm = dis[src] * dis[dst]
    h = x @ W
    msg = h[src] * norm[:, None]
    out = jnp.zeros((n, W.shape[1]), x.dtype).at[dst].add(msg)
    return out + b


def global_mean_pool(x, batch, num_graphs):
    s = jax.ops.segment_sum(x, batch, num_segments=num_graphs)
    cnt = jax.ops.segment_sum(jnp.ones((x.shape[0],), x.dtype), batch, num_segments=num_graphs)
    return s / jnp.maximum(cnt, 1.0)[:, None]


def setup_inputs(seed: int = 0):
    key = jax.random.key(seed)
    ks = jax.random.split(key, 12)
    x = jax.random.normal(ks[0], (N, D), dtype=jnp.float32)
    edge_index = jax.random.randint(ks[1], (2, E), 0, N, dtype=jnp.int64)
    batch = jnp.sort(jax.random.randint(ks[2], (N,), 0, G, dtype=jnp.int64))
    W0 = jax.random.normal(ks[3], (D, H), dtype=jnp.float32) * 0.05
    b0 = jnp.zeros((H,), dtype=jnp.float32)
    W1 = jax.random.normal(ks[4], (H, H), dtype=jnp.float32) * 0.05
    b1 = jnp.zeros((H,), dtype=jnp.float32)
    W2 = jax.random.normal(ks[5], (H, H), dtype=jnp.float32) * 0.05
    b2 = jnp.zeros((H,), dtype=jnp.float32)
    Wl = jax.random.normal(ks[6], (H, C), dtype=jnp.float32) * 0.05
    bl = jnp.zeros((C,), dtype=jnp.float32)
    return {"x": x, "edge_index": edge_index, "batch": batch,
            "W0": W0, "b0": b0, "W1": W1, "b1": b1,
            "W2": W2, "b2": b2, "Wl": Wl, "bl": bl}


def reference(x, edge_index, batch, W0, b0, W1, b1, W2, b2, Wl, bl):
    x_cur = jax.nn.relu(gcn_conv(x, edge_index, W0, b0))
    x_pre = jnp.zeros_like(x_cur)
    for (W, b) in [(W1, b1), (W2, b2)]:
        x_temp = x_cur
        x_cur = jax.nn.relu(gcn_conv(x_cur + x_pre, edge_index, W, b))
        x_pre = x_temp
    global_mean = global_mean_pool(x_cur, batch, G)
    # dropout in eval mode (training=False) is identity
    y = global_mean @ Wl + bl
    return (y, global_mean)

if __name__ == "__main__":
    import jax
    _d = setup_inputs()
    print(jax.jit(kernel)(*tuple(_d.values())))

</pallas_src>

<mosaic_0001>
#map = affine_map<(d0, d1) -> (0, 0)>
#map1 = affine_map<(d0, d1) -> (0, 0, 0)>
module attributes {stable_mosaic.version = 14 : i64} {
  func.func @body(%arg0: i32, %arg1: i32, %arg2: memref<10112x128xf32, #tpu.memory_space<hbm>>, %arg3: memref<2560x128xi32, #tpu.memory_space<hbm>>, %arg4: memref<2560x128xi32, #tpu.memory_space<hbm>>, %arg5: memref<32x632x128xf32, #tpu.memory_space<hbm>>, %arg6: memref<2x128xi32, #tpu.memory_space<vmem>>, %arg7: memref<2x128xi32, #tpu.memory_space<vmem>>, %arg8: memref<128x128xf32, #tpu.memory_space<vmem>>, %arg9: memref<128x128xf32, #tpu.memory_space<vmem>>, %arg10: memref<10112x128xf32, #tpu.memory_space<vmem_shared>>, %arg11: memref<!tpu.dma_semaphore, #tpu.memory_space<semaphore_mem>>, %arg12: memref<!tpu.dma_semaphore, #tpu.memory_space<semaphore_mem>>) attributes {dimension_semantics = [#tpu.dimension_semantics<core_parallel>, #tpu.dimension_semantics<subcore_parallel>], iteration_bounds = array<i64: 2, 16>, scalar_prefetch = 0 : i64, scratch_operands = 7 : i64, tpu.core_type = #tpu.core_type<sc_vector_subcore>, window_params = [{transform_indices = #map}, {transform_indices = #map}, {transform_indices = #map}, {transform_indices = #map1}]} {
    %mul3A = arith.constant 2 : i32
    %mul3A_0 = arith.muli %arg1, %mul3A : i32
    %add3A = arith.addi %mul3A_0, %arg0 : i32
    %eq3A = arith.constant 0 : i32
    %eq3A_1 = arith.cmpi eq, %arg0, %eq3A : i32
    %mul3A_2 = arith.constant 80 : i32
    %mul3A_3 = arith.muli %arg1, %mul3A_2 : i32
    %mul3A_4 = arith.constant 80 : i32
    %mul3A_5 = arith.muli %arg1, %mul3A_4 : i32
    %add3A_6 = arith.constant 1280 : i32
    %add3A_7 = arith.addi %add3A_6, %mul3A_5 : i32
    %select_n3A = arith.select %eq3A_1, %mul3A_3, %add3A_7 : i32
    %jit3A = arith.constant 80 : i32
    %jit3A_8 = arith.constant 80 : i32
    %select_n3A_9 = arith.select %eq3A_1, %jit3A, %jit3A_8 : i32
    %jit3A_10 = arith.constant 2 : i32
    %div3A = arith.divsi %select_n3A_9, %jit3A_10 : i32
    %sign3A = arith.constant 0 : i32
    %sign3A_11 = arith.cmpi sgt, %select_n3A_9, %sign3A : i32
    %sign3A_12 = arith.extui %sign3A_11 : i1 to i32
    %sign3A_13 = arith.constant 0 : i32
    %sign3A_14 = arith.cmpi slt, %select_n3A_9, %sign3A_13 : i32
    %sign3A_15 = arith.extui %sign3A_14 : i1 to i32
    %sign3A_16 = arith.subi %sign3A_12, %sign3A_15 : i32
    %sign3A_17 = arith.constant 0 : i32
    %sign3A_18 = arith.cmpi sgt, %jit3A_10, %sign3A_17 : i32
    %sign3A_19 = arith.extui %sign3A_18 : i1 to i32
    %sign3A_20 = arith.constant 0 : i32
    %sign3A_21 = arith.cmpi slt, %jit3A_10, %sign3A_20 : i32
    %sign3A_22 = arith.extui %sign3A_21 : i1 to i32
    %sign3A_23 = arith.subi %sign3A_19, %sign3A_22 : i32
    %ne3A = arith.cmpi ne, %sign3A_16, %sign3A_23 : i32
    %rem3A = arith.remsi %select_n3A_9, %jit3A_10 : i32
    %ne3A_24 = arith.constant 0 : i32
    %ne3A_25 = arith.cmpi ne, %rem3A, %ne3A_24 : i32
    %and3A = arith.andi %ne3A, %ne3A_25 : i1
    %sub3A = arith.constant 1 : i32
    %sub3A_26 = arith.subi %div3A, %sub3A : i32
    %select_n3A_27 = arith.select %and3A, %sub3A_26, %div3A : i32
    %broadcast_in_dim3A = arith.constant 0.000000e+00 : f32
    %broadcast_in_dim3A_28 = vector.broadcast %broadcast_in_dim3A : f32 to vector<16xf32>
    %scan3A = arith.constant 0 : i32
    %scan3A_29 = arith.constant 0 : i32
    %scan3A_30 = arith.constant 128 : i32
    %scan3A_31 = arith.addi %scan3A_29, %scan3A_30 : i32
    %scan3A_32 = arith.constant 1 : i32
    %scan3A_33 = scf.for %scan3A_93 = %scan3A_29 to %scan3A_31 step %scan3A_32 iter_args(%scan3A_94 = %scan3A) -> (i32)  : i32 {
      %swap3A = arith.index_cast %scan3A_93 : i32 to index
      %swap3A_95 = arith.constant 0 : index
      %swap3A_96 = tpu.vector_load %arg8[%swap3A, %swap3A_95] {strides = array<i32>} : memref<128x128xf32, #tpu.memory_space<vmem>>, vector<1x16xf32>,
      %swap3A_97 = vector.shape_cast %swap3A_96 : vector<1x16xf32> to vector<16xf32>
      %swap3A_98 = vector.shape_cast %broadcast_in_dim3A_28 : vector<16xf32> to vector<1x16xf32>
      tpu.vector_store %arg8[%swap3A, %swap3A_95], %swap3A_98 {strides = array<i32>} : memref<128x128xf32, #tpu.memory_space<vmem>>, vector<1x16xf32>,
      %swap3A_99 = arith.index_cast %scan3A_93 : i32 to index
      %swap3A_100 = arith.constant 16 : index
      %swap3A_101 = tpu.vector_load %arg8[%swap3A_99, %swap3A_100] {strides = array<i32>} : memref<128x128xf32, #tpu.memory_space<vmem>>, vector<1x16xf32>,
      %swap3A_102 = vector.shape_cast %swap3A_101 : vector<1x16xf32> to vector<16xf32>
      %swap3A_103 = vector.shape_cast %broadcast_in_dim3A_28 : vector<16xf32> to vector<1x16xf32>
      tpu.vector_store %arg8[%swap3A_99, %swap3A_100], %swap3A_103 {strides = array<i32>} : memref<128x128xf32, #tpu.memory_space<vmem>>, vector<1x16xf32>,
      %swap3A_104 = arith.index_cast %scan3A_93 : i32 to index
      %swap3A_105 = arith.constant 32 : index
      %swap3A_106 = tpu.vector_load %arg8[%swap3A_104, %swap3A_105] {strides = array<i32>} : memref<128x128xf32, #tpu.memory_space<vmem>>, vector<1x16xf32>,
      %swap3A_107 = vector.shape_cast %swap3A_106 : vector<1x16xf32> to vector<16xf32>
      %swap3A_108 = vector.shape_cast %broadcast_in_dim3A_28 : vector<16xf32> to vector<1x16xf32>
      tpu.vector_store %arg8[%swap3A_104, %swap3A_105], %swap3A_108 {strides = array<i32>} : memref<128x128xf32, #tpu.memory_space<vmem>>, vector<1x16xf32>,
      %swap3A_109 = arith.index_cast %scan3A_93 : i32 to index
      %swap3A_110 = arith.constant 48 : index
      %swap3A_111 = tpu.vector_load %arg8[%swap3A_109, %swap3A_110] {strides = array<i32>} : memref<128x128xf32, #tpu.memory_space<vmem>>, vector<1x16xf32>,
      %swap3A_112 = vector.shape_cast %swap3A_111 : vector<1x16xf32> to vector<16xf32>
      %swap3A_113 = vector.shape_cast %broadcast_in_dim3A_28 : vector<16xf32> to vector<1x16xf32>
      tpu.vector_store %arg8[%swap3A_109, %swap3A_110], %swap3A_113 {strides = array<i32>} : memref<128x128xf32, #tpu.memory_space<vmem>>, vector<1x16xf32>,
      %swap3A_114 = arith.index_cast %scan3A_93 : i32 to index
      %swap3A_115 = arith.constant 64 : index
      %swap3A_116 = tpu.vector_load %arg8[%swap3A_114, %swap3A_115] {strides = array<i32>} : memref<128x128xf32, #tpu.memory_space<vmem>>, vector<1x16xf32>,
      %swap3A_117 = vector.shape_cast %swap3A_116 : vector<1x16xf32> to vector<16xf32>
      %swap3A_118 = vector.shape_cast %broadcast_in_dim3A_28 : vector<16xf32> to vector<1x16xf32>
      tpu.vector_store %arg8[%swap3A_114, %swap3A_115], %swap3A_118 {strides = array<i32>} : memref<128x128xf32, #tpu.memory_space<vmem>>, vector<1x16xf32>,
      %swap3A_119 = arith.index_cast %scan3A_93 : i32 to index
      %swap3A_120 = arith.constant 80 : index
      %swap3A_121 = tpu.vector_load %arg8[%swap3A_119, %swap3A_120] {strides = array<i32>} : memref<128x128xf32, #tpu.memory_space<vmem>>, vector<1x16xf32>,
      %swap3A_122 = vector.shape_cast %swap3A_121 : vector<1x16xf32> to vector<16xf32>
      %swap3A_123 = vector.shape_cast %broadcast_in_dim3A_28 : vector<16xf32> to vector<1x16xf32>
      tpu.vector_store %arg8[%swap3A_119, %swap3A_120], %swap3A_123 {strides = array<i32>} : memref<128x128xf32, #tpu.memory_space<vmem>>, vector<1x16xf32>,
      %swap3A_124 = arith.index_cast %scan3A_93 : i32 to index
      %swap3A_125 = arith.constant 96 : index
      %swap3A_126 = tpu.vector_load %arg8[%swap3A_124, %swap3A_125] {strides = array<i32>} : memref<128x128xf32, #tpu.memory_space<vmem>>, vector<1x16xf32>,
      %swap3A_127 = vector.shape_cast %swap3A_126 : vector<1x16xf32> to vector<16xf32>
      %swap3A_128 = vector.shape_cast %broadcast_in_dim3A_28 : vector<16xf32> to vector<1x16xf32>
      tpu.vector_store %arg8[%swap3A_124, %swap3A_125], %swap3A_128 {strides = array<i32>} : memref<128x128xf32, #tpu.memory_space<vmem>>, vector<1x16xf32>,
      %swap3A_129 = arith.index_cast %scan3A_93 : i32 to index
      %swap3A_130 = arith.constant 112 : index
      %swap3A_131 = tpu.vector_load %arg8[%swap3A_129, %swap3A_130] {strides = array<i32>} : memref<128x128xf32, #tpu.memory_space<vmem>>, vector<1x16xf32>,
      %swap3A_132 = vector.shape_cast %swap3A_131 : vector<1x16xf32> to vector<16xf32>
      %swap3A_133 = vector.shape_cast %broadcast_in_dim3A_28 : vector<16xf32> to vector<1x16xf32>
      tpu.vector_store %arg8[%swap3A_129, %swap3A_130], %swap3A_133 {strides = array<i32>} : memref<128x128xf32, #tpu.memory_space<vmem>>, vector<1x16xf32>,
      %scan3A_134 = arith.constant 0 : i32
      scf.yield %scan3A_134 : i32
    }
    %scan3A_34 = arith.constant 128 : i32
    %mul3A_35 = arith.constant 632 : i32
    %mul3A_36 = arith.muli %arg1, %mul3A_35 : i32
    %add3A_37 = arith.constant 0 : i32
    %add3A_38 = arith.addi %mul3A_36, %add3A_37 : i32
    "tpu.region"() ({
      %run_scoped3A_93 = tpu.sem_alloc : memref<!tpu.dma_semaphore, #tpu.memory_space<semaphore_mem>>
      %dma_start3A_94 = arith.constant 0 : i32
      %dma_start3A_95 = arith.constant 0 : i32
      %dma_start3A_96 = tpu.memref_slice %arg8[%dma_start3A_94, %dma_start3A_95] : memref<128x128xf32, #tpu.memory_space<vmem>> -> memref<128x128xf32, #tpu.memory_space<vmem>>
      %dma_start3A_97 = arith.constant 0 : i32
      %dma_start3A_98 = tpu.memref_slice %arg10[%add3A_38, %dma_start3A_97] : memref<10112x128xf32, #tpu.memory_space<vmem_shared>> -> memref<128x128xf32, #tpu.memory_space<vmem_shared>>
      %dma_start3A_99 = arith.constant 0 : i32
      %dma_start3A_100 = tpu.memref_slice %arg10[%add3A_38, %dma_start3A_99] : memref<10112x128xf32, #tpu.memory_space<vmem_shared>> -> memref<128x128xf32, #tpu.memory_space<vmem_shared>>
      %dma_start3A_101 = arith.constant 0 : i32
      %dma_start3A_102 = arith.constant 0 : i32
      %dma_start3A_103 = tpu.memref_slice %arg8[%dma_start3A_101, %dma_start3A_102] : memref<128x128xf32, #tpu.memory_space<vmem>> -> memref<128x128xf32, #tpu.memory_space<vmem>>
      tpu.enqueue_dma source(%dma_start3A_103 : memref<128x128xf32, #tpu.memory_space<vmem>>) target(%dma_start3A_100 : memref<128x128xf32, #tpu.memory_space<vmem_shared>>) target_semaphore(%run_scoped3A_93 : memref<!tpu.dma_semaphore, #tpu.memory_space<semaphore_mem>>)
      %dma_wait3A = arith.constant 0 : i32
      %dma_wait3A_104 = arith.constant 0 : i32
      %dma_wait3A_105 = tpu.memref_slice %arg8[%dma_wait3A, %dma_wait3A_104] : memref<128x128xf32, #tpu.memory_space<vmem>> -> memref<128x128xf32, #tpu.memory_space<vmem>>
      %dma_wait3A_106 = arith.constant 0 : i32
      %dma_wait3A_107 = tpu.memref_slice %arg10[%add3A_38, %dma_wait3A_106] : memref<10112x128xf32, #tpu.memory_space<vmem_shared>> -> memref<128x128xf32, #tpu.memory_space<vmem_shared>>
      %dma_wait3A_108 = arith.constant 0 : i32
      %dma_wait3A_109 = tpu.memref_slice %arg10[%add3A_38, %dma_wait3A_108] : memref<10112x128xf32, #tpu.memory_space<vmem_shared>> -> memref<128x128xf32, #tpu.memory_space<vmem_shared>>
      %dma_wait3A_110 = arith.constant 0 : i32
      %dma_wait3A_111 = arith.constant 0 : i32
      %dma_wait3A_112 = tpu.memref_slice %arg8[%dma_wait3A_110, %dma_wait3A_111] : memref<128x128xf32, #tpu.memory_space<vmem>> -> memref<128x128xf32, #tpu.memory_space<vmem>>
      tpu.wait_dma2 semaphore(%run_scoped3A_93 : memref<!tpu.dma_semaphore, #tpu.memory_space<semaphore_mem>>) src(%dma_wait3A_112 : memref<128x128xf32, #tpu.memory_space<vmem>>) dst(%dma_wait3A_109 : memref<128x128xf32, #tpu.memory_space<vmem_shared>>)
      tpu.yield
    }) : () -> ()
    %add3A_39 = arith.constant 128 : i32
    %add3A_40 = arith.addi %mul3A_36, %add3A_39 : i32
    "tpu.region"() ({
      %run_scoped3A_93 = tpu.sem_alloc : memref<!tpu.dma_semaphore, #tpu.memory_space<semaphore_mem>>
      %dma_start3A_94 = arith.constant 0 : i32
      %dma_start3A_95 = arith.constant 0 : i32
      %dma_start3A_96 = tpu.memref_slice %arg8[%dma_start3A_94, %dma_start3A_95] : memref<128x128xf32, #tpu.memory_space<vmem>> -> memref<128x128xf32, #tpu.memory_space<vmem>>
      %dma_start3A_97 = arith.constant 0 : i32
      %dma_start3A_98 = tpu.memref_slice %arg10[%add3A_40, %dma_start3A_97] : memref<10112x128xf32, #tpu.memory_space<vmem_shared>> -> memref<128x128xf32, #tpu.memory_space<vmem_shared>>
      %dma_start3A_99 = arith.constant 0 : i32
      %dma_start3A_100 = tpu.memref_slice %arg10[%add3A_40, %dma_start3A_99] : memref<10112x128xf32, #tpu.memory_space<vmem_shared>> -> memref<128x128xf32, #tpu.memory_space<vmem_shared>>
      %dma_start3A_101 = arith.constant 0 : i32
      %dma_start3A_102 = arith.constant 0 : i32
      %dma_start3A_103 = tpu.memref_slice %arg8[%dma_start3A_101, %dma_start3A_102] : memref<128x128xf32, #tpu.memory_space<vmem>> -> memref<128x128xf32, #tpu.memory_space<vmem>>
      tpu.enqueue_dma source(%dma_start3A_103 : memref<128x128xf32, #tpu.memory_space<vmem>>) target(%dma_start3A_100 : memref<128x128xf32, #tpu.memory_space<vmem_shared>>) target_semaphore(%run_scoped3A_93 : memref<!tpu.dma_semaphore, #tpu.memory_space<semaphore_mem>>)
      %dma_wait3A = arith.constant 0 : i32
      %dma_wait3A_104 = arith.constant 0 : i32
      %dma_wait3A_105 = tpu.memref_slice %arg8[%dma_wait3A, %dma_wait3A_104] : memref<128x128xf32, #tpu.memory_space<vmem>> -> memref<128x128xf32, #tpu.memory_space<vmem>>
      %dma_wait3A_106 = arith.constant 0 : i32
      %dma_wait3A_107 = tpu.memref_slice %arg10[%add3A_40, %dma_wait3A_106] : memref<10112x128xf32, #tpu.memory_space<vmem_shared>> -> memref<128x128xf32, #tpu.memory_space<vmem_shared>>
      %dma_wait3A_108 = arith.constant 0 : i32
      %dma_wait3A_109 = tpu.memref_slice %arg10[%add3A_40, %dma_wait3A_108] : memref<10112x128xf32, #tpu.memory_space<vmem_shared>> -> memref<128x128xf32, #tpu.memory_space<vmem_shared>>
      %dma_wait3A_110 = arith.constant 0 : i32
      %dma_wait3A_111 = arith.constant 0 : i32
      %dma_wait3A_112 = tpu.memref_slice %arg8[%dma_wait3A_110, %dma_wait3A_111] : memref<128x128xf32, #tpu.memory_space<vmem>> -> memref<128x128xf32, #tpu.memory_space<vmem>>
      tpu.wait_dma2 semaphore(%run_scoped3A_93 : memref<!tpu.dma_semaphore, #tpu.memory_space<semaphore_mem>>) src(%dma_wait3A_112 : memref<128x128xf32, #tpu.memory_space<vmem>>) dst(%dma_wait3A_109 : memref<128x128xf32, #tpu.memory_space<vmem_shared>>)
      tpu.yield
    }) : () -> ()
    %add3A_41 = arith.constant 256 : i32
    %add3A_42 = arith.addi %mul3A_36, %add3A_41 : i32
    "tpu.region"() ({
      %run_scoped3A_93 = tpu.sem_alloc : memref<!tpu.dma_semaphore, #tpu.memory_space<semaphore_mem>>
      %dma_start3A_94 = arith.constant 0 : i32
      %dma_start3A_95 = arith.constant 0 : i32
      %dma_start3A_96 = tpu.memref_slice %arg8[%dma_start3A_94, %dma_start3A_95] : memref<128x128xf32, #tpu.memory_space<vmem>> -> memref<128x128xf32, #tpu.memory_space<vmem>>
      %dma_start3A_97 = arith.constant 0 : i32
      %dma_start3A_98 = tpu.memref_slice %arg10[%add3A_42, %dma_start3A_97] : memref<10112x128xf32, #tpu.memory_space<vmem_shared>> -> memref<128x128xf32, #tpu.memory_space<vmem_shared>>
      %dma_start3A_99 = arith.constant 0 : i32
      %dma_start3A_100 = tpu.memref_slice %arg10[%add3A_42, %dma_start3A_99] : memref<10112x128xf32, #tpu.memory_space<vmem_shared>> -> memref<128x128xf32, #tpu.memory_space<vmem_shared>>
      %dma_start3A_101 = arith.constant 0 : i32
      %dma_start3A_102 = arith.constant 0 : i32
      %dma_start3A_103 = tpu.memref_slice %arg8[%dma_start3A_101, %dma_start3A_102] : memref<128x128xf32, #tpu.memory_space<vmem>> -> memref<128x128xf32, #tpu.memory_space<vmem>>
      tpu.enqueue_dma source(%dma_start3A_103 : memref<128x128xf32, #tpu.memory_space<vmem>>) target(%dma_start3A_100 : memref<128x128xf32, #tpu.memory_space<vmem_shared>>) target_semaphore(%run_scoped3A_93 : memref<!tpu.dma_semaphore, #tpu.memory_space<semaphore_mem>>)
      %dma_wait3A = arith.constant 0 : i32
      %dma_wait3A_104 = arith.constant 0 : i32
      %dma_wait3A_105 = tpu.memref_slice %arg8[%dma_wait3A, %dma_wait3A_104] : memref<128x128xf32, #tpu.memory_space<vmem>> -> memref<128x128xf32, #tpu.memory_space<vmem>>
      %dma_wait3A_106 = arith.constant 0 : i32
      %dma_wait3A_107 = tpu.memref_slice %arg10[%add3A_42, %dma_wait3A_106] : memref<10112x128xf32, #tpu.memory_space<vmem_shared>> -> memref<128x128xf32, #tpu.memory_space<vmem_shared>>
      %dma_wait3A_108 = arith.constant 0 : i32
      %dma_wait3A_109 = tpu.memref_slice %arg10[%add3A_42, %dma_wait3A_108] : memref<10112x128xf32, #tpu.memory_space<vmem_shared>> -> memref<128x128xf32, #tpu.memory_space<vmem_shared>>
      %dma_wait3A_110 = arith.constant 0 : i32
      %dma_wait3A_111 = arith.constant 0 : i32
      %dma_wait3A_112 = tpu.memref_slice %arg8[%dma_wait3A_110, %dma_wait3A_111] : memref<128x128xf32, #tpu.memory_space<vmem>> -> memref<128x128xf32, #tpu.memory_space<vmem>>
      tpu.wait_dma2 semaphore(%run_scoped3A_93 : memref<!tpu.dma_semaphore, #tpu.memory_space<semaphore_mem>>) src(%dma_wait3A_112 : memref<128x128xf32, #tpu.memory_space<vmem>>) dst(%dma_wait3A_109 : memref<128x128xf32, #tpu.memory_space<vmem_shared>>)
      tpu.yield
    }) : () -> ()
    %add3A_43 = arith.constant 384 : i32
    %add3A_44 = arith.addi %mul3A_36, %add3A_43 : i32
    "tpu.region"() ({
      %run_scoped3A_93 = tpu.sem_alloc : memref<!tpu.dma_semaphore, #tpu.memory_space<semaphore_mem>>
      %dma_start3A_94 = arith.constant 0 : i32
      %dma_start3A_95 = arith.constant 0 : i32
      %dma_start3A_96 = tpu.memref_slice %arg8[%dma_start3A_94, %dma_start3A_95] : memref<128x128xf32, #tpu.memory_space<vmem>> -> memref<128x128xf32, #tpu.memory_space<vmem>>
      %dma_start3A_97 = arith.constant 0 : i32
      %dma_start3A_98 = tpu.memref_slice %arg10[%add3A_44, %dma_start3A_97] : memref<10112x128xf32, #tpu.memory_space<vmem_shared>> -> memref<128x128xf32, #tpu.memory_space<vmem_shared>>
      %dma_start3A_99 = arith.constant 0 : i32
      %dma_start3A_100 = tpu.memref_slice %arg10[%add3A_44, %dma_start3A_99] : memref<10112x128xf32, #tpu.memory_space<vmem_shared>> -> memref<128x128xf32, #tpu.memory_space<vmem_shared>>
      %dma_start3A_101 = arith.constant 0 : i32
      %dma_start3A_102 = arith.constant 0 : i32
      %dma_start3A_103 = tpu.memref_slice %arg8[%dma_start3A_101, %dma_start3A_102] : memref<128x128xf32, #tpu.memory_space<vmem>> -> memref<128x128xf32, #tpu.memory_space<vmem>>
      tpu.enqueue_dma source(%dma_start3A_103 : memref<128x128xf32, #tpu.memory_space<vmem>>) target(%dma_start3A_100 : memref<128x128xf32, #tpu.memory_space<vmem_shared>>) target_semaphore(%run_scoped3A_93 : memref<!tpu.dma_semaphore, #tpu.memory_space<semaphore_mem>>)
      %dma_wait3A = arith.constant 0 : i32
      %dma_wait3A_104 = arith.constant 0 : i32
      %dma_wait3A_105 = tpu.memref_slice %arg8[%dma_wait3A, %dma_wait3A_104] : memref<128x128xf32, #tpu.memory_space<vmem>> -> memref<128x128xf32, #tpu.memory_space<vmem>>
      %dma_wait3A_106 = arith.constant 0 : i32
      %dma_wait3A_107 = tpu.memref_slice %arg10[%add3A_44, %dma_wait3A_106] : memref<10112x128xf32, #tpu.memory_space<vmem_shared>> -> memref<128x128xf32, #tpu.memory_space<vmem_shared>>
      %dma_wait3A_108 = arith.constant 0 : i32
      %dma_wait3A_109 = tpu.memref_slice %arg10[%add3A_44, %dma_wait3A_108] : memref<10112x128xf32, #tpu.memory_space<vmem_shared>> -> memref<128x128xf32, #tpu.memory_space<vmem_shared>>
      %dma_wait3A_110 = arith.constant 0 : i32
      %dma_wait3A_111 = arith.constant 0 : i32
      %dma_wait3A_112 = tpu.memref_slice %arg8[%dma_wait3A_110, %dma_wait3A_111] : memref<128x128xf32, #tpu.memory_space<vmem>> -> memref<128x128xf32, #tpu.memory_space<vmem>>
      tpu.wait_dma2 semaphore(%run_scoped3A_93 : memref<!tpu.dma_semaphore, #tpu.memory_space<semaphore_mem>>) src(%dma_wait3A_112 : memref<128x128xf32, #tpu.memory_space<vmem>>) dst(%dma_wait3A_109 : memref<128x128xf32, #tpu.memory_space<vmem_shared>>)
      tpu.yield
    }) : () -> ()
    %add3A_45 = arith.constant 512 : i32
    %add3A_46 = arith.addi %mul3A_36, %add3A_45 : i32
    "tpu.region"() ({
      %run_scoped3A_93 = tpu.sem_alloc : memref<!tpu.dma_semaphore, #tpu.memory_space<semaphore_mem>>
      %dma_start3A_94 = arith.constant 0 : i32
      %dma_start3A_95 = arith.constant 0 : i32
      %dma_start3A_96 = tpu.memref_slice %arg8[%dma_start3A_94, %dma_start3A_95] : memref<128x128xf32, #tpu.memory_space<vmem>> -> memref<120x128xf32, #tpu.memory_space<vmem>>
      %dma_start3A_97 = arith.constant 0 : i32
      %dma_start3A_98 = tpu.memref_slice %arg10[%add3A_46, %dma_start3A_97] : memref<10112x128xf32, #tpu.memory_space<vmem_shared>> -> memref<120x128xf32, #tpu.memory_space<vmem_shared>>
      %dma_start3A_99 = arith.constant 0 : i32
      %dma_start3A_100 = tpu.memref_slice %arg10[%add3A_46, %dma_start3A_99] : memref<10112x128xf32, #tpu.memory_space<vmem_shared>> -> memref<120x128xf32, #tpu.memory_space<vmem_shared>>
      %dma_start3A_101 = arith.constant 0 : i32
      %dma_start3A_102 = arith.constant 0 : i32
      %dma_start3A_103 = tpu.memref_slice %arg8[%dma_start3A_101, %dma_start3A_102] : memref<128x128xf32, #tpu.memory_space<vmem>> -> memref<120x128xf32, #tpu.memory_space<vmem>>
      tpu.enqueue_dma source(%dma_start3A_103 : memref<120x128xf32, #tpu.memory_space<vmem>>) target(%dma_start3A_100 : memref<120x128xf32, #tpu.memory_space<vmem_shared>>) target_semaphore(%run_scoped3A_93 : memref<!tpu.dma_semaphore, #tpu.memory_space<semaphore_mem>>)
      %dma_wait3A = arith.constant 0 : i32
      %dma_wait3A_104 = arith.constant 0 : i32
      %dma_wait3A_105 = tpu.memref_slice %arg8[%dma_wait3A, %dma_wait3A_104] : memref<128x128xf32, #tpu.memory_space<vmem>> -> memref<120x128xf32, #tpu.memory_space<vmem>>
      %dma_wait3A_106 = arith.constant 0 : i32
      %dma_wait3A_107 = tpu.memref_slice %arg10[%add3A_46, %dma_wait3A_106] : memref<10112x128xf32, #tpu.memory_space<vmem_shared>> -> memref<120x128xf32, #tpu.memory_space<vmem_shared>>
      %dma_wait3A_108 = arith.constant 0 : i32
      %dma_wait3A_109 = tpu.memref_slice %arg10[%add3A_46, %dma_wait3A_108] : memref<10112x128xf32, #tpu.memory_space<vmem_shared>> -> memref<120x128xf32, #tpu.memory_space<vmem_shared>>
      %dma_wait3A_110 = arith.constant 0 : i32
      %dma_wait3A_111 = arith.constant 0 : i32
      %dma_wait3A_112 = tpu.memref_slice %arg8[%dma_wait3A_110, %dma_wait3A_111] : memref<128x128xf32, #tpu.memory_space<vmem>> -> memref<120x128xf32, #tpu.memory_space<vmem>>
      tpu.wait_dma2 semaphore(%run_scoped3A_93 : memref<!tpu.dma_semaphore, #tpu.memory_space<semaphore_mem>>) src(%dma_wait3A_112 : memref<120x128xf32, #tpu.memory_space<vmem>>) dst(%dma_wait3A_109 : memref<120x128xf32, #tpu.memory_space<vmem_shared>>)
      tpu.yield
    }) : () -> ()
    %barrier3A = arith.constant 0 : index
    tpu.barrier barrier_id(%barrier3A)
    %add3A_47 = arith.constant 0 : i32
    %add3A_48 = arith.addi %select_n3A, %add3A_47 : i32
    %run_scoped3A = arith.constant 0 : i32
    "tpu.region"() ({
      %run_scoped3A_93 = tpu.sem_alloc : memref<!tpu.dma_semaphore, #tpu.memory_space<semaphore_mem>>
      %dma_start3A_94 = arith.constant 0 : i32
      %dma_start3A_95 = tpu.memref_slice %arg6[%run_scoped3A, %dma_start3A_94] : memref<2x128xi32, #tpu.memory_space<vmem>> -> memref<1x128xi32, #tpu.memory_space<vmem>>
      %dma_start3A_96 = tpu.memref_squeeze %dma_start3A_95 : memref<1x128xi32, #tpu.memory_space<vmem>> -> memref<128xi32, #tpu.memory_space<vmem>>
      %dma_start3A_97 = arith.constant 0 : i32
      %dma_start3A_98 = tpu.memref_slice %arg3[%add3A_48, %dma_start3A_97] : memref<2560x128xi32, #tpu.memory_space<hbm>> -> memref<1x128xi32, #tpu.memory_space<hbm>>
      %dma_start3A_99 = tpu.memref_squeeze %dma_start3A_98 : memref<1x128xi32, #tpu.memory_space<hbm>> -> memref<128xi32, #tpu.memory_space<hbm>>
      %dma_start3A_100 = arith.constant 0 : i32
      %dma_start3A_101 = tpu.memref_slice %arg6[%run_scoped3A, %dma_start3A_100] : memref<2x128xi32, #tpu.memory_space<vmem>> -> memref<1x128xi32, #tpu.memory_space<vmem>>
      %dma_start3A_102 = tpu.memref_squeeze %dma_start3A_101 : memref<1x128xi32, #tpu.memory_space<vmem>> -> memref<128xi32, #tpu.memory_space<vmem>>
      %dma_start3A_103 = arith.constant 0 : i32
      %dma_start3A_104 = tpu.memref_slice %arg3[%add3A_48, %dma_start3A_103] : memref<2560x128xi32, #tpu.memory_space<hbm>> -> memref<1x128xi32, #tpu.memory_space<hbm>>
      %dma_start3A_105 = tpu.memref_squeeze %dma_start3A_104 : memref<1x128xi32, #tpu.memory_space<hbm>> -> memref<128xi32, #tpu.memory_space<hbm>>
      tpu.enqueue_dma source(%dma_start3A_105 : memref<128xi32, #tpu.memory_space<hbm>>) target(%dma_start3A_102 : memref<128xi32, #tpu.memory_space<vmem>>) target_semaphore(%run_scoped3A_93 : memref<!tpu.dma_semaphore, #tpu.memory_space<semaphore_mem>>)
      %dma_wait3A = arith.constant 0 : i32
      %dma_wait3A_106 = tpu.memref_slice %arg6[%run_scoped3A, %dma_wait3A] : memref<2x128xi32, #tpu.memory_space<vmem>> -> memref<1x128xi32, #tpu.memory_space<vmem>>
      %dma_wait3A_107 = tpu.memref_squeeze %dma_wait3A_106 : memref<1x128xi32, #tpu.memory_space<vmem>> -> memref<128xi32, #tpu.memory_space<vmem>>
      %dma_wait3A_108 = arith.constant 0 : i32
      %dma_wait3A_109 = tpu.memref_slice %arg3[%add3A_48, %dma_wait3A_108] : memref<2560x128xi32, #tpu.memory_space<hbm>> -> memref<1x128xi32, #tpu.memory_space<hbm>>
      %dma_wait3A_110 = tpu.memref_squeeze %dma_wait3A_109 : memref<1x128xi32, #tpu.memory_space<hbm>> -> memref<128xi32, #tpu.memory_space<hbm>>
      %dma_wait3A_111 = arith.constant 0 : i32
      %dma_wait3A_112 = tpu.memref_slice %arg6[%run_scoped3A, %dma_wait3A_111] : memref<2x128xi32, #tpu.memory_space<vmem>> -> memref<1x128xi32, #tpu.memory_space<vmem>>
      %dma_wait3A_113 = tpu.memref_squeeze %dma_wait3A_112 : memref<1x128xi32, #tpu.memory_space<vmem>> -> memref<128xi32, #tpu.memory_space<vmem>>
      %dma_wait3A_114 = arith.constant 0 : i32
      %dma_wait3A_115 = tpu.memref_slice %arg3[%add3A_48, %dma_wait3A_114] : memref<2560x128xi32, #tpu.memory_space<hbm>> -> memref<1x128xi32, #tpu.memory_space<hbm>>
      %dma_wait3A_116 = tpu.memref_squeeze %dma_wait3A_115 : memref<1x128xi32, #tpu.memory_space<hbm>> -> memref<128xi32, #tpu.memory_space<hbm>>
      tpu.wait_dma2 semaphore(%run_scoped3A_93 : memref<!tpu.dma_semaphore, #tpu.memory_space<semaphore_mem>>) src(%dma_wait3A_116 : memref<128xi32, #tpu.memory_space<hbm>>) dst(%dma_wait3A_113 : memref<128xi32, #tpu.memory_space<vmem>>)
      tpu.yield
    }) : () -> ()
    %add3A_49 = arith.constant 0 : i32
    %add3A_50 = arith.addi %select_n3A, %add3A_49 : i32
    %run_scoped3A_51 = arith.constant 0 : i32
    "tpu.region"() ({
      %run_scoped3A_93 = tpu.sem_alloc : memref<!tpu.dma_semaphore, #tpu.memory_space<semaphore_mem>>
      %dma_start3A_94 = arith.constant 0 : i32
      %dma_start3A_95 = tpu.memref_slice %arg7[%run_scoped3A_51, %dma_start3A_94] : memref<2x128xi32, #tpu.memory_space<vmem>> -> memref<1x128xi32, #tpu.memory_space<vmem>>
      %dma_start3A_96 = tpu.memref_squeeze %dma_start3A_95 : memref<1x128xi32, #tpu.memory_space<vmem>> -> memref<128xi32, #tpu.memory_space<vmem>>
      %dma_start3A_97 = arith.constant 0 : i32
      %dma_start3A_98 = tpu.memref_slice %arg4[%add3A_50, %dma_start3A_97] : memref<2560x128xi32, #tpu.memory_space<hbm>> -> memref<1x128xi32, #tpu.memory_space<hbm>>
      %dma_start3A_99 = tpu.memref_squeeze %dma_start3A_98 : memref<1x128xi32, #tpu.memory_space<hbm>> -> memref<128xi32, #tpu.memory_space<hbm>>
      %dma_start3A_100 = arith.constant 0 : i32
      %dma_start3A_101 = tpu.memref_slice %arg7[%run_scoped3A_51, %dma_start3A_100] : memref<2x128xi32, #tpu.memory_space<vmem>> -> memref<1x128xi32, #tpu.memory_space<vmem>>
      %dma_start3A_102 = tpu.memref_squeeze %dma_start3A_101 : memref<1x128xi32, #tpu.memory_space<vmem>> -> memref<128xi32, #tpu.memory_space<vmem>>
      %dma_start3A_103 = arith.constant 0 : i32
      %dma_start3A_104 = tpu.memref_slice %arg4[%add3A_50, %dma_start3A_103] : memref<2560x128xi32, #tpu.memory_space<hbm>> -> memref<1x128xi32, #tpu.memory_space<hbm>>
      %dma_start3A_105 = tpu.memref_squeeze %dma_start3A_104 : memref<1x128xi32, #tpu.memory_space<hbm>> -> memref<128xi32, #tpu.memory_space<hbm>>
      tpu.enqueue_dma source(%dma_start3A_105 : memref<128xi32, #tpu.memory_space<hbm>>) target(%dma_start3A_102 : memref<128xi32, #tpu.memory_space<vmem>>) target_semaphore(%run_scoped3A_93 : memref<!tpu.dma_semaphore, #tpu.memory_space<semaphore_mem>>)
      %dma_wait3A = arith.constant 0 : i32
      %dma_wait3A_106 = tpu.memref_slice %arg7[%run_scoped3A_51, %dma_wait3A] : memref<2x128xi32, #tpu.memory_space<vmem>> -> memref<1x128xi32, #tpu.memory_space<vmem>>
      %dma_wait3A_107 = tpu.memref_squeeze %dma_wait3A_106 : memref<1x128xi32, #tpu.memory_space<vmem>> -> memref<128xi32, #tpu.memory_space<vmem>>
      %dma_wait3A_108 = arith.constant 0 : i32
      %dma_wait3A_109 = tpu.memref_slice %arg4[%add3A_50, %dma_wait3A_108] : memref<2560x128xi32, #tpu.memory_space<hbm>> -> memref<1x128xi32, #tpu.memory_space<hbm>>
      %dma_wait3A_110 = tpu.memref_squeeze %dma_wait3A_109 : memref<1x128xi32, #tpu.memory_space<hbm>> -> memref<128xi32, #tpu.memory_space<hbm>>
      %dma_wait3A_111 = arith.constant 0 : i32
      %dma_wait3A_112 = tpu.memref_slice %arg7[%run_scoped3A_51, %dma_wait3A_111] : memref<2x128xi32, #tpu.memory_space<vmem>> -> memref<1x128xi32, #tpu.memory_space<vmem>>
      %dma_wait3A_113 = tpu.memref_squeeze %dma_wait3A_112 : memref<1x128xi32, #tpu.memory_space<vmem>> -> memref<128xi32, #tpu.memory_space<vmem>>
      %dma_wait3A_114 = arith.constant 0 : i32
      %dma_wait3A_115 = tpu.memref_slice %arg4[%add3A_50, %dma_wait3A_114] : memref<2560x128xi32, #tpu.memory_space<hbm>> -> memref<1x128xi32, #tpu.memory_space<hbm>>
      %dma_wait3A_116 = tpu.memref_squeeze %dma_wait3A_115 : memref<1x128xi32, #tpu.memory_space<hbm>> -> memref<128xi32, #tpu.memory_space<hbm>>
      tpu.wait_dma2 semaphore(%run_scoped3A_93 : memref<!tpu.dma_semaphore, #tpu.memory_space<semaphore_mem>>) src(%dma_wait3A_116 : memref<128xi32, #tpu.memory_space<hbm>>) dst(%dma_wait3A_113 : memref<128xi32, #tpu.memory_space<vmem>>)
      tpu.yield
    }) : () -> ()
    %dma_start3A = arith.constant 0 : i32
    %dma_start3A_52 = arith.constant 0 : i32
    %dma_start3A_53 = tpu.memref_slice %arg6[%dma_start3A, %dma_start3A_52] : memref<2x128xi32, #tpu.memory_space<vmem>> -> memref<1x128xi32, #tpu.memory_space<vmem>>
    %dma_start3A_54 = tpu.memref_squeeze %dma_start3A_53 : memref<1x128xi32, #tpu.memory_space<vmem>> -> memref<128xi32, #tpu.memory_space<vmem>>
    %dma_start3A_55 = arith.constant 0 : i32
    %dma_start3A_56 = arith.constant 0 : i32
    %dma_start3A_57 = tpu.memref_slice %arg2[%dma_start3A_55, %dma_start3A_56] : memref<10112x128xf32, #tpu.memory_space<hbm>> -> memref<10112x128xf32, #tpu.memory_space<hbm>>
    tpu.enqueue_indirect_dma source(%dma_start3A_57 : memref<10112x128xf32, #tpu.memory_space<hbm>>) target(%arg8 : memref<128x128xf32, #tpu.memory_space<vmem>>) offsets(%dma_start3A_54 : memref<128xi32, #tpu.memory_space<vmem>>) semaphore(%arg11 : memref<!tpu.dma_semaphore, #tpu.memory_space<semaphore_mem>>)
    %add3A_58 = arith.constant 1 : i32
    %add3A_59 = arith.addi %select_n3A, %add3A_58 : i32
    %run_scoped3A_60 = arith.constant 1 : i32
    "tpu.region"() ({
      %run_scoped3A_93 = tpu.sem_alloc : memref<!tpu.dma_semaphore, #tpu.memory_space<semaphore_mem>>
      %dma_start3A_94 = arith.constant 0 : i32
      %dma_start3A_95 = tpu.memref_slice %arg6[%run_scoped3A_60, %dma_start3A_94] : memref<2x128xi32, #tpu.memory_space<vmem>> -> memref<1x128xi32, #tpu.memory_space<vmem>>
      %dma_start3A_96 = tpu.memref_squeeze %dma_start3A_95 : memref<1x128xi32, #tpu.memory_space<vmem>> -> memref<128xi32, #tpu.memory_space<vmem>>
      %dma_start3A_97 = arith.constant 0 : i32
      %dma_start3A_98 = tpu.memref_slice %arg3[%add3A_59, %dma_start3A_97] : memref<2560x128xi32, #tpu.memory_space<hbm>> -> memref<1x128xi32, #tpu.memory_space<hbm>>
      %dma_start3A_99 = tpu.memref_squeeze %dma_start3A_98 : memref<1x128xi32, #tpu.memory_space<hbm>> -> memref<128xi32, #tpu.memory_space<hbm>>
      %dma_start3A_100 = arith.constant 0 : i32
      %dma_start3A_101 = tpu.memref_slice %arg6[%run_scoped3A_60, %dma_start3A_100] : memref<2x128xi32, #tpu.memory_space<vmem>> -> memref<1x128xi32, #tpu.memory_space<vmem>>
      %dma_start3A_102 = tpu.memref_squeeze %dma_start3A_101 : memref<1x128xi32, #tpu.memory_space<vmem>> -> memref<128xi32, #tpu.memory_space<vmem>>
      %dma_start3A_103 = arith.constant 0 : i32
      %dma_start3A_104 = tpu.memref_slice %arg3[%add3A_59, %dma_start3A_103] : memref<2560x128xi32, #tpu.memory_space<hbm>> -> memref<1x128xi32, #tpu.memory_space<hbm>>
      %dma_start3A_105 = tpu.memref_squeeze %dma_start3A_104 : memref<1x128xi32, #tpu.memory_space<hbm>> -> memref<128xi32, #tpu.memory_space<hbm>>
      tpu.enqueue_dma source(%dma_start3A_105 : memref<128xi32, #tpu.memory_space<hbm>>) target(%dma_start3A_102 : memref<128xi32, #tpu.memory_space<vmem>>) target_semaphore(%run_scoped3A_93 : memref<!tpu.dma_semaphore, #tpu.memory_space<semaphore_mem>>)
      %dma_wait3A = arith.constant 0 : i32
      %dma_wait3A_106 = tpu.memref_slice %arg6[%run_scoped3A_60, %dma_wait3A] : memref<2x128xi32, #tpu.memory_space<vmem>> -> memref<1x128xi32, #tpu.memory_space<vmem>>
      %dma_wait3A_107 = tpu.memref_squeeze %dma_wait3A_106 : memref<1x128xi32, #tpu.memory_space<vmem>> -> memref<128xi32, #tpu.memory_space<vmem>>
      %dma_wait3A_108 = arith.constant 0 : i32
      %dma_wait3A_109 = tpu.memref_slice %arg3[%add3A_59, %dma_wait3A_108] : memref<2560x128xi32, #tpu.memory_space<hbm>> -> memref<1x128xi32, #tpu.memory_space<hbm>>
      %dma_wait3A_110 = tpu.memref_squeeze %dma_wait3A_109 : memref<1x128xi32, #tpu.memory_space<hbm>> -> memref<128xi32, #tpu.memory_space<hbm>>
      %dma_wait3A_111 = arith.constant 0 : i32
      %dma_wait3A_112 = tpu.memref_slice %arg6[%run_scoped3A_60, %dma_wait3A_111] : memref<2x128xi32, #tpu.memory_space<vmem>> -> memref<1x128xi32, #tpu.memory_space<vmem>>
      %dma_wait3A_113 = tpu.memref_squeeze %dma_wait3A_112 : memref<1x128xi32, #tpu.memory_space<vmem>> -> memref<128xi32, #tpu.memory_space<vmem>>
      %dma_wait3A_114 = arith.constant 0 : i32
      %dma_wait3A_115 = tpu.memref_slice %arg3[%add3A_59, %dma_wait3A_114] : memref<2560x128xi32, #tpu.memory_space<hbm>> -> memref<1x128xi32, #tpu.memory_space<hbm>>
      %dma_wait3A_116 = tpu.memref_squeeze %dma_wait3A_115 : memref<1x128xi32, #tpu.memory_space<hbm>> -> memref<128xi32, #tpu.memory_space<hbm>>
      tpu.wait_dma2 semaphore(%run_scoped3A_93 : memref<!tpu.dma_semaphore, #tpu.memory_space<semaphore_mem>>) src(%dma_wait3A_116 : memref<128xi32, #tpu.memory_space<hbm>>) dst(%dma_wait3A_113 : memref<128xi32, #tpu.memory_space<vmem>>)
      tpu.yield
    }) : () -> ()
    %add3A_61 = arith.constant 1 : i32
    %add3A_62 = arith.addi %select_n3A, %add3A_61 : i32
    %run_scoped3A_63 = arith.constant 1 : i32
    "tpu.region"() ({
      %run_scoped3A_93 = tpu.sem_alloc : memref<!tpu.dma_semaphore, #tpu.memory_space<semaphore_mem>>
      %dma_start3A_94 = arith.constant 0 : i32
      %dma_start3A_95 = tpu.memref_slice %arg7[%run_scoped3A_63, %dma_start3A_94] : memref<2x128xi32, #tpu.memory_space<vmem>> -> memref<1x128xi32, #tpu.memory_space<vmem>>
      %dma_start3A_96 = tpu.memref_squeeze %dma_start3A_95 : memref<1x128xi32, #tpu.memory_space<vmem>> -> memref<128xi32, #tpu.memory_space<vmem>>
      %dma_start3A_97 = arith.constant 0 : i32
      %dma_start3A_98 = tpu.memref_slice %arg4[%add3A_62, %dma_start3A_97] : memref<2560x128xi32, #tpu.memory_space<hbm>> -> memref<1x128xi32, #tpu.memory_space<hbm>>
      %dma_start3A_99 = tpu.memref_squeeze %dma_start3A_98 : memref<1x128xi32, #tpu.memory_space<hbm>> -> memref<128xi32, #tpu.memory_space<hbm>>
      %dma_start3A_100 = arith.constant 0 : i32
      %dma_start3A_101 = tpu.memref_slice %arg7[%run_scoped3A_63, %dma_start3A_100] : memref<2x128xi32, #tpu.memory_space<vmem>> -> memref<1x128xi32, #tpu.memory_space<vmem>>
      %dma_start3A_102 = tpu.memref_squeeze %dma_start3A_101 : memref<1x128xi32, #tpu.memory_space<vmem>> -> memref<128xi32, #tpu.memory_space<vmem>>
      %dma_start3A_103 = arith.constant 0 : i32
      %dma_start3A_104 = tpu.memref_slice %arg4[%add3A_62, %dma_start3A_103] : memref<2560x128xi32, #tpu.memory_space<hbm>> -> memref<1x128xi32, #tpu.memory_space<hbm>>
      %dma_start3A_105 = tpu.memref_squeeze %dma_start3A_104 : memref<1x128xi32, #tpu.memory_space<hbm>> -> memref<128xi32, #tpu.memory_space<hbm>>
      tpu.enqueue_dma source(%dma_start3A_105 : memref<128xi32, #tpu.memory_space<hbm>>) target(%dma_start3A_102 : memref<128xi32, #tpu.memory_space<vmem>>) target_semaphore(%run_scoped3A_93 : memref<!tpu.dma_semaphore, #tpu.memory_space<semaphore_mem>>)
      %dma_wait3A = arith.constant 0 : i32
      %dma_wait3A_106 = tpu.memref_slice %arg7[%run_scoped3A_63, %dma_wait3A] : memref<2x128xi32, #tpu.memory_space<vmem>> -> memref<1x128xi32, #tpu.memory_space<vmem>>
      %dma_wait3A_107 = tpu.memref_squeeze %dma_wait3A_106 : memref<1x128xi32, #tpu.memory_space<vmem>> -> memref<128xi32, #tpu.memory_space<vmem>>
      %dma_wait3A_108 = arith.constant 0 : i32
      %dma_wait3A_109 = tpu.memref_slice %arg4[%add3A_62, %dma_wait3A_108] : memref<2560x128xi32, #tpu.memory_space<hbm>> -> memref<1x128xi32, #tpu.memory_space<hbm>>
      %dma_wait3A_110 = tpu.memref_squeeze %dma_wait3A_109 : memref<1x128xi32, #tpu.memory_space<hbm>> -> memref<128xi32, #tpu.memory_space<hbm>>
      %dma_wait3A_111 = arith.constant 0 : i32
      %dma_wait3A_112 = tpu.memref_slice %arg7[%run_scoped3A_63, %dma_wait3A_111] : memref<2x128xi32, #tpu.memory_space<vmem>> -> memref<1x128xi32, #tpu.memory_space<vmem>>
      %dma_wait3A_113 = tpu.memref_squeeze %dma_wait3A_112 : memref<1x128xi32, #tpu.memory_space<vmem>> -> memref<128xi32, #tpu.memory_space<vmem>>
      %dma_wait3A_114 = arith.constant 0 : i32
      %dma_wait3A_115 = tpu.memref_slice %arg4[%add3A_62, %dma_wait3A_114] : memref<2560x128xi32, #tpu.memory_space<hbm>> -> memref<1x128xi32, #tpu.memory_space<hbm>>
      %dma_wait3A_116 = tpu.memref_squeeze %dma_wait3A_115 : memref<1x128xi32, #tpu.memory_space<hbm>> -> memref<128xi32, #tpu.memory_space<hbm>>
      tpu.wait_dma2 semaphore(%run_scoped3A_93 : memref<!tpu.dma_semaphore, #tpu.memory_space<semaphore_mem>>) src(%dma_wait3A_116 : memref<128xi32, #tpu.memory_space<hbm>>) dst(%dma_wait3A_113 : memref<128xi32, #tpu.memory_space<vmem>>)
      tpu.yield
    }) : () -> ()
    %dma_start3A_64 = arith.constant 1 : i32
    %dma_start3A_65 = arith.constant 0 : i32
    %dma_start3A_66 = tpu.memref_slice %arg6[%dma_start3A_64, %dma_start3A_65] : memref<2x128xi32, #tpu.memory_space<vmem>> -> memref<1x128xi32, #tpu.memory_space<vmem>>
    %dma_start3A_67 = tpu.memref_squeeze %dma_start3A_66 : memref<1x128xi32, #tpu.memory_space<vmem>> -> memref<128xi32, #tpu.memory_space<vmem>>
    %dma_start3A_68 = arith.constant 0 : i32
    %dma_start3A_69 = arith.constant 0 : i32
    %dma_start3A_70 = tpu.memref_slice %arg2[%dma_start3A_68, %dma_start3A_69] : memref<10112x128xf32, #tpu.memory_space<hbm>> -> memref<10112x128xf32, #tpu.memory_space<hbm>>
    tpu.enqueue_indirect_dma source(%dma_start3A_70 : memref<10112x128xf32, #tpu.memory_space<hbm>>) target(%arg9 : memref<128x128xf32, #tpu.memory_space<vmem>>) offsets(%dma_start3A_67 : memref<128xi32, #tpu.memory_space<vmem>>) semaphore(%arg12 : memref<!tpu.dma_semaphore, #tpu.memory_space<semaphore_mem>>)
    %while3A = arith.constant 0 : i32
    %while3A_71 = arith.constant 0 : i32
    %while3A_72 = arith.subi %select_n3A_27, %while3A : i32
    %while3A_73 = arith.addi %while3A, %while3A_72 : i32
    %while3A_74 = arith.constant 1 : i32
    %while3A_75 = arith.divsi %while3A_72, %while3A_74 : i32
    %while3A_76 = arith.muli %while3A_75, %while3A_74 : i32
    %while3A_77 = arith.addi %while3A, %while3A_76 : i32
    %while3A_78 = arith.constant 1 : i32
    %while3A_79 = scf.for %while3A_93 = %while3A to %while3A_77 step %while3A_78 iter_args(%while3A_94 = %while3A_71) -> (i32)  : i32 {
      %mul3A_95 = arith.constant 2 : i32
      %mul3A_96 = arith.muli %mul3A_95, %while3A_93 : i32
      %add3A_97 = arith.constant 0 : i32
      %add3A_98 = arith.addi %mul3A_96, %add3A_97 : i32
      %dma_wait3A = arith.constant 0 : i32
      %dma_wait3A_99 = arith.constant 0 : i32
      %dma_wait3A_100 = tpu.memref_slice %arg6[%dma_wait3A, %dma_wait3A_99] : memref<2x128xi32, #tpu.memory_space<vmem>> -> memref<1x128xi32, #tpu.memory_space<vmem>>
      %dma_wait3A_101 = tpu.memref_squeeze %dma_wait3A_100 : memref<1x128xi32, #tpu.memory_space<vmem>> -> memref<128xi32, #tpu.memory_space<vmem>>
      %dma_wait3A_102 = arith.constant 0 : i32
      %dma_wait3A_103 = arith.constant 0 : i32
      %dma_wait3A_104 = tpu.memref_slice %arg2[%dma_wait3A_102, %dma_wait3A_103] : memref<10112x128xf32, #tpu.memory_space<hbm>> -> memref<10112x128xf32, #tpu.memory_space<hbm>>
      tpu.wait_indirect_dma semaphore(%arg11 : memref<!tpu.dma_semaphore, #tpu.memory_space<semaphore_mem>>) src(%dma_wait3A_104 : memref<10112x128xf32, #tpu.memory_space<hbm>>) dst(%arg8 : memref<128x128xf32, #tpu.memory_space<vmem>>)
      %run_scoped3A_105 = arith.constant 0 : i32
      "tpu.region"() ({
        %run_scoped3A_128 = tpu.sem_alloc : memref<!tpu.dma_semaphore, #tpu.memory_space<semaphore_mem>>
        %dma_start3A_129 = arith.constant 0 : i32
        %dma_start3A_130 = tpu.memref_slice %arg7[%run_scoped3A_105, %dma_start3A_129] : memref<2x128xi32, #tpu.memory_space<vmem>> -> memref<1x128xi32, #tpu.memory_space<vmem>>
        %dma_start3A_131 = tpu.memref_squeeze %dma_start3A_130 : memref<1x128xi32, #tpu.memory_space<vmem>> -> memref<128xi32, #tpu.memory_space<vmem>>
        %dma_start3A_132 = arith.constant 0 : i32
        %dma_start3A_133 = arith.constant 0 : i32
        %dma_start3A_134 = tpu.memref_slice %arg10[%dma_start3A_132, %dma_start3A_133] : memref<10112x128xf32, #tpu.memory_space<vmem_shared>> -> memref<10112x128xf32, #tpu.memory_space<vmem_shared>>
        tpu.enqueue_indirect_dma source(%arg8 : memref<128x128xf32, #tpu.memory_space<vmem>>) target(%dma_start3A_134 : memref<10112x128xf32, #tpu.memory_space<vmem_shared>>) offsets(%dma_start3A_131 : memref<128xi32, #tpu.memory_space<vmem>>) semaphore(%run_scoped3A_128 : memref<!tpu.dma_semaphore, #tpu.memory_space<semaphore_mem>>) {add = true}
        %dma_wait3A_135 = arith.constant 0 : i32
        %dma_wait3A_136 = tpu.memref_slice %arg7[%run_scoped3A_105, %dma_wait3A_135] : memref<2x128xi32, #tpu.memory_space<vmem>> -> memref<1x128xi32, #tpu.memory_space<vmem>>
        %dma_wait3A_137 = tpu.memref_squeeze %dma_wait3A_136 : memref<1x128xi32, #tpu.memory_space<vmem>> -> memref<128xi32, #tpu.memory_space<vmem>>
        %dma_wait3A_138 = arith.constant 0 : i32
        %dma_wait3A_139 = arith.constant 0 : i32
        %dma_wait3A_140 = tpu.memref_slice %arg10[%dma_wait3A_138, %dma_wait3A_139] : memref<10112x128xf32, #tpu.memory_space<vmem_shared>> -> memref<10112x128xf32, #tpu.memory_space<vmem_shared>>
        tpu.wait_indirect_dma semaphore(%run_scoped3A_128 : memref<!tpu.dma_semaphore, #tpu.memory_space<semaphore_mem>>) src(%arg8 : memref<128x128xf32, #tpu.memory_space<vmem>>) dst(%dma_wait3A_140 : memref<10112x128xf32, #tpu.memory_space<vmem_shared>>)
        tpu.yield
      }) : () -> ()
      %sub3A_106 = arith.constant 1 : i32
      %sub3A_107 = arith.subi %select_n3A_27, %sub3A_106 : i32
      %lt3A = arith.cmpi slt, %while3A_93, %sub3A_107 : i32
      %convert_element_type3A = arith.extui %lt3A : i1 to i32
      %cond3A = arith.constant 0 : i32
      %cond3A_108 = arith.cmpi ne, %convert_element_type3A, %cond3A : i32
      scf.if %cond3A_108 {
        %add3A_128 = arith.addi %select_n3A, %add3A_98 : i32
        %add3A_129 = arith.constant 2 : i32
        %add3A_130 = arith.addi %add3A_128, %add3A_129 : i32
        %run_scoped3A_131 = arith.constant 0 : i32
        "tpu.region"() ({
          %run_scoped3A_143 = tpu.sem_alloc : memref<!tpu.dma_semaphore, #tpu.memory_space<semaphore_mem>>
          %dma_start3A_144 = arith.constant 0 : i32
          %dma_start3A_145 = tpu.memref_slice %arg6[%run_scoped3A_131, %dma_start3A_144] : memref<2x128xi32, #tpu.memory_space<vmem>> -> memref<1x128xi32, #tpu.memory_space<vmem>>
          %dma_start3A_146 = tpu.memref_squeeze %dma_start3A_145 : memref<1x128xi32, #tpu.memory_space<vmem>> -> memref<128xi32, #tpu.memory_space<vmem>>
          %dma_start3A_147 = arith.constant 0 : i32
          %dma_start3A_148 = tpu.memref_slice %arg3[%add3A_130, %dma_start3A_147] : memref<2560x128xi32, #tpu.memory_space<hbm>> -> memref<1x128xi32, #tpu.memory_space<hbm>>
          %dma_start3A_149 = tpu.memref_squeeze %dma_start3A_148 : memref<1x128xi32, #tpu.memory_space<hbm>> -> memref<128xi32, #tpu.memory_space<hbm>>
          %dma_start3A_150 = arith.constant 0 : i32
          %dma_start3A_151 = tpu.memref_slice %arg6[%run_scoped3A_131, %dma_start3A_150] : memref<2x128xi32, #tpu.memory_space<vmem>> -> memref<1x128xi32, #tpu.memory_space<vmem>>
          %dma_start3A_152 = tpu.memref_squeeze %dma_start3A_151 : memref<1x128xi32, #tpu.memory_space<vmem>> -> memref<128xi32, #tpu.memory_space<vmem>>
          %dma_start3A_153 = arith.constant 0 : i32
          %dma_start3A_154 = tpu.memref_slice %arg3[%add3A_130, %dma_start3A_153] : memref<2560x128xi32, #tpu.memory_space<hbm>> -> memref<1x128xi32, #tpu.memory_space<hbm>>
          %dma_start3A_155 = tpu.memref_squeeze %dma_start3A_154 : memref<1x128xi32, #tpu.memory_space<hbm>> -> memref<128xi32, #tpu.memory_space<hbm>>
          tpu.enqueue_dma source(%dma_start3A_155 : memref<128xi32, #tpu.memory_space<hbm>>) target(%dma_start3A_152 : memref<128xi32, #tpu.memory_space<vmem>>) target_semaphore(%run_scoped3A_143 : memref<!tpu.dma_semaphore, #tpu.memory_space<semaphore_mem>>)
          %dma_wait3A_156 = arith.constant 0 : i32
          %dma_wait3A_157 = tpu.memref_slice %arg6[%run_scoped3A_131, %dma_wait3A_156] : memref<2x128xi32, #tpu.memory_space<vmem>> -> memref<1x128xi32, #tpu.memory_space<vmem>>
          %dma_wait3A_158 = tpu.memref_squeeze %dma_wait3A_157 : memref<1x128xi32, #tpu.memory_space<vmem>> -> memref<128xi32, #tpu.memory_space<vmem>>
          %dma_wait3A_159 = arith.constant 0 : i32
          %dma_wait3A_160 = tpu.memref_slice %arg3[%add3A_130, %dma_wait3A_159] : memref<2560x128xi32, #tpu.memory_space<hbm>> -> memref<1x128xi32, #tpu.memory_space<hbm>>
          %dma_wait3A_161 = tpu.memref_squeeze %dma_wait3A_160 : memref<1x128xi32, #tpu.memory_space<hbm>> -> memref<128xi32, #tpu.memory_space<hbm>>
          %dma_wait3A_162 = arith.constant 0 : i32
          %dma_wait3A_163 = tpu.memref_slice %arg6[%run_scoped3A_131, %dma_wait3A_162] : memref<2x128xi32, #tpu.memory_space<vmem>> -> memref<1x128xi32, #tpu.memory_space<vmem>>
          %dma_wait3A_164 = tpu.memref_squeeze %dma_wait3A_163 : memref<1x128xi32, #tpu.memory_space<vmem>> -> memref<128xi32, #tpu.memory_space<vmem>>
          %dma_wait3A_165 = arith.constant 0 : i32
          %dma_wait3A_166 = tpu.memref_slice %arg3[%add3A_130, %dma_wait3A_165] : memref<2560x128xi32, #tpu.memory_space<hbm>> -> memref<1x128xi32, #tpu.memory_space<hbm>>
          %dma_wait3A_167 = tpu.memref_squeeze %dma_wait3A_166 : memref<1x128xi32, #tpu.memory_space<hbm>> -> memref<128xi32, #tpu.memory_space<hbm>>
          tpu.wait_dma2 semaphore(%run_scoped3A_143 : memref<!tpu.dma_semaphore, #tpu.memory_space<semaphore_mem>>) src(%dma_wait3A_167 : memref<128xi32, #tpu.memory_space<hbm>>) dst(%dma_wait3A_164 : memref<128xi32, #tpu.memory_space<vmem>>)
          tpu.yield
        }) : () -> ()
        %add3A_132 = arith.addi %select_n3A, %add3A_98 : i32
        %add3A_133 = arith.constant 2 : i32
        %add3A_134 = arith.addi %add3A_132, %add3A_133 : i32
        %run_scoped3A_135 = arith.constant 0 : i32
        "tpu.region"() ({
          %run_scoped3A_143 = tpu.sem_alloc : memref<!tpu.dma_semaphore, #tpu.memory_space<semaphore_mem>>
          %dma_start3A_144 = arith.constant 0 : i32
          %dma_start3A_145 = tpu.memref_slice %arg7[%run_scoped3A_135, %dma_start3A_144] : memref<2x128xi32, #tpu.memory_space<vmem>> -> memref<1x128xi32, #tpu.memory_space<vmem>>
          %dma_start3A_146 = tpu.memref_squeeze %dma_start3A_145 : memref<1x128xi32, #tpu.memory_space<vmem>> -> memref<128xi32, #tpu.memory_space<vmem>>
          %dma_start3A_147 = arith.constant 0 : i32
          %dma_start3A_148 = tpu.memref_slice %arg4[%add3A_134, %dma_start3A_147] : memref<2560x128xi32, #tpu.memory_space<hbm>> -> memref<1x128xi32, #tpu.memory_space<hbm>>
          %dma_start3A_149 = tpu.memref_squeeze %dma_start3A_148 : memref<1x128xi32, #tpu.memory_space<hbm>> -> memref<128xi32, #tpu.memory_space<hbm>>
          %dma_start3A_150 = arith.constant 0 : i32
          %dma_start3A_151 = tpu.memref_slice %arg7[%run_scoped3A_135, %dma_start3A_150] : memref<2x128xi32, #tpu.memory_space<vmem>> -> memref<1x128xi32, #tpu.memory_space<vmem>>
          %dma_start3A_152 = tpu.memref_squeeze %dma_start3A_151 : memref<1x128xi32, #tpu.memory_space<vmem>> -> memref<128xi32, #tpu.memory_space<vmem>>
          %dma_start3A_153 = arith.constant 0 : i32
          %dma_start3A_154 = tpu.memref_slice %arg4[%add3A_134, %dma_start3A_153] : memref<2560x128xi32, #tpu.memory_space<hbm>> -> memref<1x128xi32, #tpu.memory_space<hbm>>
          %dma_start3A_155 = tpu.memref_squeeze %dma_start3A_154 : memref<1x128xi32, #tpu.memory_space<hbm>> -> memref<128xi32, #tpu.memory_space<hbm>>
          tpu.enqueue_dma source(%dma_start3A_155 : memref<128xi32, #tpu.memory_space<hbm>>) target(%dma_start3A_152 : memref<128xi32, #tpu.memory_space<vmem>>) target_semaphore(%run_scoped3A_143 : memref<!tpu.dma_semaphore, #tpu.memory_space<semaphore_mem>>)
          %dma_wait3A_156 = arith.constant 0 : i32
          %dma_wait3A_157 = tpu.memref_slice %arg7[%run_scoped3A_135, %dma_wait3A_156] : memref<2x128xi32, #tpu.memory_space<vmem>> -> memref<1x128xi32, #tpu.memory_space<vmem>>
          %dma_wait3A_158 = tpu.memref_squeeze %dma_wait3A_157 : memref<1x128xi32, #tpu.memory_space<vmem>> -> memref<128xi32, #tpu.memory_space<vmem>>
          %dma_wait3A_159 = arith.constant 0 : i32
          %dma_wait3A_160 = tpu.memref_slice %arg4[%add3A_134, %dma_wait3A_159] : memref<2560x128xi32, #tpu.memory_space<hbm>> -> memref<1x128xi32, #tpu.memory_space<hbm>>
          %dma_wait3A_161 = tpu.memref_squeeze %dma_wait3A_160 : memref<1x128xi32, #tpu.memory_space<hbm>> -> memref<128xi32, #tpu.memory_space<hbm>>
          %dma_wait3A_162 = arith.constant 0 : i32
          %dma_wait3A_163 = tpu.memref_slice %arg7[%run_scoped3A_135, %dma_wait3A_162] : memref<2x128xi32, #tpu.memory_space<vmem>> -> memref<1x128xi32, #tpu.memory_space<vmem>>
          %dma_wait3A_164 = tpu.memref_squeeze %dma_wait3A_163 : memref<1x128xi32, #tpu.memory_space<vmem>> -> memref<128xi32, #tpu.memory_space<vmem>>
          %dma_wait3A_165 = arith.constant 0 : i32
          %dma_wait3A_166 = tpu.memref_slice %arg4[%add3A_134, %dma_wait3A_165] : memref<2560x128xi32, #tpu.memory_space<hbm>> -> memref<1x128xi32, #tpu.memory_space<hbm>>
          %dma_wait3A_167 = tpu.memref_squeeze %dma_wait3A_166 : memref<1x128xi32, #tpu.memory_space<hbm>> -> memref<128xi32, #tpu.memory_space<hbm>>
          tpu.wait_dma2 semaphore(%run_scoped3A_143 : memref<!tpu.dma_semaphore, #tpu.memory_space<semaphore_mem>>) src(%dma_wait3A_167 : memref<128xi32, #tpu.memory_space<hbm>>) dst(%dma_wait3A_164 : memref<128xi32, #tpu.memory_space<vmem>>)
          tpu.yield
        }) : () -> ()
        %dma_start3A_136 = arith.constant 0 : i32
        %dma_start3A_137 = arith.constant 0 : i32
        %dma_start3A_138 = tpu.memref_slice %arg6[%dma_start3A_136, %dma_start3A_137] : memref<2x128xi32, #tpu.memory_space<vmem>> -> memref<1x128xi32, #tpu.memory_space<vmem>>
        %dma_start3A_139 = tpu.memref_squeeze %dma_start3A_138 : memref<1x128xi32, #tpu.memory_space<vmem>> -> memref<128xi32, #tpu.memory_space<vmem>>
        %dma_start3A_140 = arith.constant 0 : i32
        %dma_start3A_141 = arith.constant 0 : i32
        %dma_start3A_142 = tpu.memref_slice %arg2[%dma_start3A_140, %dma_start3A_141] : memref<10112x128xf32, #tpu.memory_space<hbm>> -> memref<10112x128xf32, #tpu.memory_space<hbm>>
        tpu.enqueue_indirect_dma source(%dma_start3A_142 : memref<10112x128xf32, #tpu.memory_space<hbm>>) target(%arg8 : memref<128x128xf32, #tpu.memory_space<vmem>>) offsets(%dma_start3A_139 : memref<128xi32, #tpu.memory_space<vmem>>) semaphore(%arg11 : memref<!tpu.dma_semaphore, #tpu.memory_space<semaphore_mem>>)
      } else {
      }
      %mul3A_109 = arith.constant 2 : i32
      %mul3A_110 = arith.muli %mul3A_109, %while3A_93 : i32
      %add3A_111 = arith.constant 1 : i32
      %add3A_112 = arith.addi %mul3A_110, %add3A_111 : i32
      %dma_wait3A_113 = arith.constant 1 : i32
      %dma_wait3A_114 = arith.constant 0 : i32
      %dma_wait3A_115 = tpu.memref_slice %arg6[%dma_wait3A_113, %dma_wait3A_114] : memref<2x128xi32, #tpu.memory_space<vmem>> -> memref<1x128xi32, #tpu.memory_space<vmem>>
      %dma_wait3A_116 = tpu.memref_squeeze %dma_wait3A_115 : memref<1x128xi32, #tpu.memory_space<vmem>> -> memref<128xi32, #tpu.memory_space<vmem>>
      %dma_wait3A_117 = arith.constant 0 : i32
      %dma_wait3A_118 = arith.constant 0 : i32
      %dma_wait3A_119 = tpu.memref_slice %arg2[%dma_wait3A_117, %dma_wait3A_118] : memref<10112x128xf32, #tpu.memory_space<hbm>> -> memref<10112x128xf32, #tpu.memory_space<hbm>>
      tpu.wait_indirect_dma semaphore(%arg12 : memref<!tpu.dma_semaphore, #tpu.memory_space<semaphore_mem>>) src(%dma_wait3A_119 : memref<10112x128xf32, #tpu.memory_space<hbm>>) dst(%arg9 : memref<128x128xf32, #tpu.memory_space<vmem>>)
      %run_scoped3A_120 = arith.constant 1 : i32
      "tpu.region"() ({
        %run_scoped3A_128 = tpu.sem_alloc : memref<!tpu.dma_semaphore, #tpu.memory_space<semaphore_mem>>
        %dma_start3A_129 = arith.constant 0 : i32
        %dma_start3A_130 = tpu.memref_slice %arg7[%run_scoped3A_120, %dma_start3A_129] : memref<2x128xi32, #tpu.memory_space<vmem>> -> memref<1x128xi32, #tpu.memory_space<vmem>>
        %dma_start3A_131 = tpu.memref_squeeze %dma_start3A_130 : memref<1x128xi32, #tpu.memory_space<vmem>> -> memref<128xi32, #tpu.memory_space<vmem>>
        %dma_start3A_132 = arith.constant 0 : i32
        %dma_start3A_133 = arith.constant 0 : i32
        %dma_start3A_134 = tpu.memref_slice %arg10[%dma_start3A_132, %dma_start3A_133] : memref<10112x128xf32, #tpu.memory_space<vmem_shared>> -> memref<10112x128xf32, #tpu.memory_space<vmem_shared>>
        tpu.enqueue_indirect_dma source(%arg9 : memref<128x128xf32, #tpu.memory_space<vmem>>) target(%dma_start3A_134 : memref<10112x128xf32, #tpu.memory_space<vmem_shared>>) offsets(%dma_start3A_131 : memref<128xi32, #tpu.memory_space<vmem>>) semaphore(%run_scoped3A_128 : memref<!tpu.dma_semaphore, #tpu.memory_space<semaphore_mem>>) {add = true}
        %dma_wait3A_135 = arith.constant 0 : i32
        %dma_wait3A_136 = tpu.memref_slice %arg7[%run_scoped3A_120, %dma_wait3A_135] : memref<2x128xi32, #tpu.memory_space<vmem>> -> memref<1x128xi32, #tpu.memory_space<vmem>>
        %dma_wait3A_137 = tpu.memref_squeeze %dma_wait3A_136 : memref<1x128xi32, #tpu.memory_space<vmem>> -> memref<128xi32, #tpu.memory_space<vmem>>
        %dma_wait3A_138 = arith.constant 0 : i32
        %dma_wait3A_139 = arith.constant 0 : i32
        %dma_wait3A_140 = tpu.memref_slice %arg10[%dma_wait3A_138, %dma_wait3A_139] : memref<10112x128xf32, #tpu.memory_space<vmem_shared>> -> memref<10112x128xf32, #tpu.memory_space<vmem_shared>>
        tpu.wait_indirect_dma semaphore(%run_scoped3A_128 : memref<!tpu.dma_semaphore, #tpu.memory_space<semaphore_mem>>) src(%arg9 : memref<128x128xf32, #tpu.memory_space<vmem>>) dst(%dma_wait3A_140 : memref<10112x128xf32, #tpu.memory_space<vmem_shared>>)
        tpu.yield
      }) : () -> ()
      %sub3A_121 = arith.constant 1 : i32
      %sub3A_122 = arith.subi %select_n3A_27, %sub3A_121 : i32
      %lt3A_123 = arith.cmpi slt, %while3A_93, %sub3A_122 : i32
      %convert_element_type3A_124 = arith.extui %lt3A_123 : i1 to i32
      %cond3A_125 = arith.constant 0 : i32
      %cond3A_126 = arith.cmpi ne, %convert_element_type3A_124, %cond3A_125 : i32
      scf.if %cond3A_126 {
        %add3A_128 = arith.addi %select_n3A, %add3A_112 : i32
        %add3A_129 = arith.constant 2 : i32
        %add3A_130 = arith.addi %add3A_128, %add3A_129 : i32
        %run_scoped3A_131 = arith.constant 1 : i32
        "tpu.region"() ({
          %run_scoped3A_143 = tpu.sem_alloc : memref<!tpu.dma_semaphore, #tpu.memory_space<semaphore_mem>>
          %dma_start3A_144 = arith.constant 0 : i32
          %dma_start3A_145 = tpu.memref_slice %arg6[%run_scoped3A_131, %dma_start3A_144] : memref<2x128xi32, #tpu.memory_space<vmem>> -> memref<1x128xi32, #tpu.memory_space<vmem>>
          %dma_start3A_146 = tpu.memref_squeeze %dma_start3A_145 : memref<1x128xi32, #tpu.memory_space<vmem>> -> memref<128xi32, #tpu.memory_space<vmem>>
          %dma_start3A_147 = arith.constant 0 : i32
          %dma_start3A_148 = tpu.memref_slice %arg3[%add3A_130, %dma_start3A_147] : memref<2560x128xi32, #tpu.memory_space<hbm>> -> memref<1x128xi32, #tpu.memory_space<hbm>>
          %dma_start3A_149 = tpu.memref_squeeze %dma_start3A_148 : memref<1x128xi32, #tpu.memory_space<hbm>> -> memref<128xi32, #tpu.memory_space<hbm>>
          %dma_start3A_150 = arith.constant 0 : i32
          %dma_start3A_151 = tpu.memref_slice %arg6[%run_scoped3A_131, %dma_start3A_150] : memref<2x128xi32, #tpu.memory_space<vmem>> -> memref<1x128xi32, #tpu.memory_space<vmem>>
          %dma_start3A_152 = tpu.memref_squeeze %dma_start3A_151 : memref<1x128xi32, #tpu.memory_space<vmem>> -> memref<128xi32, #tpu.memory_space<vmem>>
          %dma_start3A_153 = arith.constant 0 : i32
          %dma_start3A_154 = tpu.memref_slice %arg3[%add3A_130, %dma_start3A_153] : memref<2560x128xi32, #tpu.memory_space<hbm>> -> memref<1x128xi32, #tpu.memory_space<hbm>>
          %dma_start3A_155 = tpu.memref_squeeze %dma_start3A_154 : memref<1x128xi32, #tpu.memory_space<hbm>> -> memref<128xi32, #tpu.memory_space<hbm>>
          tpu.enqueue_dma source(%dma_start3A_155 : memref<128xi32, #tpu.memory_space<hbm>>) target(%dma_start3A_152 : memref<128xi32, #tpu.memory_space<vmem>>) target_semaphore(%run_scoped3A_143 : memref<!tpu.dma_semaphore, #tpu.memory_space<semaphore_mem>>)
          %dma_wait3A_156 = arith.constant 0 : i32
          %dma_wait3A_157 = tpu.memref_slice %arg6[%run_scoped3A_131, %dma_wait3A_156] : memref<2x128xi32, #tpu.memory_space<vmem>> -> memref<1x128xi32, #tpu.memory_space<vmem>>
          %dma_wait3A_158 = tpu.memref_squeeze %dma_wait3A_157 : memref<1x128xi32, #tpu.memory_space<vmem>> -> memref<128xi32, #tpu.memory_space<vmem>>
          %dma_wait3A_159 = arith.constant 0 : i32
          %dma_wait3A_160 = tpu.memref_slice %arg3[%add3A_130, %dma_wait3A_159] : memref<2560x128xi32, #tpu.memory_space<hbm>> -> memref<1x128xi32, #tpu.memory_space<hbm>>
          %dma_wait3A_161 = tpu.memref_squeeze %dma_wait3A_160 : memref<1x128xi32, #tpu.memory_space<hbm>> -> memref<128xi32, #tpu.memory_space<hbm>>
          %dma_wait3A_162 = arith.constant 0 : i32
          %dma_wait3A_163 = tpu.memref_slice %arg6[%run_scoped3A_131, %dma_wait3A_162] : memref<2x128xi32, #tpu.memory_space<vmem>> -> memref<1x128xi32, #tpu.memory_space<vmem>>
          %dma_wait3A_164 = tpu.memref_squeeze %dma_wait3A_163 : memref<1x128xi32, #tpu.memory_space<vmem>> -> memref<128xi32, #tpu.memory_space<vmem>>
          %dma_wait3A_165 = arith.constant 0 : i32
          %dma_wait3A_166 = tpu.memref_slice %arg3[%add3A_130, %dma_wait3A_165] : memref<2560x128xi32, #tpu.memory_space<hbm>> -> memref<1x128xi32, #tpu.memory_space<hbm>>
          %dma_wait3A_167 = tpu.memref_squeeze %dma_wait3A_166 : memref<1x128xi32, #tpu.memory_space<hbm>> -> memref<128xi32, #tpu.memory_space<hbm>>
          tpu.wait_dma2 semaphore(%run_scoped3A_143 : memref<!tpu.dma_semaphore, #tpu.memory_space<semaphore_mem>>) src(%dma_wait3A_167 : memref<128xi32, #tpu.memory_space<hbm>>) dst(%dma_wait3A_164 : memref<128xi32, #tpu.memory_space<vmem>>)
          tpu.yield
        }) : () -> ()
        %add3A_132 = arith.addi %select_n3A, %add3A_112 : i32
        %add3A_133 = arith.constant 2 : i32
        %add3A_134 = arith.addi %add3A_132, %add3A_133 : i32
        %run_scoped3A_135 = arith.constant 1 : i32
        "tpu.region"() ({
          %run_scoped3A_143 = tpu.sem_alloc : memref<!tpu.dma_semaphore, #tpu.memory_space<semaphore_mem>>
          %dma_start3A_144 = arith.constant 0 : i32
          %dma_start3A_145 = tpu.memref_slice %arg7[%run_scoped3A_135, %dma_start3A_144] : memref<2x128xi32, #tpu.memory_space<vmem>> -> memref<1x128xi32, #tpu.memory_space<vmem>>
          %dma_start3A_146 = tpu.memref_squeeze %dma_start3A_145 : memref<1x128xi32, #tpu.memory_space<vmem>> -> memref<128xi32, #tpu.memory_space<vmem>>
          %dma_start3A_147 = arith.constant 0 : i32
          %dma_start3A_148 = tpu.memref_slice %arg4[%add3A_134, %dma_start3A_147] : memref<2560x128xi32, #tpu.memory_space<hbm>> -> memref<1x128xi32, #tpu.memory_space<hbm>>
          %dma_start3A_149 = tpu.memref_squeeze %dma_start3A_148 : memref<1x128xi32, #tpu.memory_space<hbm>> -> memref<128xi32, #tpu.memory_space<hbm>>
          %dma_start3A_150 = arith.constant 0 : i32
          %dma_start3A_151 = tpu.memref_slice %arg7[%run_scoped3A_135, %dma_start3A_150] : memref<2x128xi32, #tpu.memory_space<vmem>> -> memref<1x128xi32, #tpu.memory_space<vmem>>
          %dma_start3A_152 = tpu.memref_squeeze %dma_start3A_151 : memref<1x128xi32, #tpu.memory_space<vmem>> -> memref<128xi32, #tpu.memory_space<vmem>>
          %dma_start3A_153 = arith.constant 0 : i32
          %dma_start3A_154 = tpu.memref_slice %arg4[%add3A_134, %dma_start3A_153] : memref<2560x128xi32, #tpu.memory_space<hbm>> -> memref<1x128xi32, #tpu.memory_space<hbm>>
          %dma_start3A_155 = tpu.memref_squeeze %dma_start3A_154 : memref<1x128xi32, #tpu.memory_space<hbm>> -> memref<128xi32, #tpu.memory_space<hbm>>
          tpu.enqueue_dma source(%dma_start3A_155 : memref<128xi32, #tpu.memory_space<hbm>>) target(%dma_start3A_152 : memref<128xi32, #tpu.memory_space<vmem>>) target_semaphore(%run_scoped3A_143 : memref<!tpu.dma_semaphore, #tpu.memory_space<semaphore_mem>>)
          %dma_wait3A_156 = arith.constant 0 : i32
          %dma_wait3A_157 = tpu.memref_slice %arg7[%run_scoped3A_135, %dma_wait3A_156] : memref<2x128xi32, #tpu.memory_space<vmem>> -> memref<1x128xi32, #tpu.memory_space<vmem>>
          %dma_wait3A_158 = tpu.memref_squeeze %dma_wait3A_157 : memref<1x128xi32, #tpu.memory_space<vmem>> -> memref<128xi32, #tpu.memory_space<vmem>>
          %dma_wait3A_159 = arith.constant 0 : i32
          %dma_wait3A_160 = tpu.memref_slice %arg4[%add3A_134, %dma_wait3A_159] : memref<2560x128xi32, #tpu.memory_space<hbm>> -> memref<1x128xi32, #tpu.memory_space<hbm>>
          %dma_wait3A_161 = tpu.memref_squeeze %dma_wait3A_160 : memref<1x128xi32, #tpu.memory_space<hbm>> -> memref<128xi32, #tpu.memory_space<hbm>>
          %dma_wait3A_162 = arith.constant 0 : i32
          %dma_wait3A_163 = tpu.memref_slice %arg7[%run_scoped3A_135, %dma_wait3A_162] : memref<2x128xi32, #tpu.memory_space<vmem>> -> memref<1x128xi32, #tpu.memory_space<vmem>>
          %dma_wait3A_164 = tpu.memref_squeeze %dma_wait3A_163 : memref<1x128xi32, #tpu.memory_space<vmem>> -> memref<128xi32, #tpu.memory_space<vmem>>
          %dma_wait3A_165 = arith.constant 0 : i32
          %dma_wait3A_166 = tpu.memref_slice %arg4[%add3A_134, %dma_wait3A_165] : memref<2560x128xi32, #tpu.memory_space<hbm>> -> memref<1x128xi32, #tpu.memory_space<hbm>>
          %dma_wait3A_167 = tpu.memref_squeeze %dma_wait3A_166 : memref<1x128xi32, #tpu.memory_space<hbm>> -> memref<128xi32, #tpu.memory_space<hbm>>
          tpu.wait_dma2 semaphore(%run_scoped3A_143 : memref<!tpu.dma_semaphore, #tpu.memory_space<semaphore_mem>>) src(%dma_wait3A_167 : memref<128xi32, #tpu.memory_space<hbm>>) dst(%dma_wait3A_164 : memref<128xi32, #tpu.memory_space<vmem>>)
          tpu.yield
        }) : () -> ()
        %dma_start3A_136 = arith.constant 1 : i32
        %dma_start3A_137 = arith.constant 0 : i32
        %dma_start3A_138 = tpu.memref_slice %arg6[%dma_start3A_136, %dma_start3A_137] : memref<2x128xi32, #tpu.memory_space<vmem>> -> memref<1x128xi32, #tpu.memory_space<vmem>>
        %dma_start3A_139 = tpu.memref_squeeze %dma_start3A_138 : memref<1x128xi32, #tpu.memory_space<vmem>> -> memref<128xi32, #tpu.memory_space<vmem>>
        %dma_start3A_140 = arith.constant 0 : i32
        %dma_start3A_141 = arith.constant 0 : i32
        %dma_start3A_142 = tpu.memref_slice %arg2[%dma_start3A_140, %dma_start3A_141] : memref<10112x128xf32, #tpu.memory_space<hbm>> -> memref<10112x128xf32, #tpu.memory_space<hbm>>
        tpu.enqueue_indirect_dma source(%dma_start3A_142 : memref<10112x128xf32, #tpu.memory_space<hbm>>) target(%arg9 : memref<128x128xf32, #tpu.memory_space<vmem>>) offsets(%dma_start3A_139 : memref<128xi32, #tpu.memory_space<vmem>>) semaphore(%arg12 : memref<!tpu.dma_semaphore, #tpu.memory_space<semaphore_mem>>)
      } else {
      }
      %while3A_127 = arith.constant 0 : i32
      scf.yield %while3A_127 : i32
    }
    %while3A_80 = arith.constant 1 : i32
    %while3A_81 = scf.for %while3A_93 = %while3A_77 to %while3A_73 step %while3A_80 iter_args(%while3A_94 = %while3A_79) -> (i32)  : i32 {
      %mul3A_95 = arith.constant 2 : i32
      %mul3A_96 = arith.muli %mul3A_95, %while3A_93 : i32
      %add3A_97 = arith.constant 0 : i32
      %add3A_98 = arith.addi %mul3A_96, %add3A_97 : i32
      %dma_wait3A = arith.constant 0 : i32
      %dma_wait3A_99 = arith.constant 0 : i32
      %dma_wait3A_100 = tpu.memref_slice %arg6[%dma_wait3A, %dma_wait3A_99] : memref<2x128xi32, #tpu.memory_space<vmem>> -> memref<1x128xi32, #tpu.memory_space<vmem>>
      %dma_wait3A_101 = tpu.memref_squeeze %dma_wait3A_100 : memref<1x128xi32, #tpu.memory_space<vmem>> -> memref<128xi32, #tpu.memory_space<vmem>>
      %dma_wait3A_102 = arith.constant 0 : i32
      %dma_wait3A_103 = arith.constant 0 : i32
      %dma_wait3A_104 = tpu.memref_slice %arg2[%dma_wait3A_102, %dma_wait3A_103] : memref<10112x128xf32, #tpu.memory_space<hbm>> -> memref<10112x128xf32, #tpu.memory_space<hbm>>
      tpu.wait_indirect_dma semaphore(%arg11 : memref<!tpu.dma_semaphore, #tpu.memory_space<semaphore_mem>>) src(%dma_wait3A_104 : memref<10112x128xf32, #tpu.memory_space<hbm>>) dst(%arg8 : memref<128x128xf32, #tpu.memory_space<vmem>>)
      %run_scoped3A_105 = arith.constant 0 : i32
      "tpu.region"() ({
        %run_scoped3A_128 = tpu.sem_alloc : memref<!tpu.dma_semaphore, #tpu.memory_space<semaphore_mem>>
        %dma_start3A_129 = arith.constant 0 : i32
        %dma_start3A_130 = tpu.memref_slice %arg7[%run_scoped3A_105, %dma_start3A_129] : memref<2x128xi32, #tpu.memory_space<vmem>> -> memref<1x128xi32, #tpu.memory_space<vmem>>
        %dma_start3A_131 = tpu.memref_squeeze %dma_start3A_130 : memref<1x128xi32, #tpu.memory_space<vmem>> -> memref<128xi32, #tpu.memory_space<vmem>>
        %dma_start3A_132 = arith.constant 0 : i32
        %dma_start3A_133 = arith.constant 0 : i32
        %dma_start3A_134 = tpu.memref_slice %arg10[%dma_start3A_132, %dma_start3A_133] : memref<10112x128xf32, #tpu.memory_space<vmem_shared>> -> memref<10112x128xf32, #tpu.memory_space<vmem_shared>>
        tpu.enqueue_indirect_dma source(%arg8 : memref<128x128xf32, #tpu.memory_space<vmem>>) target(%dma_start3A_134 : memref<10112x128xf32, #tpu.memory_space<vmem_shared>>) offsets(%dma_start3A_131 : memref<128xi32, #tpu.memory_space<vmem>>) semaphore(%run_scoped3A_128 : memref<!tpu.dma_semaphore, #tpu.memory_space<semaphore_mem>>) {add = true}
        %dma_wait3A_135 = arith.constant 0 : i32
        %dma_wait3A_136 = tpu.memref_slice %arg7[%run_scoped3A_105, %dma_wait3A_135] : memref<2x128xi32, #tpu.memory_space<vmem>> -> memref<1x128xi32, #tpu.memory_space<vmem>>
        %dma_wait3A_137 = tpu.memref_squeeze %dma_wait3A_136 : memref<1x128xi32, #tpu.memory_space<vmem>> -> memref<128xi32, #tpu.memory_space<vmem>>
        %dma_wait3A_138 = arith.constant 0 : i32
        %dma_wait3A_139 = arith.constant 0 : i32
        %dma_wait3A_140 = tpu.memref_slice %arg10[%dma_wait3A_138, %dma_wait3A_139] : memref<10112x128xf32, #tpu.memory_space<vmem_shared>> -> memref<10112x128xf32, #tpu.memory_space<vmem_shared>>
        tpu.wait_indirect_dma semaphore(%run_scoped3A_128 : memref<!tpu.dma_semaphore, #tpu.memory_space<semaphore_mem>>) src(%arg8 : memref<128x128xf32, #tpu.memory_space<vmem>>) dst(%dma_wait3A_140 : memref<10112x128xf32, #tpu.memory_space<vmem_shared>>)
        tpu.yield
      }) : () -> ()
      %sub3A_106 = arith.constant 1 : i32
      %sub3A_107 = arith.subi %select_n3A_27, %sub3A_106 : i32
      %lt3A = arith.cmpi slt, %while3A_93, %sub3A_107 : i32
      %convert_element_type3A = arith.extui %lt3A : i1 to i32
      %cond3A = arith.constant 0 : i32
      %cond3A_108 = arith.cmpi ne, %convert_element_type3A, %cond3A : i32
      scf.if %cond3A_108 {
        %add3A_128 = arith.addi %select_n3A, %add3A_98 : i32
        %add3A_129 = arith.constant 2 : i32
        %add3A_130 = arith.addi %add3A_128, %add3A_129 : i32
        %run_scoped3A_131 = arith.constant 0 : i32
        "tpu.region"() ({
          %run_scoped3A_143 = tpu.sem_alloc : memref<!tpu.dma_semaphore, #tpu.memory_space<semaphore_mem>>
          %dma_start3A_144 = arith.constant 0 : i32
          %dma_start3A_145 = tpu.memref_slice %arg6[%run_scoped3A_131, %dma_start3A_144] : memref<2x128xi32, #tpu.memory_space<vmem>> -> memref<1x128xi32, #tpu.memory_space<vmem>>
          %dma_start3A_146 = tpu.memref_squeeze %dma_start3A_145 : memref<1x128xi32, #tpu.memory_space<vmem>> -> memref<128xi32, #tpu.memory_space<vmem>>
          %dma_start3A_147 = arith.constant 0 : i32
          %dma_start3A_148 = tpu.memref_slice %arg3[%add3A_130, %dma_start3A_147] : memref<2560x128xi32, #tpu.memory_space<hbm>> -> memref<1x128xi32, #tpu.memory_space<hbm>>
          %dma_start3A_149 = tpu.memref_squeeze %dma_start3A_148 : memref<1x128xi32, #tpu.memory_space<hbm>> -> memref<128xi32, #tpu.memory_space<hbm>>
          %dma_start3A_150 = arith.constant 0 : i32
          %dma_start3A_151 = tpu.memref_slice %arg6[%run_scoped3A_131, %dma_start3A_150] : memref<2x128xi32, #tpu.memory_space<vmem>> -> memref<1x128xi32, #tpu.memory_space<vmem>>
          %dma_start3A_152 = tpu.memref_squeeze %dma_start3A_151 : memref<1x128xi32, #tpu.memory_space<vmem>> -> memref<128xi32, #tpu.memory_space<vmem>>
          %dma_start3A_153 = arith.constant 0 : i32
          %dma_start3A_154 = tpu.memref_slice %arg3[%add3A_130, %dma_start3A_153] : memref<2560x128xi32, #tpu.memory_space<hbm>> -> memref<1x128xi32, #tpu.memory_space<hbm>>
          %dma_start3A_155 = tpu.memref_squeeze %dma_start3A_154 : memref<1x128xi32, #tpu.memory_space<hbm>> -> memref<128xi32, #tpu.memory_space<hbm>>
          tpu.enqueue_dma source(%dma_start3A_155 : memref<128xi32, #tpu.memory_space<hbm>>) target(%dma_start3A_152 : memref<128xi32, #tpu.memory_space<vmem>>) target_semaphore(%run_scoped3A_143 : memref<!tpu.dma_semaphore, #tpu.memory_space<semaphore_mem>>)
          %dma_wait3A_156 = arith.constant 0 : i32
          %dma_wait3A_157 = tpu.memref_slice %arg6[%run_scoped3A_131, %dma_wait3A_156] : memref<2x128xi32, #tpu.memory_space<vmem>> -> memref<1x128xi32, #tpu.memory_space<vmem>>
          %dma_wait3A_158 = tpu.memref_squeeze %dma_wait3A_157 : memref<1x128xi32, #tpu.memory_space<vmem>> -> memref<128xi32, #tpu.memory_space<vmem>>
          %dma_wait3A_159 = arith.constant 0 : i32
          %dma_wait3A_160 = tpu.memref_slice %arg3[%add3A_130, %dma_wait3A_159] : memref<2560x128xi32, #tpu.memory_space<hbm>> -> memref<1x128xi32, #tpu.memory_space<hbm>>
          %dma_wait3A_161 = tpu.memref_squeeze %dma_wait3A_160 : memref<1x128xi32, #tpu.memory_space<hbm>> -> memref<128xi32, #tpu.memory_space<hbm>>
          %dma_wait3A_162 = arith.constant 0 : i32
          %dma_wait3A_163 = tpu.memref_slice %arg6[%run_scoped3A_131, %dma_wait3A_162] : memref<2x128xi32, #tpu.memory_space<vmem>> -> memref<1x128xi32, #tpu.memory_space<vmem>>
          %dma_wait3A_164 = tpu.memref_squeeze %dma_wait3A_163 : memref<1x128xi32, #tpu.memory_space<vmem>> -> memref<128xi32, #tpu.memory_space<vmem>>
          %dma_wait3A_165 = arith.constant 0 : i32
          %dma_wait3A_166 = tpu.memref_slice %arg3[%add3A_130, %dma_wait3A_165] : memref<2560x128xi32, #tpu.memory_space<hbm>> -> memref<1x128xi32, #tpu.memory_space<hbm>>
          %dma_wait3A_167 = tpu.memref_squeeze %dma_wait3A_166 : memref<1x128xi32, #tpu.memory_space<hbm>> -> memref<128xi32, #tpu.memory_space<hbm>>
          tpu.wait_dma2 semaphore(%run_scoped3A_143 : memref<!tpu.dma_semaphore, #tpu.memory_space<semaphore_mem>>) src(%dma_wait3A_167 : memref<128xi32, #tpu.memory_space<hbm>>) dst(%dma_wait3A_164 : memref<128xi32, #tpu.memory_space<vmem>>)
          tpu.yield
        }) : () -> ()
        %add3A_132 = arith.addi %select_n3A, %add3A_98 : i32
        %add3A_133 = arith.constant 2 : i32
        %add3A_134 = arith.addi %add3A_132, %add3A_133 : i32
        %run_scoped3A_135 = arith.constant 0 : i32
        "tpu.region"() ({
          %run_scoped3A_143 = tpu.sem_alloc : memref<!tpu.dma_semaphore, #tpu.memory_space<semaphore_mem>>
          %dma_start3A_144 = arith.constant 0 : i32
          %dma_start3A_145 = tpu.memref_slice %arg7[%run_scoped3A_135, %dma_start3A_144] : memref<2x128xi32, #tpu.memory_space<vmem>> -> memref<1x128xi32, #tpu.memory_space<vmem>>
          %dma_start3A_146 = tpu.memref_squeeze %dma_start3A_145 : memref<1x128xi32, #tpu.memory_space<vmem>> -> memref<128xi32, #tpu.memory_space<vmem>>
          %dma_start3A_147 = arith.constant 0 : i32
          %dma_start3A_148 = tpu.memref_slice %arg4[%add3A_134, %dma_start3A_147] : memref<2560x128xi32, #tpu.memory_space<hbm>> -> memref<1x128xi32, #tpu.memory_space<hbm>>
          %dma_start3A_149 = tpu.memref_squeeze %dma_start3A_148 : memref<1x128xi32, #tpu.memory_space<hbm>> -> memref<128xi32, #tpu.memory_space<hbm>>
          %dma_start3A_150 = arith.constant 0 : i32
          %dma_start3A_151 = tpu.memref_slice %arg7[%run_scoped3A_135, %dma_start3A_150] : memref<2x128xi32, #tpu.memory_space<vmem>> -> memref<1x128xi32, #tpu.memory_space<vmem>>
          %dma_start3A_152 = tpu.memref_squeeze %dma_start3A_151 : memref<1x128xi32, #tpu.memory_space<vmem>> -> memref<128xi32, #tpu.memory_space<vmem>>
          %dma_start3A_153 = arith.constant 0 : i32
          %dma_start3A_154 = tpu.memref_slice %arg4[%add3A_134, %dma_start3A_153] : memref<2560x128xi32, #tpu.memory_space<hbm>> -> memref<1x128xi32, #tpu.memory_space<hbm>>
          %dma_start3A_155 = tpu.memref_squeeze %dma_start3A_154 : memref<1x128xi32, #tpu.memory_space<hbm>> -> memref<128xi32, #tpu.memory_space<hbm>>
          tpu.enqueue_dma source(%dma_start3A_155 : memref<128xi32, #tpu.memory_space<hbm>>) target(%dma_start3A_152 : memref<128xi32, #tpu.memory_space<vmem>>) target_semaphore(%run_scoped3A_143 : memref<!tpu.dma_semaphore, #tpu.memory_space<semaphore_mem>>)
          %dma_wait3A_156 = arith.constant 0 : i32
          %dma_wait3A_157 = tpu.memref_slice %arg7[%run_scoped3A_135, %dma_wait3A_156] : memref<2x128xi32, #tpu.memory_space<vmem>> -> memref<1x128xi32, #tpu.memory_space<vmem>>
          %dma_wait3A_158 = tpu.memref_squeeze %dma_wait3A_157 : memref<1x128xi32, #tpu.memory_space<vmem>> -> memref<128xi32, #tpu.memory_space<vmem>>
          %dma_wait3A_159 = arith.constant 0 : i32
          %dma_wait3A_160 = tpu.memref_slice %arg4[%add3A_134, %dma_wait3A_159] : memref<2560x128xi32, #tpu.memory_space<hbm>> -> memref<1x128xi32, #tpu.memory_space<hbm>>
          %dma_wait3A_161 = tpu.memref_squeeze %dma_wait3A_160 : memref<1x128xi32, #tpu.memory_space<hbm>> -> memref<128xi32, #tpu.memory_space<hbm>>
          %dma_wait3A_162 = arith.constant 0 : i32
          %dma_wait3A_163 = tpu.memref_slice %arg7[%run_scoped3A_135, %dma_wait3A_162] : memref<2x128xi32, #tpu.memory_space<vmem>> -> memref<1x128xi32, #tpu.memory_space<vmem>>
          %dma_wait3A_164 = tpu.memref_squeeze %dma_wait3A_163 : memref<1x128xi32, #tpu.memory_space<vmem>> -> memref<128xi32, #tpu.memory_space<vmem>>
          %dma_wait3A_165 = arith.constant 0 : i32
          %dma_wait3A_166 = tpu.memref_slice %arg4[%add3A_134, %dma_wait3A_165] : memref<2560x128xi32, #tpu.memory_space<hbm>> -> memref<1x128xi32, #tpu.memory_space<hbm>>
          %dma_wait3A_167 = tpu.memref_squeeze %dma_wait3A_166 : memref<1x128xi32, #tpu.memory_space<hbm>> -> memref<128xi32, #tpu.memory_space<hbm>>
          tpu.wait_dma2 semaphore(%run_scoped3A_143 : memref<!tpu.dma_semaphore, #tpu.memory_space<semaphore_mem>>) src(%dma_wait3A_167 : memref<128xi32, #tpu.memory_space<hbm>>) dst(%dma_wait3A_164 : memref<128xi32, #tpu.memory_space<vmem>>)
          tpu.yield
        }) : () -> ()
        %dma_start3A_136 = arith.constant 0 : i32
        %dma_start3A_137 = arith.constant 0 : i32
        %dma_start3A_138 = tpu.memref_slice %arg6[%dma_start3A_136, %dma_start3A_137] : memref<2x128xi32, #tpu.memory_space<vmem>> -> memref<1x128xi32, #tpu.memory_space<vmem>>
        %dma_start3A_139 = tpu.memref_squeeze %dma_start3A_138 : memref<1x128xi32, #tpu.memory_space<vmem>> -> memref<128xi32, #tpu.memory_space<vmem>>
        %dma_start3A_140 = arith.constant 0 : i32
        %dma_start3A_141 = arith.constant 0 : i32
        %dma_start3A_142 = tpu.memref_slice %arg2[%dma_start3A_140, %dma_start3A_141] : memref<10112x128xf32, #tpu.memory_space<hbm>> -> memref<10112x128xf32, #tpu.memory_space<hbm>>
        tpu.enqueue_indirect_dma source(%dma_start3A_142 : memref<10112x128xf32, #tpu.memory_space<hbm>>) target(%arg8 : memref<128x128xf32, #tpu.memory_space<vmem>>) offsets(%dma_start3A_139 : memref<128xi32, #tpu.memory_space<vmem>>) semaphore(%arg11 : memref<!tpu.dma_semaphore, #tpu.memory_space<semaphore_mem>>)
      } else {
      }
      %mul3A_109 = arith.constant 2 : i32
      %mul3A_110 = arith.muli %mul3A_109, %while3A_93 : i32
      %add3A_111 = arith.constant 1 : i32
      %add3A_112 = arith.addi %mul3A_110, %add3A_111 : i32
      %dma_wait3A_113 = arith.constant 1 : i32
      %dma_wait3A_114 = arith.constant 0 : i32
      %dma_wait3A_115 = tpu.memref_slice %arg6[%dma_wait3A_113, %dma_wait3A_114] : memref<2x128xi32, #tpu.memory_space<vmem>> -> memref<1x128xi32, #tpu.memory_space<vmem>>
      %dma_wait3A_116 = tpu.memref_squeeze %dma_wait3A_115 : memref<1x128xi32, #tpu.memory_space<vmem>> -> memref<128xi32, #tpu.memory_space<vmem>>
      %dma_wait3A_117 = arith.constant 0 : i32
      %dma_wait3A_118 = arith.constant 0 : i32
      %dma_wait3A_119 = tpu.memref_slice %arg2[%dma_wait3A_117, %dma_wait3A_118] : memref<10112x128xf32, #tpu.memory_space<hbm>> -> memref<10112x128xf32, #tpu.memory_space<hbm>>
      tpu.wait_indirect_dma semaphore(%arg12 : memref<!tpu.dma_semaphore, #tpu.memory_space<semaphore_mem>>) src(%dma_wait3A_119 : memref<10112x128xf32, #tpu.memory_space<hbm>>) dst(%arg9 : memref<128x128xf32, #tpu.memory_space<vmem>>)
      %run_scoped3A_120 = arith.constant 1 : i32
      "tpu.region"() ({
        %run_scoped3A_128 = tpu.sem_alloc : memref<!tpu.dma_semaphore, #tpu.memory_space<semaphore_mem>>
        %dma_start3A_129 = arith.constant 0 : i32
        %dma_start3A_130 = tpu.memref_slice %arg7[%run_scoped3A_120, %dma_start3A_129] : memref<2x128xi32, #tpu.memory_space<vmem>> -> memref<1x128xi32, #tpu.memory_space<vmem>>
        %dma_start3A_131 = tpu.memref_squeeze %dma_start3A_130 : memref<1x128xi32, #tpu.memory_space<vmem>> -> memref<128xi32, #tpu.memory_space<vmem>>
        %dma_start3A_132 = arith.constant 0 : i32
        %dma_start3A_133 = arith.constant 0 : i32
        %dma_start3A_134 = tpu.memref_slice %arg10[%dma_start3A_132, %dma_start3A_133] : memref<10112x128xf32, #tpu.memory_space<vmem_shared>> -> memref<10112x128xf32, #tpu.memory_space<vmem_shared>>
        tpu.enqueue_indirect_dma source(%arg9 : memref<128x128xf32, #tpu.memory_space<vmem>>) target(%dma_start3A_134 : memref<10112x128xf32, #tpu.memory_space<vmem_shared>>) offsets(%dma_start3A_131 : memref<128xi32, #tpu.memory_space<vmem>>) semaphore(%run_scoped3A_128 : memref<!tpu.dma_semaphore, #tpu.memory_space<semaphore_mem>>) {add = true}
        %dma_wait3A_135 = arith.constant 0 : i32
        %dma_wait3A_136 = tpu.memref_slice %arg7[%run_scoped3A_120, %dma_wait3A_135] : memref<2x128xi32, #tpu.memory_space<vmem>> -> memref<1x128xi32, #tpu.memory_space<vmem>>
        %dma_wait3A_137 = tpu.memref_squeeze %dma_wait3A_136 : memref<1x128xi32, #tpu.memory_space<vmem>> -> memref<128xi32, #tpu.memory_space<vmem>>
        %dma_wait3A_138 = arith.constant 0 : i32
        %dma_wait3A_139 = arith.constant 0 : i32
        %dma_wait3A_140 = tpu.memref_slice %arg10[%dma_wait3A_138, %dma_wait3A_139] : memref<10112x128xf32, #tpu.memory_space<vmem_shared>> -> memref<10112x128xf32, #tpu.memory_space<vmem_shared>>
        tpu.wait_indirect_dma semaphore(%run_scoped3A_128 : memref<!tpu.dma_semaphore, #tpu.memory_space<semaphore_mem>>) src(%arg9 : memref<128x128xf32, #tpu.memory_space<vmem>>) dst(%dma_wait3A_140 : memref<10112x128xf32, #tpu.memory_space<vmem_shared>>)
        tpu.yield
      }) : () -> ()
      %sub3A_121 = arith.constant 1 : i32
      %sub3A_122 = arith.subi %select_n3A_27, %sub3A_121 : i32
      %lt3A_123 = arith.cmpi slt, %while3A_93, %sub3A_122 : i32
      %convert_element_type3A_124 = arith.extui %lt3A_123 : i1 to i32
      %cond3A_125 = arith.constant 0 : i32
      %cond3A_126 = arith.cmpi ne, %convert_element_type3A_124, %cond3A_125 : i32
      scf.if %cond3A_126 {
        %add3A_128 = arith.addi %select_n3A, %add3A_112 : i32
        %add3A_129 = arith.constant 2 : i32
        %add3A_130 = arith.addi %add3A_128, %add3A_129 : i32
        %run_scoped3A_131 = arith.constant 1 : i32
        "tpu.region"() ({
          %run_scoped3A_143 = tpu.sem_alloc : memref<!tpu.dma_semaphore, #tpu.memory_space<semaphore_mem>>
          %dma_start3A_144 = arith.constant 0 : i32
          %dma_start3A_145 = tpu.memref_slice %arg6[%run_scoped3A_131, %dma_start3A_144] : memref<2x128xi32, #tpu.memory_space<vmem>> -> memref<1x128xi32, #tpu.memory_space<vmem>>
          %dma_start3A_146 = tpu.memref_squeeze %dma_start3A_145 : memref<1x128xi32, #tpu.memory_space<vmem>> -> memref<128xi32, #tpu.memory_space<vmem>>
          %dma_start3A_147 = arith.constant 0 : i32
          %dma_start3A_148 = tpu.memref_slice %arg3[%add3A_130, %dma_start3A_147] : memref<2560x128xi32, #tpu.memory_space<hbm>> -> memref<1x128xi32, #tpu.memory_space<hbm>>
          %dma_start3A_149 = tpu.memref_squeeze %dma_start3A_148 : memref<1x128xi32, #tpu.memory_space<hbm>> -> memref<128xi32, #tpu.memory_space<hbm>>
          %dma_start3A_150 = arith.constant 0 : i32
          %dma_start3A_151 = tpu.memref_slice %arg6[%run_scoped3A_131, %dma_start3A_150] : memref<2x128xi32, #tpu.memory_space<vmem>> -> memref<1x128xi32, #tpu.memory_space<vmem>>
          %dma_start3A_152 = tpu.memref_squeeze %dma_start3A_151 : memref<1x128xi32, #tpu.memory_space<vmem>> -> memref<128xi32, #tpu.memory_space<vmem>>
          %dma_start3A_153 = arith.constant 0 : i32
          %dma_start3A_154 = tpu.memref_slice %arg3[%add3A_130, %dma_start3A_153] : memref<2560x128xi32, #tpu.memory_space<hbm>> -> memref<1x128xi32, #tpu.memory_space<hbm>>
          %dma_start3A_155 = tpu.memref_squeeze %dma_start3A_154 : memref<1x128xi32, #tpu.memory_space<hbm>> -> memref<128xi32, #tpu.memory_space<hbm>>
          tpu.enqueue_dma source(%dma_start3A_155 : memref<128xi32, #tpu.memory_space<hbm>>) target(%dma_start3A_152 : memref<128xi32, #tpu.memory_space<vmem>>) target_semaphore(%run_scoped3A_143 : memref<!tpu.dma_semaphore, #tpu.memory_space<semaphore_mem>>)
          %dma_wait3A_156 = arith.constant 0 : i32
          %dma_wait3A_157 = tpu.memref_slice %arg6[%run_scoped3A_131, %dma_wait3A_156] : memref<2x128xi32, #tpu.memory_space<vmem>> -> memref<1x128xi32, #tpu.memory_space<vmem>>
          %dma_wait3A_158 = tpu.memref_squeeze %dma_wait3A_157 : memref<1x128xi32, #tpu.memory_space<vmem>> -> memref<128xi32, #tpu.memory_space<vmem>>
          %dma_wait3A_159 = arith.constant 0 : i32
          %dma_wait3A_160 = tpu.memref_slice %arg3[%add3A_130, %dma_wait3A_159] : memref<2560x128xi32, #tpu.memory_space<hbm>> -> memref<1x128xi32, #tpu.memory_space<hbm>>
          %dma_wait3A_161 = tpu.memref_squeeze %dma_wait3A_160 : memref<1x128xi32, #tpu.memory_space<hbm>> -> memref<128xi32, #tpu.memory_space<hbm>>
          %dma_wait3A_162 = arith.constant 0 : i32
          %dma_wait3A_163 = tpu.memref_slice %arg6[%run_scoped3A_131, %dma_wait3A_162] : memref<2x128xi32, #tpu.memory_space<vmem>> -> memref<1x128xi32, #tpu.memory_space<vmem>>
          %dma_wait3A_164 = tpu.memref_squeeze %dma_wait3A_163 : memref<1x128xi32, #tpu.memory_space<vmem>> -> memref<128xi32, #tpu.memory_space<vmem>>
          %dma_wait3A_165 = arith.constant 0 : i32
          %dma_wait3A_166 = tpu.memref_slice %arg3[%add3A_130, %dma_wait3A_165] : memref<2560x128xi32, #tpu.memory_space<hbm>> -> memref<1x128xi32, #tpu.memory_space<hbm>>
          %dma_wait3A_167 = tpu.memref_squeeze %dma_wait3A_166 : memref<1x128xi32, #tpu.memory_space<hbm>> -> memref<128xi32, #tpu.memory_space<hbm>>
          tpu.wait_dma2 semaphore(%run_scoped3A_143 : memref<!tpu.dma_semaphore, #tpu.memory_space<semaphore_mem>>) src(%dma_wait3A_167 : memref<128xi32, #tpu.memory_space<hbm>>) dst(%dma_wait3A_164 : memref<128xi32, #tpu.memory_space<vmem>>)
          tpu.yield
        }) : () -> ()
        %add3A_132 = arith.addi %select_n3A, %add3A_112 : i32
        %add3A_133 = arith.constant 2 : i32
        %add3A_134 = arith.addi %add3A_132, %add3A_133 : i32
        %run_scoped3A_135 = arith.constant 1 : i32
        "tpu.region"() ({
          %run_scoped3A_143 = tpu.sem_alloc : memref<!tpu.dma_semaphore, #tpu.memory_space<semaphore_mem>>
          %dma_start3A_144 = arith.constant 0 : i32
          %dma_start3A_145 = tpu.memref_slice %arg7[%run_scoped3A_135, %dma_start3A_144] : memref<2x128xi32, #tpu.memory_space<vmem>> -> memref<1x128xi32, #tpu.memory_space<vmem>>
          %dma_start3A_146 = tpu.memref_squeeze %dma_start3A_145 : memref<1x128xi32, #tpu.memory_space<vmem>> -> memref<128xi32, #tpu.memory_space<vmem>>
          %dma_start3A_147 = arith.constant 0 : i32
          %dma_start3A_148 = tpu.memref_slice %arg4[%add3A_134, %dma_start3A_147] : memref<2560x128xi32, #tpu.memory_space<hbm>> -> memref<1x128xi32, #tpu.memory_space<hbm>>
          %dma_start3A_149 = tpu.memref_squeeze %dma_start3A_148 : memref<1x128xi32, #tpu.memory_space<hbm>> -> memref<128xi32, #tpu.memory_space<hbm>>
          %dma_start3A_150 = arith.constant 0 : i32
          %dma_start3A_151 = tpu.memref_slice %arg7[%run_scoped3A_135, %dma_start3A_150] : memref<2x128xi32, #tpu.memory_space<vmem>> -> memref<1x128xi32, #tpu.memory_space<vmem>>
          %dma_start3A_152 = tpu.memref_squeeze %dma_start3A_151 : memref<1x128xi32, #tpu.memory_space<vmem>> -> memref<128xi32, #tpu.memory_space<vmem>>
          %dma_start3A_153 = arith.constant 0 : i32
          %dma_start3A_154 = tpu.memref_slice %arg4[%add3A_134, %dma_start3A_153] : memref<2560x128xi32, #tpu.memory_space<hbm>> -> memref<1x128xi32, #tpu.memory_space<hbm>>
          %dma_start3A_155 = tpu.memref_squeeze %dma_start3A_154 : memref<1x128xi32, #tpu.memory_space<hbm>> -> memref<128xi32, #tpu.memory_space<hbm>>
          tpu.enqueue_dma source(%dma_start3A_155 : memref<128xi32, #tpu.memory_space<hbm>>) target(%dma_start3A_152 : memref<128xi32, #tpu.memory_space<vmem>>) target_semaphore(%run_scoped3A_143 : memref<!tpu.dma_semaphore, #tpu.memory_space<semaphore_mem>>)
          %dma_wait3A_156 = arith.constant 0 : i32
          %dma_wait3A_157 = tpu.memref_slice %arg7[%run_scoped3A_135, %dma_wait3A_156] : memref<2x128xi32, #tpu.memory_space<vmem>> -> memref<1x128xi32, #tpu.memory_space<vmem>>
          %dma_wait3A_158 = tpu.memref_squeeze %dma_wait3A_157 : memref<1x128xi32, #tpu.memory_space<vmem>> -> memref<128xi32, #tpu.memory_space<vmem>>
          %dma_wait3A_159 = arith.constant 0 : i32
          %dma_wait3A_160 = tpu.memref_slice %arg4[%add3A_134, %dma_wait3A_159] : memref<2560x128xi32, #tpu.memory_space<hbm>> -> memref<1x128xi32, #tpu.memory_space<hbm>>
          %dma_wait3A_161 = tpu.memref_squeeze %dma_wait3A_160 : memref<1x128xi32, #tpu.memory_space<hbm>> -> memref<128xi32, #tpu.memory_space<hbm>>
          %dma_wait3A_162 = arith.constant 0 : i32
          %dma_wait3A_163 = tpu.memref_slice %arg7[%run_scoped3A_135, %dma_wait3A_162] : memref<2x128xi32, #tpu.memory_space<vmem>> -> memref<1x128xi32, #tpu.memory_space<vmem>>
          %dma_wait3A_164 = tpu.memref_squeeze %dma_wait3A_163 : memref<1x128xi32, #tpu.memory_space<vmem>> -> memref<128xi32, #tpu.memory_space<vmem>>
          %dma_wait3A_165 = arith.constant 0 : i32
          %dma_wait3A_166 = tpu.memref_slice %arg4[%add3A_134, %dma_wait3A_165] : memref<2560x128xi32, #tpu.memory_space<hbm>> -> memref<1x128xi32, #tpu.memory_space<hbm>>
          %dma_wait3A_167 = tpu.memref_squeeze %dma_wait3A_166 : memref<1x128xi32, #tpu.memory_space<hbm>> -> memref<128xi32, #tpu.memory_space<hbm>>
          tpu.wait_dma2 semaphore(%run_scoped3A_143 : memref<!tpu.dma_semaphore, #tpu.memory_space<semaphore_mem>>) src(%dma_wait3A_167 : memref<128xi32, #tpu.memory_space<hbm>>) dst(%dma_wait3A_164 : memref<128xi32, #tpu.memory_space<vmem>>)
          tpu.yield
        }) : () -> ()
        %dma_start3A_136 = arith.constant 1 : i32
        %dma_start3A_137 = arith.constant 0 : i32
        %dma_start3A_138 = tpu.memref_slice %arg6[%dma_start3A_136, %dma_start3A_137] : memref<2x128xi32, #tpu.memory_space<vmem>> -> memref<1x128xi32, #tpu.memory_space<vmem>>
        %dma_start3A_139 = tpu.memref_squeeze %dma_start3A_138 : memref<1x128xi32, #tpu.memory_space<vmem>> -> memref<128xi32, #tpu.memory_space<vmem>>
        %dma_start3A_140 = arith.constant 0 : i32
        %dma_start3A_141 = arith.constant 0 : i32
        %dma_start3A_142 = tpu.memref_slice %arg2[%dma_start3A_140, %dma_start3A_141] : memref<10112x128xf32, #tpu.memory_space<hbm>> -> memref<10112x128xf32, #tpu.memory_space<hbm>>
        tpu.enqueue_indirect_dma source(%dma_start3A_142 : memref<10112x128xf32, #tpu.memory_space<hbm>>) target(%arg9 : memref<128x128xf32, #tpu.memory_space<vmem>>) offsets(%dma_start3A_139 : memref<128xi32, #tpu.memory_space<vmem>>) semaphore(%arg12 : memref<!tpu.dma_semaphore, #tpu.memory_space<semaphore_mem>>)
      } else {
      }
      %while3A_127 = arith.constant 0 : i32
      scf.yield %while3A_127 : i32
    }
    %barrier3A_82 = arith.constant 0 : index
    tpu.barrier barrier_id(%barrier3A_82)
    %add3A_83 = arith.constant 0 : i32
    %add3A_84 = arith.addi %mul3A_36, %add3A_83 : i32
    "tpu.region"() ({
      %run_scoped3A_93 = tpu.sem_alloc : memref<!tpu.dma_semaphore, #tpu.memory_space<semaphore_mem>>
      %dma_start3A_94 = arith.constant 0 : i32
      %dma_start3A_95 = arith.constant 0 : i32
      %dma_start3A_96 = tpu.memref_slice %arg8[%dma_start3A_94, %dma_start3A_95] : memref<128x128xf32, #tpu.memory_space<vmem>> -> memref<128x128xf32, #tpu.memory_space<vmem>>
      %dma_start3A_97 = arith.constant 0 : i32
      %dma_start3A_98 = tpu.memref_slice %arg10[%add3A_84, %dma_start3A_97] : memref<10112x128xf32, #tpu.memory_space<vmem_shared>> -> memref<128x128xf32, #tpu.memory_space<vmem_shared>>
      %dma_start3A_99 = arith.constant 0 : i32
      %dma_start3A_100 = arith.constant 0 : i32
      %dma_start3A_101 = tpu.memref_slice %arg8[%dma_start3A_99, %dma_start3A_100] : memref<128x128xf32, #tpu.memory_space<vmem>> -> memref<128x128xf32, #tpu.memory_space<vmem>>
      %dma_start3A_102 = arith.constant 0 : i32
      %dma_start3A_103 = tpu.memref_slice %arg10[%add3A_84, %dma_start3A_102] : memref<10112x128xf32, #tpu.memory_space<vmem_shared>> -> memref<128x128xf32, #tpu.memory_space<vmem_shared>>
      tpu.enqueue_dma source(%dma_start3A_103 : memref<128x128xf32, #tpu.memory_space<vmem_shared>>) target(%dma_start3A_101 : memref<128x128xf32, #tpu.memory_space<vmem>>) target_semaphore(%run_scoped3A_93 : memref<!tpu.dma_semaphore, #tpu.memory_space<semaphore_mem>>)
      %dma_wait3A = arith.constant 0 : i32
      %dma_wait3A_104 = arith.constant 0 : i32
      %dma_wait3A_105 = tpu.memref_slice %arg8[%dma_wait3A, %dma_wait3A_104] : memref<128x128xf32, #tpu.memory_space<vmem>> -> memref<128x128xf32, #tpu.memory_space<vmem>>
      %dma_wait3A_106 = arith.constant 0 : i32
      %dma_wait3A_107 = tpu.memref_slice %arg10[%add3A_84, %dma_wait3A_106] : memref<10112x128xf32, #tpu.memory_space<vmem_shared>> -> memref<128x128xf32, #tpu.memory_space<vmem_shared>>
      %dma_wait3A_108 = arith.constant 0 : i32
      %dma_wait3A_109 = arith.constant 0 : i32
      %dma_wait3A_110 = tpu.memref_slice %arg8[%dma_wait3A_108, %dma_wait3A_109] : memref<128x128xf32, #tpu.memory_space<vmem>> -> memref<128x128xf32, #tpu.memory_space<vmem>>
      %dma_wait3A_111 = arith.constant 0 : i32
      %dma_wait3A_112 = tpu.memref_slice %arg10[%add3A_84, %dma_wait3A_111] : memref<10112x128xf32, #tpu.memory_space<vmem_shared>> -> memref<128x128xf32, #tpu.memory_space<vmem_shared>>
      tpu.wait_dma2 semaphore(%run_scoped3A_93 : memref<!tpu.dma_semaphore, #tpu.memory_space<semaphore_mem>>) src(%dma_wait3A_112 : memref<128x128xf32, #tpu.memory_space<vmem_shared>>) dst(%dma_wait3A_110 : memref<128x128xf32, #tpu.memory_space<vmem>>)
      tpu.yield
    }) : () -> ()
    "tpu.region"() ({
      %run_scoped3A_93 = tpu.sem_alloc : memref<!tpu.dma_semaphore, #tpu.memory_space<semaphore_mem>>
      %dma_start3A_94 = arith.constant 0 : i32
      %dma_start3A_95 = arith.constant 0 : i32
      %dma_start3A_96 = tpu.memref_slice %arg8[%dma_start3A_94, %dma_start3A_95] : memref<128x128xf32, #tpu.memory_space<vmem>> -> memref<128x128xf32, #tpu.memory_space<vmem>>
      %dma_start3A_97 = arith.constant 0 : i32
      %dma_start3A_98 = arith.constant 0 : i32
      %dma_start3A_99 = tpu.memref_slice %arg5[%add3A, %dma_start3A_97, %dma_start3A_98] : memref<32x632x128xf32, #tpu.memory_space<hbm>> -> memref<1x128x128xf32, #tpu.memory_space<hbm>>
      %dma_start3A_100 = tpu.memref_squeeze %dma_start3A_99 : memref<1x128x128xf32, #tpu.memory_space<hbm>> -> memref<128x128xf32, #tpu.memory_space<hbm>>
      %dma_start3A_101 = arith.constant 0 : i32
      %dma_start3A_102 = arith.constant 0 : i32
      %dma_start3A_103 = tpu.memref_slice %arg5[%add3A, %dma_start3A_101, %dma_start3A_102] : memref<32x632x128xf32, #tpu.memory_space<hbm>> -> memref<1x128x128xf32, #tpu.memory_space<hbm>>
      %dma_start3A_104 = tpu.memref_squeeze %dma_start3A_103 : memref<1x128x128xf32, #tpu.memory_space<hbm>> -> memref<128x128xf32, #tpu.memory_space<hbm>>
      %dma_start3A_105 = arith.constant 0 : i32
      %dma_start3A_106 = arith.constant 0 : i32
      %dma_start3A_107 = tpu.memref_slice %arg8[%dma_start3A_105, %dma_start3A_106] : memref<128x128xf32, #tpu.memory_space<vmem>> -> memref<128x128xf32, #tpu.memory_space<vmem>>
      tpu.enqueue_dma source(%dma_start3A_107 : memref<128x128xf32, #tpu.memory_space<vmem>>) target(%dma_start3A_104 : memref<128x128xf32, #tpu.memory_space<hbm>>) target_semaphore(%run_scoped3A_93 : memref<!tpu.dma_semaphore, #tpu.memory_space<semaphore_mem>>)
      %dma_wait3A = arith.constant 0 : i32
      %dma_wait3A_108 = arith.constant 0 : i32
      %dma_wait3A_109 = tpu.memref_slice %arg8[%dma_wait3A, %dma_wait3A_108] : memref<128x128xf32, #tpu.memory_space<vmem>> -> memref<128x128xf32, #tpu.memory_space<vmem>>
      %dma_wait3A_110 = arith.constant 0 : i32
      %dma_wait3A_111 = arith.constant 0 : i32
      %dma_wait3A_112 = tpu.memref_slice %arg5[%add3A, %dma_wait3A_110, %dma_wait3A_111] : memref<32x632x128xf32, #tpu.memory_space<hbm>> -> memref<1x128x128xf32, #tpu.memory_space<hbm>>
      %dma_wait3A_113 = tpu.memref_squeeze %dma_wait3A_112 : memref<1x128x128xf32, #tpu.memory_space<hbm>> -> memref<128x128xf32, #tpu.memory_space<hbm>>
      %dma_wait3A_114 = arith.constant 0 : i32
      %dma_wait3A_115 = arith.constant 0 : i32
      %dma_wait3A_116 = tpu.memref_slice %arg5[%add3A, %dma_wait3A_114, %dma_wait3A_115] : memref<32x632x128xf32, #tpu.memory_space<hbm>> -> memref<1x128x128xf32, #tpu.memory_space<hbm>>
      %dma_wait3A_117 = tpu.memref_squeeze %dma_wait3A_116 : memref<1x128x128xf32, #tpu.memory_space<hbm>> -> memref<128x128xf32, #tpu.memory_space<hbm>>
      %dma_wait3A_118 = arith.constant 0 : i32
      %dma_wait3A_119 = arith.constant 0 : i32
      %dma_wait3A_120 = tpu.memref_slice %arg8[%dma_wait3A_118, %dma_wait3A_119] : memref<128x128xf32, #tpu.memory_space<vmem>> -> memref<128x128xf32, #tpu.memory_space<vmem>>
      tpu.wait_dma2 semaphore(%run_scoped3A_93 : memref<!tpu.dma_semaphore, #tpu.memory_space<semaphore_mem>>) src(%dma_wait3A_120 : memref<128x128xf32, #tpu.memory_space<vmem>>) dst(%dma_wait3A_117 : memref<128x128xf32, #tpu.memory_space<hbm>>)
      tpu.yield
    }) : () -> ()
    %add3A_85 = arith.constant 128 : i32
    %add3A_86 = arith.addi %mul3A_36, %add3A_85 : i32
    "tpu.region"() ({
      %run_scoped3A_93 = tpu.sem_alloc : memref<!tpu.dma_semaphore, #tpu.memory_space<semaphore_mem>>
      %dma_start3A_94 = arith.constant 0 : i32
      %dma_start3A_95 = arith.constant 0 : i32
      %dma_start3A_96 = tpu.memref_slice %arg8[%dma_start3A_94, %dma_start3A_95] : memref<128x128xf32, #tpu.memory_space<vmem>> -> memref<128x128xf32, #tpu.memory_space<vmem>>
      %dma_start3A_97 = arith.constant 0 : i32
      %dma_start3A_98 = tpu.memref_slice %arg10[%add3A_86, %dma_start3A_97] : memref<10112x128xf32, #tpu.memory_space<vmem_shared>> -> memref<128x128xf32, #tpu.memory_space<vmem_shared>>
      %dma_start3A_99 = arith.constant 0 : i32
      %dma_start3A_100 = arith.constant 0 : i32
      %dma_start3A_101 = tpu.memref_slice %arg8[%dma_start3A_99, %dma_start3A_100] : memref<128x128xf32, #tpu.memory_space<vmem>> -> memref<128x128xf32, #tpu.memory_space<vmem>>
      %dma_start3A_102 = arith.constant 0 : i32
      %dma_start3A_103 = tpu.memref_slice %arg10[%add3A_86, %dma_start3A_102] : memref<10112x128xf32, #tpu.memory_space<vmem_shared>> -> memref<128x128xf32, #tpu.memory_space<vmem_shared>>
      tpu.enqueue_dma source(%dma_start3A_103 : memref<128x128xf32, #tpu.memory_space<vmem_shared>>) target(%dma_start3A_101 : memref<128x128xf32, #tpu.memory_space<vmem>>) target_semaphore(%run_scoped3A_93 : memref<!tpu.dma_semaphore, #tpu.memory_space<semaphore_mem>>)
      %dma_wait3A = arith.constant 0 : i32
      %dma_wait3A_104 = arith.constant 0 : i32
      %dma_wait3A_105 = tpu.memref_slice %arg8[%dma_wait3A, %dma_wait3A_104] : memref<128x128xf32, #tpu.memory_space<vmem>> -> memref<128x128xf32, #tpu.memory_space<vmem>>
      %dma_wait3A_106 = arith.constant 0 : i32
      %dma_wait3A_107 = tpu.memref_slice %arg10[%add3A_86, %dma_wait3A_106] : memref<10112x128xf32, #tpu.memory_space<vmem_shared>> -> memref<128x128xf32, #tpu.memory_space<vmem_shared>>
      %dma_wait3A_108 = arith.constant 0 : i32
      %dma_wait3A_109 = arith.constant 0 : i32
      %dma_wait3A_110 = tpu.memref_slice %arg8[%dma_wait3A_108, %dma_wait3A_109] : memref<128x128xf32, #tpu.memory_space<vmem>> -> memref<128x128xf32, #tpu.memory_space<vmem>>
      %dma_wait3A_111 = arith.constant 0 : i32
      %dma_wait3A_112 = tpu.memref_slice %arg10[%add3A_86, %dma_wait3A_111] : memref<10112x128xf32, #tpu.memory_space<vmem_shared>> -> memref<128x128xf32, #tpu.memory_space<vmem_shared>>
      tpu.wait_dma2 semaphore(%run_scoped3A_93 : memref<!tpu.dma_semaphore, #tpu.memory_space<semaphore_mem>>) src(%dma_wait3A_112 : memref<128x128xf32, #tpu.memory_space<vmem_shared>>) dst(%dma_wait3A_110 : memref<128x128xf32, #tpu.memory_space<vmem>>)
      tpu.yield
    }) : () -> ()
    "tpu.region"() ({
      %run_scoped3A_93 = tpu.sem_alloc : memref<!tpu.dma_semaphore, #tpu.memory_space<semaphore_mem>>
      %dma_start3A_94 = arith.constant 0 : i32
      %dma_start3A_95 = arith.constant 0 : i32
      %dma_start3A_96 = tpu.memref_slice %arg8[%dma_start3A_94, %dma_start3A_95] : memref<128x128xf32, #tpu.memory_space<vmem>> -> memref<128x128xf32, #tpu.memory_space<vmem>>
      %dma_start3A_97 = arith.constant 128 : i32
      %dma_start3A_98 = arith.constant 0 : i32
      %dma_start3A_99 = tpu.memref_slice %arg5[%add3A, %dma_start3A_97, %dma_start3A_98] : memref<32x632x128xf32, #tpu.memory_space<hbm>> -> memref<1x128x128xf32, #tpu.memory_space<hbm>>
      %dma_start3A_100 = tpu.memref_squeeze %dma_start3A_99 : memref<1x128x128xf32, #tpu.memory_space<hbm>> -> memref<128x128xf32, #tpu.memory_space<hbm>>
      %dma_start3A_101 = arith.constant 128 : i32
      %dma_start3A_102 = arith.constant 0 : i32
      %dma_start3A_103 = tpu.memref_slice %arg5[%add3A, %dma_start3A_101, %dma_start3A_102] : memref<32x632x128xf32, #tpu.memory_space<hbm>> -> memref<1x128x128xf32, #tpu.memory_space<hbm>>
      %dma_start3A_104 = tpu.memref_squeeze %dma_start3A_103 : memref<1x128x128xf32, #tpu.memory_space<hbm>> -> memref<128x128xf32, #tpu.memory_space<hbm>>
      %dma_start3A_105 = arith.constant 0 : i32
      %dma_start3A_106 = arith.constant 0 : i32
      %dma_start3A_107 = tpu.memref_slice %arg8[%dma_start3A_105, %dma_start3A_106] : memref<128x128xf32, #tpu.memory_space<vmem>> -> memref<128x128xf32, #tpu.memory_space<vmem>>
      tpu.enqueue_dma source(%dma_start3A_107 : memref<128x128xf32, #tpu.memory_space<vmem>>) target(%dma_start3A_104 : memref<128x128xf32, #tpu.memory_space<hbm>>) target_semaphore(%run_scoped3A_93 : memref<!tpu.dma_semaphore, #tpu.memory_space<semaphore_mem>>)
      %dma_wait3A = arith.constant 0 : i32
      %dma_wait3A_108 = arith.constant 0 : i32
      %dma_wait3A_109 = tpu.memref_slice %arg8[%dma_wait3A, %dma_wait3A_108] : memref<128x128xf32, #tpu.memory_space<vmem>> -> memref<128x128xf32, #tpu.memory_space<vmem>>
      %dma_wait3A_110 = arith.constant 128 : i32
      %dma_wait3A_111 = arith.constant 0 : i32
      %dma_wait3A_112 = tpu.memref_slice %arg5[%add3A, %dma_wait3A_110, %dma_wait3A_111] : memref<32x632x128xf32, #tpu.memory_space<hbm>> -> memref<1x128x128xf32, #tpu.memory_space<hbm>>
      %dma_wait3A_113 = tpu.memref_squeeze %dma_wait3A_112 : memref<1x128x128xf32, #tpu.memory_space<hbm>> -> memref<128x128xf32, #tpu.memory_space<hbm>>
      %dma_wait3A_114 = arith.constant 128 : i32
      %dma_wait3A_115 = arith.constant 0 : i32
      %dma_wait3A_116 = tpu.memref_slice %arg5[%add3A, %dma_wait3A_114, %dma_wait3A_115] : memref<32x632x128xf32, #tpu.memory_space<hbm>> -> memref<1x128x128xf32, #tpu.memory_space<hbm>>
      %dma_wait3A_117 = tpu.memref_squeeze %dma_wait3A_116 : memref<1x128x128xf32, #tpu.memory_space<hbm>> -> memref<128x128xf32, #tpu.memory_space<hbm>>
      %dma_wait3A_118 = arith.constant 0 : i32
      %dma_wait3A_119 = arith.constant 0 : i32
      %dma_wait3A_120 = tpu.memref_slice %arg8[%dma_wait3A_118, %dma_wait3A_119] : memref<128x128xf32, #tpu.memory_space<vmem>> -> memref<128x128xf32, #tpu.memory_space<vmem>>
      tpu.wait_dma2 semaphore(%run_scoped3A_93 : memref<!tpu.dma_semaphore, #tpu.memory_space<semaphore_mem>>) src(%dma_wait3A_120 : memref<128x128xf32, #tpu.memory_space<vmem>>) dst(%dma_wait3A_117 : memref<128x128xf32, #tpu.memory_space<hbm>>)
      tpu.yield
    }) : () -> ()
    %add3A_87 = arith.constant 256 : i32
    %add3A_88 = arith.addi %mul3A_36, %add3A_87 : i32
    "tpu.region"() ({
      %run_scoped3A_93 = tpu.sem_alloc : memref<!tpu.dma_semaphore, #tpu.memory_space<semaphore_mem>>
      %dma_start3A_94 = arith.constant 0 : i32
      %dma_start3A_95 = arith.constant 0 : i32
      %dma_start3A_96 = tpu.memref_slice %arg8[%dma_start3A_94, %dma_start3A_95] : memref<128x128xf32, #tpu.memory_space<vmem>> -> memref<128x128xf32, #tpu.memory_space<vmem>>
      %dma_start3A_97 = arith.constant 0 : i32
      %dma_start3A_98 = tpu.memref_slice %arg10[%add3A_88, %dma_start3A_97] : memref<10112x128xf32, #tpu.memory_space<vmem_shared>> -> memref<128x128xf32, #tpu.memory_space<vmem_shared>>
      %dma_start3A_99 = arith.constant 0 : i32
      %dma_start3A_100 = arith.constant 0 : i32
      %dma_start3A_101 = tpu.memref_slice %arg8[%dma_start3A_99, %dma_start3A_100] : memref<128x128xf32, #tpu.memory_space<vmem>> -> memref<128x128xf32, #tpu.memory_space<vmem>>
      %dma_start3A_102 = arith.constant 0 : i32
      %dma_start3A_103 = tpu.memref_slice %arg10[%add3A_88, %dma_start3A_102] : memref<10112x128xf32, #tpu.memory_space<vmem_shared>> -> memref<128x128xf32, #tpu.memory_space<vmem_shared>>
      tpu.enqueue_dma source(%dma_start3A_103 : memref<128x128xf32, #tpu.memory_space<vmem_shared>>) target(%dma_start3A_101 : memref<128x128xf32, #tpu.memory_space<vmem>>) target_semaphore(%run_scoped3A_93 : memref<!tpu.dma_semaphore, #tpu.memory_space<semaphore_mem>>)
      %dma_wait3A = arith.constant 0 : i32
      %dma_wait3A_104 = arith.constant 0 : i32
      %dma_wait3A_105 = tpu.memref_slice %arg8[%dma_wait3A, %dma_wait3A_104] : memref<128x128xf32, #tpu.memory_space<vmem>> -> memref<128x128xf32, #tpu.memory_space<vmem>>
      %dma_wait3A_106 = arith.constant 0 : i32
      %dma_wait3A_107 = tpu.memref_slice %arg10[%add3A_88, %dma_wait3A_106] : memref<10112x128xf32, #tpu.memory_space<vmem_shared>> -> memref<128x128xf32, #tpu.memory_space<vmem_shared>>
      %dma_wait3A_108 = arith.constant 0 : i32
      %dma_wait3A_109 = arith.constant 0 : i32
      %dma_wait3A_110 = tpu.memref_slice %arg8[%dma_wait3A_108, %dma_wait3A_109] : memref<128x128xf32, #tpu.memory_space<vmem>> -> memref<128x128xf32, #tpu.memory_space<vmem>>
      %dma_wait3A_111 = arith.constant 0 : i32
      %dma_wait3A_112 = tpu.memref_slice %arg10[%add3A_88, %dma_wait3A_111] : memref<10112x128xf32, #tpu.memory_space<vmem_shared>> -> memref<128x128xf32, #tpu.memory_space<vmem_shared>>
      tpu.wait_dma2 semaphore(%run_scoped3A_93 : memref<!tpu.dma_semaphore, #tpu.memory_space<semaphore_mem>>) src(%dma_wait3A_112 : memref<128x128xf32, #tpu.memory_space<vmem_shared>>) dst(%dma_wait3A_110 : memref<128x128xf32, #tpu.memory_space<vmem>>)
      tpu.yield
    }) : () -> ()
    "tpu.region"() ({
      %run_scoped3A_93 = tpu.sem_alloc : memref<!tpu.dma_semaphore, #tpu.memory_space<semaphore_mem>>
      %dma_start3A_94 = arith.constant 0 : i32
      %dma_start3A_95 = arith.constant 0 : i32
      %dma_start3A_96 = tpu.memref_slice %arg8[%dma_start3A_94, %dma_start3A_95] : memref<128x128xf32, #tpu.memory_space<vmem>> -> memref<128x128xf32, #tpu.memory_space<vmem>>
      %dma_start3A_97 = arith.constant 256 : i32
      %dma_start3A_98 = arith.constant 0 : i32
      %dma_start3A_99 = tpu.memref_slice %arg5[%add3A, %dma_start3A_97, %dma_start3A_98] : memref<32x632x128xf32, #tpu.memory_space<hbm>> -> memref<1x128x128xf32, #tpu.memory_space<hbm>>
      %dma_start3A_100 = tpu.memref_squeeze %dma_start3A_99 : memref<1x128x128xf32, #tpu.memory_space<hbm>> -> memref<128x128xf32, #tpu.memory_space<hbm>>
      %dma_start3A_101 = arith.constant 256 : i32
      %dma_start3A_102 = arith.constant 0 : i32
      %dma_start3A_103 = tpu.memref_slice %arg5[%add3A, %dma_start3A_101, %dma_start3A_102] : memref<32x632x128xf32, #tpu.memory_space<hbm>> -> memref<1x128x128xf32, #tpu.memory_space<hbm>>
      %dma_start3A_104 = tpu.memref_squeeze %dma_start3A_103 : memref<1x128x128xf32, #tpu.memory_space<hbm>> -> memref<128x128xf32, #tpu.memory_space<hbm>>
      %dma_start3A_105 = arith.constant 0 : i32
      %dma_start3A_106 = arith.constant 0 : i32
      %dma_start3A_107 = tpu.memref_slice %arg8[%dma_start3A_105, %dma_start3A_106] : memref<128x128xf32, #tpu.memory_space<vmem>> -> memref<128x128xf32, #tpu.memory_space<vmem>>
      tpu.enqueue_dma source(%dma_start3A_107 : memref<128x128xf32, #tpu.memory_space<vmem>>) target(%dma_start3A_104 : memref<128x128xf32, #tpu.memory_space<hbm>>) target_semaphore(%run_scoped3A_93 : memref<!tpu.dma_semaphore, #tpu.memory_space<semaphore_mem>>)
      %dma_wait3A = arith.constant 0 : i32
      %dma_wait3A_108 = arith.constant 0 : i32
      %dma_wait3A_109 = tpu.memref_slice %arg8[%dma_wait3A, %dma_wait3A_108] : memref<128x128xf32, #tpu.memory_space<vmem>> -> memref<128x128xf32, #tpu.memory_space<vmem>>
      %dma_wait3A_110 = arith.constant 256 : i32
      %dma_wait3A_111 = arith.constant 0 : i32
      %dma_wait3A_112 = tpu.memref_slice %arg5[%add3A, %dma_wait3A_110, %dma_wait3A_111] : memref<32x632x128xf32, #tpu.memory_space<hbm>> -> memref<1x128x128xf32, #tpu.memory_space<hbm>>
      %dma_wait3A_113 = tpu.memref_squeeze %dma_wait3A_112 : memref<1x128x128xf32, #tpu.memory_space<hbm>> -> memref<128x128xf32, #tpu.memory_space<hbm>>
      %dma_wait3A_114 = arith.constant 256 : i32
      %dma_wait3A_115 = arith.constant 0 : i32
      %dma_wait3A_116 = tpu.memref_slice %arg5[%add3A, %dma_wait3A_114, %dma_wait3A_115] : memref<32x632x128xf32, #tpu.memory_space<hbm>> -> memref<1x128x128xf32, #tpu.memory_space<hbm>>
      %dma_wait3A_117 = tpu.memref_squeeze %dma_wait3A_116 : memref<1x128x128xf32, #tpu.memory_space<hbm>> -> memref<128x128xf32, #tpu.memory_space<hbm>>
      %dma_wait3A_118 = arith.constant 0 : i32
      %dma_wait3A_119 = arith.constant 0 : i32
      %dma_wait3A_120 = tpu.memref_slice %arg8[%dma_wait3A_118, %dma_wait3A_119] : memref<128x128xf32, #tpu.memory_space<vmem>> -> memref<128x128xf32, #tpu.memory_space<vmem>>
      tpu.wait_dma2 semaphore(%run_scoped3A_93 : memref<!tpu.dma_semaphore, #tpu.memory_space<semaphore_mem>>) src(%dma_wait3A_120 : memref<128x128xf32, #tpu.memory_space<vmem>>) dst(%dma_wait3A_117 : memref<128x128xf32, #tpu.memory_space<hbm>>)
      tpu.yield
    }) : () -> ()
    %add3A_89 = arith.constant 384 : i32
    %add3A_90 = arith.addi %mul3A_36, %add3A_89 : i32
    "tpu.region"() ({
      %run_scoped3A_93 = tpu.sem_alloc : memref<!tpu.dma_semaphore, #tpu.memory_space<semaphore_mem>>
      %dma_start3A_94 = arith.constant 0 : i32
      %dma_start3A_95 = arith.constant 0 : i32
      %dma_start3A_96 = tpu.memref_slice %arg8[%dma_start3A_94, %dma_start3A_95] : memref<128x128xf32, #tpu.memory_space<vmem>> -> memref<128x128xf32, #tpu.memory_space<vmem>>
      %dma_start3A_97 = arith.constant 0 : i32
      %dma_start3A_98 = tpu.memref_slice %arg10[%add3A_90, %dma_start3A_97] : memref<10112x128xf32, #tpu.memory_space<vmem_shared>> -> memref<128x128xf32, #tpu.memory_space<vmem_shared>>
      %dma_start3A_99 = arith.constant 0 : i32
      %dma_start3A_100 = arith.constant 0 : i32
      %dma_start3A_101 = tpu.memref_slice %arg8[%dma_start3A_99, %dma_start3A_100] : memref<128x128xf32, #tpu.memory_space<vmem>> -> memref<128x128xf32, #tpu.memory_space<vmem>>
      %dma_start3A_102 = arith.constant 0 : i32
      %dma_start3A_103 = tpu.memref_slice %arg10[%add3A_90, %dma_start3A_102] : memref<10112x128xf32, #tpu.memory_space<vmem_shared>> -> memref<128x128xf32, #tpu.memory_space<vmem_shared>>
      tpu.enqueue_dma source(%dma_start3A_103 : memref<128x128xf32, #tpu.memory_space<vmem_shared>>) target(%dma_start3A_101 : memref<128x128xf32, #tpu.memory_space<vmem>>) target_semaphore(%run_scoped3A_93 : memref<!tpu.dma_semaphore, #tpu.memory_space<semaphore_mem>>)
      %dma_wait3A = arith.constant 0 : i32
      %dma_wait3A_104 = arith.constant 0 : i32
      %dma_wait3A_105 = tpu.memref_slice %arg8[%dma_wait3A, %dma_wait3A_104] : memref<128x128xf32, #tpu.memory_space<vmem>> -> memref<128x128xf32, #tpu.memory_space<vmem>>
      %dma_wait3A_106 = arith.constant 0 : i32
      %dma_wait3A_107 = tpu.memref_slice %arg10[%add3A_90, %dma_wait3A_106] : memref<10112x128xf32, #tpu.memory_space<vmem_shared>> -> memref<128x128xf32, #tpu.memory_space<vmem_shared>>
      %dma_wait3A_108 = arith.constant 0 : i32
      %dma_wait3A_109 = arith.constant 0 : i32
      %dma_wait3A_110 = tpu.memref_slice %arg8[%dma_wait3A_108, %dma_wait3A_109] : memref<128x128xf32, #tpu.memory_space<vmem>> -> memref<128x128xf32, #tpu.memory_space<vmem>>
      %dma_wait3A_111 = arith.constant 0 : i32
      %dma_wait3A_112 = tpu.memref_slice %arg10[%add3A_90, %dma_wait3A_111] : memref<10112x128xf32, #tpu.memory_space<vmem_shared>> -> memref<128x128xf32, #tpu.memory_space<vmem_shared>>
      tpu.wait_dma2 semaphore(%run_scoped3A_93 : memref<!tpu.dma_semaphore, #tpu.memory_space<semaphore_mem>>) src(%dma_wait3A_112 : memref<128x128xf32, #tpu.memory_space<vmem_shared>>) dst(%dma_wait3A_110 : memref<128x128xf32, #tpu.memory_space<vmem>>)
      tpu.yield
    }) : () -> ()
    "tpu.region"() ({
      %run_scoped3A_93 = tpu.sem_alloc : memref<!tpu.dma_semaphore, #tpu.memory_space<semaphore_mem>>
      %dma_start3A_94 = arith.constant 0 : i32
      %dma_start3A_95 = arith.constant 0 : i32
      %dma_start3A_96 = tpu.memref_slice %arg8[%dma_start3A_94, %dma_start3A_95] : memref<128x128xf32, #tpu.memory_space<vmem>> -> memref<128x128xf32, #tpu.memory_space<vmem>>
      %dma_start3A_97 = arith.constant 384 : i32
      %dma_start3A_98 = arith.constant 0 : i32
      %dma_start3A_99 = tpu.memref_slice %arg5[%add3A, %dma_start3A_97, %dma_start3A_98] : memref<32x632x128xf32, #tpu.memory_space<hbm>> -> memref<1x128x128xf32, #tpu.memory_space<hbm>>
      %dma_start3A_100 = tpu.memref_squeeze %dma_start3A_99 : memref<1x128x128xf32, #tpu.memory_space<hbm>> -> memref<128x128xf32, #tpu.memory_space<hbm>>
      %dma_start3A_101 = arith.constant 384 : i32
      %dma_start3A_102 = arith.constant 0 : i32
      %dma_start3A_103 = tpu.memref_slice %arg5[%add3A, %dma_start3A_101, %dma_start3A_102] : memref<32x632x128xf32, #tpu.memory_space<hbm>> -> memref<1x128x128xf32, #tpu.memory_space<hbm>>
      %dma_start3A_104 = tpu.memref_squeeze %dma_start3A_103 : memref<1x128x128xf32, #tpu.memory_space<hbm>> -> memref<128x128xf32, #tpu.memory_space<hbm>>
      %dma_start3A_105 = arith.constant 0 : i32
      %dma_start3A_106 = arith.constant 0 : i32
      %dma_start3A_107 = tpu.memref_slice %arg8[%dma_start3A_105, %dma_start3A_106] : memref<128x128xf32, #tpu.memory_space<vmem>> -> memref<128x128xf32, #tpu.memory_space<vmem>>
      tpu.enqueue_dma source(%dma_start3A_107 : memref<128x128xf32, #tpu.memory_space<vmem>>) target(%dma_start3A_104 : memref<128x128xf32, #tpu.memory_space<hbm>>) target_semaphore(%run_scoped3A_93 : memref<!tpu.dma_semaphore, #tpu.memory_space<semaphore_mem>>)
      %dma_wait3A = arith.constant 0 : i32
      %dma_wait3A_108 = arith.constant 0 : i32
      %dma_wait3A_109 = tpu.memref_slice %arg8[%dma_wait3A, %dma_wait3A_108] : memref<128x128xf32, #tpu.memory_space<vmem>> -> memref<128x128xf32, #tpu.memory_space<vmem>>
      %dma_wait3A_110 = arith.constant 384 : i32
      %dma_wait3A_111 = arith.constant 0 : i32
      %dma_wait3A_112 = tpu.memref_slice %arg5[%add3A, %dma_wait3A_110, %dma_wait3A_111] : memref<32x632x128xf32, #tpu.memory_space<hbm>> -> memref<1x128x128xf32, #tpu.memory_space<hbm>>
      %dma_wait3A_113 = tpu.memref_squeeze %dma_wait3A_112 : memref<1x128x128xf32, #tpu.memory_space<hbm>> -> memref<128x128xf32, #tpu.memory_space<hbm>>
      %dma_wait3A_114 = arith.constant 384 : i32
      %dma_wait3A_115 = arith.constant 0 : i32
      %dma_wait3A_116 = tpu.memref_slice %arg5[%add3A, %dma_wait3A_114, %dma_wait3A_115] : memref<32x632x128xf32, #tpu.memory_space<hbm>> -> memref<1x128x128xf32, #tpu.memory_space<hbm>>
      %dma_wait3A_117 = tpu.memref_squeeze %dma_wait3A_116 : memref<1x128x128xf32, #tpu.memory_space<hbm>> -> memref<128x128xf32, #tpu.memory_space<hbm>>
      %dma_wait3A_118 = arith.constant 0 : i32
      %dma_wait3A_119 = arith.constant 0 : i32
      %dma_wait3A_120 = tpu.memref_slice %arg8[%dma_wait3A_118, %dma_wait3A_119] : memref<128x128xf32, #tpu.memory_space<vmem>> -> memref<128x128xf32, #tpu.memory_space<vmem>>
      tpu.wait_dma2 semaphore(%run_scoped3A_93 : memref<!tpu.dma_semaphore, #tpu.memory_space<semaphore_mem>>) src(%dma_wait3A_120 : memref<128x128xf32, #tpu.memory_space<vmem>>) dst(%dma_wait3A_117 : memref<128x128xf32, #tpu.memory_space<hbm>>)
      tpu.yield
    }) : () -> ()
    %add3A_91 = arith.constant 512 : i32
    %add3A_92 = arith.addi %mul3A_36, %add3A_91 : i32
    "tpu.region"() ({
      %run_scoped3A_93 = tpu.sem_alloc : memref<!tpu.dma_semaphore, #tpu.memory_space<semaphore_mem>>
      %dma_start3A_94 = arith.constant 0 : i32
      %dma_start3A_95 = arith.constant 0 : i32
      %dma_start3A_96 = tpu.memref_slice %arg8[%dma_start3A_94, %dma_start3A_95] : memref<128x128xf32, #tpu.memory_space<vmem>> -> memref<120x128xf32, #tpu.memory_space<vmem>>
      %dma_start3A_97 = arith.constant 0 : i32
      %dma_start3A_98 = tpu.memref_slice %arg10[%add3A_92, %dma_start3A_97] : memref<10112x128xf32, #tpu.memory_space<vmem_shared>> -> memref<120x128xf32, #tpu.memory_space<vmem_shared>>
      %dma_start3A_99 = arith.constant 0 : i32
      %dma_start3A_100 = arith.constant 0 : i32
      %dma_start3A_101 = tpu.memref_slice %arg8[%dma_start3A_99, %dma_start3A_100] : memref<128x128xf32, #tpu.memory_space<vmem>> -> memref<120x128xf32, #tpu.memory_space<vmem>>
      %dma_start3A_102 = arith.constant 0 : i32
      %dma_start3A_103 = tpu.memref_slice %arg10[%add3A_92, %dma_start3A_102] : memref<10112x128xf32, #tpu.memory_space<vmem_shared>> -> memref<120x128xf32, #tpu.memory_space<vmem_shared>>
      tpu.enqueue_dma source(%dma_start3A_103 : memref<120x128xf32, #tpu.memory_space<vmem_shared>>) target(%dma_start3A_101 : memref<120x128xf32, #tpu.memory_space<vmem>>) target_semaphore(%run_scoped3A_93 : memref<!tpu.dma_semaphore, #tpu.memory_space<semaphore_mem>>)
      %dma_wait3A = arith.constant 0 : i32
      %dma_wait3A_104 = arith.constant 0 : i32
      %dma_wait3A_105 = tpu.memref_slice %arg8[%dma_wait3A, %dma_wait3A_104] : memref<128x128xf32, #tpu.memory_space<vmem>> -> memref<120x128xf32, #tpu.memory_space<vmem>>
      %dma_wait3A_106 = arith.constant 0 : i32
      %dma_wait3A_107 = tpu.memref_slice %arg10[%add3A_92, %dma_wait3A_106] : memref<10112x128xf32, #tpu.memory_space<vmem_shared>> -> memref<120x128xf32, #tpu.memory_space<vmem_shared>>
      %dma_wait3A_108 = arith.constant 0 : i32
      %dma_wait3A_109 = arith.constant 0 : i32
      %dma_wait3A_110 = tpu.memref_slice %arg8[%dma_wait3A_108, %dma_wait3A_109] : memref<128x128xf32, #tpu.memory_space<vmem>> -> memref<120x128xf32, #tpu.memory_space<vmem>>
      %dma_wait3A_111 = arith.constant 0 : i32
      %dma_wait3A_112 = tpu.memref_slice %arg10[%add3A_92, %dma_wait3A_111] : memref<10112x128xf32, #tpu.memory_space<vmem_shared>> -> memref<120x128xf32, #tpu.memory_space<vmem_shared>>
      tpu.wait_dma2 semaphore(%run_scoped3A_93 : memref<!tpu.dma_semaphore, #tpu.memory_space<semaphore_mem>>) src(%dma_wait3A_112 : memref<120x128xf32, #tpu.memory_space<vmem_shared>>) dst(%dma_wait3A_110 : memref<120x128xf32, #tpu.memory_space<vmem>>)
      tpu.yield
    }) : () -> ()
    "tpu.region"() ({
      %run_scoped3A_93 = tpu.sem_alloc : memref<!tpu.dma_semaphore, #tpu.memory_space<semaphore_mem>>
      %dma_start3A_94 = arith.constant 0 : i32
      %dma_start3A_95 = arith.constant 0 : i32
      %dma_start3A_96 = tpu.memref_slice %arg8[%dma_start3A_94, %dma_start3A_95] : memref<128x128xf32, #tpu.memory_space<vmem>> -> memref<120x128xf32, #tpu.memory_space<vmem>>
      %dma_start3A_97 = arith.constant 512 : i32
      %dma_start3A_98 = arith.constant 0 : i32
      %dma_start3A_99 = tpu.memref_slice %arg5[%add3A, %dma_start3A_97, %dma_start3A_98] : memref<32x632x128xf32, #tpu.memory_space<hbm>> -> memref<1x120x128xf32, #tpu.memory_space<hbm>>
      %dma_start3A_100 = tpu.memref_squeeze %dma_start3A_99 : memref<1x120x128xf32, #tpu.memory_space<hbm>> -> memref<120x128xf32, #tpu.memory_space<hbm>>
      %dma_start3A_101 = arith.constant 512 : i32
      %dma_start3A_102 = arith.constant 0 : i32
      %dma_start3A_103 = tpu.memref_slice %arg5[%add3A, %dma_start3A_101, %dma_start3A_102] : memref<32x632x128xf32, #tpu.memory_space<hbm>> -> memref<1x120x128xf32, #tpu.memory_space<hbm>>
      %dma_start3A_104 = tpu.memref_squeeze %dma_start3A_103 : memref<1x120x128xf32, #tpu.memory_space<hbm>> -> memref<120x128xf32, #tpu.memory_space<hbm>>
      %dma_start3A_105 = arith.constant 0 : i32
      %dma_start3A_106 = arith.constant 0 : i32
      %dma_start3A_107 = tpu.memref_slice %arg8[%dma_start3A_105, %dma_start3A_106] : memref<128x128xf32, #tpu.memory_space<vmem>> -> memref<120x128xf32, #tpu.memory_space<vmem>>
      tpu.enqueue_dma source(%dma_start3A_107 : memref<120x128xf32, #tpu.memory_space<vmem>>) target(%dma_start3A_104 : memref<120x128xf32, #tpu.memory_space<hbm>>) target_semaphore(%run_scoped3A_93 : memref<!tpu.dma_semaphore, #tpu.memory_space<semaphore_mem>>)
      %dma_wait3A = arith.constant 0 : i32
      %dma_wait3A_108 = arith.constant 0 : i32
      %dma_wait3A_109 = tpu.memref_slice %arg8[%dma_wait3A, %dma_wait3A_108] : memref<128x128xf32, #tpu.memory_space<vmem>> -> memref<120x128xf32, #tpu.memory_space<vmem>>
      %dma_wait3A_110 = arith.constant 512 : i32
      %dma_wait3A_111 = arith.constant 0 : i32
      %dma_wait3A_112 = tpu.memref_slice %arg5[%add3A, %dma_wait3A_110, %dma_wait3A_111] : memref<32x632x128xf32, #tpu.memory_space<hbm>> -> memref<1x120x128xf32, #tpu.memory_space<hbm>>
      %dma_wait3A_113 = tpu.memref_squeeze %dma_wait3A_112 : memref<1x120x128xf32, #tpu.memory_space<hbm>> -> memref<120x128xf32, #tpu.memory_space<hbm>>
      %dma_wait3A_114 = arith.constant 512 : i32
      %dma_wait3A_115 = arith.constant 0 : i32
      %dma_wait3A_116 = tpu.memref_slice %arg5[%add3A, %dma_wait3A_114, %dma_wait3A_115] : memref<32x632x128xf32, #tpu.memory_space<hbm>> -> memref<1x120x128xf32, #tpu.memory_space<hbm>>
      %dma_wait3A_117 = tpu.memref_squeeze %dma_wait3A_116 : memref<1x120x128xf32, #tpu.memory_space<hbm>> -> memref<120x128xf32, #tpu.memory_space<hbm>>
      %dma_wait3A_118 = arith.constant 0 : i32
      %dma_wait3A_119 = arith.constant 0 : i32
      %dma_wait3A_120 = tpu.memref_slice %arg8[%dma_wait3A_118, %dma_wait3A_119] : memref<128x128xf32, #tpu.memory_space<vmem>> -> memref<120x128xf32, #tpu.memory_space<vmem>>
      tpu.wait_dma2 semaphore(%run_scoped3A_93 : memref<!tpu.dma_semaphore, #tpu.memory_space<semaphore_mem>>) src(%dma_wait3A_120 : memref<120x128xf32, #tpu.memory_space<vmem>>) dst(%dma_wait3A_117 : memref<120x128xf32, #tpu.memory_space<hbm>>)
      tpu.yield
    }) : () -> ()
    return
  }
}

#map = affine_map<(d0, d1) -> (0, 0)>
module attributes {stable_mosaic.version = 14 : i64} {
  func.func @body(%arg0: i32, %arg1: i32, %arg2: memref<2560x128xi32, #tpu.memory_space<hbm>>, %arg3: memref<32x10112xf32, #tpu.memory_space<hbm>>, %arg4: memref<80x128xi32, #tpu.memory_space<vmem>>, %arg5: memref<10112xf32, #tpu.memory_space<vmem>>) attributes {dimension_semantics = [#tpu.dimension_semantics<core_parallel>, #tpu.dimension_semantics<subcore_parallel>], iteration_bounds = array<i64: 2, 16>, scalar_prefetch = 0 : i64, scratch_operands = 2 : i64, tpu.core_type = #tpu.core_type<sc_vector_subcore>, window_params = [{transform_indices = #map}, {transform_indices = #map}]} {
    %mul3A = arith.constant 2 : i32
    %mul3A_0 = arith.muli %arg1, %mul3A : i32
    %add3A = arith.addi %mul3A_0, %arg0 : i32
    %mul3A_1 = arith.constant 80 : i32
    %mul3A_2 = arith.muli %add3A, %mul3A_1 : i32
    %broadcast_in_dim3A = arith.constant 0.000000e+00 : f32
    %broadcast_in_dim3A_3 = vector.broadcast %broadcast_in_dim3A : f32 to vector<16xf32>
    %broadcast_in_dim3A_4 = arith.constant 1.000000e+00 : f32
    %broadcast_in_dim3A_5 = vector.broadcast %broadcast_in_dim3A_4 : f32 to vector<16xf32>
    %scan3A = arith.constant 0 : i32
    %scan3A_6 = arith.constant 0 : i32
    %scan3A_7 = arith.constant 632 : i32
    %scan3A_8 = arith.addi %scan3A_6, %scan3A_7 : i32
    %scan3A_9 = arith.constant 1 : i32
    %scan3A_10 = scf.for %scan3A_19 = %scan3A_6 to %scan3A_8 step %scan3A_9 iter_args(%scan3A_20 = %scan3A) -> (i32)  : i32 {
      %mul3A_21 = arith.constant 16 : i32
      %mul3A_22 = arith.muli %scan3A_19, %mul3A_21 : i32
      %swap3A = arith.index_cast %mul3A_22 : i32 to index
      %swap3A_23 = tpu.vector_load %arg5[%swap3A] {strides = array<i32>} : memref<10112xf32, #tpu.memory_space<vmem>>, vector<16xf32>,
      tpu.vector_store %arg5[%swap3A], %broadcast_in_dim3A_3 {strides = array<i32>} : memref<10112xf32, #tpu.memory_space<vmem>>, vector<16xf32>,
      %scan3A_24 = arith.constant 0 : i32
      scf.yield %scan3A_24 : i32
    }
    %scan3A_11 = arith.constant 632 : i32
    "tpu.region"() ({
      %run_scoped3A = tpu.sem_alloc : memref<!tpu.dma_semaphore, #tpu.memory_space<semaphore_mem>>
      %dma_start3A = arith.constant 0 : i32
      %dma_start3A_19 = tpu.memref_slice %arg2[%mul3A_2, %dma_start3A] : memref<2560x128xi32, #tpu.memory_space<hbm>> -> memref<80x128xi32, #tpu.memory_space<hbm>>
      %dma_start3A_20 = arith.constant 0 : i32
      %dma_start3A_21 = tpu.memref_slice %arg2[%mul3A_2, %dma_start3A_20] : memref<2560x128xi32, #tpu.memory_space<hbm>> -> memref<80x128xi32, #tpu.memory_space<hbm>>
      tpu.enqueue_dma source(%dma_start3A_21 : memref<80x128xi32, #tpu.memory_space<hbm>>) target(%arg4 : memref<80x128xi32, #tpu.memory_space<vmem>>) target_semaphore(%run_scoped3A : memref<!tpu.dma_semaphore, #tpu.memory_space<semaphore_mem>>)
      %dma_wait3A = arith.constant 0 : i32
      %dma_wait3A_22 = tpu.memref_slice %arg2[%mul3A_2, %dma_wait3A] : memref<2560x128xi32, #tpu.memory_space<hbm>> -> memref<80x128xi32, #tpu.memory_space<hbm>>
      %dma_wait3A_23 = arith.constant 0 : i32
      %dma_wait3A_24 = tpu.memref_slice %arg2[%mul3A_2, %dma_wait3A_23] : memref<2560x128xi32, #tpu.memory_space<hbm>> -> memref<80x128xi32, #tpu.memory_space<hbm>>
      tpu.wait_dma2 semaphore(%run_scoped3A : memref<!tpu.dma_semaphore, #tpu.memory_space<semaphore_mem>>) src(%dma_wait3A_24 : memref<80x128xi32, #tpu.memory_space<hbm>>) dst(%arg4 : memref<80x128xi32, #tpu.memory_space<vmem>>)
      tpu.yield
    }) : () -> ()
    %scan3A_12 = arith.constant 0 : i32
    %scan3A_13 = arith.constant 0 : i32
    %scan3A_14 = arith.constant 80 : i32
    %scan3A_15 = arith.addi %scan3A_13, %scan3A_14 : i32
    %scan3A_16 = arith.constant 1 : i32
    %scan3A_17 = scf.for %scan3A_19 = %scan3A_13 to %scan3A_15 step %scan3A_16 iter_args(%scan3A_20 = %scan3A_12) -> (i32)  : i32 {
      %get3A = arith.index_cast %scan3A_19 : i32 to index
      %get3A_21 = arith.constant 0 : index
      %get3A_22 = tpu.vector_load %arg4[%get3A, %get3A_21] {strides = array<i32>} : memref<80x128xi32, #tpu.memory_space<vmem>>, vector<16xi32>,
      tpu.vector_store_idx %arg5[%get3A_22], %broadcast_in_dim3A_5 {add = true} : memref<10112xf32, #tpu.memory_space<vmem>>[vector<16xi32>], vector<16xf32>,
      %get3A_23 = arith.index_cast %scan3A_19 : i32 to index
      %get3A_24 = arith.constant 16 : index
      %get3A_25 = tpu.vector_load %arg4[%get3A_23, %get3A_24] {strides = array<i32>} : memref<80x128xi32, #tpu.memory_space<vmem>>, vector<16xi32>,
      tpu.vector_store_idx %arg5[%get3A_25], %broadcast_in_dim3A_5 {add = true} : memref<10112xf32, #tpu.memory_space<vmem>>[vector<16xi32>], vector<16xf32>,
      %get3A_26 = arith.index_cast %scan3A_19 : i32 to index
      %get3A_27 = arith.constant 32 : index
      %get3A_28 = tpu.vector_load %arg4[%get3A_26, %get3A_27] {strides = array<i32>} : memref<80x128xi32, #tpu.memory_space<vmem>>, vector<16xi32>,
      tpu.vector_store_idx %arg5[%get3A_28], %broadcast_in_dim3A_5 {add = true} : memref<10112xf32, #tpu.memory_space<vmem>>[vector<16xi32>], vector<16xf32>,
      %get3A_29 = arith.index_cast %scan3A_19 : i32 to index
      %get3A_30 = arith.constant 48 : index
      %get3A_31 = tpu.vector_load %arg4[%get3A_29, %get3A_30] {strides = array<i32>} : memref<80x128xi32, #tpu.memory_space<vmem>>, vector<16xi32>,
      tpu.vector_store_idx %arg5[%get3A_31], %broadcast_in_dim3A_5 {add = true} : memref<10112xf32, #tpu.memory_space<vmem>>[vector<16xi32>], vector<16xf32>,
      %get3A_32 = arith.index_cast %scan3A_19 : i32 to index
      %get3A_33 = arith.constant 64 : index
      %get3A_34 = tpu.vector_load %arg4[%get3A_32, %get3A_33] {strides = array<i32>} : memref<80x128xi32, #tpu.memory_space<vmem>>, vector<16xi32>,
      tpu.vector_store_idx %arg5[%get3A_34], %broadcast_in_dim3A_5 {add = true} : memref<10112xf32, #tpu.memory_space<vmem>>[vector<16xi32>], vector<16xf32>,
      %get3A_35 = arith.index_cast %scan3A_19 : i32 to index
      %get3A_36 = arith.constant 80 : index
      %get3A_37 = tpu.vector_load %arg4[%get3A_35, %get3A_36] {strides = array<i32>} : memref<80x128xi32, #tpu.memory_space<vmem>>, vector<16xi32>,
      tpu.vector_store_idx %arg5[%get3A_37], %broadcast_in_dim3A_5 {add = true} : memref<10112xf32, #tpu.memory_space<vmem>>[vector<16xi32>], vector<16xf32>,
      %get3A_38 = arith.index_cast %scan3A_19 : i32 to index
      %get3A_39 = arith.constant 96 : index
      %get3A_40 = tpu.vector_load %arg4[%get3A_38, %get3A_39] {strides = array<i32>} : memref<80x128xi32, #tpu.memory_space<vmem>>, vector<16xi32>,
      tpu.vector_store_idx %arg5[%get3A_40], %broadcast_in_dim3A_5 {add = true} : memref<10112xf32, #tpu.memory_space<vmem>>[vector<16xi32>], vector<16xf32>,
      %get3A_41 = arith.index_cast %scan3A_19 : i32 to index
      %get3A_42 = arith.constant 112 : index
      %get3A_43 = tpu.vector_load %arg4[%get3A_41, %get3A_42] {strides = array<i32>} : memref<80x128xi32, #tpu.memory_space<vmem>>, vector<16xi32>,
      tpu.vector_store_idx %arg5[%get3A_43], %broadcast_in_dim3A_5 {add = true} : memref<10112xf32, #tpu.memory_space<vmem>>[vector<16xi32>], vector<16xf32>,
      %scan3A_44 = arith.constant 0 : i32
      scf.yield %scan3A_44 : i32
    }
    %scan3A_18 = arith.constant 80 : i32
    "tpu.region"() ({
      %run_scoped3A = tpu.sem_alloc : memref<!tpu.dma_semaphore, #tpu.memory_space<semaphore_mem>>
      %dma_start3A = arith.constant 0 : i32
      %dma_start3A_19 = tpu.memref_slice %arg3[%add3A, %dma_start3A] : memref<32x10112xf32, #tpu.memory_space<hbm>> -> memref<1x10112xf32, #tpu.memory_space<hbm>>
      %dma_start3A_20 = tpu.memref_squeeze %dma_start3A_19 : memref<1x10112xf32, #tpu.memory_space<hbm>> -> memref<10112xf32, #tpu.memory_space<hbm>>
      %dma_start3A_21 = arith.constant 0 : i32
      %dma_start3A_22 = tpu.memref_slice %arg3[%add3A, %dma_start3A_21] : memref<32x10112xf32, #tpu.memory_space<hbm>> -> memref<1x10112xf32, #tpu.memory_space<hbm>>
      %dma_start3A_23 = tpu.memref_squeeze %dma_start3A_22 : memref<1x10112xf32, #tpu.memory_space<hbm>> -> memref<10112xf32, #tpu.memory_space<hbm>>
      tpu.enqueue_dma source(%arg5 : memref<10112xf32, #tpu.memory_space<vmem>>) target(%dma_start3A_23 : memref<10112xf32, #tpu.memory_space<hbm>>) target_semaphore(%run_scoped3A : memref<!tpu.dma_semaphore, #tpu.memory_space<semaphore_mem>>)
      %dma_wait3A = arith.constant 0 : i32
      %dma_wait3A_24 = tpu.memref_slice %arg3[%add3A, %dma_wait3A] : memref<32x10112xf32, #tpu.memory_space<hbm>> -> memref<1x10112xf32, #tpu.memory_space<hbm>>
      %dma_wait3A_25 = tpu.memref_squeeze %dma_wait3A_24 : memref<1x10112xf32, #tpu.memory_space<hbm>> -> memref<10112xf32, #tpu.memory_space<hbm>>
      %dma_wait3A_26 = arith.constant 0 : i32
      %dma_wait3A_27 = tpu.memref_slice %arg3[%add3A, %dma_wait3A_26] : memref<32x10112xf32, #tpu.memory_space<hbm>> -> memref<1x10112xf32, #tpu.memory_space<hbm>>
      %dma_wait3A_28 = tpu.memref_squeeze %dma_wait3A_27 : memref<1x10112xf32, #tpu.memory_space<hbm>> -> memref<10112xf32, #tpu.memory_space<hbm>>
      tpu.wait_dma2 semaphore(%run_scoped3A : memref<!tpu.dma_semaphore, #tpu.memory_space<semaphore_mem>>) src(%arg5 : memref<10112xf32, #tpu.memory_space<vmem>>) dst(%dma_wait3A_28 : memref<10112xf32, #tpu.memory_space<hbm>>)
      tpu.yield
    }) : () -> ()
    return
  }
}

#map = affine_map<(d0, d1) -> (0, 0)>
#map1 = affine_map<(d0, d1) -> (0, 0, 0)>
module attributes {stable_mosaic.version = 14 : i64} {
  func.func @body(%arg0: i32, %arg1: i32, %arg2: memref<10112x128xf32, #tpu.memory_space<hbm>>, %arg3: memref<2560x128xi32, #tpu.memory_space<hbm>>, %arg4: memref<2560x128xi32, #tpu.memory_space<hbm>>, %arg5: memref<32x632x128xf32, #tpu.memory_space<hbm>>, %arg6: memref<2x128xi32, #tpu.memory_space<vmem>>, %arg7: memref<2x128xi32, #tpu.memory_space<vmem>>, %arg8: memref<128x128xf32, #tpu.memory_space<vmem>>, %arg9: memref<128x128xf32, #tpu.memory_space<vmem>>, %arg10: memref<10112x128xf32, #tpu.memory_space<vmem_shared>>, %arg11: memref<!tpu.dma_semaphore, #tpu.memory_space<semaphore_mem>>, %arg12: memref<!tpu.dma_semaphore, #tpu.memory_space<semaphore_mem>>) attributes {dimension_semantics = [#tpu.dimension_semantics<core_parallel>, #tpu.dimension_semantics<subcore_parallel>], iteration_bounds = array<i64: 2, 16>, scalar_prefetch = 0 : i64, scratch_operands = 7 : i64, tpu.core_type = #tpu.core_type<sc_vector_subcore>, window_params = [{transform_indices = #map}, {transform_indices = #map}, {transform_indices = #map}, {transform_indices = #map1}]} {
    %mul3A = arith.constant 2 : i32
    %mul3A_0 = arith.muli %arg1, %mul3A : i32
    %add3A = arith.addi %mul3A_0, %arg0 : i32
    %eq3A = arith.constant 0 : i32
    %eq3A_1 = arith.cmpi eq, %arg0, %eq3A : i32
    %mul3A_2 = arith.constant 80 : i32
    %mul3A_3 = arith.muli %arg1, %mul3A_2 : i32
    %mul3A_4 = arith.constant 80 : i32
    %mul3A_5 = arith.muli %arg1, %mul3A_4 : i32
    %add3A_6 = arith.constant 1280 : i32
    %add3A_7 = arith.addi %add3A_6, %mul3A_5 : i32
    %select_n3A = arith.select %eq3A_1, %mul3A_3, %add3A_7 : i32
    %jit3A = arith.constant 80 : i32
    %jit3A_8 = arith.constant 80 : i32
    %select_n3A_9 = arith.select %eq3A_1, %jit3A, %jit3A_8 : i32
    %jit3A_10 = arith.constant 2 : i32
    %div3A = arith.divsi %select_n3A_9, %jit3A_10 : i32
    %sign3A = arith.constant 0 : i32
    %sign3A_11 = arith.cmpi sgt, %select_n3A_9, %sign3A : i32
    %sign3A_12 = arith.extui %sign3A_11 : i1 to i32
    %sign3A_13 = arith.constant 0 : i32
    %sign3A_14 = arith.cmpi slt, %select_n3A_9, %sign3A_13 : i32
    %sign3A_15 = arith.extui %sign3A_14 : i1 to i32
    %sign3A_16 = arith.subi %sign3A_12, %sign3A_15 : i32
    %sign3A_17 = arith.constant 0 : i32
    %sign3A_18 = arith.cmpi sgt, %jit3A_10, %sign3A_17 : i32
    %sign3A_19 = arith.extui %sign3A_18 : i1 to i32
    %sign3A_20 = arith.constant 0 : i32
    %sign3A_21 = arith.cmpi slt, %jit3A_10, %sign3A_20 : i32
    %sign3A_22 = arith.extui %sign3A_21 : i1 to i32
    %sign3A_23 = arith.subi %sign3A_19, %sign3A_22 : i32
    %ne3A = arith.cmpi ne, %sign3A_16, %sign3A_23 : i32
    %rem3A = arith.remsi %select_n3A_9, %jit3A_10 : i32
    %ne3A_24 = arith.constant 0 : i32
    %ne3A_25 = arith.cmpi ne, %rem3A, %ne3A_24 : i32
    %and3A = arith.andi %ne3A, %ne3A_25 : i1
    %sub3A = arith.constant 1 : i32
    %sub3A_26 = arith.subi %div3A, %sub3A : i32
    %select_n3A_27 = arith.select %and3A, %sub3A_26, %div3A : i32
    %broadcast_in_dim3A = arith.constant 0.000000e+00 : f32
    %broadcast_in_dim3A_28 = vector.broadcast %broadcast_in_dim3A : f32 to vector<16xf32>
    %scan3A = arith.constant 0 : i32
    %scan3A_29 = arith.constant 0 : i32
    %scan3A_30 = arith.constant 128 : i32
    %scan3A_31 = arith.addi %scan3A_29, %scan3A_30 : i32
    %scan3A_32 = arith.constant 1 : i32
    %scan3A_33 = scf.for %scan3A_93 = %scan3A_29 to %scan3A_31 step %scan3A_32 iter_args(%scan3A_94 = %scan3A) -> (i32)  : i32 {
      %swap3A = arith.index_cast %scan3A_93 : i32 to index
      %swap3A_95 = arith.constant 0 : index
      %swap3A_96 = tpu.vector_load %arg8[%swap3A, %swap3A_95] {strides = array<i32>} : memref<128x128xf32, #tpu.memory_space<vmem>>, vector<1x16xf32>,
      %swap3A_97 = vector.shape_cast %swap3A_96 : vector<1x16xf32> to vector<16xf32>
      %swap3A_98 = vector.shape_cast %broadcast_in_dim3A_28 : vector<16xf32> to vector<1x16xf32>
      tpu.vector_store %arg8[%swap3A, %swap3A_95], %swap3A_98 {strides = array<i32>} : memref<128x128xf32, #tpu.memory_space<vmem>>, vector<1x16xf32>,
      %swap3A_99 = arith.index_cast %scan3A_93 : i32 to index
      %swap3A_100 = arith.constant 16 : index
      %swap3A_101 = tpu.vector_load %arg8[%swap3A_99, %swap3A_100] {strides = array<i32>} : memref<128x128xf32, #tpu.memory_space<vmem>>, vector<1x16xf32>,
      %swap3A_102 = vector.shape_cast %swap3A_101 : vector<1x16xf32> to vector<16xf32>
      %swap3A_103 = vector.shape_cast %broadcast_in_dim3A_28 : vector<16xf32> to vector<1x16xf32>
      tpu.vector_store %arg8[%swap3A_99, %swap3A_100], %swap3A_103 {strides = array<i32>} : memref<128x128xf32, #tpu.memory_space<vmem>>, vector<1x16xf32>,
      %swap3A_104 = arith.index_cast %scan3A_93 : i32 to index
      %swap3A_105 = arith.constant 32 : index
      %swap3A_106 = tpu.vector_load %arg8[%swap3A_104, %swap3A_105] {strides = array<i32>} : memref<128x128xf32, #tpu.memory_space<vmem>>, vector<1x16xf32>,
      %swap3A_107 = vector.shape_cast %swap3A_106 : vector<1x16xf32> to vector<16xf32>
      %swap3A_108 = vector.shape_cast %broadcast_in_dim3A_28 : vector<16xf32> to vector<1x16xf32>
      tpu.vector_store %arg8[%swap3A_104, %swap3A_105], %swap3A_108 {strides = array<i32>} : memref<128x128xf32, #tpu.memory_space<vmem>>, vector<1x16xf32>,
      %swap3A_109 = arith.index_cast %scan3A_93 : i32 to index
      %swap3A_110 = arith.constant 48 : index
      %swap3A_111 = tpu.vector_load %arg8[%swap3A_109, %swap3A_110] {strides = array<i32>} : memref<128x128xf32, #tpu.memory_space<vmem>>, vector<1x16xf32>,
      %swap3A_112 = vector.shape_cast %swap3A_111 : vector<1x16xf32> to vector<16xf32>
      %swap3A_113 = vector.shape_cast %broadcast_in_dim3A_28 : vector<16xf32> to vector<1x16xf32>
      tpu.vector_store %arg8[%swap3A_109, %swap3A_110], %swap3A_113 {strides = array<i32>} : memref<128x128xf32, #tpu.memory_space<vmem>>, vector<1x16xf32>,
      %swap3A_114 = arith.index_cast %scan3A_93 : i32 to index
      %swap3A_115 = arith.constant 64 : index
      %swap3A_116 = tpu.vector_load %arg8[%swap3A_114, %swap3A_115] {strides = array<i32>} : memref<128x128xf32, #tpu.memory_space<vmem>>, vector<1x16xf32>,
      %swap3A_117 = vector.shape_cast %swap3A_116 : vector<1x16xf32> to vector<16xf32>
      %swap3A_118 = vector.shape_cast %broadcast_in_dim3A_28 : vector<16xf32> to vector<1x16xf32>
      tpu.vector_store %arg8[%swap3A_114, %swap3A_115], %swap3A_118 {strides = array<i32>} : memref<128x128xf32, #tpu.memory_space<vmem>>, vector<1x16xf32>,
      %swap3A_119 = arith.index_cast %scan3A_93 : i32 to index
      %swap3A_120 = arith.constant 80 : index
      %swap3A_121 = tpu.vector_load %arg8[%swap3A_119, %swap3A_120] {strides = array<i32>} : memref<128x128xf32, #tpu.memory_space<vmem>>, vector<1x16xf32>,
      %swap3A_122 = vector.shape_cast %swap3A_121 : vector<1x16xf32> to vector<16xf32>
      %swap3A_123 = vector.shape_cast %broadcast_in_dim3A_28 : vector<16xf32> to vector<1x16xf32>
      tpu.vector_store %arg8[%swap3A_119, %swap3A_120], %swap3A_123 {strides = array<i32>} : memref<128x128xf32, #tpu.memory_space<vmem>>, vector<1x16xf32>,
      %swap3A_124 = arith.index_cast %scan3A_93 : i32 to index
      %swap3A_125 = arith.constant 96 : index
      %swap3A_126 = tpu.vector_load %arg8[%swap3A_124, %swap3A_125] {strides = array<i32>} : memref<128x128xf32, #tpu.memory_space<vmem>>, vector<1x16xf32>,
      %swap3A_127 = vector.shape_cast %swap3A_126 : vector<1x16xf32> to vector<16xf32>
      %swap3A_128 = vector.shape_cast %broadcast_in_dim3A_28 : vector<16xf32> to vector<1x16xf32>
      tpu.vector_store %arg8[%swap3A_124, %swap3A_125], %swap3A_128 {strides = array<i32>} : memref<128x128xf32, #tpu.memory_space<vmem>>, vector<1x16xf32>,
      %swap3A_129 = arith.index_cast %scan3A_93 : i32 to index
      %swap3A_130 = arith.constant 112 : index
      %swap3A_131 = tpu.vector_load %arg8[%swap3A_129, %swap3A_130] {strides = array<i32>} : memref<128x128xf32, #tpu.memory_space<vmem>>, vector<1x16xf32>,
      %swap3A_132 = vector.shape_cast %swap3A_131 : vector<1x16xf32> to vector<16xf32>
      %swap3A_133 = vector.shape_cast %broadcast_in_dim3A_28 : vector<16xf32> to vector<1x16xf32>
      tpu.vector_store %arg8[%swap3A_129, %swap3A_130], %swap3A_133 {strides = array<i32>} : memref<128x128xf32, #tpu.memory_space<vmem>>, vector<1x16xf32>,
      %scan3A_134 = arith.constant 0 : i32
      scf.yield %scan3A_134 : i32
    }
    %scan3A_34 = arith.constant 128 : i32
    %mul3A_35 = arith.constant 632 : i32
    %mul3A_36 = arith.muli %arg1, %mul3A_35 : i32
    %add3A_37 = arith.constant 0 : i32
    %add3A_38 = arith.addi %mul3A_36, %add3A_37 : i32
    "tpu.region"() ({
      %run_scoped3A_93 = tpu.sem_alloc : memref<!tpu.dma_semaphore, #tpu.memory_space<semaphore_mem>>
      %dma_start3A_94 = arith.constant 0 : i32
      %dma_start3A_95 = arith.constant 0 : i32
      %dma_start3A_96 = tpu.memref_slice %arg8[%dma_start3A_94, %dma_start3A_95] : memref<128x128xf32, #tpu.memory_space<vmem>> -> memref<128x128xf32, #tpu.memory_space<vmem>>
      %dma_start3A_97 = arith.constant 0 : i32
      %dma_start3A_98 = tpu.memref_slice %arg10[%add3A_38, %dma_start3A_97] : memref<10112x128xf32, #tpu.memory_space<vmem_shared>> -> memref<128x128xf32, #tpu.memory_space<vmem_shared>>
      %dma_start3A_99 = arith.constant 0 : i32
      %dma_start3A_100 = tpu.memref_slice %arg10[%add3A_38, %dma_start3A_99] : memref<10112x128xf32, #tpu.memory_space<vmem_shared>> -> memref<128x128xf32, #tpu.memory_space<vmem_shared>>
      %dma_start3A_101 = arith.constant 0 : i32
      %dma_start3A_102 = arith.constant 0 : i32
      %dma_start3A_103 = tpu.memref_slice %arg8[%dma_start3A_101, %dma_start3A_102] : memref<128x128xf32, #tpu.memory_space<vmem>> -> memref<128x128xf32, #tpu.memory_space<vmem>>
      tpu.enqueue_dma source(%dma_start3A_103 : memref<128x128xf32, #tpu.memory_space<vmem>>) target(%dma_start3A_100 : memref<128x128xf32, #tpu.memory_space<vmem_shared>>) target_semaphore(%run_scoped3A_93 : memref<!tpu.dma_semaphore, #tpu.memory_space<semaphore_mem>>)
      %dma_wait3A = arith.constant 0 : i32
      %dma_wait3A_104 = arith.constant 0 : i32
      %dma_wait3A_105 = tpu.memref_slice %arg8[%dma_wait3A, %dma_wait3A_104] : memref<128x128xf32, #tpu.memory_space<vmem>> -> memref<128x128xf32, #tpu.memory_space<vmem>>
      %dma_wait3A_106 = arith.constant 0 : i32
      %dma_wait3A_107 = tpu.memref_slice %arg10[%add3A_38, %dma_wait3A_106] : memref<10112x128xf32, #tpu.memory_space<vmem_shared>> -> memref<128x128xf32, #tpu.memory_space<vmem_shared>>
      %dma_wait3A_108 = arith.constant 0 : i32
      %dma_wait3A_109 = tpu.memref_slice %arg10[%add3A_38, %dma_wait3A_108] : memref<10112x128xf32, #tpu.memory_space<vmem_shared>> -> memref<128x128xf32, #tpu.memory_space<vmem_shared>>
      %dma_wait3A_110 = arith.constant 0 : i32
      %dma_wait3A_111 = arith.constant 0 : i32
      %dma_wait3A_112 = tpu.memref_slice %arg8[%dma_wait3A_110, %dma_wait3A_111] : memref<128x128xf32, #tpu.memory_space<vmem>> -> memref<128x128xf32, #tpu.memory_space<vmem>>
      tpu.wait_dma2 semaphore(%run_scoped3A_93 : memref<!tpu.dma_semaphore, #tpu.memory_space<semaphore_mem>>) src(%dma_wait3A_112 : memref<128x128xf32, #tpu.memory_space<vmem>>) dst(%dma_wait3A_109 : memref<128x128xf32, #tpu.memory_space<vmem_shared>>)
      tpu.yield
    }) : () -> ()
    %add3A_39 = arith.constant 128 : i32
    %add3A_40 = arith.addi %mul3A_36, %add3A_39 : i32
    "tpu.region"() ({
      %run_scoped3A_93 = tpu.sem_alloc : memref<!tpu.dma_semaphore, #tpu.memory_space<semaphore_mem>>
      %dma_start3A_94 = arith.constant 0 : i32
      %dma_start3A_95 = arith.constant 0 : i32
      %dma_start3A_96 = tpu.memref_slice %arg8[%dma_start3A_94, %dma_start3A_95] : memref<128x128xf32, #tpu.memory_space<vmem>> -> memref<128x128xf32, #tpu.memory_space<vmem>>
      %dma_start3A_97 = arith.constant 0 : i32
      %dma_start3A_98 = tpu.memref_slice %arg10[%add3A_40, %dma_start3A_97] : memref<10112x128xf32, #tpu.memory_space<vmem_shared>> -> memref<128x128xf32, #tpu.memory_space<vmem_shared>>
      %dma_start3A_99 = arith.constant 0 : i32
      %dma_start3A_100 = tpu.memref_slice %arg10[%add3A_40, %dma_start3A_99] : memref<10112x128xf32, #tpu.memory_space<vmem_shared>> -> memref<128x128xf32, #tpu.memory_space<vmem_shared>>
      %dma_start3A_101 = arith.constant 0 : i32
      %dma_start3A_102 = arith.constant 0 : i32
      %dma_start3A_103 = tpu.memref_slice %arg8[%dma_start3A_101, %dma_start3A_102] : memref<128x128xf32, #tpu.memory_space<vmem>> -> memref<128x128xf32, #tpu.memory_space<vmem>>
      tpu.enqueue_dma source(%dma_start3A_103 : memref<128x128xf32, #tpu.memory_space<vmem>>) target(%dma_start3A_100 : memref<128x128xf32, #tpu.memory_space<vmem_shared>>) target_semaphore(%run_scoped3A_93 : memref<!tpu.dma_semaphore, #tpu.memory_space<semaphore_mem>>)
      %dma_wait3A = arith.constant 0 : i32
      %dma_wait3A_104 = arith.constant 0 : i32
      %dma_wait3A_105 = tpu.memref_slice %arg8[%dma_wait3A, %dma_wait3A_104] : memref<128x128xf32, #tpu.memory_space<vmem>> -> memref<128x128xf32, #tpu.memory_space<vmem>>
      %dma_wait3A_106 = arith.constant 0 : i32
      %dma_wait3A_107 = tpu.memref_slice %arg10[%add3A_40, %dma_wait3A_106] : memref<10112x128xf32, #tpu.memory_space<vmem_shared>> -> memref<128x128xf32, #tpu.memory_space<vmem_shared>>
      %dma_wait3A_108 = arith.constant 0 : i32
      %dma_wait3A_109 = tpu.memref_slice %arg10[%add3A_40, %dma_wait3A_108] : memref<10112x128xf32, #tpu.memory_space<vmem_shared>> -> memref<128x128xf32, #tpu.memory_space<vmem_shared>>
      %dma_wait3A_110 = arith.constant 0 : i32
      %dma_wait3A_111 = arith.constant 0 : i32
      %dma_wait3A_112 = tpu.memref_slice %arg8[%dma_wait3A_110, %dma_wait3A_111] : memref<128x128xf32, #tpu.memory_space<vmem>> -> memref<128x128xf32, #tpu.memory_space<vmem>>
      tpu.wait_dma2 semaphore(%run_scoped3A_93 : memref<!tpu.dma_semaphore, #tpu.memory_space<semaphore_mem>>) src(%dma_wait3A_112 : memref<128x128xf32, #tpu.memory_space<vmem>>) dst(%dma_wait3A_109 : memref<128x128xf32, #tpu.memory_space<vmem_shared>>)
      tpu.yield
    }) : () -> ()
    %add3A_41 = arith.constant 256 : i32
    %add3A_42 = arith.addi %mul3A_36, %add3A_41 : i32
    "tpu.region"() ({
      %run_scoped3A_93 = tpu.sem_alloc : memref<!tpu.dma_semaphore, #tpu.memory_space<semaphore_mem>>
      %dma_start3A_94 = arith.constant 0 : i32
      %dma_start3A_95 = arith.constant 0 : i32
      %dma_start3A_96 = tpu.memref_slice %arg8[%dma_start3A_94, %dma_start3A_95] : memref<128x128xf32, #tpu.memory_space<vmem>> -> memref<128x128xf32, #tpu.memory_space<vmem>>
      %dma_start3A_97 = arith.constant 0 : i32
      %dma_start3A_98 = tpu.memref_slice %arg10[%add3A_42, %dma_start3A_97] : memref<10112x128xf32, #tpu.memory_space<vmem_shared>> -> memref<128x128xf32, #tpu.memory_space<vmem_shared>>
      %dma_start3A_99 = arith.constant 0 : i32
      %dma_start3A_100 = tpu.memref_slice %arg10[%add3A_42, %dma_start3A_99] : memref<10112x128xf32, #tpu.memory_space<vmem_shared>> -> memref<128x128xf32, #tpu.memory_space<vmem_shared>>
      %dma_start3A_101 = arith.constant 0 : i32
      %dma_start3A_102 = arith.constant 0 : i32
      %dma_start3A_103 = tpu.memref_slice %arg8[%dma_start3A_101, %dma_start3A_102] : memref<128x128xf32, #tpu.memory_space<vmem>> -> memref<128x128xf32, #tpu.memory_space<vmem>>
      tpu.enqueue_dma source(%dma_start3A_103 : memref<128x128xf32, #tpu.memory_space<vmem>>) target(%dma_start3A_100 : memref<128x128xf32, #tpu.memory_space<vmem_shared>>) target_semaphore(%run_scoped3A_93 : memref<!tpu.dma_semaphore, #tpu.memory_space<semaphore_mem>>)
      %dma_wait3A = arith.constant 0 : i32
      %dma_wait3A_104 = arith.constant 0 : i32
      %dma_wait3A_105 = tpu.memref_slice %arg8[%dma_wait3A, %dma_wait3A_104] : memref<128x128xf32, #tpu.memory_space<vmem>> -> memref<128x128xf32, #tpu.memory_space<vmem>>
      %dma_wait3A_106 = arith.constant 0 : i32
      %dma_wait3A_107 = tpu.memref_slice %arg10[%add3A_42, %dma_wait3A_106] : memref<10112x128xf32, #tpu.memory_space<vmem_shared>> -> memref<128x128xf32, #tpu.memory_space<vmem_shared>>
      %dma_wait3A_108 = arith.constant 0 : i32
      %dma_wait3A_109 = tpu.memref_slice %arg10[%add3A_42, %dma_wait3A_108] : memref<10112x128xf32, #tpu.memory_space<vmem_shared>> -> memref<128x128xf32, #tpu.memory_space<vmem_shared>>
      %dma_wait3A_110 = arith.constant 0 : i32
      %dma_wait3A_111 = arith.constant 0 : i32
      %dma_wait3A_112 = tpu.memref_slice %arg8[%dma_wait3A_110, %dma_wait3A_111] : memref<128x128xf32, #tpu.memory_space<vmem>> -> memref<128x128xf32, #tpu.memory_space<vmem>>
      tpu.wait_dma2 semaphore(%run_scoped3A_93 : memref<!tpu.dma_semaphore, #tpu.memory_space<semaphore_mem>>) src(%dma_wait3A_112 : memref<128x128xf32, #tpu.memory_space<vmem>>) dst(%dma_wait3A_109 : memref<128x128xf32, #tpu.memory_space<vmem_shared>>)
      tpu.yield
    }) : () -> ()
    %add3A_43 = arith.constant 384 : i32
    %add3A_44 = arith.addi %mul3A_36, %add3A_43 : i32
    "tpu.region"() ({
      %run_scoped3A_93 = tpu.sem_alloc : memref<!tpu.dma_semaphore, #tpu.memory_space<semaphore_mem>>
      %dma_start3A_94 = arith.constant 0 : i32
      %dma_start3A_95 = arith.constant 0 : i32
      %dma_start3A_96 = tpu.memref_slice %arg8[%dma_start3A_94, %dma_start3A_95] : memref<128x128xf32, #tpu.memory_space<vmem>> -> memref<128x128xf32, #tpu.memory_space<vmem>>
      %dma_start3A_97 = arith.constant 0 : i32
      %dma_start3A_98 = tpu.memref_slice %arg10[%add3A_44, %dma_start3A_97] : memref<10112x128xf32, #tpu.memory_space<vmem_shared>> -> memref<128x128xf32, #tpu.memory_space<vmem_shared>>
      %dma_start3A_99 = arith.constant 0 : i32
      %dma_start3A_100 = tpu.memref_slice %arg10[%add3A_44, %dma_start3A_99] : memref<10112x128xf32, #tpu.memory_space<vmem_shared>> -> memref<128x128xf32, #tpu.memory_space<vmem_shared>>
      %dma_start3A_101 = arith.constant 0 : i32
      %dma_start3A_102 = arith.constant 0 : i32
      %dma_start3A_103 = tpu.memref_slice %arg8[%dma_start3A_101, %dma_start3A_102] : memref<128x128xf32, #tpu.memory_space<vmem>> -> memref<128x128xf32, #tpu.memory_space<vmem>>
      tpu.enqueue_dma source(%dma_start3A_103 : memref<128x128xf32, #tpu.memory_space<vmem>>) target(%dma_start3A_100 : memref<128x128xf32, #tpu.memory_space<vmem_shared>>) target_semaphore(%run_scoped3A_93 : memref<!tpu.dma_semaphore, #tpu.memory_space<semaphore_mem>>)
      %dma_wait3A = arith.constant 0 : i32
      %dma_wait3A_104 = arith.constant 0 : i32
      %dma_wait3A_105 = tpu.memref_slice %arg8[%dma_wait3A, %dma_wait3A_104] : memref<128x128xf32, #tpu.memory_space<vmem>> -> memref<128x128xf32, #tpu.memory_space<vmem>>
      %dma_wait3A_106 = arith.constant 0 : i32
      %dma_wait3A_107 = tpu.memref_slice %arg10[%add3A_44, %dma_wait3A_106] : memref<10112x128xf32, #tpu.memory_space<vmem_shared>> -> memref<128x128xf32, #tpu.memory_space<vmem_shared>>
      %dma_wait3A_108 = arith.constant 0 : i32
      %dma_wait3A_109 = tpu.memref_slice %arg10[%add3A_44, %dma_wait3A_108] : memref<10112x128xf32, #tpu.memory_space<vmem_shared>> -> memref<128x128xf32, #tpu.memory_space<vmem_shared>>
      %dma_wait3A_110 = arith.constant 0 : i32
      %dma_wait3A_111 = arith.constant 0 : i32
      %dma_wait3A_112 = tpu.memref_slice %arg8[%dma_wait3A_110, %dma_wait3A_111] : memref<128x128xf32, #tpu.memory_space<vmem>> -> memref<128x128xf32, #tpu.memory_space<vmem>>
      tpu.wait_dma2 semaphore(%run_scoped3A_93 : memref<!tpu.dma_semaphore, #tpu.memory_space<semaphore_mem>>) src(%dma_wait3A_112 : memref<128x128xf32, #tpu.memory_space<vmem>>) dst(%dma_wait3A_109 : memref<128x128xf32, #tpu.memory_space<vmem_shared>>)
      tpu.yield
    }) : () -> ()
    %add3A_45 = arith.constant 512 : i32
    %add3A_46 = arith.addi %mul3A_36, %add3A_45 : i32
    "tpu.region"() ({
      %run_scoped3A_93 = tpu.sem_alloc : memref<!tpu.dma_semaphore, #tpu.memory_space<semaphore_mem>>
      %dma_start3A_94 = arith.constant 0 : i32
      %dma_start3A_95 = arith.constant 0 : i32
      %dma_start3A_96 = tpu.memref_slice %arg8[%dma_start3A_94, %dma_start3A_95] : memref<128x128xf32, #tpu.memory_space<vmem>> -> memref<120x128xf32, #tpu.memory_space<vmem>>
      %dma_start3A_97 = arith.constant 0 : i32
      %dma_start3A_98 = tpu.memref_slice %arg10[%add3A_46, %dma_start3A_97] : memref<10112x128xf32, #tpu.memory_space<vmem_shared>> -> memref<120x128xf32, #tpu.memory_space<vmem_shared>>
      %dma_start3A_99 = arith.constant 0 : i32
      %dma_start3A_100 = tpu.memref_slice %arg10[%add3A_46, %dma_start3A_99] : memref<10112x128xf32, #tpu.memory_space<vmem_shared>> -> memref<120x128xf32, #tpu.memory_space<vmem_shared>>
      %dma_start3A_101 = arith.constant 0 : i32
      %dma_start3A_102 = arith.constant 0 : i32
      %dma_start3A_103 = tpu.memref_slice %arg8[%dma_start3A_101, %dma_start3A_102] : memref<128x128xf32, #tpu.memory_space<vmem>> -> memref<120x128xf32, #tpu.memory_space<vmem>>
      tpu.enqueue_dma source(%dma_start3A_103 : memref<120x128xf32, #tpu.memory_space<vmem>>) target(%dma_start3A_100 : memref<120x128xf32, #tpu.memory_space<vmem_shared>>) target_semaphore(%run_scoped3A_93 : memref<!tpu.dma_semaphore, #tpu.memory_space<semaphore_mem>>)
      %dma_wait3A = arith.constant 0 : i32
      %dma_wait3A_104 = arith.constant 0 : i32
      %dma_wait3A_105 = tpu.memref_slice %arg8[%dma_wait3A, %dma_wait3A_104] : memref<128x128xf32, #tpu.memory_space<vmem>> -> memref<120x128xf32, #tpu.memory_space<vmem>>
      %dma_wait3A_106 = arith.constant 0 : i32
      %dma_wait3A_107 = tpu.memref_slice %arg10[%add3A_46, %dma_wait3A_106] : memref<10112x128xf32, #tpu.memory_space<vmem_shared>> -> memref<120x128xf32, #tpu.memory_space<vmem_shared>>
      %dma_wait3A_108 = arith.constant 0 : i32
      %dma_wait3A_109 = tpu.memref_slice %arg10[%add3A_46, %dma_wait3A_108] : memref<10112x128xf32, #tpu.memory_space<vmem_shared>> -> memref<120x128xf32, #tpu.memory_space<vmem_shared>>
      %dma_wait3A_110 = arith.constant 0 : i32
      %dma_wait3A_111 = arith.constant 0 : i32
      %dma_wait3A_112 = tpu.memref_slice %arg8[%dma_wait3A_110, %dma_wait3A_111] : memref<128x128xf32, #tpu.memory_space<vmem>> -> memref<120x128xf32, #tpu.memory_space<vmem>>
      tpu.wait_dma2 semaphore(%run_scoped3A_93 : memref<!tpu.dma_semaphore, #tpu.memory_space<semaphore_mem>>) src(%dma_wait3A_112 : memref<120x128xf32, #tpu.memory_space<vmem>>) dst(%dma_wait3A_109 : memref<120x128xf32, #tpu.memory_space<vmem_shared>>)
      tpu.yield
    }) : () -> ()
    %barrier3A = arith.constant 0 : index
    tpu.barrier barrier_id(%barrier3A)
    %add3A_47 = arith.constant 0 : i32
    %add3A_48 = arith.addi %select_n3A, %add3A_47 : i32
    %run_scoped3A = arith.constant 0 : i32
    "tpu.region"() ({
      %run_scoped3A_93 = tpu.sem_alloc : memref<!tpu.dma_semaphore, #tpu.memory_space<semaphore_mem>>
      %dma_start3A_94 = arith.constant 0 : i32
      %dma_start3A_95 = tpu.memref_slice %arg6[%run_scoped3A, %dma_start3A_94] : memref<2x128xi32, #tpu.memory_space<vmem>> -> memref<1x128xi32, #tpu.memory_space<vmem>>
      %dma_start3A_96 = tpu.memref_squeeze %dma_start3A_95 : memref<1x128xi32, #tpu.memory_space<vmem>> -> memref<128xi32, #tpu.memory_space<vmem>>
      %dma_start3A_97 = arith.constant 0 : i32
      %dma_start3A_98 = tpu.memref_slice %arg3[%add3A_48, %dma_start3A_97] : memref<2560x128xi32, #tpu.memory_space<hbm>> -> memref<1x128xi32, #tpu.memory_space<hbm>>
      %dma_start3A_99 = tpu.memref_squeeze %dma_start3A_98 : memref<1x128xi32, #tpu.memory_space<hbm>> -> memref<128xi32, #tpu.memory_space<hbm>>
      %dma_start3A_100 = arith.constant 0 : i32
      %dma_start3A_101 = tpu.memref_slice %arg6[%run_scoped3A, %dma_start3A_100] : memref<2x128xi32, #tpu.memory_space<vmem>> -> memref<1x128xi32, #tpu.memory_space<vmem>>
      %dma_start3A_102 = tpu.memref_squeeze %dma_start3A_101 : memref<1x128xi32, #tpu.memory_space<vmem>> -> memref<128xi32, #tpu.memory_space<vmem>>
      %dma_start3A_103 = arith.constant 0 : i32
      %dma_start3A_104 = tpu.memref_slice %arg3[%add3A_48, %dma_start3A_103] : memref<2560x128xi32, #tpu.memory_space<hbm>> -> memref<1x128xi32, #tpu.memory_space<hbm>>
      %dma_start3A_105 = tpu.memref_squeeze %dma_start3A_104 : memref<1x128xi32, #tpu.memory_space<hbm>> -> memref<128xi32, #tpu.memory_space<hbm>>
      tpu.enqueue_dma source(%dma_start3A_105 : memref<128xi32, #tpu.memory_space<hbm>>) target(%dma_start3A_102 : memref<128xi32, #tpu.memory_space<vmem>>) target_semaphore(%run_scoped3A_93 : memref<!tpu.dma_semaphore, #tpu.memory_space<semaphore_mem>>)
      %dma_wait3A = arith.constant 0 : i32
      %dma_wait3A_106 = tpu.memref_slice %arg6[%run_scoped3A, %dma_wait3A] : memref<2x128xi32, #tpu.memory_space<vmem>> -> memref<1x128xi32, #tpu.memory_space<vmem>>
      %dma_wait3A_107 = tpu.memref_squeeze %dma_wait3A_106 : memref<1x128xi32, #tpu.memory_space<vmem>> -> memref<128xi32, #tpu.memory_space<vmem>>
      %dma_wait3A_108 = arith.constant 0 : i32
      %dma_wait3A_109 = tpu.memref_slice %arg3[%add3A_48, %dma_wait3A_108] : memref<2560x128xi32, #tpu.memory_space<hbm>> -> memref<1x128xi32, #tpu.memory_space<hbm>>
      %dma_wait3A_110 = tpu.memref_squeeze %dma_wait3A_109 : memref<1x128xi32, #tpu.memory_space<hbm>> -> memref<128xi32, #tpu.memory_space<hbm>>
      %dma_wait3A_111 = arith.constant 0 : i32
      %dma_wait3A_112 = tpu.memref_slice %arg6[%run_scoped3A, %dma_wait3A_111] : memref<2x128xi32, #tpu.memory_space<vmem>> -> memref<1x128xi32, #tpu.memory_space<vmem>>
      %dma_wait3A_113 = tpu.memref_squeeze %dma_wait3A_112 : memref<1x128xi32, #tpu.memory_space<vmem>> -> memref<128xi32, #tpu.memory_space<vmem>>
      %dma_wait3A_114 = arith.constant 0 : i32
      %dma_wait3A_115 = tpu.memref_slice %arg3[%add3A_48, %dma_wait3A_114] : memref<2560x128xi32, #tpu.memory_space<hbm>> -> memref<1x128xi32, #tpu.memory_space<hbm>>
      %dma_wait3A_116 = tpu.memref_squeeze %dma_wait3A_115 : memref<1x128xi32, #tpu.memory_space<hbm>> -> memref<128xi32, #tpu.memory_space<hbm>>
      tpu.wait_dma2 semaphore(%run_scoped3A_93 : memref<!tpu.dma_semaphore, #tpu.memory_space<semaphore_mem>>) src(%dma_wait3A_116 : memref<128xi32, #tpu.memory_space<hbm>>) dst(%dma_wait3A_113 : memref<128xi32, #tpu.memory_space<vmem>>)
      tpu.yield
    }) : () -> ()
    %add3A_49 = arith.constant 0 : i32
    %add3A_50 = arith.addi %select_n3A, %add3A_49 : i32
    %run_scoped3A_51 = arith.constant 0 : i32
    "tpu.region"() ({
      %run_scoped3A_93 = tpu.sem_alloc : memref<!tpu.dma_semaphore, #tpu.memory_space<semaphore_mem>>
      %dma_start3A_94 = arith.constant 0 : i32
      %dma_start3A_95 = tpu.memref_slice %arg7[%run_scoped3A_51, %dma_start3A_94] : memref<2x128xi32, #tpu.memory_space<vmem>> -> memref<1x128xi32, #tpu.memory_space<vmem>>
      %dma_start3A_96 = tpu.memref_squeeze %dma_start3A_95 : memref<1x128xi32, #tpu.memory_space<vmem>> -> memref<128xi32, #tpu.memory_space<vmem>>
      %dma_start3A_97 = arith.constant 0 : i32
      %dma_start3A_98 = tpu.memref_slice %arg4[%add3A_50, %dma_start3A_97] : memref<2560x128xi32, #tpu.memory_space<hbm>> -> memref<1x128xi32, #tpu.memory_space<hbm>>
      %dma_start3A_99 = tpu.memref_squeeze %dma_start3A_98 : memref<1x128xi32, #tpu.memory_space<hbm>> -> memref<128xi32, #tpu.memory_space<hbm>>
      %dma_start3A_100 = arith.constant 0 : i32
      %dma_start3A_101 = tpu.memref_slice %arg7[%run_scoped3A_51, %dma_start3A_100] : memref<2x128xi32, #tpu.memory_space<vmem>> -> memref<1x128xi32, #tpu.memory_space<vmem>>
      %dma_start3A_102 = tpu.memref_squeeze %dma_start3A_101 : memref<1x128xi32, #tpu.memory_space<vmem>> -> memref<128xi32, #tpu.memory_space<vmem>>
      %dma_start3A_103 = arith.constant 0 : i32
      %dma_start3A_104 = tpu.memref_slice %arg4[%add3A_50, %dma_start3A_103] : memref<2560x128xi32, #tpu.memory_space<hbm>> -> memref<1x128xi32, #tpu.memory_space<hbm>>
      %dma_start3A_105 = tpu.memref_squeeze %dma_start3A_104 : memref<1x128xi32, #tpu.memory_space<hbm>> -> memref<128xi32, #tpu.memory_space<hbm>>
      tpu.enqueue_dma source(%dma_start3A_105 : memref<128xi32, #tpu.memory_space<hbm>>) target(%dma_start3A_102 : memref<128xi32, #tpu.memory_space<vmem>>) target_semaphore(%run_scoped3A_93 : memref<!tpu.dma_semaphore, #tpu.memory_space<semaphore_mem>>)
      %dma_wait3A = arith.constant 0 : i32
      %dma_wait3A_106 = tpu.memref_slice %arg7[%run_scoped3A_51, %dma_wait3A] : memref<2x128xi32, #tpu.memory_space<vmem>> -> memref<1x128xi32, #tpu.memory_space<vmem>>
      %dma_wait3A_107 = tpu.memref_squeeze %dma_wait3A_106 : memref<1x128xi32, #tpu.memory_space<vmem>> -> memref<128xi32, #tpu.memory_space<vmem>>
      %dma_wait3A_108 = arith.constant 0 : i32
      %dma_wait3A_109 = tpu.memref_slice %arg4[%add3A_50, %dma_wait3A_108] : memref<2560x128xi32, #tpu.memory_space<hbm>> -> memref<1x128xi32, #tpu.memory_space<hbm>>
      %dma_wait3A_110 = tpu.memref_squeeze %dma_wait3A_109 : memref<1x128xi32, #tpu.memory_space<hbm>> -> memref<128xi32, #tpu.memory_space<hbm>>
      %dma_wait3A_111 = arith.constant 0 : i32
      %dma_wait3A_112 = tpu.memref_slice %arg7[%run_scoped3A_51, %dma_wait3A_111] : memref<2x128xi32, #tpu.memory_space<vmem>> -> memref<1x128xi32, #tpu.memory_space<vmem>>
      %dma_wait3A_113 = tpu.memref_squeeze %dma_wait3A_112 : memref<1x128xi32, #tpu.memory_space<vmem>> -> memref<128xi32, #tpu.memory_space<vmem>>
      %dma_wait3A_114 = arith.constant 0 : i32
      %dma_wait3A_115 = tpu.memref_slice %arg4[%add3A_50, %dma_wait3A_114] : memref<2560x128xi32, #tpu.memory_space<hbm>> -> memref<1x128xi32, #tpu.memory_space<hbm>>
      %dma_wait3A_116 = tpu.memref_squeeze %dma_wait3A_115 : memref<1x128xi32, #tpu.memory_space<hbm>> -> memref<128xi32, #tpu.memory_space<hbm>>
      tpu.wait_dma2 semaphore(%run_scoped3A_93 : memref<!tpu.dma_semaphore, #tpu.memory_space<semaphore_mem>>) src(%dma_wait3A_116 : memref<128xi32, #tpu.memory_space<hbm>>) dst(%dma_wait3A_113 : memref<128xi32, #tpu.memory_space<vmem>>)
      tpu.yield
    }) : () -> ()
    %dma_start3A = arith.constant 0 : i32
    %dma_start3A_52 = arith.constant 0 : i32
    %dma_start3A_53 = tpu.memref_slice %arg6[%dma_start3A, %dma_start3A_52] : memref<2x128xi32, #tpu.memory_space<vmem>> -> memref<1x128xi32, #tpu.memory_space<vmem>>
    %dma_start3A_54 = tpu.memref_squeeze %dma_start3A_53 : memref<1x128xi32, #tpu.memory_space<vmem>> -> memref<128xi32, #tpu.memory_space<vmem>>
    %dma_start3A_55 = arith.constant 0 : i32
    %dma_start3A_56 = arith.constant 0 : i32
    %dma_start3A_57 = tpu.memref_slice %arg2[%dma_start3A_55, %dma_start3A_56] : memref<10112x128xf32, #tpu.memory_space<hbm>> -> memref<10112x128xf32, #tpu.memory_space<hbm>>
    tpu.enqueue_indirect_dma source(%dma_start3A_57 : memref<10112x128xf32, #tpu.memory_space<hbm>>) target(%arg8 : memref<128x128xf32, #tpu.memory_space<vmem>>) offsets(%dma_start3A_54 : memref<128xi32, #tpu.memory_space<vmem>>) semaphore(%arg11 : memref<!tpu.dma_semaphore, #tpu.memory_space<semaphore_mem>>)
    %add3A_58 = arith.constant 1 : i32
    %add3A_59 = arith.addi %select_n3A, %add3A_58 : i32
    %run_scoped3A_60 = arith.constant 1 : i32
    "tpu.region"() ({
      %run_scoped3A_93 = tpu.sem_alloc : memref<!tpu.dma_semaphore, #tpu.memory_space<semaphore_mem>>
      %dma_start3A_94 = arith.constant 0 : i32
      %dma_start3A_95 = tpu.memref_slice %arg6[%run_scoped3A_60, %dma_start3A_94] : memref<2x128xi32, #tpu.memory_space<vmem>> -> memref<1x128xi32, #tpu.memory_space<vmem>>
      %dma_start3A_96 = tpu.memref_squeeze %dma_start3A_95 : memref<1x128xi32, #tpu.memory_space<vmem>> -> memref<128xi32, #tpu.memory_space<vmem>>
      %dma_start3A_97 = arith.constant 0 : i32
      %dma_start3A_98 = tpu.memref_slice %arg3[%add3A_59, %dma_start3A_97] : memref<2560x128xi32, #tpu.memory_space<hbm>> -> memref<1x128xi32, #tpu.memory_space<hbm>>
      %dma_start3A_99 = tpu.memref_squeeze %dma_start3A_98 : memref<1x128xi32, #tpu.memory_space<hbm>> -> memref<128xi32, #tpu.memory_space<hbm>>
      %dma_start3A_100 = arith.constant 0 : i32
      %dma_start3A_101 = tpu.memref_slice %arg6[%run_scoped3A_60, %dma_start3A_100] : memref<2x128xi32, #tpu.memory_space<vmem>> -> memref<1x128xi32, #tpu.memory_space<vmem>>
      %dma_start3A_102 = tpu.memref_squeeze %dma_start3A_101 : memref<1x128xi32, #tpu.memory_space<vmem>> -> memref<128xi32, #tpu.memory_space<vmem>>
      %dma_start3A_103 = arith.constant 0 : i32
      %dma_start3A_104 = tpu.memref_slice %arg3[%add3A_59, %dma_start3A_103] : memref<2560x128xi32, #tpu.memory_space<hbm>> -> memref<1x128xi32, #tpu.memory_space<hbm>>
      %dma_start3A_105 = tpu.memref_squeeze %dma_start3A_104 : memref<1x128xi32, #tpu.memory_space<hbm>> -> memref<128xi32, #tpu.memory_space<hbm>>
      tpu.enqueue_dma source(%dma_start3A_105 : memref<128xi32, #tpu.memory_space<hbm>>) target(%dma_start3A_102 : memref<128xi32, #tpu.memory_space<vmem>>) target_semaphore(%run_scoped3A_93 : memref<!tpu.dma_semaphore, #tpu.memory_space<semaphore_mem>>)
      %dma_wait3A = arith.constant 0 : i32
      %dma_wait3A_106 = tpu.memref_slice %arg6[%run_scoped3A_60, %dma_wait3A] : memref<2x128xi32, #tpu.memory_space<vmem>> -> memref<1x128xi32, #tpu.memory_space<vmem>>
      %dma_wait3A_107 = tpu.memref_squeeze %dma_wait3A_106 : memref<1x128xi32, #tpu.memory_space<vmem>> -> memref<128xi32, #tpu.memory_space<vmem>>
      %dma_wait3A_108 = arith.constant 0 : i32
      %dma_wait3A_109 = tpu.memref_slice %arg3[%add3A_59, %dma_wait3A_108] : memref<2560x128xi32, #tpu.memory_space<hbm>> -> memref<1x128xi32, #tpu.memory_space<hbm>>
      %dma_wait3A_110 = tpu.memref_squeeze %dma_wait3A_109 : memref<1x128xi32, #tpu.memory_space<hbm>> -> memref<128xi32, #tpu.memory_space<hbm>>
      %dma_wait3A_111 = arith.constant 0 : i32
      %dma_wait3A_112 = tpu.memref_slice %arg6[%run_scoped3A_60, %dma_wait3A_111] : memref<2x128xi32, #tpu.memory_space<vmem>> -> memref<1x128xi32, #tpu.memory_space<vmem>>
      %dma_wait3A_113 = tpu.memref_squeeze %dma_wait3A_112 : memref<1x128xi32, #tpu.memory_space<vmem>> -> memref<128xi32, #tpu.memory_space<vmem>>
      %dma_wait3A_114 = arith.constant 0 : i32
      %dma_wait3A_115 = tpu.memref_slice %arg3[%add3A_59, %dma_wait3A_114] : memref<2560x128xi32, #tpu.memory_space<hbm>> -> memref<1x128xi32, #tpu.memory_space<hbm>>
      %dma_wait3A_116 = tpu.memref_squeeze %dma_wait3A_115 : memref<1x128xi32, #tpu.memory_space<hbm>> -> memref<128xi32, #tpu.memory_space<hbm>>
      tpu.wait_dma2 semaphore(%run_scoped3A_93 : memref<!tpu.dma_semaphore, #tpu.memory_space<semaphore_mem>>) src(%dma_wait3A_116 : memref<128xi32, #tpu.memory_space<hbm>>) dst(%dma_wait3A_113 : memref<128xi32, #tpu.memory_space<vmem>>)
      tpu.yield
    }) : () -> ()
    %add3A_61 = arith.constant 1 : i32
    %add3A_62 = arith.addi %select_n3A, %add3A_61 : i32
    %run_scoped3A_63 = arith.constant 1 : i32
    "tpu.region"() ({
      %run_scoped3A_93 = tpu.sem_alloc : memref<!tpu.dma_semaphore, #tpu.memory_space<semaphore_mem>>
      %dma_start3A_94 = arith.constant 0 : i32
      %dma_start3A_95 = tpu.memref_slice %arg7[%run_scoped3A_63, %dma_start3A_94] : memref<2x128xi32, #tpu.memory_space<vmem>> -> memref<1x128xi32, #tpu.memory_space<vmem>>
      %dma_start3A_96 = tpu.memref_squeeze %dma_start3A_95 : memref<1x128xi32, #tpu.memory_space<vmem>> -> memref<128xi32, #tpu.memory_space<vmem>>
      %dma_start3A_97 = arith.constant 0 : i32
      %dma_start3A_98 = tpu.memref_slice %arg4[%add3A_62, %dma_start3A_97] : memref<2560x128xi32, #tpu.memory_space<hbm>> -> memref<1x128xi32, #tpu.memory_space<hbm>>
      %dma_start3A_99 = tpu.memref_squeeze %dma_start3A_98 : memref<1x128xi32, #tpu.memory_space<hbm>> -> memref<128xi32, #tpu.memory_space<hbm>>
      %dma_start3A_100 = arith.constant 0 : i32
      %dma_start3A_101 = tpu.memref_slice %arg7[%run_scoped3A_63, %dma_start3A_100] : memref<2x128xi32, #tpu.memory_space<vmem>> -> memref<1x128xi32, #tpu.memory_space<vmem>>
      %dma_start3A_102 = tpu.memref_squeeze %dma_start3A_101 : memref<1x128xi32, #tpu.memory_space<vmem>> -> memref<128xi32, #tpu.memory_space<vmem>>
      %dma_start3A_103 = arith.constant 0 : i32
      %dma_start3A_104 = tpu.memref_slice %arg4[%add3A_62, %dma_start3A_103] : memref<2560x128xi32, #tpu.memory_space<hbm>> -> memref<1x128xi32, #tpu.memory_space<hbm>>
      %dma_start3A_105 = tpu.memref_squeeze %dma_start3A_104 : memref<1x128xi32, #tpu.memory_space<hbm>> -> memref<128xi32, #tpu.memory_space<hbm>>
      tpu.enqueue_dma source(%dma_start3A_105 : memref<128xi32, #tpu.memory_space<hbm>>) target(%dma_start3A_102 : memref<128xi32, #tpu.memory_space<vmem>>) target_semaphore(%run_scoped3A_93 : memref<!tpu.dma_semaphore, #tpu.memory_space<semaphore_mem>>)
      %dma_wait3A = arith.constant 0 : i32
      %dma_wait3A_106 = tpu.memref_slice %arg7[%run_scoped3A_63, %dma_wait3A] : memref<2x128xi32, #tpu.memory_space<vmem>> -> memref<1x128xi32, #tpu.memory_space<vmem>>
      %dma_wait3A_107 = tpu.memref_squeeze %dma_wait3A_106 : memref<1x128xi32, #tpu.memory_space<vmem>> -> memref<128xi32, #tpu.memory_space<vmem>>
      %dma_wait3A_108 = arith.constant 0 : i32
      %dma_wait3A_109 = tpu.memref_slice %arg4[%add3A_62, %dma_wait3A_108] : memref<2560x128xi32, #tpu.memory_space<hbm>> -> memref<1x128xi32, #tpu.memory_space<hbm>>
      %dma_wait3A_110 = tpu.memref_squeeze %dma_wait3A_109 : memref<1x128xi32, #tpu.memory_space<hbm>> -> memref<128xi32, #tpu.memory_space<hbm>>
      %dma_wait3A_111 = arith.constant 0 : i32
      %dma_wait3A_112 = tpu.memref_slice %arg7[%run_scoped3A_63, %dma_wait3A_111] : memref<2x128xi32, #tpu.memory_space<vmem>> -> memref<1x128xi32, #tpu.memory_space<vmem>>
      %dma_wait3A_113 = tpu.memref_squeeze %dma_wait3A_112 : memref<1x128xi32, #tpu.memory_space<vmem>> -> memref<128xi32, #tpu.memory_space<vmem>>
      %dma_wait3A_114 = arith.constant 0 : i32
      %dma_wait3A_115 = tpu.memref_slice %arg4[%add3A_62, %dma_wait3A_114] : memref<2560x128xi32, #tpu.memory_space<hbm>> -> memref<1x128xi32, #tpu.memory_space<hbm>>
      %dma_wait3A_116 = tpu.memref_squeeze %dma_wait3A_115 : memref<1x128xi32, #tpu.memory_space<hbm>> -> memref<128xi32, #tpu.memory_space<hbm>>
      tpu.wait_dma2 semaphore(%run_scoped3A_93 : memref<!tpu.dma_semaphore, #tpu.memory_space<semaphore_mem>>) src(%dma_wait3A_116 : memref<128xi32, #tpu.memory_space<hbm>>) dst(%dma_wait3A_113 : memref<128xi32, #tpu.memory_space<vmem>>)
      tpu.yield
    }) : () -> ()
    %dma_start3A_64 = arith.constant 1 : i32
    %dma_start3A_65 = arith.constant 0 : i32
    %dma_start3A_66 = tpu.memref_slice %arg6[%dma_start3A_64, %dma_start3A_65] : memref<2x128xi32, #tpu.memory_space<vmem>> -> memref<1x128xi32, #tpu.memory_space<vmem>>
    %dma_start3A_67 = tpu.memref_squeeze %dma_start3A_66 : memref<1x128xi32, #tpu.memory_space<vmem>> -> memref<128xi32, #tpu.memory_space<vmem>>
    %dma_start3A_68 = arith.constant 0 : i32
    %dma_start3A_69 = arith.constant 0 : i32
    %dma_start3A_70 = tpu.memref_slice %arg2[%dma_start3A_68, %dma_start3A_69] : memref<10112x128xf32, #tpu.memory_space<hbm>> -> memref<10112x128xf32, #tpu.memory_space<hbm>>
    tpu.enqueue_indirect_dma source(%dma_start3A_70 : memref<10112x128xf32, #tpu.memory_space<hbm>>) target(%arg9 : memref<128x128xf32, #tpu.memory_space<vmem>>) offsets(%dma_start3A_67 : memref<128xi32, #tpu.memory_space<vmem>>) semaphore(%arg12 : memref<!tpu.dma_semaphore, #tpu.memory_space<semaphore_mem>>)
    %while3A = arith.constant 0 : i32
    %while3A_71 = arith.constant 0 : i32
    %while3A_72 = arith.subi %select_n3A_27, %while3A : i32
    %while3A_73 = arith.addi %while3A, %while3A_72 : i32
    %while3A_74 = arith.constant 1 : i32
    %while3A_75 = arith.divsi %while3A_72, %while3A_74 : i32
    %while3A_76 = arith.muli %while3A_75, %while3A_74 : i32
    %while3A_77 = arith.addi %while3A, %while3A_76 : i32
    %while3A_78 = arith.constant 1 : i32
    %while3A_79 = scf.for %while3A_93 = %while3A to %while3A_77 step %while3A_78 iter_args(%while3A_94 = %while3A_71) -> (i32)  : i32 {
      %mul3A_95 = arith.constant 2 : i32
      %mul3A_96 = arith.muli %mul3A_95, %while3A_93 : i32
      %add3A_97 = arith.constant 0 : i32
      %add3A_98 = arith.addi %mul3A_96, %add3A_97 : i32
      %dma_wait3A = arith.constant 0 : i32
      %dma_wait3A_99 = arith.constant 0 : i32
      %dma_wait3A_100 = tpu.memref_slice %arg6[%dma_wait3A, %dma_wait3A_99] : memref<2x128xi32, #tpu.memory_space<vmem>> -> memref<1x128xi32, #tpu.memory_space<vmem>>
      %dma_wait3A_101 = tpu.memref_squeeze %dma_wait3A_100 : memref<1x128xi32, #tpu.memory_space<vmem>> -> memref<128xi32, #tpu.memory_space<vmem>>
      %dma_wait3A_102 = arith.constant 0 : i32
      %dma_wait3A_103 = arith.constant 0 : i32
      %dma_wait3A_104 = tpu.memref_slice %arg2[%dma_wait3A_102, %dma_wait3A_103] : memref<10112x128xf32, #tpu.memory_space<hbm>> -> memref<10112x128xf32, #tpu.memory_space<hbm>>
      tpu.wait_indirect_dma semaphore(%arg11 : memref<!tpu.dma_semaphore, #tpu.memory_space<semaphore_mem>>) src(%dma_wait3A_104 : memref<10112x128xf32, #tpu.memory_space<hbm>>) dst(%arg8 : memref<128x128xf32, #tpu.memory_space<vmem>>)
      %run_scoped3A_105 = arith.constant 0 : i32
      "tpu.region"() ({
        %run_scoped3A_128 = tpu.sem_alloc : memref<!tpu.dma_semaphore, #tpu.memory_space<semaphore_mem>>
        %dma_start3A_129 = arith.constant 0 : i32
        %dma_start3A_130 = tpu.memref_slice %arg7[%run_scoped3A_105, %dma_start3A_129] : memref<2x128xi32, #tpu.memory_space<vmem>> -> memref<1x128xi32, #tpu.memory_space<vmem>>
        %dma_start3A_131 = tpu.memref_squeeze %dma_start3A_130 : memref<1x128xi32, #tpu.memory_space<vmem>> -> memref<128xi32, #tpu.memory_space<vmem>>
        %dma_start3A_132 = arith.constant 0 : i32
        %dma_start3A_133 = arith.constant 0 : i32
        %dma_start3A_134 = tpu.memref_slice %arg10[%dma_start3A_132, %dma_start3A_133] : memref<10112x128xf32, #tpu.memory_space<vmem_shared>> -> memref<10112x128xf32, #tpu.memory_space<vmem_shared>>
        tpu.enqueue_indirect_dma source(%arg8 : memref<128x128xf32, #tpu.memory_space<vmem>>) target(%dma_start3A_134 : memref<10112x128xf32, #tpu.memory_space<vmem_shared>>) offsets(%dma_start3A_131 : memref<128xi32, #tpu.memory_space<vmem>>) semaphore(%run_scoped3A_128 : memref<!tpu.dma_semaphore, #tpu.memory_space<semaphore_mem>>) {add = true}
        %dma_wait3A_135 = arith.constant 0 : i32
        %dma_wait3A_136 = tpu.memref_slice %arg7[%run_scoped3A_105, %dma_wait3A_135] : memref<2x128xi32, #tpu.memory_space<vmem>> -> memref<1x128xi32, #tpu.memory_space<vmem>>
        %dma_wait3A_137 = tpu.memref_squeeze %dma_wait3A_136 : memref<1x128xi32, #tpu.memory_space<vmem>> -> memref<128xi32, #tpu.memory_space<vmem>>
        %dma_wait3A_138 = arith.constant 0 : i32
        %dma_wait3A_139 = arith.constant 0 : i32
        %dma_wait3A_140 = tpu.memref_slice %arg10[%dma_wait3A_138, %dma_wait3A_139] : memref<10112x128xf32, #tpu.memory_space<vmem_shared>> -> memref<10112x128xf32, #tpu.memory_space<vmem_shared>>
        tpu.wait_indirect_dma semaphore(%run_scoped3A_128 : memref<!tpu.dma_semaphore, #tpu.memory_space<semaphore_mem>>) src(%arg8 : memref<128x128xf32, #tpu.memory_space<vmem>>) dst(%dma_wait3A_140 : memref<10112x128xf32, #tpu.memory_space<vmem_shared>>)
        tpu.yield
      }) : () -> ()
      %sub3A_106 = arith.constant 1 : i32
      %sub3A_107 = arith.subi %select_n3A_27, %sub3A_106 : i32
      %lt3A = arith.cmpi slt, %while3A_93, %sub3A_107 : i32
      %convert_element_type3A = arith.extui %lt3A : i1 to i32
      %cond3A = arith.constant 0 : i32
      %cond3A_108 = arith.cmpi ne, %convert_element_type3A, %cond3A : i32
      scf.if %cond3A_108 {
        %add3A_128 = arith.addi %select_n3A, %add3A_98 : i32
        %add3A_129 = arith.constant 2 : i32
        %add3A_130 = arith.addi %add3A_128, %add3A_129 : i32
        %run_scoped3A_131 = arith.constant 0 : i32
        "tpu.region"() ({
          %run_scoped3A_143 = tpu.sem_alloc : memref<!tpu.dma_semaphore, #tpu.memory_space<semaphore_mem>>
          %dma_start3A_144 = arith.constant 0 : i32
          %dma_start3A_145 = tpu.memref_slice %arg6[%run_scoped3A_131, %dma_start3A_144] : memref<2x128xi32, #tpu.memory_space<vmem>> -> memref<1x128xi32, #tpu.memory_space<vmem>>
          %dma_start3A_146 = tpu.memref_squeeze %dma_start3A_145 : memref<1x128xi32, #tpu.memory_space<vmem>> -> memref<128xi32, #tpu.memory_space<vmem>>
          %dma_start3A_147 = arith.constant 0 : i32
          %dma_start3A_148 = tpu.memref_slice %arg3[%add3A_130, %dma_start3A_147] : memref<2560x128xi32, #tpu.memory_space<hbm>> -> memref<1x128xi32, #tpu.memory_space<hbm>>
          %dma_start3A_149 = tpu.memref_squeeze %dma_start3A_148 : memref<1x128xi32, #tpu.memory_space<hbm>> -> memref<128xi32, #tpu.memory_space<hbm>>
          %dma_start3A_150 = arith.constant 0 : i32
          %dma_start3A_151 = tpu.memref_slice %arg6[%run_scoped3A_131, %dma_start3A_150] : memref<2x128xi32, #tpu.memory_space<vmem>> -> memref<1x128xi32, #tpu.memory_space<vmem>>
          %dma_start3A_152 = tpu.memref_squeeze %dma_start3A_151 : memref<1x128xi32, #tpu.memory_space<vmem>> -> memref<128xi32, #tpu.memory_space<vmem>>
          %dma_start3A_153 = arith.constant 0 : i32
          %dma_start3A_154 = tpu.memref_slice %arg3[%add3A_130, %dma_start3A_153] : memref<2560x128xi32, #tpu.memory_space<hbm>> -> memref<1x128xi32, #tpu.memory_space<hbm>>
          %dma_start3A_155 = tpu.memref_squeeze %dma_start3A_154 : memref<1x128xi32, #tpu.memory_space<hbm>> -> memref<128xi32, #tpu.memory_space<hbm>>
          tpu.enqueue_dma source(%dma_start3A_155 : memref<128xi32, #tpu.memory_space<hbm>>) target(%dma_start3A_152 : memref<128xi32, #tpu.memory_space<vmem>>) target_semaphore(%run_scoped3A_143 : memref<!tpu.dma_semaphore, #tpu.memory_space<semaphore_mem>>)
          %dma_wait3A_156 = arith.constant 0 : i32
          %dma_wait3A_157 = tpu.memref_slice %arg6[%run_scoped3A_131, %dma_wait3A_156] : memref<2x128xi32, #tpu.memory_space<vmem>> -> memref<1x128xi32, #tpu.memory_space<vmem>>
          %dma_wait3A_158 = tpu.memref_squeeze %dma_wait3A_157 : memref<1x128xi32, #tpu.memory_space<vmem>> -> memref<128xi32, #tpu.memory_space<vmem>>
          %dma_wait3A_159 = arith.constant 0 : i32
          %dma_wait3A_160 = tpu.memref_slice %arg3[%add3A_130, %dma_wait3A_159] : memref<2560x128xi32, #tpu.memory_space<hbm>> -> memref<1x128xi32, #tpu.memory_space<hbm>>
          %dma_wait3A_161 = tpu.memref_squeeze %dma_wait3A_160 : memref<1x128xi32, #tpu.memory_space<hbm>> -> memref<128xi32, #tpu.memory_space<hbm>>
          %dma_wait3A_162 = arith.constant 0 : i32
          %dma_wait3A_163 = tpu.memref_slice %arg6[%run_scoped3A_131, %dma_wait3A_162] : memref<2x128xi32, #tpu.memory_space<vmem>> -> memref<1x128xi32, #tpu.memory_space<vmem>>
          %dma_wait3A_164 = tpu.memref_squeeze %dma_wait3A_163 : memref<1x128xi32, #tpu.memory_space<vmem>> -> memref<128xi32, #tpu.memory_space<vmem>>
          %dma_wait3A_165 = arith.constant 0 : i32
          %dma_wait3A_166 = tpu.memref_slice %arg3[%add3A_130, %dma_wait3A_165] : memref<2560x128xi32, #tpu.memory_space<hbm>> -> memref<1x128xi32, #tpu.memory_space<hbm>>
          %dma_wait3A_167 = tpu.memref_squeeze %dma_wait3A_166 : memref<1x128xi32, #tpu.memory_space<hbm>> -> memref<128xi32, #tpu.memory_space<hbm>>
          tpu.wait_dma2 semaphore(%run_scoped3A_143 : memref<!tpu.dma_semaphore, #tpu.memory_space<semaphore_mem>>) src(%dma_wait3A_167 : memref<128xi32, #tpu.memory_space<hbm>>) dst(%dma_wait3A_164 : memref<128xi32, #tpu.memory_space<vmem>>)
          tpu.yield
        }) : () -> ()
        %add3A_132 = arith.addi %select_n3A, %add3A_98 : i32
        %add3A_133 = arith.constant 2 : i32
        %add3A_134 = arith.addi %add3A_132, %add3A_133 : i32
        %run_scoped3A_135 = arith.constant 0 : i32
        "tpu.region"() ({
          %run_scoped3A_143 = tpu.sem_alloc : memref<!tpu.dma_semaphore, #tpu.memory_space<semaphore_mem>>
          %dma_start3A_144 = arith.constant 0 : i32
          %dma_start3A_145 = tpu.memref_slice %arg7[%run_scoped3A_135, %dma_start3A_144] : memref<2x128xi32, #tpu.memory_space<vmem>> -> memref<1x128xi32, #tpu.memory_space<vmem>>
          %dma_start3A_146 = tpu.memref_squeeze %dma_start3A_145 : memref<1x128xi32, #tpu.memory_space<vmem>> -> memref<128xi32, #tpu.memory_space<vmem>>
          %dma_start3A_147 = arith.constant 0 : i32
          %dma_start3A_148 = tpu.memref_slice %arg4[%add3A_134, %dma_start3A_147] : memref<2560x128xi32, #tpu.memory_space<hbm>> -> memref<1x128xi32, #tpu.memory_space<hbm>>
          %dma_start3A_149 = tpu.memref_squeeze %dma_start3A_148 : memref<1x128xi32, #tpu.memory_space<hbm>> -> memref<128xi32, #tpu.memory_space<hbm>>
          %dma_start3A_150 = arith.constant 0 : i32
          %dma_start3A_151 = tpu.memref_slice %arg7[%run_scoped3A_135, %dma_start3A_150] : memref<2x128xi32, #tpu.memory_space<vmem>> -> memref<1x128xi32, #tpu.memory_space<vmem>>
          %dma_start3A_152 = tpu.memref_squeeze %dma_start3A_151 : memref<1x128xi32, #tpu.memory_space<vmem>> -> memref<128xi32, #tpu.memory_space<vmem>>
          %dma_start3A_153 = arith.constant 0 : i32
          %dma_start3A_154 = tpu.memref_slice %arg4[%add3A_134, %dma_start3A_153] : memref<2560x128xi32, #tpu.memory_space<hbm>> -> memref<1x128xi32, #tpu.memory_space<hbm>>
          %dma_start3A_155 = tpu.memref_squeeze %dma_start3A_154 : memref<1x128xi32, #tpu.memory_space<hbm>> -> memref<128xi32, #tpu.memory_space<hbm>>
          tpu.enqueue_dma source(%dma_start3A_155 : memref<128xi32, #tpu.memory_space<hbm>>) target(%dma_start3A_152 : memref<128xi32, #tpu.memory_space<vmem>>) target_semaphore(%run_scoped3A_143 : memref<!tpu.dma_semaphore, #tpu.memory_space<semaphore_mem>>)
          %dma_wait3A_156 = arith.constant 0 : i32
          %dma_wait3A_157 = tpu.memref_slice %arg7[%run_scoped3A_135, %dma_wait3A_156] : memref<2x128xi32, #tpu.memory_space<vmem>> -> memref<1x128xi32, #tpu.memory_space<vmem>>
          %dma_wait3A_158 = tpu.memref_squeeze %dma_wait3A_157 : memref<1x128xi32, #tpu.memory_space<vmem>> -> memref<128xi32, #tpu.memory_space<vmem>>
          %dma_wait3A_159 = arith.constant 0 : i32
          %dma_wait3A_160 = tpu.memref_slice %arg4[%add3A_134, %dma_wait3A_159] : memref<2560x128xi32, #tpu.memory_space<hbm>> -> memref<1x128xi32, #tpu.memory_space<hbm>>
          %dma_wait3A_161 = tpu.memref_squeeze %dma_wait3A_160 : memref<1x128xi32, #tpu.memory_space<hbm>> -> memref<128xi32, #tpu.memory_space<hbm>>
          %dma_wait3A_162 = arith.constant 0 : i32
          %dma_wait3A_163 = tpu.memref_slice %arg7[%run_scoped3A_135, %dma_wait3A_162] : memref<2x128xi32, #tpu.memory_space<vmem>> -> memref<1x128xi32, #tpu.memory_space<vmem>>
          %dma_wait3A_164 = tpu.memref_squeeze %dma_wait3A_163 : memref<1x128xi32, #tpu.memory_space<vmem>> -> memref<128xi32, #tpu.memory_space<vmem>>
          %dma_wait3A_165 = arith.constant 0 : i32
          %dma_wait3A_166 = tpu.memref_slice %arg4[%add3A_134, %dma_wait3A_165] : memref<2560x128xi32, #tpu.memory_space<hbm>> -> memref<1x128xi32, #tpu.memory_space<hbm>>
          %dma_wait3A_167 = tpu.memref_squeeze %dma_wait3A_166 : memref<1x128xi32, #tpu.memory_space<hbm>> -> memref<128xi32, #tpu.memory_space<hbm>>
          tpu.wait_dma2 semaphore(%run_scoped3A_143 : memref<!tpu.dma_semaphore, #tpu.memory_space<semaphore_mem>>) src(%dma_wait3A_167 : memref<128xi32, #tpu.memory_space<hbm>>) dst(%dma_wait3A_164 : memref<128xi32, #tpu.memory_space<vmem>>)
          tpu.yield
        }) : () -> ()
        %dma_start3A_136 = arith.constant 0 : i32
        %dma_start3A_137 = arith.constant 0 : i32
        %dma_start3A_138 = tpu.memref_slice %arg6[%dma_start3A_136, %dma_start3A_137] : memref<2x128xi32, #tpu.memory_space<vmem>> -> memref<1x128xi32, #tpu.memory_space<vmem>>
        %dma_start3A_139 = tpu.memref_squeeze %dma_start3A_138 : memref<1x128xi32, #tpu.memory_space<vmem>> -> memref<128xi32, #tpu.memory_space<vmem>>
        %dma_start3A_140 = arith.constant 0 : i32
        %dma_start3A_141 = arith.constant 0 : i32
        %dma_start3A_142 = tpu.memref_slice %arg2[%dma_start3A_140, %dma_start3A_141] : memref<10112x128xf32, #tpu.memory_space<hbm>> -> memref<10112x128xf32, #tpu.memory_space<hbm>>
        tpu.enqueue_indirect_dma source(%dma_start3A_142 : memref<10112x128xf32, #tpu.memory_space<hbm>>) target(%arg8 : memref<128x128xf32, #tpu.memory_space<vmem>>) offsets(%dma_start3A_139 : memref<128xi32, #tpu.memory_space<vmem>>) semaphore(%arg11 : memref<!tpu.dma_semaphore, #tpu.memory_space<semaphore_mem>>)
      } else {
      }
      %mul3A_109 = arith.constant 2 : i32
      %mul3A_110 = arith.muli %mul3A_109, %while3A_93 : i32
      %add3A_111 = arith.constant 1 : i32
      %add3A_112 = arith.addi %mul3A_110, %add3A_111 : i32
      %dma_wait3A_113 = arith.constant 1 : i32
      %dma_wait3A_114 = arith.constant 0 : i32
      %dma_wait3A_115 = tpu.memref_slice %arg6[%dma_wait3A_113, %dma_wait3A_114] : memref<2x128xi32, #tpu.memory_space<vmem>> -> memref<1x128xi32, #tpu.memory_space<vmem>>
      %dma_wait3A_116 = tpu.memref_squeeze %dma_wait3A_115 : memref<1x128xi32, #tpu.memory_space<vmem>> -> memref<128xi32, #tpu.memory_space<vmem>>
      %dma_wait3A_117 = arith.constant 0 : i32
      %dma_wait3A_118 = arith.constant 0 : i32
      %dma_wait3A_119 = tpu.memref_slice %arg2[%dma_wait3A_117, %dma_wait3A_118] : memref<10112x128xf32, #tpu.memory_space<hbm>> -> memref<10112x128xf32, #tpu.memory_space<hbm>>
      tpu.wait_indirect_dma semaphore(%arg12 : memref<!tpu.dma_semaphore, #tpu.memory_space<semaphore_mem>>) src(%dma_wait3A_119 : memref<10112x128xf32, #tpu.memory_space<hbm>>) dst(%arg9 : memref<128x128xf32, #tpu.memory_space<vmem>>)
      %run_scoped3A_120 = arith.constant 1 : i32
      "tpu.region"() ({
        %run_scoped3A_128 = tpu.sem_alloc : memref<!tpu.dma_semaphore, #tpu.memory_space<semaphore_mem>>
        %dma_start3A_129 = arith.constant 0 : i32
        %dma_start3A_130 = tpu.memref_slice %arg7[%run_scoped3A_120, %dma_start3A_129] : memref<2x128xi32, #tpu.memory_space<vmem>> -> memref<1x128xi32, #tpu.memory_space<vmem>>
        %dma_start3A_131 = tpu.memref_squeeze %dma_start3A_130 : memref<1x128xi32, #tpu.memory_space<vmem>> -> memref<128xi32, #tpu.memory_space<vmem>>
        %dma_start3A_132 = arith.constant 0 : i32
        %dma_start3A_133 = arith.constant 0 : i32
        %dma_start3A_134 = tpu.memref_slice %arg10[%dma_start3A_132, %dma_start3A_133] : memref<10112x128xf32, #tpu.memory_space<vmem_shared>> -> memref<10112x128xf32, #tpu.memory_space<vmem_shared>>
        tpu.enqueue_indirect_dma source(%arg9 : memref<128x128xf32, #tpu.memory_space<vmem>>) target(%dma_start3A_134 : memref<10112x128xf32, #tpu.memory_space<vmem_shared>>) offsets(%dma_start3A_131 : memref<128xi32, #tpu.memory_space<vmem>>) semaphore(%run_scoped3A_128 : memref<!tpu.dma_semaphore, #tpu.memory_space<semaphore_mem>>) {add = true}
        %dma_wait3A_135 = arith.constant 0 : i32
        %dma_wait3A_136 = tpu.memref_slice %arg7[%run_scoped3A_120, %dma_wait3A_135] : memref<2x128xi32, #tpu.memory_space<vmem>> -> memref<1x128xi32, #tpu.memory_space<vmem>>
        %dma_wait3A_137 = tpu.memref_squeeze %dma_wait3A_136 : memref<1x128xi32, #tpu.memory_space<vmem>> -> memref<128xi32, #tpu.memory_space<vmem>>
        %dma_wait3A_138 = arith.constant 0 : i32
        %dma_wait3A_139 = arith.constant 0 : i32
        %dma_wait3A_140 = tpu.memref_slice %arg10[%dma_wait3A_138, %dma_wait3A_139] : memref<10112x128xf32, #tpu.memory_space<vmem_shared>> -> memref<10112x128xf32, #tpu.memory_space<vmem_shared>>
        tpu.wait_indirect_dma semaphore(%run_scoped3A_128 : memref<!tpu.dma_semaphore, #tpu.memory_space<semaphore_mem>>) src(%arg9 : memref<128x128xf32, #tpu.memory_space<vmem>>) dst(%dma_wait3A_140 : memref<10112x128xf32, #tpu.memory_space<vmem_shared>>)
        tpu.yield
      }) : () -> ()
      %sub3A_121 = arith.constant 1 : i32
      %sub3A_122 = arith.subi %select_n3A_27, %sub3A_121 : i32
      %lt3A_123 = arith.cmpi slt, %while3A_93, %sub3A_122 : i32
      %convert_element_type3A_124 = arith.extui %lt3A_123 : i1 to i32
      %cond3A_125 = arith.constant 0 : i32
      %cond3A_126 = arith.cmpi ne, %convert_element_type3A_124, %cond3A_125 : i32
      scf.if %cond3A_126 {
        %add3A_128 = arith.addi %select_n3A, %add3A_112 : i32
        %add3A_129 = arith.constant 2 : i32
        %add3A_130 = arith.addi %add3A_128, %add3A_129 : i32
        %run_scoped3A_131 = arith.constant 1 : i32
        "tpu.region"() ({
          %run_scoped3A_143 = tpu.sem_alloc : memref<!tpu.dma_semaphore, #tpu.memory_space<semaphore_mem>>
          %dma_start3A_144 = arith.constant 0 : i32
          %dma_start3A_145 = tpu.memref_slice %arg6[%run_scoped3A_131, %dma_start3A_144] : memref<2x128xi32, #tpu.memory_space<vmem>> -> memref<1x128xi32, #tpu.memory_space<vmem>>
          %dma_start3A_146 = tpu.memref_squeeze %dma_start3A_145 : memref<1x128xi32, #tpu.memory_space<vmem>> -> memref<128xi32, #tpu.memory_space<vmem>>
          %dma_start3A_147 = arith.constant 0 : i32
          %dma_start3A_148 = tpu.memref_slice %arg3[%add3A_130, %dma_start3A_147] : memref<2560x128xi32, #tpu.memory_space<hbm>> -> memref<1x128xi32, #tpu.memory_space<hbm>>
          %dma_start3A_149 = tpu.memref_squeeze %dma_start3A_148 : memref<1x128xi32, #tpu.memory_space<hbm>> -> memref<128xi32, #tpu.memory_space<hbm>>
          %dma_start3A_150 = arith.constant 0 : i32
          %dma_start3A_151 = tpu.memref_slice %arg6[%run_scoped3A_131, %dma_start3A_150] : memref<2x128xi32, #tpu.memory_space<vmem>> -> memref<1x128xi32, #tpu.memory_space<vmem>>
          %dma_start3A_152 = tpu.memref_squeeze %dma_start3A_151 : memref<1x128xi32, #tpu.memory_space<vmem>> -> memref<128xi32, #tpu.memory_space<vmem>>
          %dma_start3A_153 = arith.constant 0 : i32
          %dma_start3A_154 = tpu.memref_slice %arg3[%add3A_130, %dma_start3A_153] : memref<2560x128xi32, #tpu.memory_space<hbm>> -> memref<1x128xi32, #tpu.memory_space<hbm>>
          %dma_start3A_155 = tpu.memref_squeeze %dma_start3A_154 : memref<1x128xi32, #tpu.memory_space<hbm>> -> memref<128xi32, #tpu.memory_space<hbm>>
          tpu.enqueue_dma source(%dma_start3A_155 : memref<128xi32, #tpu.memory_space<hbm>>) target(%dma_start3A_152 : memref<128xi32, #tpu.memory_space<vmem>>) target_semaphore(%run_scoped3A_143 : memref<!tpu.dma_semaphore, #tpu.memory_space<semaphore_mem>>)
          %dma_wait3A_156 = arith.constant 0 : i32
          %dma_wait3A_157 = tpu.memref_slice %arg6[%run_scoped3A_131, %dma_wait3A_156] : memref<2x128xi32, #tpu.memory_space<vmem>> -> memref<1x128xi32, #tpu.memory_space<vmem>>
          %dma_wait3A_158 = tpu.memref_squeeze %dma_wait3A_157 : memref<1x128xi32, #tpu.memory_space<vmem>> -> memref<128xi32, #tpu.memory_space<vmem>>
          %dma_wait3A_159 = arith.constant 0 : i32
          %dma_wait3A_160 = tpu.memref_slice %arg3[%add3A_130, %dma_wait3A_159] : memref<2560x128xi32, #tpu.memory_space<hbm>> -> memref<1x128xi32, #tpu.memory_space<hbm>>
          %dma_wait3A_161 = tpu.memref_squeeze %dma_wait3A_160 : memref<1x128xi32, #tpu.memory_space<hbm>> -> memref<128xi32, #tpu.memory_space<hbm>>
          %dma_wait3A_162 = arith.constant 0 : i32
          %dma_wait3A_163 = tpu.memref_slice %arg6[%run_scoped3A_131, %dma_wait3A_162] : memref<2x128xi32, #tpu.memory_space<vmem>> -> memref<1x128xi32, #tpu.memory_space<vmem>>
          %dma_wait3A_164 = tpu.memref_squeeze %dma_wait3A_163 : memref<1x128xi32, #tpu.memory_space<vmem>> -> memref<128xi32, #tpu.memory_space<vmem>>
          %dma_wait3A_165 = arith.constant 0 : i32
          %dma_wait3A_166 = tpu.memref_slice %arg3[%add3A_130, %dma_wait3A_165] : memref<2560x128xi32, #tpu.memory_space<hbm>> -> memref<1x128xi32, #tpu.memory_space<hbm>>
          %dma_wait3A_167 = tpu.memref_squeeze %dma_wait3A_166 : memref<1x128xi32, #tpu.memory_space<hbm>> -> memref<128xi32, #tpu.memory_space<hbm>>
          tpu.wait_dma2 semaphore(%run_scoped3A_143 : memref<!tpu.dma_semaphore, #tpu.memory_space<semaphore_mem>>) src(%dma_wait3A_167 : memref<128xi32, #tpu.memory_space<hbm>>) dst(%dma_wait3A_164 : memref<128xi32, #tpu.memory_space<vmem>>)
          tpu.yield
        }) : () -> ()
        %add3A_132 = arith.addi %select_n3A, %add3A_112 : i32
        %add3A_133 = arith.constant 2 : i32
        %add3A_134 = arith.addi %add3A_132, %add3A_133 : i32
        %run_scoped3A_135 = arith.constant 1 : i32
        "tpu.region"() ({
          %run_scoped3A_143 = tpu.sem_alloc : memref<!tpu.dma_semaphore, #tpu.memory_space<semaphore_mem>>
          %dma_start3A_144 = arith.constant 0 : i32
          %dma_start3A_145 = tpu.memref_slice %arg7[%run_scoped3A_135, %dma_start3A_144] : memref<2x128xi32, #tpu.memory_space<vmem>> -> memref<1x128xi32, #tpu.memory_space<vmem>>
          %dma_start3A_146 = tpu.memref_squeeze %dma_start3A_145 : memref<1x128xi32, #tpu.memory_space<vmem>> -> memref<128xi32, #tpu.memory_space<vmem>>
          %dma_start3A_147 = arith.constant 0 : i32
          %dma_start3A_148 = tpu.memref_slice %arg4[%add3A_134, %dma_start3A_147] : memref<2560x128xi32, #tpu.memory_space<hbm>> -> memref<1x128xi32, #tpu.memory_space<hbm>>
          %dma_start3A_149 = tpu.memref_squeeze %dma_start3A_148 : memref<1x128xi32, #tpu.memory_space<hbm>> -> memref<128xi32, #tpu.memory_space<hbm>>
          %dma_start3A_150 = arith.constant 0 : i32
          %dma_start3A_151 = tpu.memref_slice %arg7[%run_scoped3A_135, %dma_start3A_150] : memref<2x128xi32, #tpu.memory_space<vmem>> -> memref<1x128xi32, #tpu.memory_space<vmem>>
          %dma_start3A_152 = tpu.memref_squeeze %dma_start3A_151 : memref<1x128xi32, #tpu.memory_space<vmem>> -> memref<128xi32, #tpu.memory_space<vmem>>
          %dma_start3A_153 = arith.constant 0 : i32
          %dma_start3A_154 = tpu.memref_slice %arg4[%add3A_134, %dma_start3A_153] : memref<2560x128xi32, #tpu.memory_space<hbm>> -> memref<1x128xi32, #tpu.memory_space<hbm>>
          %dma_start3A_155 = tpu.memref_squeeze %dma_start3A_154 : memref<1x128xi32, #tpu.memory_space<hbm>> -> memref<128xi32, #tpu.memory_space<hbm>>
          tpu.enqueue_dma source(%dma_start3A_155 : memref<128xi32, #tpu.memory_space<hbm>>) target(%dma_start3A_152 : memref<128xi32, #tpu.memory_space<vmem>>) target_semaphore(%run_scoped3A_143 : memref<!tpu.dma_semaphore, #tpu.memory_space<semaphore_mem>>)
          %dma_wait3A_156 = arith.constant 0 : i32
          %dma_wait3A_157 = tpu.memref_slice %arg7[%run_scoped3A_135, %dma_wait3A_156] : memref<2x128xi32, #tpu.memory_space<vmem>> -> memref<1x128xi32, #tpu.memory_space<vmem>>
          %dma_wait3A_158 = tpu.memref_squeeze %dma_wait3A_157 : memref<1x128xi32, #tpu.memory_space<vmem>> -> memref<128xi32, #tpu.memory_space<vmem>>
          %dma_wait3A_159 = arith.constant 0 : i32
          %dma_wait3A_160 = tpu.memref_slice %arg4[%add3A_134, %dma_wait3A_159] : memref<2560x128xi32, #tpu.memory_space<hbm>> -> memref<1x128xi32, #tpu.memory_space<hbm>>
          %dma_wait3A_161 = tpu.memref_squeeze %dma_wait3A_160 : memref<1x128xi32, #tpu.memory_space<hbm>> -> memref<128xi32, #tpu.memory_space<hbm>>
          %dma_wait3A_162 = arith.constant 0 : i32
          %dma_wait3A_163 = tpu.memref_slice %arg7[%run_scoped3A_135, %dma_wait3A_162] : memref<2x128xi32, #tpu.memory_space<vmem>> -> memref<1x128xi32, #tpu.memory_space<vmem>>
          %dma_wait3A_164 = tpu.memref_squeeze %dma_wait3A_163 : memref<1x128xi32, #tpu.memory_space<vmem>> -> memref<128xi32, #tpu.memory_space<vmem>>
          %dma_wait3A_165 = arith.constant 0 : i32
          %dma_wait3A_166 = tpu.memref_slice %arg4[%add3A_134, %dma_wait3A_165] : memref<2560x128xi32, #tpu.memory_space<hbm>> -> memref<1x128xi32, #tpu.memory_space<hbm>>
          %dma_wait3A_167 = tpu.memref_squeeze %dma_wait3A_166 : memref<1x128xi32, #tpu.memory_space<hbm>> -> memref<128xi32, #tpu.memory_space<hbm>>
          tpu.wait_dma2 semaphore(%run_scoped3A_143 : memref<!tpu.dma_semaphore, #tpu.memory_space<semaphore_mem>>) src(%dma_wait3A_167 : memref<128xi32, #tpu.memory_space<hbm>>) dst(%dma_wait3A_164 : memref<128xi32, #tpu.memory_space<vmem>>)
          tpu.yield
        }) : () -> ()
        %dma_start3A_136 = arith.constant 1 : i32
        %dma_start3A_137 = arith.constant 0 : i32
        %dma_start3A_138 = tpu.memref_slice %arg6[%dma_start3A_136, %dma_start3A_137] : memref<2x128xi32, #tpu.memory_space<vmem>> -> memref<1x128xi32, #tpu.memory_space<vmem>>
        %dma_start3A_139 = tpu.memref_squeeze %dma_start3A_138 : memref<1x128xi32, #tpu.memory_space<vmem>> -> memref<128xi32, #tpu.memory_space<vmem>>
        %dma_start3A_140 = arith.constant 0 : i32
        %dma_start3A_141 = arith.constant 0 : i32
        %dma_start3A_142 = tpu.memref_slice %arg2[%dma_start3A_140, %dma_start3A_141] : memref<10112x128xf32, #tpu.memory_space<hbm>> -> memref<10112x128xf32, #tpu.memory_space<hbm>>
        tpu.enqueue_indirect_dma source(%dma_start3A_142 : memref<10112x128xf32, #tpu.memory_space<hbm>>) target(%arg9 : memref<128x128xf32, #tpu.memory_space<vmem>>) offsets(%dma_start3A_139 : memref<128xi32, #tpu.memory_space<vmem>>) semaphore(%arg12 : memref<!tpu.dma_semaphore, #tpu.memory_space<semaphore_mem>>)
      } else {
      }
      %while3A_127 = arith.constant 0 : i32
      scf.yield %while3A_127 : i32
    }
    %while3A_80 = arith.constant 1 : i32
    %while3A_81 = scf.for %while3A_93 = %while3A_77 to %while3A_73 step %while3A_80 iter_args(%while3A_94 = %while3A_79) -> (i32)  : i32 {
      %mul3A_95 = arith.constant 2 : i32
      %mul3A_96 = arith.muli %mul3A_95, %while3A_93 : i32
      %add3A_97 = arith.constant 0 : i32
      %add3A_98 = arith.addi %mul3A_96, %add3A_97 : i32
      %dma_wait3A = arith.constant 0 : i32
      %dma_wait3A_99 = arith.constant 0 : i32
      %dma_wait3A_100 = tpu.memref_slice %arg6[%dma_wait3A, %dma_wait3A_99] : memref<2x128xi32, #tpu.memory_space<vmem>> -> memref<1x128xi32, #tpu.memory_space<vmem>>
      %dma_wait3A_101 = tpu.memref_squeeze %dma_wait3A_100 : memref<1x128xi32, #tpu.memory_space<vmem>> -> memref<128xi32, #tpu.memory_space<vmem>>
      %dma_wait3A_102 = arith.constant 0 : i32
      %dma_wait3A_103 = arith.constant 0 : i32
      %dma_wait3A_104 = tpu.memref_slice %arg2[%dma_wait3A_102, %dma_wait3A_103] : memref<10112x128xf32, #tpu.memory_space<hbm>> -> memref<10112x128xf32, #tpu.memory_space<hbm>>
      tpu.wait_indirect_dma semaphore(%arg11 : memref<!tpu.dma_semaphore, #tpu.memory_space<semaphore_mem>>) src(%dma_wait3A_104 : memref<10112x128xf32, #tpu.memory_space<hbm>>) dst(%arg8 : memref<128x128xf32, #tpu.memory_space<vmem>>)
      %run_scoped3A_105 = arith.constant 0 : i32
      "tpu.region"() ({
        %run_scoped3A_128 = tpu.sem_alloc : memref<!tpu.dma_semaphore, #tpu.memory_space<semaphore_mem>>
        %dma_start3A_129 = arith.constant 0 : i32
        %dma_start3A_130 = tpu.memref_slice %arg7[%run_scoped3A_105, %dma_start3A_129] : memref<2x128xi32, #tpu.memory_space<vmem>> -> memref<1x128xi32, #tpu.memory_space<vmem>>
        %dma_start3A_131 = tpu.memref_squeeze %dma_start3A_130 : memref<1x128xi32, #tpu.memory_space<vmem>> -> memref<128xi32, #tpu.memory_space<vmem>>
        %dma_start3A_132 = arith.constant 0 : i32
        %dma_start3A_133 = arith.constant 0 : i32
        %dma_start3A_134 = tpu.memref_slice %arg10[%dma_start3A_132, %dma_start3A_133] : memref<10112x128xf32, #tpu.memory_space<vmem_shared>> -> memref<10112x128xf32, #tpu.memory_space<vmem_shared>>
        tpu.enqueue_indirect_dma source(%arg8 : memref<128x128xf32, #tpu.memory_space<vmem>>) target(%dma_start3A_134 : memref<10112x128xf32, #tpu.memory_space<vmem_shared>>) offsets(%dma_start3A_131 : memref<128xi32, #tpu.memory_space<vmem>>) semaphore(%run_scoped3A_128 : memref<!tpu.dma_semaphore, #tpu.memory_space<semaphore_mem>>) {add = true}
        %dma_wait3A_135 = arith.constant 0 : i32
        %dma_wait3A_136 = tpu.memref_slice %arg7[%run_scoped3A_105, %dma_wait3A_135] : memref<2x128xi32, #tpu.memory_space<vmem>> -> memref<1x128xi32, #tpu.memory_space<vmem>>
        %dma_wait3A_137 = tpu.memref_squeeze %dma_wait3A_136 : memref<1x128xi32, #tpu.memory_space<vmem>> -> memref<128xi32, #tpu.memory_space<vmem>>
        %dma_wait3A_138 = arith.constant 0 : i32
        %dma_wait3A_139 = arith.constant 0 : i32
        %dma_wait3A_140 = tpu.memref_slice %arg10[%dma_wait3A_138, %dma_wait3A_139] : memref<10112x128xf32, #tpu.memory_space<vmem_shared>> -> memref<10112x128xf32, #tpu.memory_space<vmem_shared>>
        tpu.wait_indirect_dma semaphore(%run_scoped3A_128 : memref<!tpu.dma_semaphore, #tpu.memory_space<semaphore_mem>>) src(%arg8 : memref<128x128xf32, #tpu.memory_space<vmem>>) dst(%dma_wait3A_140 : memref<10112x128xf32, #tpu.memory_space<vmem_shared>>)
        tpu.yield
      }) : () -> ()
      %sub3A_106 = arith.constant 1 : i32
      %sub3A_107 = arith.subi %select_n3A_27, %sub3A_106 : i32
      %lt3A = arith.cmpi slt, %while3A_93, %sub3A_107 : i32
      %convert_element_type3A = arith.extui %lt3A : i1 to i32
      %cond3A = arith.constant 0 : i32
      %cond3A_108 = arith.cmpi ne, %convert_element_type3A, %cond3A : i32
      scf.if %cond3A_108 {
        %add3A_128 = arith.addi %select_n3A, %add3A_98 : i32
        %add3A_129 = arith.constant 2 : i32
        %add3A_130 = arith.addi %add3A_128, %add3A_129 : i32
        %run_scoped3A_131 = arith.constant 0 : i32
        "tpu.region"() ({
          %run_scoped3A_143 = tpu.sem_alloc : memref<!tpu.dma_semaphore, #tpu.memory_space<semaphore_mem>>
          %dma_start3A_144 = arith.constant 0 : i32
          %dma_start3A_145 = tpu.memref_slice %arg6[%run_scoped3A_131, %dma_start3A_144] : memref<2x128xi32, #tpu.memory_space<vmem>> -> memref<1x128xi32, #tpu.memory_space<vmem>>
          %dma_start3A_146 = tpu.memref_squeeze %dma_start3A_145 : memref<1x128xi32, #tpu.memory_space<vmem>> -> memref<128xi32, #tpu.memory_space<vmem>>
          %dma_start3A_147 = arith.constant 0 : i32
          %dma_start3A_148 = tpu.memref_slice %arg3[%add3A_130, %dma_start3A_147] : memref<2560x128xi32, #tpu.memory_space<hbm>> -> memref<1x128xi32, #tpu.memory_space<hbm>>
          %dma_start3A_149 = tpu.memref_squeeze %dma_start3A_148 : memref<1x128xi32, #tpu.memory_space<hbm>> -> memref<128xi32, #tpu.memory_space<hbm>>
          %dma_start3A_150 = arith.constant 0 : i32
          %dma_start3A_151 = tpu.memref_slice %arg6[%run_scoped3A_131, %dma_start3A_150] : memref<2x128xi32, #tpu.memory_space<vmem>> -> memref<1x128xi32, #tpu.memory_space<vmem>>
          %dma_start3A_152 = tpu.memref_squeeze %dma_start3A_151 : memref<1x128xi32, #tpu.memory_space<vmem>> -> memref<128xi32, #tpu.memory_space<vmem>>
          %dma_start3A_153 = arith.constant 0 : i32
          %dma_start3A_154 = tpu.memref_slice %arg3[%add3A_130, %dma_start3A_153] : memref<2560x128xi32, #tpu.memory_space<hbm>> -> memref<1x128xi32, #tpu.memory_space<hbm>>
          %dma_start3A_155 = tpu.memref_squeeze %dma_start3A_154 : memref<1x128xi32, #tpu.memory_space<hbm>> -> memref<128xi32, #tpu.memory_space<hbm>>
          tpu.enqueue_dma source(%dma_start3A_155 : memref<128xi32, #tpu.memory_space<hbm>>) target(%dma_start3A_152 : memref<128xi32, #tpu.memory_space<vmem>>) target_semaphore(%run_scoped3A_143 : memref<!tpu.dma_semaphore, #tpu.memory_space<semaphore_mem>>)
          %dma_wait3A_156 = arith.constant 0 : i32
          %dma_wait3A_157 = tpu.memref_slice %arg6[%run_scoped3A_131, %dma_wait3A_156] : memref<2x128xi32, #tpu.memory_space<vmem>> -> memref<1x128xi32, #tpu.memory_space<vmem>>
          %dma_wait3A_158 = tpu.memref_squeeze %dma_wait3A_157 : memref<1x128xi32, #tpu.memory_space<vmem>> -> memref<128xi32, #tpu.memory_space<vmem>>
          %dma_wait3A_159 = arith.constant 0 : i32
          %dma_wait3A_160 = tpu.memref_slice %arg3[%add3A_130, %dma_wait3A_159] : memref<2560x128xi32, #tpu.memory_space<hbm>> -> memref<1x128xi32, #tpu.memory_space<hbm>>
          %dma_wait3A_161 = tpu.memref_squeeze %dma_wait3A_160 : memref<1x128xi32, #tpu.memory_space<hbm>> -> memref<128xi32, #tpu.memory_space<hbm>>
          %dma_wait3A_162 = arith.constant 0 : i32
          %dma_wait3A_163 = tpu.memref_slice %arg6[%run_scoped3A_131, %dma_wait3A_162] : memref<2x128xi32, #tpu.memory_space<vmem>> -> memref<1x128xi32, #tpu.memory_space<vmem>>
          %dma_wait3A_164 = tpu.memref_squeeze %dma_wait3A_163 : memref<1x128xi32, #tpu.memory_space<vmem>> -> memref<128xi32, #tpu.memory_space<vmem>>
          %dma_wait3A_165 = arith.constant 0 : i32
          %dma_wait3A_166 = tpu.memref_slice %arg3[%add3A_130, %dma_wait3A_165] : memref<2560x128xi32, #tpu.memory_space<hbm>> -> memref<1x128xi32, #tpu.memory_space<hbm>>
          %dma_wait3A_167 = tpu.memref_squeeze %dma_wait3A_166 : memref<1x128xi32, #tpu.memory_space<hbm>> -> memref<128xi32, #tpu.memory_space<hbm>>
          tpu.wait_dma2 semaphore(%run_scoped3A_143 : memref<!tpu.dma_semaphore, #tpu.memory_space<semaphore_mem>>) src(%dma_wait3A_167 : memref<128xi32, #tpu.memory_space<hbm>>) dst(%dma_wait3A_164 : memref<128xi32, #tpu.memory_space<vmem>>)
          tpu.yield
        }) : () -> ()
        %add3A_132 = arith.addi %select_n3A, %add3A_98 : i32
        %add3A_133 = arith.constant 2 : i32
        %add3A_134 = arith.addi %add3A_132, %add3A_133 : i32
        %run_scoped3A_135 = arith.constant 0 : i32
        "tpu.region"() ({
          %run_scoped3A_143 = tpu.sem_alloc : memref<!tpu.dma_semaphore, #tpu.memory_space<semaphore_mem>>
          %dma_start3A_144 = arith.constant 0 : i32
          %dma_start3A_145 = tpu.memref_slice %arg7[%run_scoped3A_135, %dma_start3A_144] : memref<2x128xi32, #tpu.memory_space<vmem>> -> memref<1x128xi32, #tpu.memory_space<vmem>>
          %dma_start3A_146 = tpu.memref_squeeze %dma_start3A_145 : memref<1x128xi32, #tpu.memory_space<vmem>> -> memref<128xi32, #tpu.memory_space<vmem>>
          %dma_start3A_147 = arith.constant 0 : i32
          %dma_start3A_148 = tpu.memref_slice %arg4[%add3A_134, %dma_start3A_147] : memref<2560x128xi32, #tpu.memory_space<hbm>> -> memref<1x128xi32, #tpu.memory_space<hbm>>
          %dma_start3A_149 = tpu.memref_squeeze %dma_start3A_148 : memref<1x128xi32, #tpu.memory_space<hbm>> -> memref<128xi32, #tpu.memory_space<hbm>>
          %dma_start3A_150 = arith.constant 0 : i32
          %dma_start3A_151 = tpu.memref_slice %arg7[%run_scoped3A_135, %dma_start3A_150] : memref<2x128xi32, #tpu.memory_space<vmem>> -> memref<1x128xi32, #tpu.memory_space<vmem>>
          %dma_start3A_152 = tpu.memref_squeeze %dma_start3A_151 : memref<1x128xi32, #tpu.memory_space<vmem>> -> memref<128xi32, #tpu.memory_space<vmem>>
          %dma_start3A_153 = arith.constant 0 : i32
          %dma_start3A_154 = tpu.memref_slice %arg4[%add3A_134, %dma_start3A_153] : memref<2560x128xi32, #tpu.memory_space<hbm>> -> memref<1x128xi32, #tpu.memory_space<hbm>>
          %dma_start3A_155 = tpu.memref_squeeze %dma_start3A_154 : memref<1x128xi32, #tpu.memory_space<hbm>> -> memref<128xi32, #tpu.memory_space<hbm>>
          tpu.enqueue_dma source(%dma_start3A_155 : memref<128xi32, #tpu.memory_space<hbm>>) target(%dma_start3A_152 : memref<128xi32, #tpu.memory_space<vmem>>) target_semaphore(%run_scoped3A_143 : memref<!tpu.dma_semaphore, #tpu.memory_space<semaphore_mem>>)
          %dma_wait3A_156 = arith.constant 0 : i32
          %dma_wait3A_157 = tpu.memref_slice %arg7[%run_scoped3A_135, %dma_wait3A_156] : memref<2x128xi32, #tpu.memory_space<vmem>> -> memref<1x128xi32, #tpu.memory_space<vmem>>
          %dma_wait3A_158 = tpu.memref_squeeze %dma_wait3A_157 : memref<1x128xi32, #tpu.memory_space<vmem>> -> memref<128xi32, #tpu.memory_space<vmem>>
          %dma_wait3A_159 = arith.constant 0 : i32
          %dma_wait3A_160 = tpu.memref_slice %arg4[%add3A_134, %dma_wait3A_159] : memref<2560x128xi32, #tpu.memory_space<hbm>> -> memref<1x128xi32, #tpu.memory_space<hbm>>
          %dma_wait3A_161 = tpu.memref_squeeze %dma_wait3A_160 : memref<1x128xi32, #tpu.memory_space<hbm>> -> memref<128xi32, #tpu.memory_space<hbm>>
          %dma_wait3A_162 = arith.constant 0 : i32
          %dma_wait3A_163 = tpu.memref_slice %arg7[%run_scoped3A_135, %dma_wait3A_162] : memref<2x128xi32, #tpu.memory_space<vmem>> -> memref<1x128xi32, #tpu.memory_space<vmem>>
          %dma_wait3A_164 = tpu.memref_squeeze %dma_wait3A_163 : memref<1x128xi32, #tpu.memory_space<vmem>> -> memref<128xi32, #tpu.memory_space<vmem>>
          %dma_wait3A_165 = arith.constant 0 : i32
          %dma_wait3A_166 = tpu.memref_slice %arg4[%add3A_134, %dma_wait3A_165] : memref<2560x128xi32, #tpu.memory_space<hbm>> -> memref<1x128xi32, #tpu.memory_space<hbm>>
          %dma_wait3A_167 = tpu.memref_squeeze %dma_wait3A_166 : memref<1x128xi32, #tpu.memory_space<hbm>> -> memref<128xi32, #tpu.memory_space<hbm>>
          tpu.wait_dma2 semaphore(%run_scoped3A_143 : memref<!tpu.dma_semaphore, #tpu.memory_space<semaphore_mem>>) src(%dma_wait3A_167 : memref<128xi32, #tpu.memory_space<hbm>>) dst(%dma_wait3A_164 : memref<128xi32, #tpu.memory_space<vmem>>)
          tpu.yield
        }) : () -> ()
        %dma_start3A_136 = arith.constant 0 : i32
        %dma_start3A_137 = arith.constant 0 : i32
        %dma_start3A_138 = tpu.memref_slice %arg6[%dma_start3A_136, %dma_start3A_137] : memref<2x128xi32, #tpu.memory_space<vmem>> -> memref<1x128xi32, #tpu.memory_space<vmem>>
        %dma_start3A_139 = tpu.memref_squeeze %dma_start3A_138 : memref<1x128xi32, #tpu.memory_space<vmem>> -> memref<128xi32, #tpu.memory_space<vmem>>
        %dma_start3A_140 = arith.constant 0 : i32
        %dma_start3A_141 = arith.constant 0 : i32
        %dma_start3A_142 = tpu.memref_slice %arg2[%dma_start3A_140, %dma_start3A_141] : memref<10112x128xf32, #tpu.memory_space<hbm>> -> memref<10112x128xf32, #tpu.memory_space<hbm>>
        tpu.enqueue_indirect_dma source(%dma_start3A_142 : memref<10112x128xf32, #tpu.memory_space<hbm>>) target(%arg8 : memref<128x128xf32, #tpu.memory_space<vmem>>) offsets(%dma_start3A_139 : memref<128xi32, #tpu.memory_space<vmem>>) semaphore(%arg11 : memref<!tpu.dma_semaphore, #tpu.memory_space<semaphore_mem>>)
      } else {
      }
      %mul3A_109 = arith.constant 2 : i32
      %mul3A_110 = arith.muli %mul3A_109, %while3A_93 : i32
      %add3A_111 = arith.constant 1 : i32
      %add3A_112 = arith.addi %mul3A_110, %add3A_111 : i32
      %dma_wait3A_113 = arith.constant 1 : i32
      %dma_wait3A_114 = arith.constant 0 : i32
      %dma_wait3A_115 = tpu.memref_slice %arg6[%dma_wait3A_113, %dma_wait3A_114] : memref<2x128xi32, #tpu.memory_space<vmem>> -> memref<1x128xi32, #tpu.memory_space<vmem>>
      %dma_wait3A_116 = tpu.memref_squeeze %dma_wait3A_115 : memref<1x128xi32, #tpu.memory_space<vmem>> -> memref<128xi32, #tpu.memory_space<vmem>>
      %dma_wait3A_117 = arith.constant 0 : i32
      %dma_wait3A_118 = arith.constant 0 : i32
      %dma_wait3A_119 = tpu.memref_slice %arg2[%dma_wait3A_117, %dma_wait3A_118] : memref<10112x128xf32, #tpu.memory_space<hbm>> -> memref<10112x128xf32, #tpu.memory_space<hbm>>
      tpu.wait_indirect_dma semaphore(%arg12 : memref<!tpu.dma_semaphore, #tpu.memory_space<semaphore_mem>>) src(%dma_wait3A_119 : memref<10112x128xf32, #tpu.memory_space<hbm>>) dst(%arg9 : memref<128x128xf32, #tpu.memory_space<vmem>>)
      %run_scoped3A_120 = arith.constant 1 : i32
      "tpu.region"() ({
        %run_scoped3A_128 = tpu.sem_alloc : memref<!tpu.dma_semaphore, #tpu.memory_space<semaphore_mem>>
        %dma_start3A_129 = arith.constant 0 : i32
        %dma_start3A_130 = tpu.memref_slice %arg7[%run_scoped3A_120, %dma_start3A_129] : memref<2x128xi32, #tpu.memory_space<vmem>> -> memref<1x128xi32, #tpu.memory_space<vmem>>
        %dma_start3A_131 = tpu.memref_squeeze %dma_start3A_130 : memref<1x128xi32, #tpu.memory_space<vmem>> -> memref<128xi32, #tpu.memory_space<vmem>>
        %dma_start3A_132 = arith.constant 0 : i32
        %dma_start3A_133 = arith.constant 0 : i32
        %dma_start3A_134 = tpu.memref_slice %arg10[%dma_start3A_132, %dma_start3A_133] : memref<10112x128xf32, #tpu.memory_space<vmem_shared>> -> memref<10112x128xf32, #tpu.memory_space<vmem_shared>>
        tpu.enqueue_indirect_dma source(%arg9 : memref<128x128xf32, #tpu.memory_space<vmem>>) target(%dma_start3A_134 : memref<10112x128xf32, #tpu.memory_space<vmem_shared>>) offsets(%dma_start3A_131 : memref<128xi32, #tpu.memory_space<vmem>>) semaphore(%run_scoped3A_128 : memref<!tpu.dma_semaphore, #tpu.memory_space<semaphore_mem>>) {add = true}
        %dma_wait3A_135 = arith.constant 0 : i32
        %dma_wait3A_136 = tpu.memref_slice %arg7[%run_scoped3A_120, %dma_wait3A_135] : memref<2x128xi32, #tpu.memory_space<vmem>> -> memref<1x128xi32, #tpu.memory_space<vmem>>
        %dma_wait3A_137 = tpu.memref_squeeze %dma_wait3A_136 : memref<1x128xi32, #tpu.memory_space<vmem>> -> memref<128xi32, #tpu.memory_space<vmem>>
        %dma_wait3A_138 = arith.constant 0 : i32
        %dma_wait3A_139 = arith.constant 0 : i32
        %dma_wait3A_140 = tpu.memref_slice %arg10[%dma_wait3A_138, %dma_wait3A_139] : memref<10112x128xf32, #tpu.memory_space<vmem_shared>> -> memref<10112x128xf32, #tpu.memory_space<vmem_shared>>
        tpu.wait_indirect_dma semaphore(%run_scoped3A_128 : memref<!tpu.dma_semaphore, #tpu.memory_space<semaphore_mem>>) src(%arg9 : memref<128x128xf32, #tpu.memory_space<vmem>>) dst(%dma_wait3A_140 : memref<10112x128xf32, #tpu.memory_space<vmem_shared>>)
        tpu.yield
      }) : () -> ()
      %sub3A_121 = arith.constant 1 : i32
      %sub3A_122 = arith.subi %select_n3A_27, %sub3A_121 : i32
      %lt3A_123 = arith.cmpi slt, %while3A_93, %sub3A_122 : i32
      %convert_element_type3A_124 = arith.extui %lt3A_123 : i1 to i32
      %cond3A_125 = arith.constant 0 : i32
      %cond3A_126 = arith.cmpi ne, %convert_element_type3A_124, %cond3A_125 : i32
      scf.if %cond3A_126 {
        %add3A_128 = arith.addi %select_n3A, %add3A_112 : i32
        %add3A_129 = arith.constant 2 : i32
        %add3A_130 = arith.addi %add3A_128, %add3A_129 : i32
        %run_scoped3A_131 = arith.constant 1 : i32
        "tpu.region"() ({
          %run_scoped3A_143 = tpu.sem_alloc : memref<!tpu.dma_semaphore, #tpu.memory_space<semaphore_mem>>
          %dma_start3A_144 = arith.constant 0 : i32
          %dma_start3A_145 = tpu.memref_slice %arg6[%run_scoped3A_131, %dma_start3A_144] : memref<2x128xi32, #tpu.memory_space<vmem>> -> memref<1x128xi32, #tpu.memory_space<vmem>>
          %dma_start3A_146 = tpu.memref_squeeze %dma_start3A_145 : memref<1x128xi32, #tpu.memory_space<vmem>> -> memref<128xi32, #tpu.memory_space<vmem>>
          %dma_start3A_147 = arith.constant 0 : i32
          %dma_start3A_148 = tpu.memref_slice %arg3[%add3A_130, %dma_start3A_147] : memref<2560x128xi32, #tpu.memory_space<hbm>> -> memref<1x128xi32, #tpu.memory_space<hbm>>
          %dma_start3A_149 = tpu.memref_squeeze %dma_start3A_148 : memref<1x128xi32, #tpu.memory_space<hbm>> -> memref<128xi32, #tpu.memory_space<hbm>>
          %dma_start3A_150 = arith.constant 0 : i32
          %dma_start3A_151 = tpu.memref_slice %arg6[%run_scoped3A_131, %dma_start3A_150] : memref<2x128xi32, #tpu.memory_space<vmem>> -> memref<1x128xi32, #tpu.memory_space<vmem>>
          %dma_start3A_152 = tpu.memref_squeeze %dma_start3A_151 : memref<1x128xi32, #tpu.memory_space<vmem>> -> memref<128xi32, #tpu.memory_space<vmem>>
          %dma_start3A_153 = arith.constant 0 : i32
          %dma_start3A_154 = tpu.memref_slice %arg3[%add3A_130, %dma_start3A_153] : memref<2560x128xi32, #tpu.memory_space<hbm>> -> memref<1x128xi32, #tpu.memory_space<hbm>>
          %dma_start3A_155 = tpu.memref_squeeze %dma_start3A_154 : memref<1x128xi32, #tpu.memory_space<hbm>> -> memref<128xi32, #tpu.memory_space<hbm>>
          tpu.enqueue_dma source(%dma_start3A_155 : memref<128xi32, #tpu.memory_space<hbm>>) target(%dma_start3A_152 : memref<128xi32, #tpu.memory_space<vmem>>) target_semaphore(%run_scoped3A_143 : memref<!tpu.dma_semaphore, #tpu.memory_space<semaphore_mem>>)
          %dma_wait3A_156 = arith.constant 0 : i32
          %dma_wait3A_157 = tpu.memref_slice %arg6[%run_scoped3A_131, %dma_wait3A_156] : memref<2x128xi32, #tpu.memory_space<vmem>> -> memref<1x128xi32, #tpu.memory_space<vmem>>
          %dma_wait3A_158 = tpu.memref_squeeze %dma_wait3A_157 : memref<1x128xi32, #tpu.memory_space<vmem>> -> memref<128xi32, #tpu.memory_space<vmem>>
          %dma_wait3A_159 = arith.constant 0 : i32
          %dma_wait3A_160 = tpu.memref_slice %arg3[%add3A_130, %dma_wait3A_159] : memref<2560x128xi32, #tpu.memory_space<hbm>> -> memref<1x128xi32, #tpu.memory_space<hbm>>
          %dma_wait3A_161 = tpu.memref_squeeze %dma_wait3A_160 : memref<1x128xi32, #tpu.memory_space<hbm>> -> memref<128xi32, #tpu.memory_space<hbm>>
          %dma_wait3A_162 = arith.constant 0 : i32
          %dma_wait3A_163 = tpu.memref_slice %arg6[%run_scoped3A_131, %dma_wait3A_162] : memref<2x128xi32, #tpu.memory_space<vmem>> -> memref<1x128xi32, #tpu.memory_space<vmem>>
          %dma_wait3A_164 = tpu.memref_squeeze %dma_wait3A_163 : memref<1x128xi32, #tpu.memory_space<vmem>> -> memref<128xi32, #tpu.memory_space<vmem>>
          %dma_wait3A_165 = arith.constant 0 : i32
          %dma_wait3A_166 = tpu.memref_slice %arg3[%add3A_130, %dma_wait3A_165] : memref<2560x128xi32, #tpu.memory_space<hbm>> -> memref<1x128xi32, #tpu.memory_space<hbm>>
          %dma_wait3A_167 = tpu.memref_squeeze %dma_wait3A_166 : memref<1x128xi32, #tpu.memory_space<hbm>> -> memref<128xi32, #tpu.memory_space<hbm>>
          tpu.wait_dma2 semaphore(%run_scoped3A_143 : memref<!tpu.dma_semaphore, #tpu.memory_space<semaphore_mem>>) src(%dma_wait3A_167 : memref<128xi32, #tpu.memory_space<hbm>>) dst(%dma_wait3A_164 : memref<128xi32, #tpu.memory_space<vmem>>)
          tpu.yield
        }) : () -> ()
        %add3A_132 = arith.addi %select_n3A, %add3A_112 : i32
        %add3A_133 = arith.constant 2 : i32
        %add3A_134 = arith.addi %add3A_132, %add3A_133 : i32
        %run_scoped3A_135 = arith.constant 1 : i32
        "tpu.region"() ({
          %run_scoped3A_143 = tpu.sem_alloc : memref<!tpu.dma_semaphore, #tpu.memory_space<semaphore_mem>>
          %dma_start3A_144 = arith.constant 0 : i32
          %dma_start3A_145 = tpu.memref_slice %arg7[%run_scoped3A_135, %dma_start3A_144] : memref<2x128xi32, #tpu.memory_space<vmem>> -> memref<1x128xi32, #tpu.memory_space<vmem>>
          %dma_start3A_146 = tpu.memref_squeeze %dma_start3A_145 : memref<1x128xi32, #tpu.memory_space<vmem>> -> memref<128xi32, #tpu.memory_space<vmem>>
          %dma_start3A_147 = arith.constant 0 : i32
          %dma_start3A_148 = tpu.memref_slice %arg4[%add3A_134, %dma_start3A_147] : memref<2560x128xi32, #tpu.memory_space<hbm>> -> memref<1x128xi32, #tpu.memory_space<hbm>>
          %dma_start3A_149 = tpu.memref_squeeze %dma_start3A_148 : memref<1x128xi32, #tpu.memory_space<hbm>> -> memref<128xi32, #tpu.memory_space<hbm>>
          %dma_start3A_150 = arith.constant 0 : i32
          %dma_start3A_151 = tpu.memref_slice %arg7[%run_scoped3A_135, %dma_start3A_150] : memref<2x128xi32, #tpu.memory_space<vmem>> -> memref<1x128xi32, #tpu.memory_space<vmem>>
          %dma_start3A_152 = tpu.memref_squeeze %dma_start3A_151 : memref<1x128xi32, #tpu.memory_space<vmem>> -> memref<128xi32, #tpu.memory_space<vmem>>
          %dma_start3A_153 = arith.constant 0 : i32
          %dma_start3A_154 = tpu.memref_slice %arg4[%add3A_134, %dma_start3A_153] : memref<2560x128xi32, #tpu.memory_space<hbm>> -> memref<1x128xi32, #tpu.memory_space<hbm>>
          %dma_start3A_155 = tpu.memref_squeeze %dma_start3A_154 : memref<1x128xi32, #tpu.memory_space<hbm>> -> memref<128xi32, #tpu.memory_space<hbm>>
          tpu.enqueue_dma source(%dma_start3A_155 : memref<128xi32, #tpu.memory_space<hbm>>) target(%dma_start3A_152 : memref<128xi32, #tpu.memory_space<vmem>>) target_semaphore(%run_scoped3A_143 : memref<!tpu.dma_semaphore, #tpu.memory_space<semaphore_mem>>)
          %dma_wait3A_156 = arith.constant 0 : i32
          %dma_wait3A_157 = tpu.memref_slice %arg7[%run_scoped3A_135, %dma_wait3A_156] : memref<2x128xi32, #tpu.memory_space<vmem>> -> memref<1x128xi32, #tpu.memory_space<vmem>>
          %dma_wait3A_158 = tpu.memref_squeeze %dma_wait3A_157 : memref<1x128xi32, #tpu.memory_space<vmem>> -> memref<128xi32, #tpu.memory_space<vmem>>
          %dma_wait3A_159 = arith.constant 0 : i32
          %dma_wait3A_160 = tpu.memref_slice %arg4[%add3A_134, %dma_wait3A_159] : memref<2560x128xi32, #tpu.memory_space<hbm>> -> memref<1x128xi32, #tpu.memory_space<hbm>>
          %dma_wait3A_161 = tpu.memref_squeeze %dma_wait3A_160 : memref<1x128xi32, #tpu.memory_space<hbm>> -> memref<128xi32, #tpu.memory_space<hbm>>
          %dma_wait3A_162 = arith.constant 0 : i32
          %dma_wait3A_163 = tpu.memref_slice %arg7[%run_scoped3A_135, %dma_wait3A_162] : memref<2x128xi32, #tpu.memory_space<vmem>> -> memref<1x128xi32, #tpu.memory_space<vmem>>
          %dma_wait3A_164 = tpu.memref_squeeze %dma_wait3A_163 : memref<1x128xi32, #tpu.memory_space<vmem>> -> memref<128xi32, #tpu.memory_space<vmem>>
          %dma_wait3A_165 = arith.constant 0 : i32
          %dma_wait3A_166 = tpu.memref_slice %arg4[%add3A_134, %dma_wait3A_165] : memref<2560x128xi32, #tpu.memory_space<hbm>> -> memref<1x128xi32, #tpu.memory_space<hbm>>
          %dma_wait3A_167 = tpu.memref_squeeze %dma_wait3A_166 : memref<1x128xi32, #tpu.memory_space<hbm>> -> memref<128xi32, #tpu.memory_space<hbm>>
          tpu.wait_dma2 semaphore(%run_scoped3A_143 : memref<!tpu.dma_semaphore, #tpu.memory_space<semaphore_mem>>) src(%dma_wait3A_167 : memref<128xi32, #tpu.memory_space<hbm>>) dst(%dma_wait3A_164 : memref<128xi32, #tpu.memory_space<vmem>>)
          tpu.yield
        }) : () -> ()
        %dma_start3A_136 = arith.constant 1 : i32
        %dma_start3A_137 = arith.constant 0 : i32
        %dma_start3A_138 = tpu.memref_slice %arg6[%dma_start3A_136, %dma_start3A_137] : memref<2x128xi32, #tpu.memory_space<vmem>> -> memref<1x128xi32, #tpu.memory_space<vmem>>
        %dma_start3A_139 = tpu.memref_squeeze %dma_start3A_138 : memref<1x128xi32, #tpu.memory_space<vmem>> -> memref<128xi32, #tpu.memory_space<vmem>>
        %dma_start3A_140 = arith.constant 0 : i32
        %dma_start3A_141 = arith.constant 0 : i32
        %dma_start3A_142 = tpu.memref_slice %arg2[%dma_start3A_140, %dma_start3A_141] : memref<10112x128xf32, #tpu.memory_space<hbm>> -> memref<10112x128xf32, #tpu.memory_space<hbm>>
        tpu.enqueue_indirect_dma source(%dma_start3A_142 : memref<10112x128xf32, #tpu.memory_space<hbm>>) target(%arg9 : memref<128x128xf32, #tpu.memory_space<vmem>>) offsets(%dma_start3A_139 : memref<128xi32, #tpu.memory_space<vmem>>) semaphore(%arg12 : memref<!tpu.dma_semaphore, #tpu.memory_space<semaphore_mem>>)
      } else {
      }
      %while3A_127 = arith.constant 0 : i32
      scf.yield %while3A_127 : i32
    }
    %barrier3A_82 = arith.constant 0 : index
    tpu.barrier barrier_id(%barrier3A_82)
    %add3A_83 = arith.constant 0 : i32
    %add3A_84 = arith.addi %mul3A_36, %add3A_83 : i32
    "tpu.region"() ({
      %run_scoped3A_93 = tpu.sem_alloc : memref<!tpu.dma_semaphore, #tpu.memory_space<semaphore_mem>>
      %dma_start3A_94 = arith.constant 0 : i32
      %dma_start3A_95 = arith.constant 0 : i32
      %dma_start3A_96 = tpu.memref_slice %arg8[%dma_start3A_94, %dma_start3A_95] : memref<128x128xf32, #tpu.memory_space<vmem>> -> memref<128x128xf32, #tpu.memory_space<vmem>>
      %dma_start3A_97 = arith.constant 0 : i32
      %dma_start3A_98 = tpu.memref_slice %arg10[%add3A_84, %dma_start3A_97] : memref<10112x128xf32, #tpu.memory_space<vmem_shared>> -> memref<128x128xf32, #tpu.memory_space<vmem_shared>>
      %dma_start3A_99 = arith.constant 0 : i32
      %dma_start3A_100 = arith.constant 0 : i32
      %dma_start3A_101 = tpu.memref_slice %arg8[%dma_start3A_99, %dma_start3A_100] : memref<128x128xf32, #tpu.memory_space<vmem>> -> memref<128x128xf32, #tpu.memory_space<vmem>>
      %dma_start3A_102 = arith.constant 0 : i32
      %dma_start3A_103 = tpu.memref_slice %arg10[%add3A_84, %dma_start3A_102] : memref<10112x128xf32, #tpu.memory_space<vmem_shared>> -> memref<128x128xf32, #tpu.memory_space<vmem_shared>>
      tpu.enqueue_dma source(%dma_start3A_103 : memref<128x128xf32, #tpu.memory_space<vmem_shared>>) target(%dma_start3A_101 : memref<128x128xf32, #tpu.memory_space<vmem>>) target_semaphore(%run_scoped3A_93 : memref<!tpu.dma_semaphore, #tpu.memory_space<semaphore_mem>>)
      %dma_wait3A = arith.constant 0 : i32
      %dma_wait3A_104 = arith.constant 0 : i32
      %dma_wait3A_105 = tpu.memref_slice %arg8[%dma_wait3A, %dma_wait3A_104] : memref<128x128xf32, #tpu.memory_space<vmem>> -> memref<128x128xf32, #tpu.memory_space<vmem>>
      %dma_wait3A_106 = arith.constant 0 : i32
      %dma_wait3A_107 = tpu.memref_slice %arg10[%add3A_84, %dma_wait3A_106] : memref<10112x128xf32, #tpu.memory_space<vmem_shared>> -> memref<128x128xf32, #tpu.memory_space<vmem_shared>>
      %dma_wait3A_108 = arith.constant 0 : i32
      %dma_wait3A_109 = arith.constant 0 : i32
      %dma_wait3A_110 = tpu.memref_slice %arg8[%dma_wait3A_108, %dma_wait3A_109] : memref<128x128xf32, #tpu.memory_space<vmem>> -> memref<128x128xf32, #tpu.memory_space<vmem>>
      %dma_wait3A_111 = arith.constant 0 : i32
      %dma_wait3A_112 = tpu.memref_slice %arg10[%add3A_84, %dma_wait3A_111] : memref<10112x128xf32, #tpu.memory_space<vmem_shared>> -> memref<128x128xf32, #tpu.memory_space<vmem_shared>>
      tpu.wait_dma2 semaphore(%run_scoped3A_93 : memref<!tpu.dma_semaphore, #tpu.memory_space<semaphore_mem>>) src(%dma_wait3A_112 : memref<128x128xf32, #tpu.memory_space<vmem_shared>>) dst(%dma_wait3A_110 : memref<128x128xf32, #tpu.memory_space<vmem>>)
      tpu.yield
    }) : () -> ()
    "tpu.region"() ({
      %run_scoped3A_93 = tpu.sem_alloc : memref<!tpu.dma_semaphore, #tpu.memory_space<semaphore_mem>>
      %dma_start3A_94 = arith.constant 0 : i32
      %dma_start3A_95 = arith.constant 0 : i32
      %dma_start3A_96 = tpu.memref_slice %arg8[%dma_start3A_94, %dma_start3A_95] : memref<128x128xf32, #tpu.memory_space<vmem>> -> memref<128x128xf32, #tpu.memory_space<vmem>>
      %dma_start3A_97 = arith.constant 0 : i32
      %dma_start3A_98 = arith.constant 0 : i32
      %dma_start3A_99 = tpu.memref_slice %arg5[%add3A, %dma_start3A_97, %dma_start3A_98] : memref<32x632x128xf32, #tpu.memory_space<hbm>> -> memref<1x128x128xf32, #tpu.memory_space<hbm>>
      %dma_start3A_100 = tpu.memref_squeeze %dma_start3A_99 : memref<1x128x128xf32, #tpu.memory_space<hbm>> -> memref<128x128xf32, #tpu.memory_space<hbm>>
      %dma_start3A_101 = arith.constant 0 : i32
      %dma_start3A_102 = arith.constant 0 : i32
      %dma_start3A_103 = tpu.memref_slice %arg5[%add3A, %dma_start3A_101, %dma_start3A_102] : memref<32x632x128xf32, #tpu.memory_space<hbm>> -> memref<1x128x128xf32, #tpu.memory_space<hbm>>
      %dma_start3A_104 = tpu.memref_squeeze %dma_start3A_103 : memref<1x128x128xf32, #tpu.memory_space<hbm>> -> memref<128x128xf32, #tpu.memory_space<hbm>>
      %dma_start3A_105 = arith.constant 0 : i32
      %dma_start3A_106 = arith.constant 0 : i32
      %dma_start3A_107 = tpu.memref_slice %arg8[%dma_start3A_105, %dma_start3A_106] : memref<128x128xf32, #tpu.memory_space<vmem>> -> memref<128x128xf32, #tpu.memory_space<vmem>>
      tpu.enqueue_dma source(%dma_start3A_107 : memref<128x128xf32, #tpu.memory_space<vmem>>) target(%dma_start3A_104 : memref<128x128xf32, #tpu.memory_space<hbm>>) target_semaphore(%run_scoped3A_93 : memref<!tpu.dma_semaphore, #tpu.memory_space<semaphore_mem>>)
      %dma_wait3A = arith.constant 0 : i32
      %dma_wait3A_108 = arith.constant 0 : i32
      %dma_wait3A_109 = tpu.memref_slice %arg8[%dma_wait3A, %dma_wait3A_108] : memref<128x128xf32, #tpu.memory_space<vmem>> -> memref<128x128xf32, #tpu.memory_space<vmem>>
      %dma_wait3A_110 = arith.constant 0 : i32
      %dma_wait3A_111 = arith.constant 0 : i32
      %dma_wait3A_112 = tpu.memref_slice %arg5[%add3A, %dma_wait3A_110, %dma_wait3A_111] : memref<32x632x128xf32, #tpu.memory_space<hbm>> -> memref<1x128x128xf32, #tpu.memory_space<hbm>>
      %dma_wait3A_113 = tpu.memref_squeeze %dma_wait3A_112 : memref<1x128x128xf32, #tpu.memory_space<hbm>> -> memref<128x128xf32, #tpu.memory_space<hbm>>
      %dma_wait3A_114 = arith.constant 0 : i32
      %dma_wait3A_115 = arith.constant 0 : i32
      %dma_wait3A_116 = tpu.memref_slice %arg5[%add3A, %dma_wait3A_114, %dma_wait3A_115] : memref<32x632x128xf32, #tpu.memory_space<hbm>> -> memref<1x128x128xf32, #tpu.memory_space<hbm>>
      %dma_wait3A_117 = tpu.memref_squeeze %dma_wait3A_116 : memref<1x128x128xf32, #tpu.memory_space<hbm>> -> memref<128x128xf32, #tpu.memory_space<hbm>>
      %dma_wait3A_118 = arith.constant 0 : i32
      %dma_wait3A_119 = arith.constant 0 : i32
      %dma_wait3A_120 = tpu.memref_slice %arg8[%dma_wait3A_118, %dma_wait3A_119] : memref<128x128xf32, #tpu.memory_space<vmem>> -> memref<128x128xf32, #tpu.memory_space<vmem>>
      tpu.wait_dma2 semaphore(%run_scoped3A_93 : memref<!tpu.dma_semaphore, #tpu.memory_space<semaphore_mem>>) src(%dma_wait3A_120 : memref<128x128xf32, #tpu.memory_space<vmem>>) dst(%dma_wait3A_117 : memref<128x128xf32, #tpu.memory_space<hbm>>)
      tpu.yield
    }) : () -> ()
    %add3A_85 = arith.constant 128 : i32
    %add3A_86 = arith.addi %mul3A_36, %add3A_85 : i32
    "tpu.region"() ({
      %run_scoped3A_93 = tpu.sem_alloc : memref<!tpu.dma_semaphore, #tpu.memory_space<semaphore_mem>>
      %dma_start3A_94 = arith.constant 0 : i32
      %dma_start3A_95 = arith.constant 0 : i32
      %dma_start3A_96 = tpu.memref_slice %arg8[%dma_start3A_94, %dma_start3A_95] : memref<128x128xf32, #tpu.memory_space<vmem>> -> memref<128x128xf32, #tpu.memory_space<vmem>>
      %dma_start3A_97 = arith.constant 0 : i32
      %dma_start3A_98 = tpu.memref_slice %arg10[%add3A_86, %dma_start3A_97] : memref<10112x128xf32, #tpu.memory_space<vmem_shared>> -> memref<128x128xf32, #tpu.memory_space<vmem_shared>>
      %dma_start3A_99 = arith.constant 0 : i32
      %dma_start3A_100 = arith.constant 0 : i32
      %dma_start3A_101 = tpu.memref_slice %arg8[%dma_start3A_99, %dma_start3A_100] : memref<128x128xf32, #tpu.memory_space<vmem>> -> memref<128x128xf32, #tpu.memory_space<vmem>>
      %dma_start3A_102 = arith.constant 0 : i32
      %dma_start3A_103 = tpu.memref_slice %arg10[%add3A_86, %dma_start3A_102] : memref<10112x128xf32, #tpu.memory_space<vmem_shared>> -> memref<128x128xf32, #tpu.memory_space<vmem_shared>>
      tpu.enqueue_dma source(%dma_start3A_103 : memref<128x128xf32, #tpu.memory_space<vmem_shared>>) target(%dma_start3A_101 : memref<128x128xf32, #tpu.memory_space<vmem>>) target_semaphore(%run_scoped3A_93 : memref<!tpu.dma_semaphore, #tpu.memory_space<semaphore_mem>>)
      %dma_wait3A = arith.constant 0 : i32
      %dma_wait3A_104 = arith.constant 0 : i32
      %dma_wait3A_105 = tpu.memref_slice %arg8[%dma_wait3A, %dma_wait3A_104] : memref<128x128xf32, #tpu.memory_space<vmem>> -> memref<128x128xf32, #tpu.memory_space<vmem>>
      %dma_wait3A_106 = arith.constant 0 : i32
      %dma_wait3A_107 = tpu.memref_slice %arg10[%add3A_86, %dma_wait3A_106] : memref<10112x128xf32, #tpu.memory_space<vmem_shared>> -> memref<128x128xf32, #tpu.memory_space<vmem_shared>>
      %dma_wait3A_108 = arith.constant 0 : i32
      %dma_wait3A_109 = arith.constant 0 : i32
      %dma_wait3A_110 = tpu.memref_slice %arg8[%dma_wait3A_108, %dma_wait3A_109] : memref<128x128xf32, #tpu.memory_space<vmem>> -> memref<128x128xf32, #tpu.memory_space<vmem>>
      %dma_wait3A_111 = arith.constant 0 : i32
      %dma_wait3A_112 = tpu.memref_slice %arg10[%add3A_86, %dma_wait3A_111] : memref<10112x128xf32, #tpu.memory_space<vmem_shared>> -> memref<128x128xf32, #tpu.memory_space<vmem_shared>>
      tpu.wait_dma2 semaphore(%run_scoped3A_93 : memref<!tpu.dma_semaphore, #tpu.memory_space<semaphore_mem>>) src(%dma_wait3A_112 : memref<128x128xf32, #tpu.memory_space<vmem_shared>>) dst(%dma_wait3A_110 : memref<128x128xf32, #tpu.memory_space<vmem>>)
      tpu.yield
    }) : () -> ()
    "tpu.region"() ({
      %run_scoped3A_93 = tpu.sem_alloc : memref<!tpu.dma_semaphore, #tpu.memory_space<semaphore_mem>>
      %dma_start3A_94 = arith.constant 0 : i32
      %dma_start3A_95 = arith.constant 0 : i32
      %dma_start3A_96 = tpu.memref_slice %arg8[%dma_start3A_94, %dma_start3A_95] : memref<128x128xf32, #tpu.memory_space<vmem>> -> memref<128x128xf32, #tpu.memory_space<vmem>>
      %dma_start3A_97 = arith.constant 128 : i32
      %dma_start3A_98 = arith.constant 0 : i32
      %dma_start3A_99 = tpu.memref_slice %arg5[%add3A, %dma_start3A_97, %dma_start3A_98] : memref<32x632x128xf32, #tpu.memory_space<hbm>> -> memref<1x128x128xf32, #tpu.memory_space<hbm>>
      %dma_start3A_100 = tpu.memref_squeeze %dma_start3A_99 : memref<1x128x128xf32, #tpu.memory_space<hbm>> -> memref<128x128xf32, #tpu.memory_space<hbm>>
      %dma_start3A_101 = arith.constant 128 : i32
      %dma_start3A_102 = arith.constant 0 : i32
      %dma_start3A_103 = tpu.memref_slice %arg5[%add3A, %dma_start3A_101, %dma_start3A_102] : memref<32x632x128xf32, #tpu.memory_space<hbm>> -> memref<1x128x128xf32, #tpu.memory_space<hbm>>
      %dma_start3A_104 = tpu.memref_squeeze %dma_start3A_103 : memref<1x128x128xf32, #tpu.memory_space<hbm>> -> memref<128x128xf32, #tpu.memory_space<hbm>>
      %dma_start3A_105 = arith.constant 0 : i32
      %dma_start3A_106 = arith.constant 0 : i32
      %dma_start3A_107 = tpu.memref_slice %arg8[%dma_start3A_105, %dma_start3A_106] : memref<128x128xf32, #tpu.memory_space<vmem>> -> memref<128x128xf32, #tpu.memory_space<vmem>>
      tpu.enqueue_dma source(%dma_start3A_107 : memref<128x128xf32, #tpu.memory_space<vmem>>) target(%dma_start3A_104 : memref<128x128xf32, #tpu.memory_space<hbm>>) target_semaphore(%run_scoped3A_93 : memref<!tpu.dma_semaphore, #tpu.memory_space<semaphore_mem>>)
      %dma_wait3A = arith.constant 0 : i32
      %dma_wait3A_108 = arith.constant 0 : i32
      %dma_wait3A_109 = tpu.memref_slice %arg8[%dma_wait3A, %dma_wait3A_108] : memref<128x128xf32, #tpu.memory_space<vmem>> -> memref<128x128xf32, #tpu.memory_space<vmem>>
      %dma_wait3A_110 = arith.constant 128 : i32
      %dma_wait3A_111 = arith.constant 0 : i32
      %dma_wait3A_112 = tpu.memref_slice %arg5[%add3A, %dma_wait3A_110, %dma_wait3A_111] : memref<32x632x128xf32, #tpu.memory_space<hbm>> -> memref<1x128x128xf32, #tpu.memory_space<hbm>>
      %dma_wait3A_113 = tpu.memref_squeeze %dma_wait3A_112 : memref<1x128x128xf32, #tpu.memory_space<hbm>> -> memref<128x128xf32, #tpu.memory_space<hbm>>
      %dma_wait3A_114 = arith.constant 128 : i32
      %dma_wait3A_115 = arith.constant 0 : i32
      %dma_wait3A_116 = tpu.memref_slice %arg5[%add3A, %dma_wait3A_114, %dma_wait3A_115] : memref<32x632x128xf32, #tpu.memory_space<hbm>> -> memref<1x128x128xf32, #tpu.memory_space<hbm>>
      %dma_wait3A_117 = tpu.memref_squeeze %dma_wait3A_116 : memref<1x128x128xf32, #tpu.memory_space<hbm>> -> memref<128x128xf32, #tpu.memory_space<hbm>>
      %dma_wait3A_118 = arith.constant 0 : i32
      %dma_wait3A_119 = arith.constant 0 : i32
      %dma_wait3A_120 = tpu.memref_slice %arg8[%dma_wait3A_118, %dma_wait3A_119] : memref<128x128xf32, #tpu.memory_space<vmem>> -> memref<128x128xf32, #tpu.memory_space<vmem>>
      tpu.wait_dma2 semaphore(%run_scoped3A_93 : memref<!tpu.dma_semaphore, #tpu.memory_space<semaphore_mem>>) src(%dma_wait3A_120 : memref<128x128xf32, #tpu.memory_space<vmem>>) dst(%dma_wait3A_117 : memref<128x128xf32, #tpu.memory_space<hbm>>)
      tpu.yield
    }) : () -> ()
    %add3A_87 = arith.constant 256 : i32
    %add3A_88 = arith.addi %mul3A_36, %add3A_87 : i32
    "tpu.region"() ({
      %run_scoped3A_93 = tpu.sem_alloc : memref<!tpu.dma_semaphore, #tpu.memory_space<semaphore_mem>>
      %dma_start3A_94 = arith.constant 0 : i32
      %dma_start3A_95 = arith.constant 0 : i32
      %dma_start3A_96 = tpu.memref_slice %arg8[%dma_start3A_94, %dma_start3A_95] : memref<128x128xf32, #tpu.memory_space<vmem>> -> memref<128x128xf32, #tpu.memory_space<vmem>>
      %dma_start3A_97 = arith.constant 0 : i32
      %dma_start3A_98 = tpu.memref_slice %arg10[%add3A_88, %dma_start3A_97] : memref<10112x128xf32, #tpu.memory_space<vmem_shared>> -> memref<128x128xf32, #tpu.memory_space<vmem_shared>>
      %dma_start3A_99 = arith.constant 0 : i32
      %dma_start3A_100 = arith.constant 0 : i32
      %dma_start3A_101 = tpu.memref_slice %arg8[%dma_start3A_99, %dma_start3A_100] : memref<128x128xf32, #tpu.memory_space<vmem>> -> memref<128x128xf32, #tpu.memory_space<vmem>>
      %dma_start3A_102 = arith.constant 0 : i32
      %dma_start3A_103 = tpu.memref_slice %arg10[%add3A_88, %dma_start3A_102] : memref<10112x128xf32, #tpu.memory_space<vmem_shared>> -> memref<128x128xf32, #tpu.memory_space<vmem_shared>>
      tpu.enqueue_dma source(%dma_start3A_103 : memref<128x128xf32, #tpu.memory_space<vmem_shared>>) target(%dma_start3A_101 : memref<128x128xf32, #tpu.memory_space<vmem>>) target_semaphore(%run_scoped3A_93 : memref<!tpu.dma_semaphore, #tpu.memory_space<semaphore_mem>>)
      %dma_wait3A = arith.constant 0 : i32
      %dma_wait3A_104 = arith.constant 0 : i32
      %dma_wait3A_105 = tpu.memref_slice %arg8[%dma_wait3A, %dma_wait3A_104] : memref<128x128xf32, #tpu.memory_space<vmem>> -> memref<128x128xf32, #tpu.memory_space<vmem>>
      %dma_wait3A_106 = arith.constant 0 : i32
      %dma_wait3A_107 = tpu.memref_slice %arg10[%add3A_88, %dma_wait3A_106] : memref<10112x128xf32, #tpu.memory_space<vmem_shared>> -> memref<128x128xf32, #tpu.memory_space<vmem_shared>>
      %dma_wait3A_108 = arith.constant 0 : i32
      %dma_wait3A_109 = arith.constant 0 : i32
      %dma_wait3A_110 = tpu.memref_slice %arg8[%dma_wait3A_108, %dma_wait3A_109] : memref<128x128xf32, #tpu.memory_space<vmem>> -> memref<128x128xf32, #tpu.memory_space<vmem>>
      %dma_wait3A_111 = arith.constant 0 : i32
      %dma_wait3A_112 = tpu.memref_slice %arg10[%add3A_88, %dma_wait3A_111] : memref<10112x128xf32, #tpu.memory_space<vmem_shared>> -> memref<128x128xf32, #tpu.memory_space<vmem_shared>>
      tpu.wait_dma2 semaphore(%run_scoped3A_93 : memref<!tpu.dma_semaphore, #tpu.memory_space<semaphore_mem>>) src(%dma_wait3A_112 : memref<128x128xf32, #tpu.memory_space<vmem_shared>>) dst(%dma_wait3A_110 : memref<128x128xf32, #tpu.memory_space<vmem>>)
      tpu.yield
    }) : () -> ()
    "tpu.region"() ({
      %run_scoped3A_93 = tpu.sem_alloc : memref<!tpu.dma_semaphore, #tpu.memory_space<semaphore_mem>>
      %dma_start3A_94 = arith.constant 0 : i32
      %dma_start3A_95 = arith.constant 0 : i32
      %dma_start3A_96 = tpu.memref_slice %arg8[%dma_start3A_94, %dma_start3A_95] : memref<128x128xf32, #tpu.memory_space<vmem>> -> memref<128x128xf32, #tpu.memory_space<vmem>>
      %dma_start3A_97 = arith.constant 256 : i32
      %dma_start3A_98 = arith.constant 0 : i32
      %dma_start3A_99 = tpu.memref_slice %arg5[%add3A, %dma_start3A_97, %dma_start3A_98] : memref<32x632x128xf32, #tpu.memory_space<hbm>> -> memref<1x128x128xf32, #tpu.memory_space<hbm>>
      %dma_start3A_100 = tpu.memref_squeeze %dma_start3A_99 : memref<1x128x128xf32, #tpu.memory_space<hbm>> -> memref<128x128xf32, #tpu.memory_space<hbm>>
      %dma_start3A_101 = arith.constant 256 : i32
      %dma_start3A_102 = arith.constant 0 : i32
      %dma_start3A_103 = tpu.memref_slice %arg5[%add3A, %dma_start3A_101, %dma_start3A_102] : memref<32x632x128xf32, #tpu.memory_space<hbm>> -> memref<1x128x128xf32, #tpu.memory_space<hbm>>
      %dma_start3A_104 = tpu.memref_squeeze %dma_start3A_103 : memref<1x128x128xf32, #tpu.memory_space<hbm>> -> memref<128x128xf32, #tpu.memory_space<hbm>>
      %dma_start3A_105 = arith.constant 0 : i32
      %dma_start3A_106 = arith.constant 0 : i32
      %dma_start3A_107 = tpu.memref_slice %arg8[%dma_start3A_105, %dma_start3A_106] : memref<128x128xf32, #tpu.memory_space<vmem>> -> memref<128x128xf32, #tpu.memory_space<vmem>>
      tpu.enqueue_dma source(%dma_start3A_107 : memref<128x128xf32, #tpu.memory_space<vmem>>) target(%dma_start3A_104 : memref<128x128xf32, #tpu.memory_space<hbm>>) target_semaphore(%run_scoped3A_93 : memref<!tpu.dma_semaphore, #tpu.memory_space<semaphore_mem>>)
      %dma_wait3A = arith.constant 0 : i32
      %dma_wait3A_108 = arith.constant 0 : i32
      %dma_wait3A_109 = tpu.memref_slice %arg8[%dma_wait3A, %dma_wait3A_108] : memref<128x128xf32, #tpu.memory_space<vmem>> -> memref<128x128xf32, #tpu.memory_space<vmem>>
      %dma_wait3A_110 = arith.constant 256 : i32
      %dma_wait3A_111 = arith.constant 0 : i32
      %dma_wait3A_112 = tpu.memref_slice %arg5[%add3A, %dma_wait3A_110, %dma_wait3A_111] : memref<32x632x128xf32, #tpu.memory_space<hbm>> -> memref<1x128x128xf32, #tpu.memory_space<hbm>>
      %dma_wait3A_113 = tpu.memref_squeeze %dma_wait3A_112 : memref<1x128x128xf32, #tpu.memory_space<hbm>> -> memref<128x128xf32, #tpu.memory_space<hbm>>
      %dma_wait3A_114 = arith.constant 256 : i32
      %dma_wait3A_115 = arith.constant 0 : i32
      %dma_wait3A_116 = tpu.memref_slice %arg5[%add3A, %dma_wait3A_114, %dma_wait3A_115] : memref<32x632x128xf32, #tpu.memory_space<hbm>> -> memref<1x128x128xf32, #tpu.memory_space<hbm>>
      %dma_wait3A_117 = tpu.memref_squeeze %dma_wait3A_116 : memref<1x128x128xf32, #tpu.memory_space<hbm>> -> memref<128x128xf32, #tpu.memory_space<hbm>>
      %dma_wait3A_118 = arith.constant 0 : i32
      %dma_wait3A_119 = arith.constant 0 : i32
      %dma_wait3A_120 = tpu.memref_slice %arg8[%dma_wait3A_118, %dma_wait3A_119] : memref<128x128xf32, #tpu.memory_space<vmem>> -> memref<128x128xf32, #tpu.memory_space<vmem>>
      tpu.wait_dma2 semaphore(%run_scoped3A_93 : memref<!tpu.dma_semaphore, #tpu.memory_space<semaphore_mem>>) src(%dma_wait3A_120 : memref<128x128xf32, #tpu.memory_space<vmem>>) dst(%dma_wait3A_117 : memref<128x128xf32, #tpu.memory_space<hbm>>)
      tpu.yield
    }) : () -> ()
    %add3A_89 = arith.constant 384 : i32
    %add3A_90 = arith.addi %mul3A_36, %add3A_89 : i32
    "tpu.region"() ({
      %run_scoped3A_93 = tpu.sem_alloc : memref<!tpu.dma_semaphore, #tpu.memory_space<semaphore_mem>>
      %dma_start3A_94 = arith.constant 0 : i32
      %dma_start3A_95 = arith.constant 0 : i32
      %dma_start3A_96 = tpu.memref_slice %arg8[%dma_start3A_94, %dma_start3A_95] : memref<128x128xf32, #tpu.memory_space<vmem>> -> memref<128x128xf32, #tpu.memory_space<vmem>>
      %dma_start3A_97 = arith.constant 0 : i32
      %dma_start3A_98 = tpu.memref_slice %arg10[%add3A_90, %dma_start3A_97] : memref<10112x128xf32, #tpu.memory_space<vmem_shared>> -> memref<128x128xf32, #tpu.memory_space<vmem_shared>>
      %dma_start3A_99 = arith.constant 0 : i32
      %dma_start3A_100 = arith.constant 0 : i32
      %dma_start3A_101 = tpu.memref_slice %arg8[%dma_start3A_99, %dma_start3A_100] : memref<128x128xf32, #tpu.memory_space<vmem>> -> memref<128x128xf32, #tpu.memory_space<vmem>>
      %dma_start3A_102 = arith.constant 0 : i32
      %dma_start3A_103 = tpu.memref_slice %arg10[%add3A_90, %dma_start3A_102] : memref<10112x128xf32, #tpu.memory_space<vmem_shared>> -> memref<128x128xf32, #tpu.memory_space<vmem_shared>>
      tpu.enqueue_dma source(%dma_start3A_103 : memref<128x128xf32, #tpu.memory_space<vmem_shared>>) target(%dma_start3A_101 : memref<128x128xf32, #tpu.memory_space<vmem>>) target_semaphore(%run_scoped3A_93 : memref<!tpu.dma_semaphore, #tpu.memory_space<semaphore_mem>>)
      %dma_wait3A = arith.constant 0 : i32
      %dma_wait3A_104 = arith.constant 0 : i32
      %dma_wait3A_105 = tpu.memref_slice %arg8[%dma_wait3A, %dma_wait3A_104] : memref<128x128xf32, #tpu.memory_space<vmem>> -> memref<128x128xf32, #tpu.memory_space<vmem>>
      %dma_wait3A_106 = arith.constant 0 : i32
      %dma_wait3A_107 = tpu.memref_slice %arg10[%add3A_90, %dma_wait3A_106] : memref<10112x128xf32, #tpu.memory_space<vmem_shared>> -> memref<128x128xf32, #tpu.memory_space<vmem_shared>>
      %dma_wait3A_108 = arith.constant 0 : i32
      %dma_wait3A_109 = arith.constant 0 : i32
      %dma_wait3A_110 = tpu.memref_slice %arg8[%dma_wait3A_108, %dma_wait3A_109] : memref<128x128xf32, #tpu.memory_space<vmem>> -> memref<128x128xf32, #tpu.memory_space<vmem>>
      %dma_wait3A_111 = arith.constant 0 : i32
      %dma_wait3A_112 = tpu.memref_slice %arg10[%add3A_90, %dma_wait3A_111] : memref<10112x128xf32, #tpu.memory_space<vmem_shared>> -> memref<128x128xf32, #tpu.memory_space<vmem_shared>>
      tpu.wait_dma2 semaphore(%run_scoped3A_93 : memref<!tpu.dma_semaphore, #tpu.memory_space<semaphore_mem>>) src(%dma_wait3A_112 : memref<128x128xf32, #tpu.memory_space<vmem_shared>>) dst(%dma_wait3A_110 : memref<128x128xf32, #tpu.memory_space<vmem>>)
      tpu.yield
    }) : () -> ()
    "tpu.region"() ({
      %run_scoped3A_93 = tpu.sem_alloc : memref<!tpu.dma_semaphore, #tpu.memory_space<semaphore_mem>>
      %dma_start3A_94 = arith.constant 0 : i32
      %dma_start3A_95 = arith.constant 0 : i32
      %dma_start3A_96 = tpu.memref_slice %arg8[%dma_start3A_94, %dma_start3A_95] : memref<128x128xf32, #tpu.memory_space<vmem>> -> memref<128x128xf32, #tpu.memory_space<vmem>>
      %dma_start3A_97 = arith.constant 384 : i32
      %dma_start3A_98 = arith.constant 0 : i32
      %dma_start3A_99 = tpu.memref_slice %arg5[%add3A, %dma_start3A_97, %dma_start3A_98] : memref<32x632x128xf32, #tpu.memory_space<hbm>> -> memref<1x128x128xf32, #tpu.memory_space<hbm>>
      %dma_start3A_100 = tpu.memref_squeeze %dma_start3A_99 : memref<1x128x128xf32, #tpu.memory_space<hbm>> -> memref<128x128xf32, #tpu.memory_space<hbm>>
      %dma_start3A_101 = arith.constant 384 : i32
      %dma_start3A_102 = arith.constant 0 : i32
      %dma_start3A_103 = tpu.memref_slice %arg5[%add3A, %dma_start3A_101, %dma_start3A_102] : memref<32x632x128xf32, #tpu.memory_space<hbm>> -> memref<1x128x128xf32, #tpu.memory_space<hbm>>
      %dma_start3A_104 = tpu.memref_squeeze %dma_start3A_103 : memref<1x128x128xf32, #tpu.memory_space<hbm>> -> memref<128x128xf32, #tpu.memory_space<hbm>>
      %dma_start3A_105 = arith.constant 0 : i32
      %dma_start3A_106 = arith.constant 0 : i32
      %dma_start3A_107 = tpu.memref_slice %arg8[%dma_start3A_105, %dma_start3A_106] : memref<128x128xf32, #tpu.memory_space<vmem>> -> memref<128x128xf32, #tpu.memory_space<vmem>>
      tpu.enqueue_dma source(%dma_start3A_107 : memref<128x128xf32, #tpu.memory_space<vmem>>) target(%dma_start3A_104 : memref<128x128xf32, #tpu.memory_space<hbm>>) target_semaphore(%run_scoped3A_93 : memref<!tpu.dma_semaphore, #tpu.memory_space<semaphore_mem>>)
      %dma_wait3A = arith.constant 0 : i32
      %dma_wait3A_108 = arith.constant 0 : i32
      %dma_wait3A_109 = tpu.memref_slice %arg8[%dma_wait3A, %dma_wait3A_108] : memref<128x128xf32, #tpu.memory_space<vmem>> -> memref<128x128xf32, #tpu.memory_space<vmem>>
      %dma_wait3A_110 = arith.constant 384 : i32
      %dma_wait3A_111 = arith.constant 0 : i32
      %dma_wait3A_112 = tpu.memref_slice %arg5[%add3A, %dma_wait3A_110, %dma_wait3A_111] : memref<32x632x128xf32, #tpu.memory_space<hbm>> -> memref<1x128x128xf32, #tpu.memory_space<hbm>>
      %dma_wait3A_113 = tpu.memref_squeeze %dma_wait3A_112 : memref<1x128x128xf32, #tpu.memory_space<hbm>> -> memref<128x128xf32, #tpu.memory_space<hbm>>
      %dma_wait3A_114 = arith.constant 384 : i32
      %dma_wait3A_115 = arith.constant 0 : i32
      %dma_wait3A_116 = tpu.memref_slice %arg5[%add3A, %dma_wait3A_114, %dma_wait3A_115] : memref<32x632x128xf32, #tpu.memory_space<hbm>> -> memref<1x128x128xf32, #tpu.memory_space<hbm>>
      %dma_wait3A_117 = tpu.memref_squeeze %dma_wait3A_116 : memref<1x128x128xf32, #tpu.memory_space<hbm>> -> memref<128x128xf32, #tpu.memory_space<hbm>>
      %dma_wait3A_118 = arith.constant 0 : i32
      %dma_wait3A_119 = arith.constant 0 : i32
      %dma_wait3A_120 = tpu.memref_slice %arg8[%dma_wait3A_118, %dma_wait3A_119] : memref<128x128xf32, #tpu.memory_space<vmem>> -> memref<128x128xf32, #tpu.memory_space<vmem>>
      tpu.wait_dma2 semaphore(%run_scoped3A_93 : memref<!tpu.dma_semaphore, #tpu.memory_space<semaphore_mem>>) src(%dma_wait3A_120 : memref<128x128xf32, #tpu.memory_space<vmem>>) dst(%dma_wait3A_117 : memref<128x128xf32, #tpu.memory_space<hbm>>)
      tpu.yield
    }) : () -> ()
    %add3A_91 = arith.constant 512 : i32
    %add3A_92 = arith.addi %mul3A_36, %add3A_91 : i32
    "tpu.region"() ({
      %run_scoped3A_93 = tpu.sem_alloc : memref<!tpu.dma_semaphore, #tpu.memory_space<semaphore_mem>>
      %dma_start3A_94 = arith.constant 0 : i32
      %dma_start3A_95 = arith.constant 0 : i32
      %dma_start3A_96 = tpu.memref_slice %arg8[%dma_start3A_94, %dma_start3A_95] : memref<128x128xf32, #tpu.memory_space<vmem>> -> memref<120x128xf32, #tpu.memory_space<vmem>>
      %dma_start3A_97 = arith.constant 0 : i32
      %dma_start3A_98 = tpu.memref_slice %arg10[%add3A_92, %dma_start3A_97] : memref<10112x128xf32, #tpu.memory_space<vmem_shared>> -> memref<120x128xf32, #tpu.memory_space<vmem_shared>>
      %dma_start3A_99 = arith.constant 0 : i32
      %dma_start3A_100 = arith.constant 0 : i32
      %dma_start3A_101 = tpu.memref_slice %arg8[%dma_start3A_99, %dma_start3A_100] : memref<128x128xf32, #tpu.memory_space<vmem>> -> memref<120x128xf32, #tpu.memory_space<vmem>>
      %dma_start3A_102 = arith.constant 0 : i32
      %dma_start3A_103 = tpu.memref_slice %arg10[%add3A_92, %dma_start3A_102] : memref<10112x128xf32, #tpu.memory_space<vmem_shared>> -> memref<120x128xf32, #tpu.memory_space<vmem_shared>>
      tpu.enqueue_dma source(%dma_start3A_103 : memref<120x128xf32, #tpu.memory_space<vmem_shared>>) target(%dma_start3A_101 : memref<120x128xf32, #tpu.memory_space<vmem>>) target_semaphore(%run_scoped3A_93 : memref<!tpu.dma_semaphore, #tpu.memory_space<semaphore_mem>>)
      %dma_wait3A = arith.constant 0 : i32
      %dma_wait3A_104 = arith.constant 0 : i32
      %dma_wait3A_105 = tpu.memref_slice %arg8[%dma_wait3A, %dma_wait3A_104] : memref<128x128xf32, #tpu.memory_space<vmem>> -> memref<120x128xf32, #tpu.memory_space<vmem>>
      %dma_wait3A_106 = arith.constant 0 : i32
      %dma_wait3A_107 = tpu.memref_slice %arg10[%add3A_92, %dma_wait3A_106] : memref<10112x128xf32, #tpu.memory_space<vmem_shared>> -> memref<120x128xf32, #tpu.memory_space<vmem_shared>>
      %dma_wait3A_108 = arith.constant 0 : i32
      %dma_wait3A_109 = arith.constant 0 : i32
      %dma_wait3A_110 = tpu.memref_slice %arg8[%dma_wait3A_108, %dma_wait3A_109] : memref<128x128xf32, #tpu.memory_space<vmem>> -> memref<120x128xf32, #tpu.memory_space<vmem>>
      %dma_wait3A_111 = arith.constant 0 : i32
      %dma_wait3A_112 = tpu.memref_slice %arg10[%add3A_92, %dma_wait3A_111] : memref<10112x128xf32, #tpu.memory_space<vmem_shared>> -> memref<120x128xf32, #tpu.memory_space<vmem_shared>>
      tpu.wait_dma2 semaphore(%run_scoped3A_93 : memref<!tpu.dma_semaphore, #tpu.memory_space<semaphore_mem>>) src(%dma_wait3A_112 : memref<120x128xf32, #tpu.memory_space<vmem_shared>>) dst(%dma_wait3A_110 : memref<120x128xf32, #tpu.memory_space<vmem>>)
      tpu.yield
    }) : () -> ()
    "tpu.region"() ({
      %run_scoped3A_93 = tpu.sem_alloc : memref<!tpu.dma_semaphore, #tpu.memory_space<semaphore_mem>>
      %dma_start3A_94 = arith.constant 0 : i32
      %dma_start3A_95 = arith.constant 0 : i32
      %dma_start3A_96 = tpu.memref_slice %arg8[%dma_start3A_94, %dma_start3A_95] : memref<128x128xf32, #tpu.memory_space<vmem>> -> memref<120x128xf32, #tpu.memory_space<vmem>>
      %dma_start3A_97 = arith.constant 512 : i32
      %dma_start3A_98 = arith.constant 0 : i32
      %dma_start3A_99 = tpu.memref_slice %arg5[%add3A, %dma_start3A_97, %dma_start3A_98] : memref<32x632x128xf32, #tpu.memory_space<hbm>> -> memref<1x120x128xf32, #tpu.memory_space<hbm>>
      %dma_start3A_100 = tpu.memref_squeeze %dma_start3A_99 : memref<1x120x128xf32, #tpu.memory_space<hbm>> -> memref<120x128xf32, #tpu.memory_space<hbm>>
      %dma_start3A_101 = arith.constant 512 : i32
      %dma_start3A_102 = arith.constant 0 : i32
      %dma_start3A_103 = tpu.memref_slice %arg5[%add3A, %dma_start3A_101, %dma_start3A_102] : memref<32x632x128xf32, #tpu.memory_space<hbm>> -> memref<1x120x128xf32, #tpu.memory_space<hbm>>
      %dma_start3A_104 = tpu.memref_squeeze %dma_start3A_103 : memref<1x120x128xf32, #tpu.memory_space<hbm>> -> memref<120x128xf32, #tpu.memory_space<hbm>>
      %dma_start3A_105 = arith.constant 0 : i32
      %dma_start3A_106 = arith.constant 0 : i32
      %dma_start3A_107 = tpu.memref_slice %arg8[%dma_start3A_105, %dma_start3A_106] : memref<128x128xf32, #tpu.memory_space<vmem>> -> memref<120x128xf32, #tpu.memory_space<vmem>>
      tpu.enqueue_dma source(%dma_start3A_107 : memref<120x128xf32, #tpu.memory_space<vmem>>) target(%dma_start3A_104 : memref<120x128xf32, #tpu.memory_space<hbm>>) target_semaphore(%run_scoped3A_93 : memref<!tpu.dma_semaphore, #tpu.memory_space<semaphore_mem>>)
      %dma_wait3A = arith.constant 0 : i32
      %dma_wait3A_108 = arith.constant 0 : i32
      %dma_wait3A_109 = tpu.memref_slice %arg8[%dma_wait3A, %dma_wait3A_108] : memref<128x128xf32, #tpu.memory_space<vmem>> -> memref<120x128xf32, #tpu.memory_space<vmem>>
      %dma_wait3A_110 = arith.constant 512 : i32
      %dma_wait3A_111 = arith.constant 0 : i32
      %dma_wait3A_112 = tpu.memref_slice %arg5[%add3A, %dma_wait3A_110, %dma_wait3A_111] : memref<32x632x128xf32, #tpu.memory_space<hbm>> -> memref<1x120x128xf32, #tpu.memory_space<hbm>>
      %dma_wait3A_113 = tpu.memref_squeeze %dma_wait3A_112 : memref<1x120x128xf32, #tpu.memory_space<hbm>> -> memref<120x128xf32, #tpu.memory_space<hbm>>
      %dma_wait3A_114 = arith.constant 512 : i32
      %dma_wait3A_115 = arith.constant 0 : i32
      %dma_wait3A_116 = tpu.memref_slice %arg5[%add3A, %dma_wait3A_114, %dma_wait3A_115] : memref<32x632x128xf32, #tpu.memory_space<hbm>> -> memref<1x120x128xf32, #tpu.memory_space<hbm>>
      %dma_wait3A_117 = tpu.memref_squeeze %dma_wait3A_116 : memref<1x120x128xf32, #tpu.memory_space<hbm>> -> memref<120x128xf32, #tpu.memory_space<hbm>>
      %dma_wait3A_118 = arith.constant 0 : i32
      %dma_wait3A_119 = arith.constant 0 : i32
      %dma_wait3A_120 = tpu.memref_slice %arg8[%dma_wait3A_118, %dma_wait3A_119] : memref<128x128xf32, #tpu.memory_space<vmem>> -> memref<120x128xf32, #tpu.memory_space<vmem>>
      tpu.wait_dma2 semaphore(%run_scoped3A_93 : memref<!tpu.dma_semaphore, #tpu.memory_space<semaphore_mem>>) src(%dma_wait3A_120 : memref<120x128xf32, #tpu.memory_space<vmem>>) dst(%dma_wait3A_117 : memref<120x128xf32, #tpu.memory_space<hbm>>)
      tpu.yield
    }) : () -> ()
    return
  }
}

#map = affine_map<(d0, d1) -> (0, 0)>
#map1 = affine_map<(d0, d1) -> (0, 0, 0)>
module attributes {stable_mosaic.version = 14 : i64} {
  func.func @body(%arg0: i32, %arg1: i32, %arg2: memref<10112x128xf32, #tpu.memory_space<hbm>>, %arg3: memref<2560x128xi32, #tpu.memory_space<hbm>>, %arg4: memref<2560x128xi32, #tpu.memory_space<hbm>>, %arg5: memref<32x632x128xf32, #tpu.memory_space<hbm>>, %arg6: memref<2x128xi32, #tpu.memory_space<vmem>>, %arg7: memref<2x128xi32, #tpu.memory_space<vmem>>, %arg8: memref<128x128xf32, #tpu.memory_space<vmem>>, %arg9: memref<128x128xf32, #tpu.memory_space<vmem>>, %arg10: memref<10112x128xf32, #tpu.memory_space<vmem_shared>>, %arg11: memref<!tpu.dma_semaphore, #tpu.memory_space<semaphore_mem>>, %arg12: memref<!tpu.dma_semaphore, #tpu.memory_space<semaphore_mem>>) attributes {dimension_semantics = [#tpu.dimension_semantics<core_parallel>, #tpu.dimension_semantics<subcore_parallel>], iteration_bounds = array<i64: 2, 16>, scalar_prefetch = 0 : i64, scratch_operands = 7 : i64, tpu.core_type = #tpu.core_type<sc_vector_subcore>, window_params = [{transform_indices = #map}, {transform_indices = #map}, {transform_indices = #map}, {transform_indices = #map1}]} {
    %mul3A = arith.constant 2 : i32
    %mul3A_0 = arith.muli %arg1, %mul3A : i32
    %add3A = arith.addi %mul3A_0, %arg0 : i32
    %eq3A = arith.constant 0 : i32
    %eq3A_1 = arith.cmpi eq, %arg0, %eq3A : i32
    %mul3A_2 = arith.constant 80 : i32
    %mul3A_3 = arith.muli %arg1, %mul3A_2 : i32
    %mul3A_4 = arith.constant 80 : i32
    %mul3A_5 = arith.muli %arg1, %mul3A_4 : i32
    %add3A_6 = arith.constant 1280 : i32
    %add3A_7 = arith.addi %add3A_6, %mul3A_5 : i32
    %select_n3A = arith.select %eq3A_1, %mul3A_3, %add3A_7 : i32
    %jit3A = arith.constant 80 : i32
    %jit3A_8 = arith.constant 80 : i32
    %select_n3A_9 = arith.select %eq3A_1, %jit3A, %jit3A_8 : i32
    %jit3A_10 = arith.constant 2 : i32
    %div3A = arith.divsi %select_n3A_9, %jit3A_10 : i32
    %sign3A = arith.constant 0 : i32
    %sign3A_11 = arith.cmpi sgt, %select_n3A_9, %sign3A : i32
    %sign3A_12 = arith.extui %sign3A_11 : i1 to i32
    %sign3A_13 = arith.constant 0 : i32
    %sign3A_14 = arith.cmpi slt, %select_n3A_9, %sign3A_13 : i32
    %sign3A_15 = arith.extui %sign3A_14 : i1 to i32
    %sign3A_16 = arith.subi %sign3A_12, %sign3A_15 : i32
    %sign3A_17 = arith.constant 0 : i32
    %sign3A_18 = arith.cmpi sgt, %jit3A_10, %sign3A_17 : i32
    %sign3A_19 = arith.extui %sign3A_18 : i1 to i32
    %sign3A_20 = arith.constant 0 : i32
    %sign3A_21 = arith.cmpi slt, %jit3A_10, %sign3A_20 : i32
    %sign3A_22 = arith.extui %sign3A_21 : i1 to i32
    %sign3A_23 = arith.subi %sign3A_19, %sign3A_22 : i32
    %ne3A = arith.cmpi ne, %sign3A_16, %sign3A_23 : i32
    %rem3A = arith.remsi %select_n3A_9, %jit3A_10 : i32
    %ne3A_24 = arith.constant 0 : i32
    %ne3A_25 = arith.cmpi ne, %rem3A, %ne3A_24 : i32
    %and3A = arith.andi %ne3A, %ne3A_25 : i1
    %sub3A = arith.constant 1 : i32
    %sub3A_26 = arith.subi %div3A, %sub3A : i32
    %select_n3A_27 = arith.select %and3A, %sub3A_26, %div3A : i32
    %broadcast_in_dim3A = arith.constant 0.000000e+00 : f32
    %broadcast_in_dim3A_28 = vector.broadcast %broadcast_in_dim3A : f32 to vector<16xf32>
    %scan3A = arith.constant 0 : i32
    %scan3A_29 = arith.constant 0 : i32
    %scan3A_30 = arith.constant 128 : i32
    %scan3A_31 = arith.addi %scan3A_29, %scan3A_30 : i32
    %scan3A_32 = arith.constant 1 : i32
    %scan3A_33 = scf.for %scan3A_93 = %scan3A_29 to %scan3A_31 step %scan3A_32 iter_args(%scan3A_94 = %scan3A) -> (i32)  : i32 {
      %swap3A = arith.index_cast %scan3A_93 : i32 to index
      %swap3A_95 = arith.constant 0 : index
      %swap3A_96 = tpu.vector_load %arg8[%swap3A, %swap3A_95] {strides = array<i32>} : memref<128x128xf32, #tpu.memory_space<vmem>>, vector<1x16xf32>,
      %swap3A_97 = vector.shape_cast %swap3A_96 : vector<1x16xf32> to vector<16xf32>
      %swap3A_98 = vector.shape_cast %broadcast_in_dim3A_28 : vector<16xf32> to vector<1x16xf32>
      tpu.vector_store %arg8[%swap3A, %swap3A_95], %swap3A_98 {strides = array<i32>} : memref<128x128xf32, #tpu.memory_space<vmem>>, vector<1x16xf32>,
      %swap3A_99 = arith.index_cast %scan3A_93 : i32 to index
      %swap3A_100 = arith.constant 16 : index
      %swap3A_101 = tpu.vector_load %arg8[%swap3A_99, %swap3A_100] {strides = array<i32>} : memref<128x128xf32, #tpu.memory_space<vmem>>, vector<1x16xf32>,
      %swap3A_102 = vector.shape_cast %swap3A_101 : vector<1x16xf32> to vector<16xf32>
      %swap3A_103 = vector.shape_cast %broadcast_in_dim3A_28 : vector<16xf32> to vector<1x16xf32>
      tpu.vector_store %arg8[%swap3A_99, %swap3A_100], %swap3A_103 {strides = array<i32>} : memref<128x128xf32, #tpu.memory_space<vmem>>, vector<1x16xf32>,
      %swap3A_104 = arith.index_cast %scan3A_93 : i32 to index
      %swap3A_105 = arith.constant 32 : index
      %swap3A_106 = tpu.vector_load %arg8[%swap3A_104, %swap3A_105] {strides = array<i32>} : memref<128x128xf32, #tpu.memory_space<vmem>>, vector<1x16xf32>,
      %swap3A_107 = vector.shape_cast %swap3A_106 : vector<1x16xf32> to vector<16xf32>
      %swap3A_108 = vector.shape_cast %broadcast_in_dim3A_28 : vector<16xf32> to vector<1x16xf32>
      tpu.vector_store %arg8[%swap3A_104, %swap3A_105], %swap3A_108 {strides = array<i32>} : memref<128x128xf32, #tpu.memory_space<vmem>>, vector<1x16xf32>,
      %swap3A_109 = arith.index_cast %scan3A_93 : i32 to index
      %swap3A_110 = arith.constant 48 : index
      %swap3A_111 = tpu.vector_load %arg8[%swap3A_109, %swap3A_110] {strides = array<i32>} : memref<128x128xf32, #tpu.memory_space<vmem>>, vector<1x16xf32>,
      %swap3A_112 = vector.shape_cast %swap3A_111 : vector<1x16xf32> to vector<16xf32>
      %swap3A_113 = vector.shape_cast %broadcast_in_dim3A_28 : vector<16xf32> to vector<1x16xf32>
      tpu.vector_store %arg8[%swap3A_109, %swap3A_110], %swap3A_113 {strides = array<i32>} : memref<128x128xf32, #tpu.memory_space<vmem>>, vector<1x16xf32>,
      %swap3A_114 = arith.index_cast %scan3A_93 : i32 to index
      %swap3A_115 = arith.constant 64 : index
      %swap3A_116 = tpu.vector_load %arg8[%swap3A_114, %swap3A_115] {strides = array<i32>} : memref<128x128xf32, #tpu.memory_space<vmem>>, vector<1x16xf32>,
      %swap3A_117 = vector.shape_cast %swap3A_116 : vector<1x16xf32> to vector<16xf32>
      %swap3A_118 = vector.shape_cast %broadcast_in_dim3A_28 : vector<16xf32> to vector<1x16xf32>
      tpu.vector_store %arg8[%swap3A_114, %swap3A_115], %swap3A_118 {strides = array<i32>} : memref<128x128xf32, #tpu.memory_space<vmem>>, vector<1x16xf32>,
      %swap3A_119 = arith.index_cast %scan3A_93 : i32 to index
      %swap3A_120 = arith.constant 80 : index
      %swap3A_121 = tpu.vector_load %arg8[%swap3A_119, %swap3A_120] {strides = array<i32>} : memref<128x128xf32, #tpu.memory_space<vmem>>, vector<1x16xf32>,
      %swap3A_122 = vector.shape_cast %swap3A_121 : vector<1x16xf32> to vector<16xf32>
      %swap3A_123 = vector.shape_cast %broadcast_in_dim3A_28 : vector<16xf32> to vector<1x16xf32>
      tpu.vector_store %arg8[%swap3A_119, %swap3A_120], %swap3A_123 {strides = array<i32>} : memref<128x128xf32, #tpu.memory_space<vmem>>, vector<1x16xf32>,
      %swap3A_124 = arith.index_cast %scan3A_93 : i32 to index
      %swap3A_125 = arith.constant 96 : index
      %swap3A_126 = tpu.vector_load %arg8[%swap3A_124, %swap3A_125] {strides = array<i32>} : memref<128x128xf32, #tpu.memory_space<vmem>>, vector<1x16xf32>,
      %swap3A_127 = vector.shape_cast %swap3A_126 : vector<1x16xf32> to vector<16xf32>
      %swap3A_128 = vector.shape_cast %broadcast_in_dim3A_28 : vector<16xf32> to vector<1x16xf32>
      tpu.vector_store %arg8[%swap3A_124, %swap3A_125], %swap3A_128 {strides = array<i32>} : memref<128x128xf32, #tpu.memory_space<vmem>>, vector<1x16xf32>,
      %swap3A_129 = arith.index_cast %scan3A_93 : i32 to index
      %swap3A_130 = arith.constant 112 : index
      %swap3A_131 = tpu.vector_load %arg8[%swap3A_129, %swap3A_130] {strides = array<i32>} : memref<128x128xf32, #tpu.memory_space<vmem>>, vector<1x16xf32>,
      %swap3A_132 = vector.shape_cast %swap3A_131 : vector<1x16xf32> to vector<16xf32>
      %swap3A_133 = vector.shape_cast %broadcast_in_dim3A_28 : vector<16xf32> to vector<1x16xf32>
      tpu.vector_store %arg8[%swap3A_129, %swap3A_130], %swap3A_133 {strides = array<i32>} : memref<128x128xf32, #tpu.memory_space<vmem>>, vector<1x16xf32>,
      %scan3A_134 = arith.constant 0 : i32
      scf.yield %scan3A_134 : i32
    }
    %scan3A_34 = arith.constant 128 : i32
    %mul3A_35 = arith.constant 632 : i32
    %mul3A_36 = arith.muli %arg1, %mul3A_35 : i32
    %add3A_37 = arith.constant 0 : i32
    %add3A_38 = arith.addi %mul3A_36, %add3A_37 : i32
    "tpu.region"() ({
      %run_scoped3A_93 = tpu.sem_alloc : memref<!tpu.dma_semaphore, #tpu.memory_space<semaphore_mem>>
      %dma_start3A_94 = arith.constant 0 : i32
      %dma_start3A_95 = arith.constant 0 : i32
      %dma_start3A_96 = tpu.memref_slice %arg8[%dma_start3A_94, %dma_start3A_95] : memref<128x128xf32, #tpu.memory_space<vmem>> -> memref<128x128xf32, #tpu.memory_space<vmem>>
      %dma_start3A_97 = arith.constant 0 : i32
      %dma_start3A_98 = tpu.memref_slice %arg10[%add3A_38, %dma_start3A_97] : memref<10112x128xf32, #tpu.memory_space<vmem_shared>> -> memref<128x128xf32, #tpu.memory_space<vmem_shared>>
      %dma_start3A_99 = arith.constant 0 : i32
      %dma_start3A_100 = tpu.memref_slice %arg10[%add3A_38, %dma_start3A_99] : memref<10112x128xf32, #tpu.memory_space<vmem_shared>> -> memref<128x128xf32, #tpu.memory_space<vmem_shared>>
      %dma_start3A_101 = arith.constant 0 : i32
      %dma_start3A_102 = arith.constant 0 : i32
      %dma_start3A_103 = tpu.memref_slice %arg8[%dma_start3A_101, %dma_start3A_102] : memref<128x128xf32, #tpu.memory_space<vmem>> -> memref<128x128xf32, #tpu.memory_space<vmem>>
      tpu.enqueue_dma source(%dma_start3A_103 : memref<128x128xf32, #tpu.memory_space<vmem>>) target(%dma_start3A_100 : memref<128x128xf32, #tpu.memory_space<vmem_shared>>) target_semaphore(%run_scoped3A_93 : memref<!tpu.dma_semaphore, #tpu.memory_space<semaphore_mem>>)
      %dma_wait3A = arith.constant 0 : i32
      %dma_wait3A_104 = arith.constant 0 : i32
      %dma_wait3A_105 = tpu.memref_slice %arg8[%dma_wait3A, %dma_wait3A_104] : memref<128x128xf32, #tpu.memory_space<vmem>> -> memref<128x128xf32, #tpu.memory_space<vmem>>
      %dma_wait3A_106 = arith.constant 0 : i32
      %dma_wait3A_107 = tpu.memref_slice %arg10[%add3A_38, %dma_wait3A_106] : memref<10112x128xf32, #tpu.memory_space<vmem_shared>> -> memref<128x128xf32, #tpu.memory_space<vmem_shared>>
      %dma_wait3A_108 = arith.constant 0 : i32
      %dma_wait3A_109 = tpu.memref_slice %arg10[%add3A_38, %dma_wait3A_108] : memref<10112x128xf32, #tpu.memory_space<vmem_shared>> -> memref<128x128xf32, #tpu.memory_space<vmem_shared>>
      %dma_wait3A_110 = arith.constant 0 : i32
      %dma_wait3A_111 = arith.constant 0 : i32
      %dma_wait3A_112 = tpu.memref_slice %arg8[%dma_wait3A_110, %dma_wait3A_111] : memref<128x128xf32, #tpu.memory_space<vmem>> -> memref<128x128xf32, #tpu.memory_space<vmem>>
      tpu.wait_dma2 semaphore(%run_scoped3A_93 : memref<!tpu.dma_semaphore, #tpu.memory_space<semaphore_mem>>) src(%dma_wait3A_112 : memref<128x128xf32, #tpu.memory_space<vmem>>) dst(%dma_wait3A_109 : memref<128x128xf32, #tpu.memory_space<vmem_shared>>)
      tpu.yield
    }) : () -> ()
    %add3A_39 = arith.constant 128 : i32
    %add3A_40 = arith.addi %mul3A_36, %add3A_39 : i32
    "tpu.region"() ({
      %run_scoped3A_93 = tpu.sem_alloc : memref<!tpu.dma_semaphore, #tpu.memory_space<semaphore_mem>>
      %dma_start3A_94 = arith.constant 0 : i32
      %dma_start3A_95 = arith.constant 0 : i32
      %dma_start3A_96 = tpu.memref_slice %arg8[%dma_start3A_94, %dma_start3A_95] : memref<128x128xf32, #tpu.memory_space<vmem>> -> memref<128x128xf32, #tpu.memory_space<vmem>>
      %dma_start3A_97 = arith.constant 0 : i32
      %dma_start3A_98 = tpu.memref_slice %arg10[%add3A_40, %dma_start3A_97] : memref<10112x128xf32, #tpu.memory_space<vmem_shared>> -> memref<128x128xf32, #tpu.memory_space<vmem_shared>>
      %dma_start3A_99 = arith.constant 0 : i32
      %dma_start3A_100 = tpu.memref_slice %arg10[%add3A_40, %dma_start3A_99] : memref<10112x128xf32, #tpu.memory_space<vmem_shared>> -> memref<128x128xf32, #tpu.memory_space<vmem_shared>>
      %dma_start3A_101 = arith.constant 0 : i32
      %dma_start3A_102 = arith.constant 0 : i32
      %dma_start3A_103 = tpu.memref_slice %arg8[%dma_start3A_101, %dma_start3A_102] : memref<128x128xf32, #tpu.memory_space<vmem>> -> memref<128x128xf32, #tpu.memory_space<vmem>>
      tpu.enqueue_dma source(%dma_start3A_103 : memref<128x128xf32, #tpu.memory_space<vmem>>) target(%dma_start3A_100 : memref<128x128xf32, #tpu.memory_space<vmem_shared>>) target_semaphore(%run_scoped3A_93 : memref<!tpu.dma_semaphore, #tpu.memory_space<semaphore_mem>>)
      %dma_wait3A = arith.constant 0 : i32
      %dma_wait3A_104 = arith.constant 0 : i32
      %dma_wait3A_105 = tpu.memref_slice %arg8[%dma_wait3A, %dma_wait3A_104] : memref<128x128xf32, #tpu.memory_space<vmem>> -> memref<128x128xf32, #tpu.memory_space<vmem>>
      %dma_wait3A_106 = arith.constant 0 : i32
      %dma_wait3A_107 = tpu.memref_slice %arg10[%add3A_40, %dma_wait3A_106] : memref<10112x128xf32, #tpu.memory_space<vmem_shared>> -> memref<128x128xf32, #tpu.memory_space<vmem_shared>>
      %dma_wait3A_108 = arith.constant 0 : i32
      %dma_wait3A_109 = tpu.memref_slice %arg10[%add3A_40, %dma_wait3A_108] : memref<10112x128xf32, #tpu.memory_space<vmem_shared>> -> memref<128x128xf32, #tpu.memory_space<vmem_shared>>
      %dma_wait3A_110 = arith.constant 0 : i32
      %dma_wait3A_111 = arith.constant 0 : i32
      %dma_wait3A_112 = tpu.memref_slice %arg8[%dma_wait3A_110, %dma_wait3A_111] : memref<128x128xf32, #tpu.memory_space<vmem>> -> memref<128x128xf32, #tpu.memory_space<vmem>>
      tpu.wait_dma2 semaphore(%run_scoped3A_93 : memref<!tpu.dma_semaphore, #tpu.memory_space<semaphore_mem>>) src(%dma_wait3A_112 : memref<128x128xf32, #tpu.memory_space<vmem>>) dst(%dma_wait3A_109 : memref<128x128xf32, #tpu.memory_space<vmem_shared>>)
      tpu.yield
    }) : () -> ()
    %add3A_41 = arith.constant 256 : i32
    %add3A_42 = arith.addi %mul3A_36, %add3A_41 : i32
    "tpu.region"() ({
      %run_scoped3A_93 = tpu.sem_alloc : memref<!tpu.dma_semaphore, #tpu.memory_space<semaphore_mem>>
      %dma_start3A_94 = arith.constant 0 : i32
      %dma_start3A_95 = arith.constant 0 : i32
      %dma_start3A_96 = tpu.memref_slice %arg8[%dma_start3A_94, %dma_start3A_95] : memref<128x128xf32, #tpu.memory_space<vmem>> -> memref<128x128xf32, #tpu.memory_space<vmem>>
      %dma_start3A_97 = arith.constant 0 : i32
      %dma_start3A_98 = tpu.memref_slice %arg10[%add3A_42, %dma_start3A_97] : memref<10112x128xf32, #tpu.memory_space<vmem_shared>> -> memref<128x128xf32, #tpu.memory_space<vmem_shared>>
      %dma_start3A_99 = arith.constant 0 : i32
      %dma_start3A_100 = tpu.memref_slice %arg10[%add3A_42, %dma_start3A_99] : memref<10112x128xf32, #tpu.memory_space<vmem_shared>> -> memref<128x128xf32, #tpu.memory_space<vmem_shared>>
      %dma_start3A_101 = arith.constant 0 : i32
      %dma_start3A_102 = arith.constant 0 : i32
      %dma_start3A_103 = tpu.memref_slice %arg8[%dma_start3A_101, %dma_start3A_102] : memref<128x128xf32, #tpu.memory_space<vmem>> -> memref<128x128xf32, #tpu.memory_space<vmem>>
      tpu.enqueue_dma source(%dma_start3A_103 : memref<128x128xf32, #tpu.memory_space<vmem>>) target(%dma_start3A_100 : memref<128x128xf32, #tpu.memory_space<vmem_shared>>) target_semaphore(%run_scoped3A_93 : memref<!tpu.dma_semaphore, #tpu.memory_space<semaphore_mem>>)
      %dma_wait3A = arith.constant 0 : i32
      %dma_wait3A_104 = arith.constant 0 : i32
      %dma_wait3A_105 = tpu.memref_slice %arg8[%dma_wait3A, %dma_wait3A_104] : memref<128x128xf32, #tpu.memory_space<vmem>> -> memref<128x128xf32, #tpu.memory_space<vmem>>
      %dma_wait3A_106 = arith.constant 0 : i32
      %dma_wait3A_107 = tpu.memref_slice %arg10[%add3A_42, %dma_wait3A_106] : memref<10112x128xf32, #tpu.memory_space<vmem_shared>> -> memref<128x128xf32, #tpu.memory_space<vmem_shared>>
      %dma_wait3A_108 = arith.constant 0 : i32
      %dma_wait3A_109 = tpu.memref_slice %arg10[%add3A_42, %dma_wait3A_108] : memref<10112x128xf32, #tpu.memory_space<vmem_shared>> -> memref<128x128xf32, #tpu.memory_space<vmem_shared>>
      %dma_wait3A_110 = arith.constant 0 : i32
      %dma_wait3A_111 = arith.constant 0 : i32
      %dma_wait3A_112 = tpu.memref_slice %arg8[%dma_wait3A_110, %dma_wait3A_111] : memref<128x128xf32, #tpu.memory_space<vmem>> -> memref<128x128xf32, #tpu.memory_space<vmem>>
      tpu.wait_dma2 semaphore(%run_scoped3A_93 : memref<!tpu.dma_semaphore, #tpu.memory_space<semaphore_mem>>) src(%dma_wait3A_112 : memref<128x128xf32, #tpu.memory_space<vmem>>) dst(%dma_wait3A_109 : memref<128x128xf32, #tpu.memory_space<vmem_shared>>)
      tpu.yield
    }) : () -> ()
    %add3A_43 = arith.constant 384 : i32
    %add3A_44 = arith.addi %mul3A_36, %add3A_43 : i32
    "tpu.region"() ({
      %run_scoped3A_93 = tpu.sem_alloc : memref<!tpu.dma_semaphore, #tpu.memory_space<semaphore_mem>>
      %dma_start3A_94 = arith.constant 0 : i32
      %dma_start3A_95 = arith.constant 0 : i32
      %dma_start3A_96 = tpu.memref_slice %arg8[%dma_start3A_94, %dma_start3A_95] : memref<128x128xf32, #tpu.memory_space<vmem>> -> memref<128x128xf32, #tpu.memory_space<vmem>>
      %dma_start3A_97 = arith.constant 0 : i32
      %dma_start3A_98 = tpu.memref_slice %arg10[%add3A_44, %dma_start3A_97] : memref<10112x128xf32, #tpu.memory_space<vmem_shared>> -> memref<128x128xf32, #tpu.memory_space<vmem_shared>>
      %dma_start3A_99 = arith.constant 0 : i32
      %dma_start3A_100 = tpu.memref_slice %arg10[%add3A_44, %dma_start3A_99] : memref<10112x128xf32, #tpu.memory_space<vmem_shared>> -> memref<128x128xf32, #tpu.memory_space<vmem_shared>>
      %dma_start3A_101 = arith.constant 0 : i32
      %dma_start3A_102 = arith.constant 0 : i32
      %dma_start3A_103 = tpu.memref_slice %arg8[%dma_start3A_101, %dma_start3A_102] : memref<128x128xf32, #tpu.memory_space<vmem>> -> memref<128x128xf32, #tpu.memory_space<vmem>>
      tpu.enqueue_dma source(%dma_start3A_103 : memref<128x128xf32, #tpu.memory_space<vmem>>) target(%dma_start3A_100 : memref<128x128xf32, #tpu.memory_space<vmem_shared>>) target_semaphore(%run_scoped3A_93 : memref<!tpu.dma_semaphore, #tpu.memory_space<semaphore_mem>>)
      %dma_wait3A = arith.constant 0 : i32
      %dma_wait3A_104 = arith.constant 0 : i32
      %dma_wait3A_105 = tpu.memref_slice %arg8[%dma_wait3A, %dma_wait3A_104] : memref<128x128xf32, #tpu.memory_space<vmem>> -> memref<128x128xf32, #tpu.memory_space<vmem>>
      %dma_wait3A_106 = arith.constant 0 : i32
      %dma_wait3A_107 = tpu.memref_slice %arg10[%add3A_44, %dma_wait3A_106] : memref<10112x128xf32, #tpu.memory_space<vmem_shared>> -> memref<128x128xf32, #tpu.memory_space<vmem_shared>>
      %dma_wait3A_108 = arith.constant 0 : i32
      %dma_wait3A_109 = tpu.memref_slice %arg10[%add3A_44, %dma_wait3A_108] : memref<10112x128xf32, #tpu.memory_space<vmem_shared>> -> memref<128x128xf32, #tpu.memory_space<vmem_shared>>
      %dma_wait3A_110 = arith.constant 0 : i32
      %dma_wait3A_111 = arith.constant 0 : i32
      %dma_wait3A_112 = tpu.memref_slice %arg8[%dma_wait3A_110, %dma_wait3A_111] : memref<128x128xf32, #tpu.memory_space<vmem>> -> memref<128x128xf32, #tpu.memory_space<vmem>>
      tpu.wait_dma2 semaphore(%run_scoped3A_93 : memref<!tpu.dma_semaphore, #tpu.memory_space<semaphore_mem>>) src(%dma_wait3A_112 : memref<128x128xf32, #tpu.memory_space<vmem>>) dst(%dma_wait3A_109 : memref<128x128xf32, #tpu.memory_space<vmem_shared>>)
      tpu.yield
    }) : () -> ()
    %add3A_45 = arith.constant 512 : i32
    %add3A_46 = arith.addi %mul3A_36, %add3A_45 : i32
    "tpu.region"() ({
      %run_scoped3A_93 = tpu.sem_alloc : memref<!tpu.dma_semaphore, #tpu.memory_space<semaphore_mem>>
      %dma_start3A_94 = arith.constant 0 : i32
      %dma_start3A_95 = arith.constant 0 : i32
      %dma_start3A_96 = tpu.memref_slice %arg8[%dma_start3A_94, %dma_start3A_95] : memref<128x128xf32, #tpu.memory_space<vmem>> -> memref<120x128xf32, #tpu.memory_space<vmem>>
      %dma_start3A_97 = arith.constant 0 : i32
      %dma_start3A_98 = tpu.memref_slice %arg10[%add3A_46, %dma_start3A_97] : memref<10112x128xf32, #tpu.memory_space<vmem_shared>> -> memref<120x128xf32, #tpu.memory_space<vmem_shared>>
      %dma_start3A_99 = arith.constant 0 : i32
      %dma_start3A_100 = tpu.memref_slice %arg10[%add3A_46, %dma_start3A_99] : memref<10112x128xf32, #tpu.memory_space<vmem_shared>> -> memref<120x128xf32, #tpu.memory_space<vmem_shared>>
      %dma_start3A_101 = arith.constant 0 : i32
      %dma_start3A_102 = arith.constant 0 : i32
      %dma_start3A_103 = tpu.memref_slice %arg8[%dma_start3A_101, %dma_start3A_102] : memref<128x128xf32, #tpu.memory_space<vmem>> -> memref<120x128xf32, #tpu.memory_space<vmem>>
      tpu.enqueue_dma source(%dma_start3A_103 : memref<120x128xf32, #tpu.memory_space<vmem>>) target(%dma_start3A_100 : memref<120x128xf32, #tpu.memory_space<vmem_shared>>) target_semaphore(%run_scoped3A_93 : memref<!tpu.dma_semaphore, #tpu.memory_space<semaphore_mem>>)
      %dma_wait3A = arith.constant 0 : i32
      %dma_wait3A_104 = arith.constant 0 : i32
      %dma_wait3A_105 = tpu.memref_slice %arg8[%dma_wait3A, %dma_wait3A_104] : memref<128x128xf32, #tpu.memory_space<vmem>> -> memref<120x128xf32, #tpu.memory_space<vmem>>
      %dma_wait3A_106 = arith.constant 0 : i32
      %dma_wait3A_107 = tpu.memref_slice %arg10[%add3A_46, %dma_wait3A_106] : memref<10112x128xf32, #tpu.memory_space<vmem_shared>> -> memref<120x128xf32, #tpu.memory_space<vmem_shared>>
      %dma_wait3A_108 = arith.constant 0 : i32
      %dma_wait3A_109 = tpu.memref_slice %arg10[%add3A_46, %dma_wait3A_108] : memref<10112x128xf32, #tpu.memory_space<vmem_shared>> -> memref<120x128xf32, #tpu.memory_space<vmem_shared>>
      %dma_wait3A_110 = arith.constant 0 : i32
      %dma_wait3A_111 = arith.constant 0 : i32
      %dma_wait3A_112 = tpu.memref_slice %arg8[%dma_wait3A_110, %dma_wait3A_111] : memref<128x128xf32, #tpu.memory_space<vmem>> -> memref<120x128xf32, #tpu.memory_space<vmem>>
      tpu.wait_dma2 semaphore(%run_scoped3A_93 : memref<!tpu.dma_semaphore, #tpu.memory_space<semaphore_mem>>) src(%dma_wait3A_112 : memref<120x128xf32, #tpu.memory_space<vmem>>) dst(%dma_wait3A_109 : memref<120x128xf32, #tpu.memory_space<vmem_shared>>)
      tpu.yield
    }) : () -> ()
    %barrier3A = arith.constant 0 : index
    tpu.barrier barrier_id(%barrier3A)
    %add3A_47 = arith.constant 0 : i32
    %add3A_48 = arith.addi %select_n3A, %add3A_47 : i32
    %run_scoped3A = arith.constant 0 : i32
    "tpu.region"() ({
      %run_scoped3A_93 = tpu.sem_alloc : memref<!tpu.dma_semaphore, #tpu.memory_space<semaphore_mem>>
      %dma_start3A_94 = arith.constant 0 : i32
      %dma_start3A_95 = tpu.memref_slice %arg6[%run_scoped3A, %dma_start3A_94] : memref<2x128xi32, #tpu.memory_space<vmem>> -> memref<1x128xi32, #tpu.memory_space<vmem>>
      %dma_start3A_96 = tpu.memref_squeeze %dma_start3A_95 : memref<1x128xi32, #tpu.memory_space<vmem>> -> memref<128xi32, #tpu.memory_space<vmem>>
      %dma_start3A_97 = arith.constant 0 : i32
      %dma_start3A_98 = tpu.memref_slice %arg3[%add3A_48, %dma_start3A_97] : memref<2560x128xi32, #tpu.memory_space<hbm>> -> memref<1x128xi32, #tpu.memory_space<hbm>>
      %dma_start3A_99 = tpu.memref_squeeze %dma_start3A_98 : memref<1x128xi32, #tpu.memory_space<hbm>> -> memref<128xi32, #tpu.memory_space<hbm>>
      %dma_start3A_100 = arith.constant 0 : i32
      %dma_start3A_101 = tpu.memref_slice %arg6[%run_scoped3A, %dma_start3A_100] : memref<2x128xi32, #tpu.memory_space<vmem>> -> memref<1x128xi32, #tpu.memory_space<vmem>>
      %dma_start3A_102 = tpu.memref_squeeze %dma_start3A_101 : memref<1x128xi32, #tpu.memory_space<vmem>> -> memref<128xi32, #tpu.memory_space<vmem>>
      %dma_start3A_103 = arith.constant 0 : i32
      %dma_start3A_104 = tpu.memref_slice %arg3[%add3A_48, %dma_start3A_103] : memref<2560x128xi32, #tpu.memory_space<hbm>> -> memref<1x128xi32, #tpu.memory_space<hbm>>
      %dma_start3A_105 = tpu.memref_squeeze %dma_start3A_104 : memref<1x128xi32, #tpu.memory_space<hbm>> -> memref<128xi32, #tpu.memory_space<hbm>>
      tpu.enqueue_dma source(%dma_start3A_105 : memref<128xi32, #tpu.memory_space<hbm>>) target(%dma_start3A_102 : memref<128xi32, #tpu.memory_space<vmem>>) target_semaphore(%run_scoped3A_93 : memref<!tpu.dma_semaphore, #tpu.memory_space<semaphore_mem>>)
      %dma_wait3A = arith.constant 0 : i32
      %dma_wait3A_106 = tpu.memref_slice %arg6[%run_scoped3A, %dma_wait3A] : memref<2x128xi32, #tpu.memory_space<vmem>> -> memref<1x128xi32, #tpu.memory_space<vmem>>
      %dma_wait3A_107 = tpu.memref_squeeze %dma_wait3A_106 : memref<1x128xi32, #tpu.memory_space<vmem>> -> memref<128xi32, #tpu.memory_space<vmem>>
      %dma_wait3A_108 = arith.constant 0 : i32
      %dma_wait3A_109 = tpu.memref_slice %arg3[%add3A_48, %dma_wait3A_108] : memref<2560x128xi32, #tpu.memory_space<hbm>> -> memref<1x128xi32, #tpu.memory_space<hbm>>
      %dma_wait3A_110 = tpu.memref_squeeze %dma_wait3A_109 : memref<1x128xi32, #tpu.memory_space<hbm>> -> memref<128xi32, #tpu.memory_space<hbm>>
      %dma_wait3A_111 = arith.constant 0 : i32
      %dma_wait3A_112 = tpu.memref_slice %arg6[%run_scoped3A, %dma_wait3A_111] : memref<2x128xi32, #tpu.memory_space<vmem>> -> memref<1x128xi32, #tpu.memory_space<vmem>>
      %dma_wait3A_113 = tpu.memref_squeeze %dma_wait3A_112 : memref<1x128xi32, #tpu.memory_space<vmem>> -> memref<128xi32, #tpu.memory_space<vmem>>
      %dma_wait3A_114 = arith.constant 0 : i32
      %dma_wait3A_115 = tpu.memref_slice %arg3[%add3A_48, %dma_wait3A_114] : memref<2560x128xi32, #tpu.memory_space<hbm>> -> memref<1x128xi32, #tpu.memory_space<hbm>>
      %dma_wait3A_116 = tpu.memref_squeeze %dma_wait3A_115 : memref<1x128xi32, #tpu.memory_space<hbm>> -> memref<128xi32, #tpu.memory_space<hbm>>
      tpu.wait_dma2 semaphore(%run_scoped3A_93 : memref<!tpu.dma_semaphore, #tpu.memory_space<semaphore_mem>>) src(%dma_wait3A_116 : memref<128xi32, #tpu.memory_space<hbm>>) dst(%dma_wait3A_113 : memref<128xi32, #tpu.memory_space<vmem>>)
      tpu.yield
    }) : () -> ()
    %add3A_49 = arith.constant 0 : i32
    %add3A_50 = arith.addi %select_n3A, %add3A_49 : i32
    %run_scoped3A_51 = arith.constant 0 : i32
    "tpu.region"() ({
      %run_scoped3A_93 = tpu.sem_alloc : memref<!tpu.dma_semaphore, #tpu.memory_space<semaphore_mem>>
      %dma_start3A_94 = arith.constant 0 : i32
      %dma_start3A_95 = tpu.memref_slice %arg7[%run_scoped3A_51, %dma_start3A_94] : memref<2x128xi32, #tpu.memory_space<vmem>> -> memref<1x128xi32, #tpu.memory_space<vmem>>
      %dma_start3A_96 = tpu.memref_squeeze %dma_start3A_95 : memref<1x128xi32, #tpu.memory_space<vmem>> -> memref<128xi32, #tpu.memory_space<vmem>>
      %dma_start3A_97 = arith.constant 0 : i32
      %dma_start3A_98 = tpu.memref_slice %arg4[%add3A_50, %dma_start3A_97] : memref<2560x128xi32, #tpu.memory_space<hbm>> -> memref<1x128xi32, #tpu.memory_space<hbm>>
      %dma_start3A_99 = tpu.memref_squeeze %dma_start3A_98 : memref<1x128xi32, #tpu.memory_space<hbm>> -> memref<128xi32, #tpu.memory_space<hbm>>
      %dma_start3A_100 = arith.constant 0 : i32
      %dma_start3A_101 = tpu.memref_slice %arg7[%run_scoped3A_51, %dma_start3A_100] : memref<2x128xi32, #tpu.memory_space<vmem>> -> memref<1x128xi32, #tpu.memory_space<vmem>>
      %dma_start3A_102 = tpu.memref_squeeze %dma_start3A_101 : memref<1x128xi32, #tpu.memory_space<vmem>> -> memref<128xi32, #tpu.memory_space<vmem>>
      %dma_start3A_103 = arith.constant 0 : i32
      %dma_start3A_104 = tpu.memref_slice %arg4[%add3A_50, %dma_start3A_103] : memref<2560x128xi32, #tpu.memory_space<hbm>> -> memref<1x128xi32, #tpu.memory_space<hbm>>
      %dma_start3A_105 = tpu.memref_squeeze %dma_start3A_104 : memref<1x128xi32, #tpu.memory_space<hbm>> -> memref<128xi32, #tpu.memory_space<hbm>>
      tpu.enqueue_dma source(%dma_start3A_105 : memref<128xi32, #tpu.memory_space<hbm>>) target(%dma_start3A_102 : memref<128xi32, #tpu.memory_space<vmem>>) target_semaphore(%run_scoped3A_93 : memref<!tpu.dma_semaphore, #tpu.memory_space<semaphore_mem>>)
      %dma_wait3A = arith.constant 0 : i32
      %dma_wait3A_106 = tpu.memref_slice %arg7[%run_scoped3A_51, %dma_wait3A] : memref<2x128xi32, #tpu.memory_space<vmem>> -> memref<1x128xi32, #tpu.memory_space<vmem>>
      %dma_wait3A_107 = tpu.memref_squeeze %dma_wait3A_106 : memref<1x128xi32, #tpu.memory_space<vmem>> -> memref<128xi32, #tpu.memory_space<vmem>>
      %dma_wait3A_108 = arith.constant 0 : i32
      %dma_wait3A_109 = tpu.memref_slice %arg4[%add3A_50, %dma_wait3A_108] : memref<2560x128xi32, #tpu.memory_space<hbm>> -> memref<1x128xi32, #tpu.memory_space<hbm>>
      %dma_wait3A_110 = tpu.memref_squeeze %dma_wait3A_109 : memref<1x128xi32, #tpu.memory_space<hbm>> -> memref<128xi32, #tpu.memory_space<hbm>>
      %dma_wait3A_111 = arith.constant 0 : i32
      %dma_wait3A_112 = tpu.memref_slice %arg7[%run_scoped3A_51, %dma_wait3A_111] : memref<2x128xi32, #tpu.memory_space<vmem>> -> memref<1x128xi32, #tpu.memory_space<vmem>>
      %dma_wait3A_113 = tpu.memref_squeeze %dma_wait3A_112 : memref<1x128xi32, #tpu.memory_space<vmem>> -> memref<128xi32, #tpu.memory_space<vmem>>
      %dma_wait3A_114 = arith.constant 0 : i32
      %dma_wait3A_115 = tpu.memref_slice %arg4[%add3A_50, %dma_wait3A_114] : memref<2560x128xi32, #tpu.memory_space<hbm>> -> memref<1x128xi32, #tpu.memory_space<hbm>>
      %dma_wait3A_116 = tpu.memref_squeeze %dma_wait3A_115 : memref<1x128xi32, #tpu.memory_space<hbm>> -> memref<128xi32, #tpu.memory_space<hbm>>
      tpu.wait_dma2 semaphore(%run_scoped3A_93 : memref<!tpu.dma_semaphore, #tpu.memory_space<semaphore_mem>>) src(%dma_wait3A_116 : memref<128xi32, #tpu.memory_space<hbm>>) dst(%dma_wait3A_113 : memref<128xi32, #tpu.memory_space<vmem>>)
      tpu.yield
    }) : () -> ()
    %dma_start3A = arith.constant 0 : i32
    %dma_start3A_52 = arith.constant 0 : i32
    %dma_start3A_53 = tpu.memref_slice %arg6[%dma_start3A, %dma_start3A_52] : memref<2x128xi32, #tpu.memory_space<vmem>> -> memref<1x128xi32, #tpu.memory_space<vmem>>
    %dma_start3A_54 = tpu.memref_squeeze %dma_start3A_53 : memref<1x128xi32, #tpu.memory_space<vmem>> -> memref<128xi32, #tpu.memory_space<vmem>>
    %dma_start3A_55 = arith.constant 0 : i32
    %dma_start3A_56 = arith.constant 0 : i32
    %dma_start3A_57 = tpu.memref_slice %arg2[%dma_start3A_55, %dma_start3A_56] : memref<10112x128xf32, #tpu.memory_space<hbm>> -> memref<10112x128xf32, #tpu.memory_space<hbm>>
    tpu.enqueue_indirect_dma source(%dma_start3A_57 : memref<10112x128xf32, #tpu.memory_space<hbm>>) target(%arg8 : memref<128x128xf32, #tpu.memory_space<vmem>>) offsets(%dma_start3A_54 : memref<128xi32, #tpu.memory_space<vmem>>) semaphore(%arg11 : memref<!tpu.dma_semaphore, #tpu.memory_space<semaphore_mem>>)
    %add3A_58 = arith.constant 1 : i32
    %add3A_59 = arith.addi %select_n3A, %add3A_58 : i32
    %run_scoped3A_60 = arith.constant 1 : i32
    "tpu.region"() ({
      %run_scoped3A_93 = tpu.sem_alloc : memref<!tpu.dma_semaphore, #tpu.memory_space<semaphore_mem>>
      %dma_start3A_94 = arith.constant 0 : i32
      %dma_start3A_95 = tpu.memref_slice %arg6[%run_scoped3A_60, %dma_start3A_94] : memref<2x128xi32, #tpu.memory_space<vmem>> -> memref<1x128xi32, #tpu.memory_space<vmem>>
      %dma_start3A_96 = tpu.memref_squeeze %dma_start3A_95 : memref<1x128xi32, #tpu.memory_space<vmem>> -> memref<128xi32, #tpu.memory_space<vmem>>
      %dma_start3A_97 = arith.constant 0 : i32
      %dma_start3A_98 = tpu.memref_slice %arg3[%add3A_59, %dma_start3A_97] : memref<2560x128xi32, #tpu.memory_space<hbm>> -> memref<1x128xi32, #tpu.memory_space<hbm>>
      %dma_start3A_99 = tpu.memref_squeeze %dma_start3A_98 : memref<1x128xi32, #tpu.memory_space<hbm>> -> memref<128xi32, #tpu.memory_space<hbm>>
      %dma_start3A_100 = arith.constant 0 : i32
      %dma_start3A_101 = tpu.memref_slice %arg6[%run_scoped3A_60, %dma_start3A_100] : memref<2x128xi32, #tpu.memory_space<vmem>> -> memref<1x128xi32, #tpu.memory_space<vmem>>
      %dma_start3A_102 = tpu.memref_squeeze %dma_start3A_101 : memref<1x128xi32, #tpu.memory_space<vmem>> -> memref<128xi32, #tpu.memory_space<vmem>>
      %dma_start3A_103 = arith.constant 0 : i32
      %dma_start3A_104 = tpu.memref_slice %arg3[%add3A_59, %dma_start3A_103] : memref<2560x128xi32, #tpu.memory_space<hbm>> -> memref<1x128xi32, #tpu.memory_space<hbm>>
      %dma_start3A_105 = tpu.memref_squeeze %dma_start3A_104 : memref<1x128xi32, #tpu.memory_space<hbm>> -> memref<128xi32, #tpu.memory_space<hbm>>
      tpu.enqueue_dma source(%dma_start3A_105 : memref<128xi32, #tpu.memory_space<hbm>>) target(%dma_start3A_102 : memref<128xi32, #tpu.memory_space<vmem>>) target_semaphore(%run_scoped3A_93 : memref<!tpu.dma_semaphore, #tpu.memory_space<semaphore_mem>>)
      %dma_wait3A = arith.constant 0 : i32
      %dma_wait3A_106 = tpu.memref_slice %arg6[%run_scoped3A_60, %dma_wait3A] : memref<2x128xi32, #tpu.memory_space<vmem>> -> memref<1x128xi32, #tpu.memory_space<vmem>>
      %dma_wait3A_107 = tpu.memref_squeeze %dma_wait3A_106 : memref<1x128xi32, #tpu.memory_space<vmem>> -> memref<128xi32, #tpu.memory_space<vmem>>
      %dma_wait3A_108 = arith.constant 0 : i32
      %dma_wait3A_109 = tpu.memref_slice %arg3[%add3A_59, %dma_wait3A_108] : memref<2560x128xi32, #tpu.memory_space<hbm>> -> memref<1x128xi32, #tpu.memory_space<hbm>>
      %dma_wait3A_110 = tpu.memref_squeeze %dma_wait3A_109 : memref<1x128xi32, #tpu.memory_space<hbm>> -> memref<128xi32, #tpu.memory_space<hbm>>
      %dma_wait3A_111 = arith.constant 0 : i32
      %dma_wait3A_112 = tpu.memref_slice %arg6[%run_scoped3A_60, %dma_wait3A_111] : memref<2x128xi32, #tpu.memory_space<vmem>> -> memref<1x128xi32, #tpu.memory_space<vmem>>
      %dma_wait3A_113 = tpu.memref_squeeze %dma_wait3A_112 : memref<1x128xi32, #tpu.memory_space<vmem>> -> memref<128xi32, #tpu.memory_space<vmem>>
      %dma_wait3A_114 = arith.constant 0 : i32
      %dma_wait3A_115 = tpu.memref_slice %arg3[%add3A_59, %dma_wait3A_114] : memref<2560x128xi32, #tpu.memory_space<hbm>> -> memref<1x128xi32, #tpu.memory_space<hbm>>
      %dma_wait3A_116 = tpu.memref_squeeze %dma_wait3A_115 : memref<1x128xi32, #tpu.memory_space<hbm>> -> memref<128xi32, #tpu.memory_space<hbm>>
      tpu.wait_dma2 semaphore(%run_scoped3A_93 : memref<!tpu.dma_semaphore, #tpu.memory_space<semaphore_mem>>) src(%dma_wait3A_116 : memref<128xi32, #tpu.memory_space<hbm>>) dst(%dma_wait3A_113 : memref<128xi32, #tpu.memory_space<vmem>>)
      tpu.yield
    }) : () -> ()
    %add3A_61 = arith.constant 1 : i32
    %add3A_62 = arith.addi %select_n3A, %add3A_61 : i32
    %run_scoped3A_63 = arith.constant 1 : i32
    "tpu.region"() ({
      %run_scoped3A_93 = tpu.sem_alloc : memref<!tpu.dma_semaphore, #tpu.memory_space<semaphore_mem>>
      %dma_start3A_94 = arith.constant 0 : i32
      %dma_start3A_95 = tpu.memref_slice %arg7[%run_scoped3A_63, %dma_start3A_94] : memref<2x128xi32, #tpu.memory_space<vmem>> -> memref<1x128xi32, #tpu.memory_space<vmem>>
      %dma_start3A_96 = tpu.memref_squeeze %dma_start3A_95 : memref<1x128xi32, #tpu.memory_space<vmem>> -> memref<128xi32, #tpu.memory_space<vmem>>
      %dma_start3A_97 = arith.constant 0 : i32
      %dma_start3A_98 = tpu.memref_slice %arg4[%add3A_62, %dma_start3A_97] : memref<2560x128xi32, #tpu.memory_space<hbm>> -> memref<1x128xi32, #tpu.memory_space<hbm>>
      %dma_start3A_99 = tpu.memref_squeeze %dma_start3A_98 : memref<1x128xi32, #tpu.memory_space<hbm>> -> memref<128xi32, #tpu.memory_space<hbm>>
      %dma_start3A_100 = arith.constant 0 : i32
      %dma_start3A_101 = tpu.memref_slice %arg7[%run_scoped3A_63, %dma_start3A_100] : memref<2x128xi32, #tpu.memory_space<vmem>> -> memref<1x128xi32, #tpu.memory_space<vmem>>
      %dma_start3A_102 = tpu.memref_squeeze %dma_start3A_101 : memref<1x128xi32, #tpu.memory_space<vmem>> -> memref<128xi32, #tpu.memory_space<vmem>>
      %dma_start3A_103 = arith.constant 0 : i32
      %dma_start3A_104 = tpu.memref_slice %arg4[%add3A_62, %dma_start3A_103] : memref<2560x128xi32, #tpu.memory_space<hbm>> -> memref<1x128xi32, #tpu.memory_space<hbm>>
      %dma_start3A_105 = tpu.memref_squeeze %dma_start3A_104 : memref<1x128xi32, #tpu.memory_space<hbm>> -> memref<128xi32, #tpu.memory_space<hbm>>
      tpu.enqueue_dma source(%dma_start3A_105 : memref<128xi32, #tpu.memory_space<hbm>>) target(%dma_start3A_102 : memref<128xi32, #tpu.memory_space<vmem>>) target_semaphore(%run_scoped3A_93 : memref<!tpu.dma_semaphore, #tpu.memory_space<semaphore_mem>>)
      %dma_wait3A = arith.constant 0 : i32
      %dma_wait3A_106 = tpu.memref_slice %arg7[%run_scoped3A_63, %dma_wait3A] : memref<2x128xi32, #tpu.memory_space<vmem>> -> memref<1x128xi32, #tpu.memory_space<vmem>>
      %dma_wait3A_107 = tpu.memref_squeeze %dma_wait3A_106 : memref<1x128xi32, #tpu.memory_space<vmem>> -> memref<128xi32, #tpu.memory_space<vmem>>
      %dma_wait3A_108 = arith.constant 0 : i32
      %dma_wait3A_109 = tpu.memref_slice %arg4[%add3A_62, %dma_wait3A_108] : memref<2560x128xi32, #tpu.memory_space<hbm>> -> memref<1x128xi32, #tpu.memory_space<hbm>>
      %dma_wait3A_110 = tpu.memref_squeeze %dma_wait3A_109 : memref<1x128xi32, #tpu.memory_space<hbm>> -> memref<128xi32, #tpu.memory_space<hbm>>
      %dma_wait3A_111 = arith.constant 0 : i32
      %dma_wait3A_112 = tpu.memref_slice %arg7[%run_scoped3A_63, %dma_wait3A_111] : memref<2x128xi32, #tpu.memory_space<vmem>> -> memref<1x128xi32, #tpu.memory_space<vmem>>
      %dma_wait3A_113 = tpu.memref_squeeze %dma_wait3A_112 : memref<1x128xi32, #tpu.memory_space<vmem>> -> memref<128xi32, #tpu.memory_space<vmem>>
      %dma_wait3A_114 = arith.constant 0 : i32
      %dma_wait3A_115 = tpu.memref_slice %arg4[%add3A_62, %dma_wait3A_114] : memref<2560x128xi32, #tpu.memory_space<hbm>> -> memref<1x128xi32, #tpu.memory_space<hbm>>
      %dma_wait3A_116 = tpu.memref_squeeze %dma_wait3A_115 : memref<1x128xi32, #tpu.memory_space<hbm>> -> memref<128xi32, #tpu.memory_space<hbm>>
      tpu.wait_dma2 semaphore(%run_scoped3A_93 : memref<!tpu.dma_semaphore, #tpu.memory_space<semaphore_mem>>) src(%dma_wait3A_116 : memref<128xi32, #tpu.memory_space<hbm>>) dst(%dma_wait3A_113 : memref<128xi32, #tpu.memory_space<vmem>>)
      tpu.yield
    }) : () -> ()
    %dma_start3A_64 = arith.constant 1 : i32
    %dma_start3A_65 = arith.constant 0 : i32
    %dma_start3A_66 = tpu.memref_slice %arg6[%dma_start3A_64, %dma_start3A_65] : memref<2x128xi32, #tpu.memory_space<vmem>> -> memref<1x128xi32, #tpu.memory_space<vmem>>
    %dma_start3A_67 = tpu.memref_squeeze %dma_start3A_66 : memref<1x128xi32, #tpu.memory_space<vmem>> -> memref<128xi32, #tpu.memory_space<vmem>>
    %dma_start3A_68 = arith.constant 0 : i32
    %dma_start3A_69 = arith.constant 0 : i32
    %dma_start3A_70 = tpu.memref_slice %arg2[%dma_start3A_68, %dma_start3A_69] : memref<10112x128xf32, #tpu.memory_space<hbm>> -> memref<10112x128xf32, #tpu.memory_space<hbm>>
    tpu.enqueue_indirect_dma source(%dma_start3A_70 : memref<10112x128xf32, #tpu.memory_space<hbm>>) target(%arg9 : memref<128x128xf32, #tpu.memory_space<vmem>>) offsets(%dma_start3A_67 : memref<128xi32, #tpu.memory_space<vmem>>) semaphore(%arg12 : memref<!tpu.dma_semaphore, #tpu.memory_space<semaphore_mem>>)
    %while3A = arith.constant 0 : i32
    %while3A_71 = arith.constant 0 : i32
    %while3A_72 = arith.subi %select_n3A_27, %while3A : i32
    %while3A_73 = arith.addi %while3A, %while3A_72 : i32
    %while3A_74 = arith.constant 1 : i32
    %while3A_75 = arith.divsi %while3A_72, %while3A_74 : i32
    %while3A_76 = arith.muli %while3A_75, %while3A_74 : i32
    %while3A_77 = arith.addi %while3A, %while3A_76 : i32
    %while3A_78 = arith.constant 1 : i32
    %while3A_79 = scf.for %while3A_93 = %while3A to %while3A_77 step %while3A_78 iter_args(%while3A_94 = %while3A_71) -> (i32)  : i32 {
      %mul3A_95 = arith.constant 2 : i32
      %mul3A_96 = arith.muli %mul3A_95, %while3A_93 : i32
      %add3A_97 = arith.constant 0 : i32
      %add3A_98 = arith.addi %mul3A_96, %add3A_97 : i32
      %dma_wait3A = arith.constant 0 : i32
      %dma_wait3A_99 = arith.constant 0 : i32
      %dma_wait3A_100 = tpu.memref_slice %arg6[%dma_wait3A, %dma_wait3A_99] : memref<2x128xi32, #tpu.memory_space<vmem>> -> memref<1x128xi32, #tpu.memory_space<vmem>>
      %dma_wait3A_101 = tpu.memref_squeeze %dma_wait3A_100 : memref<1x128xi32, #tpu.memory_space<vmem>> -> memref<128xi32, #tpu.memory_space<vmem>>
      %dma_wait3A_102 = arith.constant 0 : i32
      %dma_wait3A_103 = arith.constant 0 : i32
      %dma_wait3A_104 = tpu.memref_slice %arg2[%dma_wait3A_102, %dma_wait3A_103] : memref<10112x128xf32, #tpu.memory_space<hbm>> -> memref<10112x128xf32, #tpu.memory_space<hbm>>
      tpu.wait_indirect_dma semaphore(%arg11 : memref<!tpu.dma_semaphore, #tpu.memory_space<semaphore_mem>>) src(%dma_wait3A_104 : memref<10112x128xf32, #tpu.memory_space<hbm>>) dst(%arg8 : memref<128x128xf32, #tpu.memory_space<vmem>>)
      %run_scoped3A_105 = arith.constant 0 : i32
      "tpu.region"() ({
        %run_scoped3A_128 = tpu.sem_alloc : memref<!tpu.dma_semaphore, #tpu.memory_space<semaphore_mem>>
        %dma_start3A_129 = arith.constant 0 : i32
        %dma_start3A_130 = tpu.memref_slice %arg7[%run_scoped3A_105, %dma_start3A_129] : memref<2x128xi32, #tpu.memory_space<vmem>> -> memref<1x128xi32, #tpu.memory_space<vmem>>
        %dma_start3A_131 = tpu.memref_squeeze %dma_start3A_130 : memref<1x128xi32, #tpu.memory_space<vmem>> -> memref<128xi32, #tpu.memory_space<vmem>>
        %dma_start3A_132 = arith.constant 0 : i32
        %dma_start3A_133 = arith.constant 0 : i32
        %dma_start3A_134 = tpu.memref_slice %arg10[%dma_start3A_132, %dma_start3A_133] : memref<10112x128xf32, #tpu.memory_space<vmem_shared>> -> memref<10112x128xf32, #tpu.memory_space<vmem_shared>>
        tpu.enqueue_indirect_dma source(%arg8 : memref<128x128xf32, #tpu.memory_space<vmem>>) target(%dma_start3A_134 : memref<10112x128xf32, #tpu.memory_space<vmem_shared>>) offsets(%dma_start3A_131 : memref<128xi32, #tpu.memory_space<vmem>>) semaphore(%run_scoped3A_128 : memref<!tpu.dma_semaphore, #tpu.memory_space<semaphore_mem>>) {add = true}
        %dma_wait3A_135 = arith.constant 0 : i32
        %dma_wait3A_136 = tpu.memref_slice %arg7[%run_scoped3A_105, %dma_wait3A_135] : memref<2x128xi32, #tpu.memory_space<vmem>> -> memref<1x128xi32, #tpu.memory_space<vmem>>
        %dma_wait3A_137 = tpu.memref_squeeze %dma_wait3A_136 : memref<1x128xi32, #tpu.memory_space<vmem>> -> memref<128xi32, #tpu.memory_space<vmem>>
        %dma_wait3A_138 = arith.constant 0 : i32
        %dma_wait3A_139 = arith.constant 0 : i32
        %dma_wait3A_140 = tpu.memref_slice %arg10[%dma_wait3A_138, %dma_wait3A_139] : memref<10112x128xf32, #tpu.memory_space<vmem_shared>> -> memref<10112x128xf32, #tpu.memory_space<vmem_shared>>
        tpu.wait_indirect_dma semaphore(%run_scoped3A_128 : memref<!tpu.dma_semaphore, #tpu.memory_space<semaphore_mem>>) src(%arg8 : memref<128x128xf32, #tpu.memory_space<vmem>>) dst(%dma_wait3A_140 : memref<10112x128xf32, #tpu.memory_space<vmem_shared>>)
        tpu.yield
      }) : () -> ()
      %sub3A_106 = arith.constant 1 : i32
      %sub3A_107 = arith.subi %select_n3A_27, %sub3A_106 : i32
      %lt3A = arith.cmpi slt, %while3A_93, %sub3A_107 : i32
      %convert_element_type3A = arith.extui %lt3A : i1 to i32
      %cond3A = arith.constant 0 : i32
      %cond3A_108 = arith.cmpi ne, %convert_element_type3A, %cond3A : i32
      scf.if %cond3A_108 {
        %add3A_128 = arith.addi %select_n3A, %add3A_98 : i32
        %add3A_129 = arith.constant 2 : i32
        %add3A_130 = arith.addi %add3A_128, %add3A_129 : i32
        %run_scoped3A_131 = arith.constant 0 : i32
        "tpu.region"() ({
          %run_scoped3A_143 = tpu.sem_alloc : memref<!tpu.dma_semaphore, #tpu.memory_space<semaphore_mem>>
          %dma_start3A_144 = arith.constant 0 : i32
          %dma_start3A_145 = tpu.memref_slice %arg6[%run_scoped3A_131, %dma_start3A_144] : memref<2x128xi32, #tpu.memory_space<vmem>> -> memref<1x128xi32, #tpu.memory_space<vmem>>
          %dma_start3A_146 = tpu.memref_squeeze %dma_start3A_145 : memref<1x128xi32, #tpu.memory_space<vmem>> -> memref<128xi32, #tpu.memory_space<vmem>>
          %dma_start3A_147 = arith.constant 0 : i32
          %dma_start3A_148 = tpu.memref_slice %arg3[%add3A_130, %dma_start3A_147] : memref<2560x128xi32, #tpu.memory_space<hbm>> -> memref<1x128xi32, #tpu.memory_space<hbm>>
          %dma_start3A_149 = tpu.memref_squeeze %dma_start3A_148 : memref<1x128xi32, #tpu.memory_space<hbm>> -> memref<128xi32, #tpu.memory_space<hbm>>
          %dma_start3A_150 = arith.constant 0 : i32
          %dma_start3A_151 = tpu.memref_slice %arg6[%run_scoped3A_131, %dma_start3A_150] : memref<2x128xi32, #tpu.memory_space<vmem>> -> memref<1x128xi32, #tpu.memory_space<vmem>>
          %dma_start3A_152 = tpu.memref_squeeze %dma_start3A_151 : memref<1x128xi32, #tpu.memory_space<vmem>> -> memref<128xi32, #tpu.memory_space<vmem>>
          %dma_start3A_153 = arith.constant 0 : i32
          %dma_start3A_154 = tpu.memref_slice %arg3[%add3A_130, %dma_start3A_153] : memref<2560x128xi32, #tpu.memory_space<hbm>> -> memref<1x128xi32, #tpu.memory_space<hbm>>
          %dma_start3A_155 = tpu.memref_squeeze %dma_start3A_154 : memref<1x128xi32, #tpu.memory_space<hbm>> -> memref<128xi32, #tpu.memory_space<hbm>>
          tpu.enqueue_dma source(%dma_start3A_155 : memref<128xi32, #tpu.memory_space<hbm>>) target(%dma_start3A_152 : memref<128xi32, #tpu.memory_space<vmem>>) target_semaphore(%run_scoped3A_143 : memref<!tpu.dma_semaphore, #tpu.memory_space<semaphore_mem>>)
          %dma_wait3A_156 = arith.constant 0 : i32
          %dma_wait3A_157 = tpu.memref_slice %arg6[%run_scoped3A_131, %dma_wait3A_156] : memref<2x128xi32, #tpu.memory_space<vmem>> -> memref<1x128xi32, #tpu.memory_space<vmem>>
          %dma_wait3A_158 = tpu.memref_squeeze %dma_wait3A_157 : memref<1x128xi32, #tpu.memory_space<vmem>> -> memref<128xi32, #tpu.memory_space<vmem>>
          %dma_wait3A_159 = arith.constant 0 : i32
          %dma_wait3A_160 = tpu.memref_slice %arg3[%add3A_130, %dma_wait3A_159] : memref<2560x128xi32, #tpu.memory_space<hbm>> -> memref<1x128xi32, #tpu.memory_space<hbm>>
          %dma_wait3A_161 = tpu.memref_squeeze %dma_wait3A_160 : memref<1x128xi32, #tpu.memory_space<hbm>> -> memref<128xi32, #tpu.memory_space<hbm>>
          %dma_wait3A_162 = arith.constant 0 : i32
          %dma_wait3A_163 = tpu.memref_slice %arg6[%run_scoped3A_131, %dma_wait3A_162] : memref<2x128xi32, #tpu.memory_space<vmem>> -> memref<1x128xi32, #tpu.memory_space<vmem>>
          %dma_wait3A_164 = tpu.memref_squeeze %dma_wait3A_163 : memref<1x128xi32, #tpu.memory_space<vmem>> -> memref<128xi32, #tpu.memory_space<vmem>>
          %dma_wait3A_165 = arith.constant 0 : i32
          %dma_wait3A_166 = tpu.memref_slice %arg3[%add3A_130, %dma_wait3A_165] : memref<2560x128xi32, #tpu.memory_space<hbm>> -> memref<1x128xi32, #tpu.memory_space<hbm>>
          %dma_wait3A_167 = tpu.memref_squeeze %dma_wait3A_166 : memref<1x128xi32, #tpu.memory_space<hbm>> -> memref<128xi32, #tpu.memory_space<hbm>>
          tpu.wait_dma2 semaphore(%run_scoped3A_143 : memref<!tpu.dma_semaphore, #tpu.memory_space<semaphore_mem>>) src(%dma_wait3A_167 : memref<128xi32, #tpu.memory_space<hbm>>) dst(%dma_wait3A_164 : memref<128xi32, #tpu.memory_space<vmem>>)
          tpu.yield
        }) : () -> ()
        %add3A_132 = arith.addi %select_n3A, %add3A_98 : i32
        %add3A_133 = arith.constant 2 : i32
        %add3A_134 = arith.addi %add3A_132, %add3A_133 : i32
        %run_scoped3A_135 = arith.constant 0 : i32
        "tpu.region"() ({
          %run_scoped3A_143 = tpu.sem_alloc : memref<!tpu.dma_semaphore, #tpu.memory_space<semaphore_mem>>
          %dma_start3A_144 = arith.constant 0 : i32
          %dma_start3A_145 = tpu.memref_slice %arg7[%run_scoped3A_135, %dma_start3A_144] : memref<2x128xi32, #tpu.memory_space<vmem>> -> memref<1x128xi32, #tpu.memory_space<vmem>>
          %dma_start3A_146 = tpu.memref_squeeze %dma_start3A_145 : memref<1x128xi32, #tpu.memory_space<vmem>> -> memref<128xi32, #tpu.memory_space<vmem>>
          %dma_start3A_147 = arith.constant 0 : i32
          %dma_start3A_148 = tpu.memref_slice %arg4[%add3A_134, %dma_start3A_147] : memref<2560x128xi32, #tpu.memory_space<hbm>> -> memref<1x128xi32, #tpu.memory_space<hbm>>
          %dma_start3A_149 = tpu.memref_squeeze %dma_start3A_148 : memref<1x128xi32, #tpu.memory_space<hbm>> -> memref<128xi32, #tpu.memory_space<hbm>>
          %dma_start3A_150 = arith.constant 0 : i32
          %dma_start3A_151 = tpu.memref_slice %arg7[%run_scoped3A_135, %dma_start3A_150] : memref<2x128xi32, #tpu.memory_space<vmem>> -> memref<1x128xi32, #tpu.memory_space<vmem>>
          %dma_start3A_152 = tpu.memref_squeeze %dma_start3A_151 : memref<1x128xi32, #tpu.memory_space<vmem>> -> memref<128xi32, #tpu.memory_space<vmem>>
          %dma_start3A_153 = arith.constant 0 : i32
          %dma_start3A_154 = tpu.memref_slice %arg4[%add3A_134, %dma_start3A_153] : memref<2560x128xi32, #tpu.memory_space<hbm>> -> memref<1x128xi32, #tpu.memory_space<hbm>>
          %dma_start3A_155 = tpu.memref_squeeze %dma_start3A_154 : memref<1x128xi32, #tpu.memory_space<hbm>> -> memref<128xi32, #tpu.memory_space<hbm>>
          tpu.enqueue_dma source(%dma_start3A_155 : memref<128xi32, #tpu.memory_space<hbm>>) target(%dma_start3A_152 : memref<128xi32, #tpu.memory_space<vmem>>) target_semaphore(%run_scoped3A_143 : memref<!tpu.dma_semaphore, #tpu.memory_space<semaphore_mem>>)
          %dma_wait3A_156 = arith.constant 0 : i32
          %dma_wait3A_157 = tpu.memref_slice %arg7[%run_scoped3A_135, %dma_wait3A_156] : memref<2x128xi32, #tpu.memory_space<vmem>> -> memref<1x128xi32, #tpu.memory_space<vmem>>
          %dma_wait3A_158 = tpu.memref_squeeze %dma_wait3A_157 : memref<1x128xi32, #tpu.memory_space<vmem>> -> memref<128xi32, #tpu.memory_space<vmem>>
          %dma_wait3A_159 = arith.constant 0 : i32
          %dma_wait3A_160 = tpu.memref_slice %arg4[%add3A_134, %dma_wait3A_159] : memref<2560x128xi32, #tpu.memory_space<hbm>> -> memref<1x128xi32, #tpu.memory_space<hbm>>
          %dma_wait3A_161 = tpu.memref_squeeze %dma_wait3A_160 : memref<1x128xi32, #tpu.memory_space<hbm>> -> memref<128xi32, #tpu.memory_space<hbm>>
          %dma_wait3A_162 = arith.constant 0 : i32
          %dma_wait3A_163 = tpu.memref_slice %arg7[%run_scoped3A_135, %dma_wait3A_162] : memref<2x128xi32, #tpu.memory_space<vmem>> -> memref<1x128xi32, #tpu.memory_space<vmem>>
          %dma_wait3A_164 = tpu.memref_squeeze %dma_wait3A_163 : memref<1x128xi32, #tpu.memory_space<vmem>> -> memref<128xi32, #tpu.memory_space<vmem>>
          %dma_wait3A_165 = arith.constant 0 : i32
          %dma_wait3A_166 = tpu.memref_slice %arg4[%add3A_134, %dma_wait3A_165] : memref<2560x128xi32, #tpu.memory_space<hbm>> -> memref<1x128xi32, #tpu.memory_space<hbm>>
          %dma_wait3A_167 = tpu.memref_squeeze %dma_wait3A_166 : memref<1x128xi32, #tpu.memory_space<hbm>> -> memref<128xi32, #tpu.memory_space<hbm>>
          tpu.wait_dma2 semaphore(%run_scoped3A_143 : memref<!tpu.dma_semaphore, #tpu.memory_space<semaphore_mem>>) src(%dma_wait3A_167 : memref<128xi32, #tpu.memory_space<hbm>>) dst(%dma_wait3A_164 : memref<128xi32, #tpu.memory_space<vmem>>)
          tpu.yield
        }) : () -> ()
        %dma_start3A_136 = arith.constant 0 : i32
        %dma_start3A_137 = arith.constant 0 : i32
        %dma_start3A_138 = tpu.memref_slice %arg6[%dma_start3A_136, %dma_start3A_137] : memref<2x128xi32, #tpu.memory_space<vmem>> -> memref<1x128xi32, #tpu.memory_space<vmem>>
        %dma_start3A_139 = tpu.memref_squeeze %dma_start3A_138 : memref<1x128xi32, #tpu.memory_space<vmem>> -> memref<128xi32, #tpu.memory_space<vmem>>
        %dma_start3A_140 = arith.constant 0 : i32
        %dma_start3A_141 = arith.constant 0 : i32
        %dma_start3A_142 = tpu.memref_slice %arg2[%dma_start3A_140, %dma_start3A_141] : memref<10112x128xf32, #tpu.memory_space<hbm>> -> memref<10112x128xf32, #tpu.memory_space<hbm>>
        tpu.enqueue_indirect_dma source(%dma_start3A_142 : memref<10112x128xf32, #tpu.memory_space<hbm>>) target(%arg8 : memref<128x128xf32, #tpu.memory_space<vmem>>) offsets(%dma_start3A_139 : memref<128xi32, #tpu.memory_space<vmem>>) semaphore(%arg11 : memref<!tpu.dma_semaphore, #tpu.memory_space<semaphore_mem>>)
      } else {
      }
      %mul3A_109 = arith.constant 2 : i32
      %mul3A_110 = arith.muli %mul3A_109, %while3A_93 : i32
      %add3A_111 = arith.constant 1 : i32
      %add3A_112 = arith.addi %mul3A_110, %add3A_111 : i32
      %dma_wait3A_113 = arith.constant 1 : i32
      %dma_wait3A_114 = arith.constant 0 : i32
      %dma_wait3A_115 = tpu.memref_slice %arg6[%dma_wait3A_113, %dma_wait3A_114] : memref<2x128xi32, #tpu.memory_space<vmem>> -> memref<1x128xi32, #tpu.memory_space<vmem>>
      %dma_wait3A_116 = tpu.memref_squeeze %dma_wait3A_115 : memref<1x128xi32, #tpu.memory_space<vmem>> -> memref<128xi32, #tpu.memory_space<vmem>>
      %dma_wait3A_117 = arith.constant 0 : i32
      %dma_wait3A_118 = arith.constant 0 : i32
      %dma_wait3A_119 = tpu.memref_slice %arg2[%dma_wait3A_117, %dma_wait3A_118] : memref<10112x128xf32, #tpu.memory_space<hbm>> -> memref<10112x128xf32, #tpu.memory_space<hbm>>
      tpu.wait_indirect_dma semaphore(%arg12 : memref<!tpu.dma_semaphore, #tpu.memory_space<semaphore_mem>>) src(%dma_wait3A_119 : memref<10112x128xf32, #tpu.memory_space<hbm>>) dst(%arg9 : memref<128x128xf32, #tpu.memory_space<vmem>>)
      %run_scoped3A_120 = arith.constant 1 : i32
      "tpu.region"() ({
        %run_scoped3A_128 = tpu.sem_alloc : memref<!tpu.dma_semaphore, #tpu.memory_space<semaphore_mem>>
        %dma_start3A_129 = arith.constant 0 : i32
        %dma_start3A_130 = tpu.memref_slice %arg7[%run_scoped3A_120, %dma_start3A_129] : memref<2x128xi32, #tpu.memory_space<vmem>> -> memref<1x128xi32, #tpu.memory_space<vmem>>
        %dma_start3A_131 = tpu.memref_squeeze %dma_start3A_130 : memref<1x128xi32, #tpu.memory_space<vmem>> -> memref<128xi32, #tpu.memory_space<vmem>>
        %dma_start3A_132 = arith.constant 0 : i32
        %dma_start3A_133 = arith.constant 0 : i32
        %dma_start3A_134 = tpu.memref_slice %arg10[%dma_start3A_132, %dma_start3A_133] : memref<10112x128xf32, #tpu.memory_space<vmem_shared>> -> memref<10112x128xf32, #tpu.memory_space<vmem_shared>>
        tpu.enqueue_indirect_dma source(%arg9 : memref<128x128xf32, #tpu.memory_space<vmem>>) target(%dma_start3A_134 : memref<10112x128xf32, #tpu.memory_space<vmem_shared>>) offsets(%dma_start3A_131 : memref<128xi32, #tpu.memory_space<vmem>>) semaphore(%run_scoped3A_128 : memref<!tpu.dma_semaphore, #tpu.memory_space<semaphore_mem>>) {add = true}
        %dma_wait3A_135 = arith.constant 0 : i32
        %dma_wait3A_136 = tpu.memref_slice %arg7[%run_scoped3A_120, %dma_wait3A_135] : memref<2x128xi32, #tpu.memory_space<vmem>> -> memref<1x128xi32, #tpu.memory_space<vmem>>
        %dma_wait3A_137 = tpu.memref_squeeze %dma_wait3A_136 : memref<1x128xi32, #tpu.memory_space<vmem>> -> memref<128xi32, #tpu.memory_space<vmem>>
        %dma_wait3A_138 = arith.constant 0 : i32
        %dma_wait3A_139 = arith.constant 0 : i32
        %dma_wait3A_140 = tpu.memref_slice %arg10[%dma_wait3A_138, %dma_wait3A_139] : memref<10112x128xf32, #tpu.memory_space<vmem_shared>> -> memref<10112x128xf32, #tpu.memory_space<vmem_shared>>
        tpu.wait_indirect_dma semaphore(%run_scoped3A_128 : memref<!tpu.dma_semaphore, #tpu.memory_space<semaphore_mem>>) src(%arg9 : memref<128x128xf32, #tpu.memory_space<vmem>>) dst(%dma_wait3A_140 : memref<10112x128xf32, #tpu.memory_space<vmem_shared>>)
        tpu.yield
      }) : () -> ()
      %sub3A_121 = arith.constant 1 : i32
      %sub3A_122 = arith.subi %select_n3A_27, %sub3A_121 : i32
      %lt3A_123 = arith.cmpi slt, %while3A_93, %sub3A_122 : i32
      %convert_element_type3A_124 = arith.extui %lt3A_123 : i1 to i32
      %cond3A_125 = arith.constant 0 : i32
      %cond3A_126 = arith.cmpi ne, %convert_element_type3A_124, %cond3A_125 : i32
      scf.if %cond3A_126 {
        %add3A_128 = arith.addi %select_n3A, %add3A_112 : i32
        %add3A_129 = arith.constant 2 : i32
        %add3A_130 = arith.addi %add3A_128, %add3A_129 : i32
        %run_scoped3A_131 = arith.constant 1 : i32
        "tpu.region"() ({
          %run_scoped3A_143 = tpu.sem_alloc : memref<!tpu.dma_semaphore, #tpu.memory_space<semaphore_mem>>
          %dma_start3A_144 = arith.constant 0 : i32
          %dma_start3A_145 = tpu.memref_slice %arg6[%run_scoped3A_131, %dma_start3A_144] : memref<2x128xi32, #tpu.memory_space<vmem>> -> memref<1x128xi32, #tpu.memory_space<vmem>>
          %dma_start3A_146 = tpu.memref_squeeze %dma_start3A_145 : memref<1x128xi32, #tpu.memory_space<vmem>> -> memref<128xi32, #tpu.memory_space<vmem>>
          %dma_start3A_147 = arith.constant 0 : i32
          %dma_start3A_148 = tpu.memref_slice %arg3[%add3A_130, %dma_start3A_147] : memref<2560x128xi32, #tpu.memory_space<hbm>> -> memref<1x128xi32, #tpu.memory_space<hbm>>
          %dma_start3A_149 = tpu.memref_squeeze %dma_start3A_148 : memref<1x128xi32, #tpu.memory_space<hbm>> -> memref<128xi32, #tpu.memory_space<hbm>>
          %dma_start3A_150 = arith.constant 0 : i32
          %dma_start3A_151 = tpu.memref_slice %arg6[%run_scoped3A_131, %dma_start3A_150] : memref<2x128xi32, #tpu.memory_space<vmem>> -> memref<1x128xi32, #tpu.memory_space<vmem>>
          %dma_start3A_152 = tpu.memref_squeeze %dma_start3A_151 : memref<1x128xi32, #tpu.memory_space<vmem>> -> memref<128xi32, #tpu.memory_space<vmem>>
          %dma_start3A_153 = arith.constant 0 : i32
          %dma_start3A_154 = tpu.memref_slice %arg3[%add3A_130, %dma_start3A_153] : memref<2560x128xi32, #tpu.memory_space<hbm>> -> memref<1x128xi32, #tpu.memory_space<hbm>>
          %dma_start3A_155 = tpu.memref_squeeze %dma_start3A_154 : memref<1x128xi32, #tpu.memory_space<hbm>> -> memref<128xi32, #tpu.memory_space<hbm>>
          tpu.enqueue_dma source(%dma_start3A_155 : memref<128xi32, #tpu.memory_space<hbm>>) target(%dma_start3A_152 : memref<128xi32, #tpu.memory_space<vmem>>) target_semaphore(%run_scoped3A_143 : memref<!tpu.dma_semaphore, #tpu.memory_space<semaphore_mem>>)
          %dma_wait3A_156 = arith.constant 0 : i32
          %dma_wait3A_157 = tpu.memref_slice %arg6[%run_scoped3A_131, %dma_wait3A_156] : memref<2x128xi32, #tpu.memory_space<vmem>> -> memref<1x128xi32, #tpu.memory_space<vmem>>
          %dma_wait3A_158 = tpu.memref_squeeze %dma_wait3A_157 : memref<1x128xi32, #tpu.memory_space<vmem>> -> memref<128xi32, #tpu.memory_space<vmem>>
          %dma_wait3A_159 = arith.constant 0 : i32
          %dma_wait3A_160 = tpu.memref_slice %arg3[%add3A_130, %dma_wait3A_159] : memref<2560x128xi32, #tpu.memory_space<hbm>> -> memref<1x128xi32, #tpu.memory_space<hbm>>
          %dma_wait3A_161 = tpu.memref_squeeze %dma_wait3A_160 : memref<1x128xi32, #tpu.memory_space<hbm>> -> memref<128xi32, #tpu.memory_space<hbm>>
          %dma_wait3A_162 = arith.constant 0 : i32
          %dma_wait3A_163 = tpu.memref_slice %arg6[%run_scoped3A_131, %dma_wait3A_162] : memref<2x128xi32, #tpu.memory_space<vmem>> -> memref<1x128xi32, #tpu.memory_space<vmem>>
          %dma_wait3A_164 = tpu.memref_squeeze %dma_wait3A_163 : memref<1x128xi32, #tpu.memory_space<vmem>> -> memref<128xi32, #tpu.memory_space<vmem>>
          %dma_wait3A_165 = arith.constant 0 : i32
          %dma_wait3A_166 = tpu.memref_slice %arg3[%add3A_130, %dma_wait3A_165] : memref<2560x128xi32, #tpu.memory_space<hbm>> -> memref<1x128xi32, #tpu.memory_space<hbm>>
          %dma_wait3A_167 = tpu.memref_squeeze %dma_wait3A_166 : memref<1x128xi32, #tpu.memory_space<hbm>> -> memref<128xi32, #tpu.memory_space<hbm>>
          tpu.wait_dma2 semaphore(%run_scoped3A_143 : memref<!tpu.dma_semaphore, #tpu.memory_space<semaphore_mem>>) src(%dma_wait3A_167 : memref<128xi32, #tpu.memory_space<hbm>>) dst(%dma_wait3A_164 : memref<128xi32, #tpu.memory_space<vmem>>)
          tpu.yield
        }) : () -> ()
        %add3A_132 = arith.addi %select_n3A, %add3A_112 : i32
        %add3A_133 = arith.constant 2 : i32
        %add3A_134 = arith.addi %add3A_132, %add3A_133 : i32
        %run_scoped3A_135 = arith.constant 1 : i32
        "tpu.region"() ({
          %run_scoped3A_143 = tpu.sem_alloc : memref<!tpu.dma_semaphore, #tpu.memory_space<semaphore_mem>>
          %dma_start3A_144 = arith.constant 0 : i32
          %dma_start3A_145 = tpu.memref_slice %arg7[%run_scoped3A_135, %dma_start3A_144] : memref<2x128xi32, #tpu.memory_space<vmem>> -> memref<1x128xi32, #tpu.memory_space<vmem>>
          %dma_start3A_146 = tpu.memref_squeeze %dma_start3A_145 : memref<1x128xi32, #tpu.memory_space<vmem>> -> memref<128xi32, #tpu.memory_space<vmem>>
          %dma_start3A_147 = arith.constant 0 : i32
          %dma_start3A_148 = tpu.memref_slice %arg4[%add3A_134, %dma_start3A_147] : memref<2560x128xi32, #tpu.memory_space<hbm>> -> memref<1x128xi32, #tpu.memory_space<hbm>>
          %dma_start3A_149 = tpu.memref_squeeze %dma_start3A_148 : memref<1x128xi32, #tpu.memory_space<hbm>> -> memref<128xi32, #tpu.memory_space<hbm>>
          %dma_start3A_150 = arith.constant 0 : i32
          %dma_start3A_151 = tpu.memref_slice %arg7[%run_scoped3A_135, %dma_start3A_150] : memref<2x128xi32, #tpu.memory_space<vmem>> -> memref<1x128xi32, #tpu.memory_space<vmem>>
          %dma_start3A_152 = tpu.memref_squeeze %dma_start3A_151 : memref<1x128xi32, #tpu.memory_space<vmem>> -> memref<128xi32, #tpu.memory_space<vmem>>
          %dma_start3A_153 = arith.constant 0 : i32
          %dma_start3A_154 = tpu.memref_slice %arg4[%add3A_134, %dma_start3A_153] : memref<2560x128xi32, #tpu.memory_space<hbm>> -> memref<1x128xi32, #tpu.memory_space<hbm>>
          %dma_start3A_155 = tpu.memref_squeeze %dma_start3A_154 : memref<1x128xi32, #tpu.memory_space<hbm>> -> memref<128xi32, #tpu.memory_space<hbm>>
          tpu.enqueue_dma source(%dma_start3A_155 : memref<128xi32, #tpu.memory_space<hbm>>) target(%dma_start3A_152 : memref<128xi32, #tpu.memory_space<vmem>>) target_semaphore(%run_scoped3A_143 : memref<!tpu.dma_semaphore, #tpu.memory_space<semaphore_mem>>)
          %dma_wait3A_156 = arith.constant 0 : i32
          %dma_wait3A_157 = tpu.memref_slice %arg7[%run_scoped3A_135, %dma_wait3A_156] : memref<2x128xi32, #tpu.memory_space<vmem>> -> memref<1x128xi32, #tpu.memory_space<vmem>>
          %dma_wait3A_158 = tpu.memref_squeeze %dma_wait3A_157 : memref<1x128xi32, #tpu.memory_space<vmem>> -> memref<128xi32, #tpu.memory_space<vmem>>
          %dma_wait3A_159 = arith.constant 0 : i32
          %dma_wait3A_160 = tpu.memref_slice %arg4[%add3A_134, %dma_wait3A_159] : memref<2560x128xi32, #tpu.memory_space<hbm>> -> memref<1x128xi32, #tpu.memory_space<hbm>>
          %dma_wait3A_161 = tpu.memref_squeeze %dma_wait3A_160 : memref<1x128xi32, #tpu.memory_space<hbm>> -> memref<128xi32, #tpu.memory_space<hbm>>
          %dma_wait3A_162 = arith.constant 0 : i32
          %dma_wait3A_163 = tpu.memref_slice %arg7[%run_scoped3A_135, %dma_wait3A_162] : memref<2x128xi32, #tpu.memory_space<vmem>> -> memref<1x128xi32, #tpu.memory_space<vmem>>
          %dma_wait3A_164 = tpu.memref_squeeze %dma_wait3A_163 : memref<1x128xi32, #tpu.memory_space<vmem>> -> memref<128xi32, #tpu.memory_space<vmem>>
          %dma_wait3A_165 = arith.constant 0 : i32
          %dma_wait3A_166 = tpu.memref_slice %arg4[%add3A_134, %dma_wait3A_165] : memref<2560x128xi32, #tpu.memory_space<hbm>> -> memref<1x128xi32, #tpu.memory_space<hbm>>
          %dma_wait3A_167 = tpu.memref_squeeze %dma_wait3A_166 : memref<1x128xi32, #tpu.memory_space<hbm>> -> memref<128xi32, #tpu.memory_space<hbm>>
          tpu.wait_dma2 semaphore(%run_scoped3A_143 : memref<!tpu.dma_semaphore, #tpu.memory_space<semaphore_mem>>) src(%dma_wait3A_167 : memref<128xi32, #tpu.memory_space<hbm>>) dst(%dma_wait3A_164 : memref<128xi32, #tpu.memory_space<vmem>>)
          tpu.yield
        }) : () -> ()
        %dma_start3A_136 = arith.constant 1 : i32
        %dma_start3A_137 = arith.constant 0 : i32
        %dma_start3A_138 = tpu.memref_slice %arg6[%dma_start3A_136, %dma_start3A_137] : memref<2x128xi32, #tpu.memory_space<vmem>> -> memref<1x128xi32, #tpu.memory_space<vmem>>
        %dma_start3A_139 = tpu.memref_squeeze %dma_start3A_138 : memref<1x128xi32, #tpu.memory_space<vmem>> -> memref<128xi32, #tpu.memory_space<vmem>>
        %dma_start3A_140 = arith.constant 0 : i32
        %dma_start3A_141 = arith.constant 0 : i32
        %dma_start3A_142 = tpu.memref_slice %arg2[%dma_start3A_140, %dma_start3A_141] : memref<10112x128xf32, #tpu.memory_space<hbm>> -> memref<10112x128xf32, #tpu.memory_space<hbm>>
        tpu.enqueue_indirect_dma source(%dma_start3A_142 : memref<10112x128xf32, #tpu.memory_space<hbm>>) target(%arg9 : memref<128x128xf32, #tpu.memory_space<vmem>>) offsets(%dma_start3A_139 : memref<128xi32, #tpu.memory_space<vmem>>) semaphore(%arg12 : memref<!tpu.dma_semaphore, #tpu.memory_space<semaphore_mem>>)
      } else {
      }
      %while3A_127 = arith.constant 0 : i32
      scf.yield %while3A_127 : i32
    }
    %while3A_80 = arith.constant 1 : i32
    %while3A_81 = scf.for %while3A_93 = %while3A_77 to %while3A_73 step %while3A_80 iter_args(%while3A_94 = %while3A_79) -> (i32)  : i32 {
      %mul3A_95 = arith.constant 2 : i32
      %mul3A_96 = arith.muli %mul3A_95, %while3A_93 : i32
      %add3A_97 = arith.constant 0 : i32
      %add3A_98 = arith.addi %mul3A_96, %add3A_97 : i32
      %dma_wait3A = arith.constant 0 : i32
      %dma_wait3A_99 = arith.constant 0 : i32
      %dma_wait3A_100 = tpu.memref_slice %arg6[%dma_wait3A, %dma_wait3A_99] : memref<2x128xi32, #tpu.memory_space<vmem>> -> memref<1x128xi32, #tpu.memory_space<vmem>>
      %dma_wait3A_101 = tpu.memref_squeeze %dma_wait3A_100 : memref<1x128xi32, #tpu.memory_space<vmem>> -> memref<128xi32, #tpu.memory_space<vmem>>
      %dma_wait3A_102 = arith.constant 0 : i32
      %dma_wait3A_103 = arith.constant 0 : i32
      %dma_wait3A_104 = tpu.memref_slice %arg2[%dma_wait3A_102, %dma_wait3A_103] : memref<10112x128xf32, #tpu.memory_space<hbm>> -> memref<10112x128xf32, #tpu.memory_space<hbm>>
      tpu.wait_indirect_dma semaphore(%arg11 : memref<!tpu.dma_semaphore, #tpu.memory_space<semaphore_mem>>) src(%dma_wait3A_104 : memref<10112x128xf32, #tpu.memory_space<hbm>>) dst(%arg8 : memref<128x128xf32, #tpu.memory_space<vmem>>)
      %run_scoped3A_105 = arith.constant 0 : i32
      "tpu.region"() ({
        %run_scoped3A_128 = tpu.sem_alloc : memref<!tpu.dma_semaphore, #tpu.memory_space<semaphore_mem>>
        %dma_start3A_129 = arith.constant 0 : i32
        %dma_start3A_130 = tpu.memref_slice %arg7[%run_scoped3A_105, %dma_start3A_129] : memref<2x128xi32, #tpu.memory_space<vmem>> -> memref<1x128xi32, #tpu.memory_space<vmem>>
        %dma_start3A_131 = tpu.memref_squeeze %dma_start3A_130 : memref<1x128xi32, #tpu.memory_space<vmem>> -> memref<128xi32, #tpu.memory_space<vmem>>
        %dma_start3A_132 = arith.constant 0 : i32
        %dma_start3A_133 = arith.constant 0 : i32
        %dma_start3A_134 = tpu.memref_slice %arg10[%dma_start3A_132, %dma_start3A_133] : memref<10112x128xf32, #tpu.memory_space<vmem_shared>> -> memref<10112x128xf32, #tpu.memory_space<vmem_shared>>
        tpu.enqueue_indirect_dma source(%arg8 : memref<128x128xf32, #tpu.memory_space<vmem>>) target(%dma_start3A_134 : memref<10112x128xf32, #tpu.memory_space<vmem_shared>>) offsets(%dma_start3A_131 : memref<128xi32, #tpu.memory_space<vmem>>) semaphore(%run_scoped3A_128 : memref<!tpu.dma_semaphore, #tpu.memory_space<semaphore_mem>>) {add = true}
        %dma_wait3A_135 = arith.constant 0 : i32
        %dma_wait3A_136 = tpu.memref_slice %arg7[%run_scoped3A_105, %dma_wait3A_135] : memref<2x128xi32, #tpu.memory_space<vmem>> -> memref<1x128xi32, #tpu.memory_space<vmem>>
        %dma_wait3A_137 = tpu.memref_squeeze %dma_wait3A_136 : memref<1x128xi32, #tpu.memory_space<vmem>> -> memref<128xi32, #tpu.memory_space<vmem>>
        %dma_wait3A_138 = arith.constant 0 : i32
        %dma_wait3A_139 = arith.constant 0 : i32
        %dma_wait3A_140 = tpu.memref_slice %arg10[%dma_wait3A_138, %dma_wait3A_139] : memref<10112x128xf32, #tpu.memory_space<vmem_shared>> -> memref<10112x128xf32, #tpu.memory_space<vmem_shared>>
        tpu.wait_indirect_dma semaphore(%run_scoped3A_128 : memref<!tpu.dma_semaphore, #tpu.memory_space<semaphore_mem>>) src(%arg8 : memref<128x128xf32, #tpu.memory_space<vmem>>) dst(%dma_wait3A_140 : memref<10112x128xf32, #tpu.memory_space<vmem_shared>>)
        tpu.yield
      }) : () -> ()
      %sub3A_106 = arith.constant 1 : i32
      %sub3A_107 = arith.subi %select_n3A_27, %sub3A_106 : i32
      %lt3A = arith.cmpi slt, %while3A_93, %sub3A_107 : i32
      %convert_element_type3A = arith.extui %lt3A : i1 to i32
      %cond3A = arith.constant 0 : i32
      %cond3A_108 = arith.cmpi ne, %convert_element_type3A, %cond3A : i32
      scf.if %cond3A_108 {
        %add3A_128 = arith.addi %select_n3A, %add3A_98 : i32
        %add3A_129 = arith.constant 2 : i32
        %add3A_130 = arith.addi %add3A_128, %add3A_129 : i32
        %run_scoped3A_131 = arith.constant 0 : i32
        "tpu.region"() ({
          %run_scoped3A_143 = tpu.sem_alloc : memref<!tpu.dma_semaphore, #tpu.memory_space<semaphore_mem>>
          %dma_start3A_144 = arith.constant 0 : i32
          %dma_start3A_145 = tpu.memref_slice %arg6[%run_scoped3A_131, %dma_start3A_144] : memref<2x128xi32, #tpu.memory_space<vmem>> -> memref<1x128xi32, #tpu.memory_space<vmem>>
          %dma_start3A_146 = tpu.memref_squeeze %dma_start3A_145 : memref<1x128xi32, #tpu.memory_space<vmem>> -> memref<128xi32, #tpu.memory_space<vmem>>
          %dma_start3A_147 = arith.constant 0 : i32
          %dma_start3A_148 = tpu.memref_slice %arg3[%add3A_130, %dma_start3A_147] : memref<2560x128xi32, #tpu.memory_space<hbm>> -> memref<1x128xi32, #tpu.memory_space<hbm>>
          %dma_start3A_149 = tpu.memref_squeeze %dma_start3A_148 : memref<1x128xi32, #tpu.memory_space<hbm>> -> memref<128xi32, #tpu.memory_space<hbm>>
          %dma_start3A_150 = arith.constant 0 : i32
          %dma_start3A_151 = tpu.memref_slice %arg6[%run_scoped3A_131, %dma_start3A_150] : memref<2x128xi32, #tpu.memory_space<vmem>> -> memref<1x128xi32, #tpu.memory_space<vmem>>
          %dma_start3A_152 = tpu.memref_squeeze %dma_start3A_151 : memref<1x128xi32, #tpu.memory_space<vmem>> -> memref<128xi32, #tpu.memory_space<vmem>>
          %dma_start3A_153 = arith.constant 0 : i32
          %dma_start3A_154 = tpu.memref_slice %arg3[%add3A_130, %dma_start3A_153] : memref<2560x128xi32, #tpu.memory_space<hbm>> -> memref<1x128xi32, #tpu.memory_space<hbm>>
          %dma_start3A_155 = tpu.memref_squeeze %dma_start3A_154 : memref<1x128xi32, #tpu.memory_space<hbm>> -> memref<128xi32, #tpu.memory_space<hbm>>
          tpu.enqueue_dma source(%dma_start3A_155 : memref<128xi32, #tpu.memory_space<hbm>>) target(%dma_start3A_152 : memref<128xi32, #tpu.memory_space<vmem>>) target_semaphore(%run_scoped3A_143 : memref<!tpu.dma_semaphore, #tpu.memory_space<semaphore_mem>>)
          %dma_wait3A_156 = arith.constant 0 : i32
          %dma_wait3A_157 = tpu.memref_slice %arg6[%run_scoped3A_131, %dma_wait3A_156] : memref<2x128xi32, #tpu.memory_space<vmem>> -> memref<1x128xi32, #tpu.memory_space<vmem>>
          %dma_wait3A_158 = tpu.memref_squeeze %dma_wait3A_157 : memref<1x128xi32, #tpu.memory_space<vmem>> -> memref<128xi32, #tpu.memory_space<vmem>>
          %dma_wait3A_159 = arith.constant 0 : i32
          %dma_wait3A_160 = tpu.memref_slice %arg3[%add3A_130, %dma_wait3A_159] : memref<2560x128xi32, #tpu.memory_space<hbm>> -> memref<1x128xi32, #tpu.memory_space<hbm>>
          %dma_wait3A_161 = tpu.memref_squeeze %dma_wait3A_160 : memref<1x128xi32, #tpu.memory_space<hbm>> -> memref<128xi32, #tpu.memory_space<hbm>>
          %dma_wait3A_162 = arith.constant 0 : i32
          %dma_wait3A_163 = tpu.memref_slice %arg6[%run_scoped3A_131, %dma_wait3A_162] : memref<2x128xi32, #tpu.memory_space<vmem>> -> memref<1x128xi32, #tpu.memory_space<vmem>>
          %dma_wait3A_164 = tpu.memref_squeeze %dma_wait3A_163 : memref<1x128xi32, #tpu.memory_space<vmem>> -> memref<128xi32, #tpu.memory_space<vmem>>
          %dma_wait3A_165 = arith.constant 0 : i32
          %dma_wait3A_166 = tpu.memref_slice %arg3[%add3A_130, %dma_wait3A_165] : memref<2560x128xi32, #tpu.memory_space<hbm>> -> memref<1x128xi32, #tpu.memory_space<hbm>>
          %dma_wait3A_167 = tpu.memref_squeeze %dma_wait3A_166 : memref<1x128xi32, #tpu.memory_space<hbm>> -> memref<128xi32, #tpu.memory_space<hbm>>
          tpu.wait_dma2 semaphore(%run_scoped3A_143 : memref<!tpu.dma_semaphore, #tpu.memory_space<semaphore_mem>>) src(%dma_wait3A_167 : memref<128xi32, #tpu.memory_space<hbm>>) dst(%dma_wait3A_164 : memref<128xi32, #tpu.memory_space<vmem>>)
          tpu.yield
        }) : () -> ()
        %add3A_132 = arith.addi %select_n3A, %add3A_98 : i32
        %add3A_133 = arith.constant 2 : i32
        %add3A_134 = arith.addi %add3A_132, %add3A_133 : i32
        %run_scoped3A_135 = arith.constant 0 : i32
        "tpu.region"() ({
          %run_scoped3A_143 = tpu.sem_alloc : memref<!tpu.dma_semaphore, #tpu.memory_space<semaphore_mem>>
          %dma_start3A_144 = arith.constant 0 : i32
          %dma_start3A_145 = tpu.memref_slice %arg7[%run_scoped3A_135, %dma_start3A_144] : memref<2x128xi32, #tpu.memory_space<vmem>> -> memref<1x128xi32, #tpu.memory_space<vmem>>
          %dma_start3A_146 = tpu.memref_squeeze %dma_start3A_145 : memref<1x128xi32, #tpu.memory_space<vmem>> -> memref<128xi32, #tpu.memory_space<vmem>>
          %dma_start3A_147 = arith.constant 0 : i32
          %dma_start3A_148 = tpu.memref_slice %arg4[%add3A_134, %dma_start3A_147] : memref<2560x128xi32, #tpu.memory_space<hbm>> -> memref<1x128xi32, #tpu.memory_space<hbm>>
          %dma_start3A_149 = tpu.memref_squeeze %dma_start3A_148 : memref<1x128xi32, #tpu.memory_space<hbm>> -> memref<128xi32, #tpu.memory_space<hbm>>
          %dma_start3A_150 = arith.constant 0 : i32
          %dma_start3A_151 = tpu.memref_slice %arg7[%run_scoped3A_135, %dma_start3A_150] : memref<2x128xi32, #tpu.memory_space<vmem>> -> memref<1x128xi32, #tpu.memory_space<vmem>>
          %dma_start3A_152 = tpu.memref_squeeze %dma_start3A_151 : memref<1x128xi32, #tpu.memory_space<vmem>> -> memref<128xi32, #tpu.memory_space<vmem>>
          %dma_start3A_153 = arith.constant 0 : i32
          %dma_start3A_154 = tpu.memref_slice %arg4[%add3A_134, %dma_start3A_153] : memref<2560x128xi32, #tpu.memory_space<hbm>> -> memref<1x128xi32, #tpu.memory_space<hbm>>
          %dma_start3A_155 = tpu.memref_squeeze %dma_start3A_154 : memref<1x128xi32, #tpu.memory_space<hbm>> -> memref<128xi32, #tpu.memory_space<hbm>>
          tpu.enqueue_dma source(%dma_start3A_155 : memref<128xi32, #tpu.memory_space<hbm>>) target(%dma_start3A_152 : memref<128xi32, #tpu.memory_space<vmem>>) target_semaphore(%run_scoped3A_143 : memref<!tpu.dma_semaphore, #tpu.memory_space<semaphore_mem>>)
          %dma_wait3A_156 = arith.constant 0 : i32
          %dma_wait3A_157 = tpu.memref_slice %arg7[%run_scoped3A_135, %dma_wait3A_156] : memref<2x128xi32, #tpu.memory_space<vmem>> -> memref<1x128xi32, #tpu.memory_space<vmem>>
          %dma_wait3A_158 = tpu.memref_squeeze %dma_wait3A_157 : memref<1x128xi32, #tpu.memory_space<vmem>> -> memref<128xi32, #tpu.memory_space<vmem>>
          %dma_wait3A_159 = arith.constant 0 : i32
          %dma_wait3A_160 = tpu.memref_slice %arg4[%add3A_134, %dma_wait3A_159] : memref<2560x128xi32, #tpu.memory_space<hbm>> -> memref<1x128xi32, #tpu.memory_space<hbm>>
          %dma_wait3A_161 = tpu.memref_squeeze %dma_wait3A_160 : memref<1x128xi32, #tpu.memory_space<hbm>> -> memref<128xi32, #tpu.memory_space<hbm>>
          %dma_wait3A_162 = arith.constant 0 : i32
          %dma_wait3A_163 = tpu.memref_slice %arg7[%run_scoped3A_135, %dma_wait3A_162] : memref<2x128xi32, #tpu.memory_space<vmem>> -> memref<1x128xi32, #tpu.memory_space<vmem>>
          %dma_wait3A_164 = tpu.memref_squeeze %dma_wait3A_163 : memref<1x128xi32, #tpu.memory_space<vmem>> -> memref<128xi32, #tpu.memory_space<vmem>>
          %dma_wait3A_165 = arith.constant 0 : i32
          %dma_wait3A_166 = tpu.memref_slice %arg4[%add3A_134, %dma_wait3A_165] : memref<2560x128xi32, #tpu.memory_space<hbm>> -> memref<1x128xi32, #tpu.memory_space<hbm>>
          %dma_wait3A_167 = tpu.memref_squeeze %dma_wait3A_166 : memref<1x128xi32, #tpu.memory_space<hbm>> -> memref<128xi32, #tpu.memory_space<hbm>>
          tpu.wait_dma2 semaphore(%run_scoped3A_143 : memref<!tpu.dma_semaphore, #tpu.memory_space<semaphore_mem>>) src(%dma_wait3A_167 : memref<128xi32, #tpu.memory_space<hbm>>) dst(%dma_wait3A_164 : memref<128xi32, #tpu.memory_space<vmem>>)
          tpu.yield
        }) : () -> ()
        %dma_start3A_136 = arith.constant 0 : i32
        %dma_start3A_137 = arith.constant 0 : i32
        %dma_start3A_138 = tpu.memref_slice %arg6[%dma_start3A_136, %dma_start3A_137] : memref<2x128xi32, #tpu.memory_space<vmem>> -> memref<1x128xi32, #tpu.memory_space<vmem>>
        %dma_start3A_139 = tpu.memref_squeeze %dma_start3A_138 : memref<1x128xi32, #tpu.memory_space<vmem>> -> memref<128xi32, #tpu.memory_space<vmem>>
        %dma_start3A_140 = arith.constant 0 : i32
        %dma_start3A_141 = arith.constant 0 : i32
        %dma_start3A_142 = tpu.memref_slice %arg2[%dma_start3A_140, %dma_start3A_141] : memref<10112x128xf32, #tpu.memory_space<hbm>> -> memref<10112x128xf32, #tpu.memory_space<hbm>>
        tpu.enqueue_indirect_dma source(%dma_start3A_142 : memref<10112x128xf32, #tpu.memory_space<hbm>>) target(%arg8 : memref<128x128xf32, #tpu.memory_space<vmem>>) offsets(%dma_start3A_139 : memref<128xi32, #tpu.memory_space<vmem>>) semaphore(%arg11 : memref<!tpu.dma_semaphore, #tpu.memory_space<semaphore_mem>>)
      } else {
      }
      %mul3A_109 = arith.constant 2 : i32
      %mul3A_110 = arith.muli %mul3A_109, %while3A_93 : i32
      %add3A_111 = arith.constant 1 : i32
      %add3A_112 = arith.addi %mul3A_110, %add3A_111 : i32
      %dma_wait3A_113 = arith.constant 1 : i32
      %dma_wait3A_114 = arith.constant 0 : i32
      %dma_wait3A_115 = tpu.memref_slice %arg6[%dma_wait3A_113, %dma_wait3A_114] : memref<2x128xi32, #tpu.memory_space<vmem>> -> memref<1x128xi32, #tpu.memory_space<vmem>>
      %dma_wait3A_116 = tpu.memref_squeeze %dma_wait3A_115 : memref<1x128xi32, #tpu.memory_space<vmem>> -> memref<128xi32, #tpu.memory_space<vmem>>
      %dma_wait3A_117 = arith.constant 0 : i32
      %dma_wait3A_118 = arith.constant 0 : i32
      %dma_wait3A_119 = tpu.memref_slice %arg2[%dma_wait3A_117, %dma_wait3A_118] : memref<10112x128xf32, #tpu.memory_space<hbm>> -> memref<10112x128xf32, #tpu.memory_space<hbm>>
      tpu.wait_indirect_dma semaphore(%arg12 : memref<!tpu.dma_semaphore, #tpu.memory_space<semaphore_mem>>) src(%dma_wait3A_119 : memref<10112x128xf32, #tpu.memory_space<hbm>>) dst(%arg9 : memref<128x128xf32, #tpu.memory_space<vmem>>)
      %run_scoped3A_120 = arith.constant 1 : i32
      "tpu.region"() ({
        %run_scoped3A_128 = tpu.sem_alloc : memref<!tpu.dma_semaphore, #tpu.memory_space<semaphore_mem>>
        %dma_start3A_129 = arith.constant 0 : i32
        %dma_start3A_130 = tpu.memref_slice %arg7[%run_scoped3A_120, %dma_start3A_129] : memref<2x128xi32, #tpu.memory_space<vmem>> -> memref<1x128xi32, #tpu.memory_space<vmem>>
        %dma_start3A_131 = tpu.memref_squeeze %dma_start3A_130 : memref<1x128xi32, #tpu.memory_space<vmem>> -> memref<128xi32, #tpu.memory_space<vmem>>
        %dma_start3A_132 = arith.constant 0 : i32
        %dma_start3A_133 = arith.constant 0 : i32
        %dma_start3A_134 = tpu.memref_slice %arg10[%dma_start3A_132, %dma_start3A_133] : memref<10112x128xf32, #tpu.memory_space<vmem_shared>> -> memref<10112x128xf32, #tpu.memory_space<vmem_shared>>
        tpu.enqueue_indirect_dma source(%arg9 : memref<128x128xf32, #tpu.memory_space<vmem>>) target(%dma_start3A_134 : memref<10112x128xf32, #tpu.memory_space<vmem_shared>>) offsets(%dma_start3A_131 : memref<128xi32, #tpu.memory_space<vmem>>) semaphore(%run_scoped3A_128 : memref<!tpu.dma_semaphore, #tpu.memory_space<semaphore_mem>>) {add = true}
        %dma_wait3A_135 = arith.constant 0 : i32
        %dma_wait3A_136 = tpu.memref_slice %arg7[%run_scoped3A_120, %dma_wait3A_135] : memref<2x128xi32, #tpu.memory_space<vmem>> -> memref<1x128xi32, #tpu.memory_space<vmem>>
        %dma_wait3A_137 = tpu.memref_squeeze %dma_wait3A_136 : memref<1x128xi32, #tpu.memory_space<vmem>> -> memref<128xi32, #tpu.memory_space<vmem>>
        %dma_wait3A_138 = arith.constant 0 : i32
        %dma_wait3A_139 = arith.constant 0 : i32
        %dma_wait3A_140 = tpu.memref_slice %arg10[%dma_wait3A_138, %dma_wait3A_139] : memref<10112x128xf32, #tpu.memory_space<vmem_shared>> -> memref<10112x128xf32, #tpu.memory_space<vmem_shared>>
        tpu.wait_indirect_dma semaphore(%run_scoped3A_128 : memref<!tpu.dma_semaphore, #tpu.memory_space<semaphore_mem>>) src(%arg9 : memref<128x128xf32, #tpu.memory_space<vmem>>) dst(%dma_wait3A_140 : memref<10112x128xf32, #tpu.memory_space<vmem_shared>>)
        tpu.yield
      }) : () -> ()
      %sub3A_121 = arith.constant 1 : i32
      %sub3A_122 = arith.subi %select_n3A_27, %sub3A_121 : i32
      %lt3A_123 = arith.cmpi slt, %while3A_93, %sub3A_122 : i32
      %convert_element_type3A_124 = arith.extui %lt3A_123 : i1 to i32
      %cond3A_125 = arith.constant 0 : i32
      %cond3A_126 = arith.cmpi ne, %convert_element_type3A_124, %cond3A_125 : i32
      scf.if %cond3A_126 {
        %add3A_128 = arith.addi %select_n3A, %add3A_112 : i32
        %add3A_129 = arith.constant 2 : i32
        %add3A_130 = arith.addi %add3A_128, %add3A_129 : i32
        %run_scoped3A_131 = arith.constant 1 : i32
        "tpu.region"() ({
          %run_scoped3A_143 = tpu.sem_alloc : memref<!tpu.dma_semaphore, #tpu.memory_space<semaphore_mem>>
          %dma_start3A_144 = arith.constant 0 : i32
          %dma_start3A_145 = tpu.memref_slice %arg6[%run_scoped3A_131, %dma_start3A_144] : memref<2x128xi32, #tpu.memory_space<vmem>> -> memref<1x128xi32, #tpu.memory_space<vmem>>
          %dma_start3A_146 = tpu.memref_squeeze %dma_start3A_145 : memref<1x128xi32, #tpu.memory_space<vmem>> -> memref<128xi32, #tpu.memory_space<vmem>>
          %dma_start3A_147 = arith.constant 0 : i32
          %dma_start3A_148 = tpu.memref_slice %arg3[%add3A_130, %dma_start3A_147] : memref<2560x128xi32, #tpu.memory_space<hbm>> -> memref<1x128xi32, #tpu.memory_space<hbm>>
          %dma_start3A_149 = tpu.memref_squeeze %dma_start3A_148 : memref<1x128xi32, #tpu.memory_space<hbm>> -> memref<128xi32, #tpu.memory_space<hbm>>
          %dma_start3A_150 = arith.constant 0 : i32
          %dma_start3A_151 = tpu.memref_slice %arg6[%run_scoped3A_131, %dma_start3A_150] : memref<2x128xi32, #tpu.memory_space<vmem>> -> memref<1x128xi32, #tpu.memory_space<vmem>>
          %dma_start3A_152 = tpu.memref_squeeze %dma_start3A_151 : memref<1x128xi32, #tpu.memory_space<vmem>> -> memref<128xi32, #tpu.memory_space<vmem>>
          %dma_start3A_153 = arith.constant 0 : i32
          %dma_start3A_154 = tpu.memref_slice %arg3[%add3A_130, %dma_start3A_153] : memref<2560x128xi32, #tpu.memory_space<hbm>> -> memref<1x128xi32, #tpu.memory_space<hbm>>
          %dma_start3A_155 = tpu.memref_squeeze %dma_start3A_154 : memref<1x128xi32, #tpu.memory_space<hbm>> -> memref<128xi32, #tpu.memory_space<hbm>>
          tpu.enqueue_dma source(%dma_start3A_155 : memref<128xi32, #tpu.memory_space<hbm>>) target(%dma_start3A_152 : memref<128xi32, #tpu.memory_space<vmem>>) target_semaphore(%run_scoped3A_143 : memref<!tpu.dma_semaphore, #tpu.memory_space<semaphore_mem>>)
          %dma_wait3A_156 = arith.constant 0 : i32
          %dma_wait3A_157 = tpu.memref_slice %arg6[%run_scoped3A_131, %dma_wait3A_156] : memref<2x128xi32, #tpu.memory_space<vmem>> -> memref<1x128xi32, #tpu.memory_space<vmem>>
          %dma_wait3A_158 = tpu.memref_squeeze %dma_wait3A_157 : memref<1x128xi32, #tpu.memory_space<vmem>> -> memref<128xi32, #tpu.memory_space<vmem>>
          %dma_wait3A_159 = arith.constant 0 : i32
          %dma_wait3A_160 = tpu.memref_slice %arg3[%add3A_130, %dma_wait3A_159] : memref<2560x128xi32, #tpu.memory_space<hbm>> -> memref<1x128xi32, #tpu.memory_space<hbm>>
          %dma_wait3A_161 = tpu.memref_squeeze %dma_wait3A_160 : memref<1x128xi32, #tpu.memory_space<hbm>> -> memref<128xi32, #tpu.memory_space<hbm>>
          %dma_wait3A_162 = arith.constant 0 : i32
          %dma_wait3A_163 = tpu.memref_slice %arg6[%run_scoped3A_131, %dma_wait3A_162] : memref<2x128xi32, #tpu.memory_space<vmem>> -> memref<1x128xi32, #tpu.memory_space<vmem>>
          %dma_wait3A_164 = tpu.memref_squeeze %dma_wait3A_163 : memref<1x128xi32, #tpu.memory_space<vmem>> -> memref<128xi32, #tpu.memory_space<vmem>>
          %dma_wait3A_165 = arith.constant 0 : i32
          %dma_wait3A_166 = tpu.memref_slice %arg3[%add3A_130, %dma_wait3A_165] : memref<2560x128xi32, #tpu.memory_space<hbm>> -> memref<1x128xi32, #tpu.memory_space<hbm>>
          %dma_wait3A_167 = tpu.memref_squeeze %dma_wait3A_166 : memref<1x128xi32, #tpu.memory_space<hbm>> -> memref<128xi32, #tpu.memory_space<hbm>>
          tpu.wait_dma2 semaphore(%run_scoped3A_143 : memref<!tpu.dma_semaphore, #tpu.memory_space<semaphore_mem>>) src(%dma_wait3A_167 : memref<128xi32, #tpu.memory_space<hbm>>) dst(%dma_wait3A_164 : memref<128xi32, #tpu.memory_space<vmem>>)
          tpu.yield
        }) : () -> ()
        %add3A_132 = arith.addi %select_n3A, %add3A_112 : i32
        %add3A_133 = arith.constant 2 : i32
        %add3A_134 = arith.addi %add3A_132, %add3A_133 : i32
        %run_scoped3A_135 = arith.constant 1 : i32
        "tpu.region"() ({
          %run_scoped3A_143 = tpu.sem_alloc : memref<!tpu.dma_semaphore, #tpu.memory_space<semaphore_mem>>
          %dma_start3A_144 = arith.constant 0 : i32
          %dma_start3A_145 = tpu.memref_slice %arg7[%run_scoped3A_135, %dma_start3A_144] : memref<2x128xi32, #tpu.memory_space<vmem>> -> memref<1x128xi32, #tpu.memory_space<vmem>>
          %dma_start3A_146 = tpu.memref_squeeze %dma_start3A_145 : memref<1x128xi32, #tpu.memory_space<vmem>> -> memref<128xi32, #tpu.memory_space<vmem>>
          %dma_start3A_147 = arith.constant 0 : i32
          %dma_start3A_148 = tpu.memref_slice %arg4[%add3A_134, %dma_start3A_147] : memref<2560x128xi32, #tpu.memory_space<hbm>> -> memref<1x128xi32, #tpu.memory_space<hbm>>
          %dma_start3A_149 = tpu.memref_squeeze %dma_start3A_148 : memref<1x128xi32, #tpu.memory_space<hbm>> -> memref<128xi32, #tpu.memory_space<hbm>>
          %dma_start3A_150 = arith.constant 0 : i32
          %dma_start3A_151 = tpu.memref_slice %arg7[%run_scoped3A_135, %dma_start3A_150] : memref<2x128xi32, #tpu.memory_space<vmem>> -> memref<1x128xi32, #tpu.memory_space<vmem>>
          %dma_start3A_152 = tpu.memref_squeeze %dma_start3A_151 : memref<1x128xi32, #tpu.memory_space<vmem>> -> memref<128xi32, #tpu.memory_space<vmem>>
          %dma_start3A_153 = arith.constant 0 : i32
          %dma_start3A_154 = tpu.memref_slice %arg4[%add3A_134, %dma_start3A_153] : memref<2560x128xi32, #tpu.memory_space<hbm>> -> memref<1x128xi32, #tpu.memory_space<hbm>>
          %dma_start3A_155 = tpu.memref_squeeze %dma_start3A_154 : memref<1x128xi32, #tpu.memory_space<hbm>> -> memref<128xi32, #tpu.memory_space<hbm>>
          tpu.enqueue_dma source(%dma_start3A_155 : memref<128xi32, #tpu.memory_space<hbm>>) target(%dma_start3A_152 : memref<128xi32, #tpu.memory_space<vmem>>) target_semaphore(%run_scoped3A_143 : memref<!tpu.dma_semaphore, #tpu.memory_space<semaphore_mem>>)
          %dma_wait3A_156 = arith.constant 0 : i32
          %dma_wait3A_157 = tpu.memref_slice %arg7[%run_scoped3A_135, %dma_wait3A_156] : memref<2x128xi32, #tpu.memory_space<vmem>> -> memref<1x128xi32, #tpu.memory_space<vmem>>
          %dma_wait3A_158 = tpu.memref_squeeze %dma_wait3A_157 : memref<1x128xi32, #tpu.memory_space<vmem>> -> memref<128xi32, #tpu.memory_space<vmem>>
          %dma_wait3A_159 = arith.constant 0 : i32
          %dma_wait3A_160 = tpu.memref_slice %arg4[%add3A_134, %dma_wait3A_159] : memref<2560x128xi32, #tpu.memory_space<hbm>> -> memref<1x128xi32, #tpu.memory_space<hbm>>
          %dma_wait3A_161 = tpu.memref_squeeze %dma_wait3A_160 : memref<1x128xi32, #tpu.memory_space<hbm>> -> memref<128xi32, #tpu.memory_space<hbm>>
          %dma_wait3A_162 = arith.constant 0 : i32
          %dma_wait3A_163 = tpu.memref_slice %arg7[%run_scoped3A_135, %dma_wait3A_162] : memref<2x128xi32, #tpu.memory_space<vmem>> -> memref<1x128xi32, #tpu.memory_space<vmem>>
          %dma_wait3A_164 = tpu.memref_squeeze %dma_wait3A_163 : memref<1x128xi32, #tpu.memory_space<vmem>> -> memref<128xi32, #tpu.memory_space<vmem>>
          %dma_wait3A_165 = arith.constant 0 : i32
          %dma_wait3A_166 = tpu.memref_slice %arg4[%add3A_134, %dma_wait3A_165] : memref<2560x128xi32, #tpu.memory_space<hbm>> -> memref<1x128xi32, #tpu.memory_space<hbm>>
          %dma_wait3A_167 = tpu.memref_squeeze %dma_wait3A_166 : memref<1x128xi32, #tpu.memory_space<hbm>> -> memref<128xi32, #tpu.memory_space<hbm>>
          tpu.wait_dma2 semaphore(%run_scoped3A_143 : memref<!tpu.dma_semaphore, #tpu.memory_space<semaphore_mem>>) src(%dma_wait3A_167 : memref<128xi32, #tpu.memory_space<hbm>>) dst(%dma_wait3A_164 : memref<128xi32, #tpu.memory_space<vmem>>)
          tpu.yield
        }) : () -> ()
        %dma_start3A_136 = arith.constant 1 : i32
        %dma_start3A_137 = arith.constant 0 : i32
        %dma_start3A_138 = tpu.memref_slice %arg6[%dma_start3A_136, %dma_start3A_137] : memref<2x128xi32, #tpu.memory_space<vmem>> -> memref<1x128xi32, #tpu.memory_space<vmem>>
        %dma_start3A_139 = tpu.memref_squeeze %dma_start3A_138 : memref<1x128xi32, #tpu.memory_space<vmem>> -> memref<128xi32, #tpu.memory_space<vmem>>
        %dma_start3A_140 = arith.constant 0 : i32
        %dma_start3A_141 = arith.constant 0 : i32
        %dma_start3A_142 = tpu.memref_slice %arg2[%dma_start3A_140, %dma_start3A_141] : memref<10112x128xf32, #tpu.memory_space<hbm>> -> memref<10112x128xf32, #tpu.memory_space<hbm>>
        tpu.enqueue_indirect_dma source(%dma_start3A_142 : memref<10112x128xf32, #tpu.memory_space<hbm>>) target(%arg9 : memref<128x128xf32, #tpu.memory_space<vmem>>) offsets(%dma_start3A_139 : memref<128xi32, #tpu.memory_space<vmem>>) semaphore(%arg12 : memref<!tpu.dma_semaphore, #tpu.memory_space<semaphore_mem>>)
      } else {
      }
      %while3A_127 = arith.constant 0 : i32
      scf.yield %while3A_127 : i32
    }
    %barrier3A_82 = arith.constant 0 : index
    tpu.barrier barrier_id(%barrier3A_82)
    %add3A_83 = arith.constant 0 : i32
    %add3A_84 = arith.addi %mul3A_36, %add3A_83 : i32
    "tpu.region"() ({
      %run_scoped3A_93 = tpu.sem_alloc : memref<!tpu.dma_semaphore, #tpu.memory_space<semaphore_mem>>
      %dma_start3A_94 = arith.constant 0 : i32
      %dma_start3A_95 = arith.constant 0 : i32
      %dma_start3A_96 = tpu.memref_slice %arg8[%dma_start3A_94, %dma_start3A_95] : memref<128x128xf32, #tpu.memory_space<vmem>> -> memref<128x128xf32, #tpu.memory_space<vmem>>
      %dma_start3A_97 = arith.constant 0 : i32
      %dma_start3A_98 = tpu.memref_slice %arg10[%add3A_84, %dma_start3A_97] : memref<10112x128xf32, #tpu.memory_space<vmem_shared>> -> memref<128x128xf32, #tpu.memory_space<vmem_shared>>
      %dma_start3A_99 = arith.constant 0 : i32
      %dma_start3A_100 = arith.constant 0 : i32
      %dma_start3A_101 = tpu.memref_slice %arg8[%dma_start3A_99, %dma_start3A_100] : memref<128x128xf32, #tpu.memory_space<vmem>> -> memref<128x128xf32, #tpu.memory_space<vmem>>
      %dma_start3A_102 = arith.constant 0 : i32
      %dma_start3A_103 = tpu.memref_slice %arg10[%add3A_84, %dma_start3A_102] : memref<10112x128xf32, #tpu.memory_space<vmem_shared>> -> memref<128x128xf32, #tpu.memory_space<vmem_shared>>
      tpu.enqueue_dma source(%dma_start3A_103 : memref<128x128xf32, #tpu.memory_space<vmem_shared>>) target(%dma_start3A_101 : memref<128x128xf32, #tpu.memory_space<vmem>>) target_semaphore(%run_scoped3A_93 : memref<!tpu.dma_semaphore, #tpu.memory_space<semaphore_mem>>)
      %dma_wait3A = arith.constant 0 : i32
      %dma_wait3A_104 = arith.constant 0 : i32
      %dma_wait3A_105 = tpu.memref_slice %arg8[%dma_wait3A, %dma_wait3A_104] : memref<128x128xf32, #tpu.memory_space<vmem>> -> memref<128x128xf32, #tpu.memory_space<vmem>>
      %dma_wait3A_106 = arith.constant 0 : i32
      %dma_wait3A_107 = tpu.memref_slice %arg10[%add3A_84, %dma_wait3A_106] : memref<10112x128xf32, #tpu.memory_space<vmem_shared>> -> memref<128x128xf32, #tpu.memory_space<vmem_shared>>
      %dma_wait3A_108 = arith.constant 0 : i32
      %dma_wait3A_109 = arith.constant 0 : i32
      %dma_wait3A_110 = tpu.memref_slice %arg8[%dma_wait3A_108, %dma_wait3A_109] : memref<128x128xf32, #tpu.memory_space<vmem>> -> memref<128x128xf32, #tpu.memory_space<vmem>>
      %dma_wait3A_111 = arith.constant 0 : i32
      %dma_wait3A_112 = tpu.memref_slice %arg10[%add3A_84, %dma_wait3A_111] : memref<10112x128xf32, #tpu.memory_space<vmem_shared>> -> memref<128x128xf32, #tpu.memory_space<vmem_shared>>
      tpu.wait_dma2 semaphore(%run_scoped3A_93 : memref<!tpu.dma_semaphore, #tpu.memory_space<semaphore_mem>>) src(%dma_wait3A_112 : memref<128x128xf32, #tpu.memory_space<vmem_shared>>) dst(%dma_wait3A_110 : memref<128x128xf32, #tpu.memory_space<vmem>>)
      tpu.yield
    }) : () -> ()
    "tpu.region"() ({
      %run_scoped3A_93 = tpu.sem_alloc : memref<!tpu.dma_semaphore, #tpu.memory_space<semaphore_mem>>
      %dma_start3A_94 = arith.constant 0 : i32
      %dma_start3A_95 = arith.constant 0 : i32
      %dma_start3A_96 = tpu.memref_slice %arg8[%dma_start3A_94, %dma_start3A_95] : memref<128x128xf32, #tpu.memory_space<vmem>> -> memref<128x128xf32, #tpu.memory_space<vmem>>
      %dma_start3A_97 = arith.constant 0 : i32
      %dma_start3A_98 = arith.constant 0 : i32
      %dma_start3A_99 = tpu.memref_slice %arg5[%add3A, %dma_start3A_97, %dma_start3A_98] : memref<32x632x128xf32, #tpu.memory_space<hbm>> -> memref<1x128x128xf32, #tpu.memory_space<hbm>>
      %dma_start3A_100 = tpu.memref_squeeze %dma_start3A_99 : memref<1x128x128xf32, #tpu.memory_space<hbm>> -> memref<128x128xf32, #tpu.memory_space<hbm>>
      %dma_start3A_101 = arith.constant 0 : i32
      %dma_start3A_102 = arith.constant 0 : i32
      %dma_start3A_103 = tpu.memref_slice %arg5[%add3A, %dma_start3A_101, %dma_start3A_102] : memref<32x632x128xf32, #tpu.memory_space<hbm>> -> memref<1x128x128xf32, #tpu.memory_space<hbm>>
      %dma_start3A_104 = tpu.memref_squeeze %dma_start3A_103 : memref<1x128x128xf32, #tpu.memory_space<hbm>> -> memref<128x128xf32, #tpu.memory_space<hbm>>
      %dma_start3A_105 = arith.constant 0 : i32
      %dma_start3A_106 = arith.constant 0 : i32
      %dma_start3A_107 = tpu.memref_slice %arg8[%dma_start3A_105, %dma_start3A_106] : memref<128x128xf32, #tpu.memory_space<vmem>> -> memref<128x128xf32, #tpu.memory_space<vmem>>
      tpu.enqueue_dma source(%dma_start3A_107 : memref<128x128xf32, #tpu.memory_space<vmem>>) target(%dma_start3A_104 : memref<128x128xf32, #tpu.memory_space<hbm>>) target_semaphore(%run_scoped3A_93 : memref<!tpu.dma_semaphore, #tpu.memory_space<semaphore_mem>>)
      %dma_wait3A = arith.constant 0 : i32
      %dma_wait3A_108 = arith.constant 0 : i32
      %dma_wait3A_109 = tpu.memref_slice %arg8[%dma_wait3A, %dma_wait3A_108] : memref<128x128xf32, #tpu.memory_space<vmem>> -> memref<128x128xf32, #tpu.memory_space<vmem>>
      %dma_wait3A_110 = arith.constant 0 : i32
      %dma_wait3A_111 = arith.constant 0 : i32
      %dma_wait3A_112 = tpu.memref_slice %arg5[%add3A, %dma_wait3A_110, %dma_wait3A_111] : memref<32x632x128xf32, #tpu.memory_space<hbm>> -> memref<1x128x128xf32, #tpu.memory_space<hbm>>
      %dma_wait3A_113 = tpu.memref_squeeze %dma_wait3A_112 : memref<1x128x128xf32, #tpu.memory_space<hbm>> -> memref<128x128xf32, #tpu.memory_space<hbm>>
      %dma_wait3A_114 = arith.constant 0 : i32
      %dma_wait3A_115 = arith.constant 0 : i32
      %dma_wait3A_116 = tpu.memref_slice %arg5[%add3A, %dma_wait3A_114, %dma_wait3A_115] : memref<32x632x128xf32, #tpu.memory_space<hbm>> -> memref<1x128x128xf32, #tpu.memory_space<hbm>>
      %dma_wait3A_117 = tpu.memref_squeeze %dma_wait3A_116 : memref<1x128x128xf32, #tpu.memory_space<hbm>> -> memref<128x128xf32, #tpu.memory_space<hbm>>
      %dma_wait3A_118 = arith.constant 0 : i32
      %dma_wait3A_119 = arith.constant 0 : i32
      %dma_wait3A_120 = tpu.memref_slice %arg8[%dma_wait3A_118, %dma_wait3A_119] : memref<128x128xf32, #tpu.memory_space<vmem>> -> memref<128x128xf32, #tpu.memory_space<vmem>>
      tpu.wait_dma2 semaphore(%run_scoped3A_93 : memref<!tpu.dma_semaphore, #tpu.memory_space<semaphore_mem>>) src(%dma_wait3A_120 : memref<128x128xf32, #tpu.memory_space<vmem>>) dst(%dma_wait3A_117 : memref<128x128xf32, #tpu.memory_space<hbm>>)
      tpu.yield
    }) : () -> ()
    %add3A_85 = arith.constant 128 : i32
    %add3A_86 = arith.addi %mul3A_36, %add3A_85 : i32
    "tpu.region"() ({
      %run_scoped3A_93 = tpu.sem_alloc : memref<!tpu.dma_semaphore, #tpu.memory_space<semaphore_mem>>
      %dma_start3A_94 = arith.constant 0 : i32
      %dma_start3A_95 = arith.constant 0 : i32
      %dma_start3A_96 = tpu.memref_slice %arg8[%dma_start3A_94, %dma_start3A_95] : memref<128x128xf32, #tpu.memory_space<vmem>> -> memref<128x128xf32, #tpu.memory_space<vmem>>
      %dma_start3A_97 = arith.constant 0 : i32
      %dma_start3A_98 = tpu.memref_slice %arg10[%add3A_86, %dma_start3A_97] : memref<10112x128xf32, #tpu.memory_space<vmem_shared>> -> memref<128x128xf32, #tpu.memory_space<vmem_shared>>
      %dma_start3A_99 = arith.constant 0 : i32
      %dma_start3A_100 = arith.constant 0 : i32
      %dma_start3A_101 = tpu.memref_slice %arg8[%dma_start3A_99, %dma_start3A_100] : memref<128x128xf32, #tpu.memory_space<vmem>> -> memref<128x128xf32, #tpu.memory_space<vmem>>
      %dma_start3A_102 = arith.constant 0 : i32
      %dma_start3A_103 = tpu.memref_slice %arg10[%add3A_86, %dma_start3A_102] : memref<10112x128xf32, #tpu.memory_space<vmem_shared>> -> memref<128x128xf32, #tpu.memory_space<vmem_shared>>
      tpu.enqueue_dma source(%dma_start3A_103 : memref<128x128xf32, #tpu.memory_space<vmem_shared>>) target(%dma_start3A_101 : memref<128x128xf32, #tpu.memory_space<vmem>>) target_semaphore(%run_scoped3A_93 : memref<!tpu.dma_semaphore, #tpu.memory_space<semaphore_mem>>)
      %dma_wait3A = arith.constant 0 : i32
      %dma_wait3A_104 = arith.constant 0 : i32
      %dma_wait3A_105 = tpu.memref_slice %arg8[%dma_wait3A, %dma_wait3A_104] : memref<128x128xf32, #tpu.memory_space<vmem>> -> memref<128x128xf32, #tpu.memory_space<vmem>>
      %dma_wait3A_106 = arith.constant 0 : i32
      %dma_wait3A_107 = tpu.memref_slice %arg10[%add3A_86, %dma_wait3A_106] : memref<10112x128xf32, #tpu.memory_space<vmem_shared>> -> memref<128x128xf32, #tpu.memory_space<vmem_shared>>
      %dma_wait3A_108 = arith.constant 0 : i32
      %dma_wait3A_109 = arith.constant 0 : i32
      %dma_wait3A_110 = tpu.memref_slice %arg8[%dma_wait3A_108, %dma_wait3A_109] : memref<128x128xf32, #tpu.memory_space<vmem>> -> memref<128x128xf32, #tpu.memory_space<vmem>>
      %dma_wait3A_111 = arith.constant 0 : i32
      %dma_wait3A_112 = tpu.memref_slice %arg10[%add3A_86, %dma_wait3A_111] : memref<10112x128xf32, #tpu.memory_space<vmem_shared>> -> memref<128x128xf32, #tpu.memory_space<vmem_shared>>
      tpu.wait_dma2 semaphore(%run_scoped3A_93 : memref<!tpu.dma_semaphore, #tpu.memory_space<semaphore_mem>>) src(%dma_wait3A_112 : memref<128x128xf32, #tpu.memory_space<vmem_shared>>) dst(%dma_wait3A_110 : memref<128x128xf32, #tpu.memory_space<vmem>>)
      tpu.yield
    }) : () -> ()
    "tpu.region"() ({
      %run_scoped3A_93 = tpu.sem_alloc : memref<!tpu.dma_semaphore, #tpu.memory_space<semaphore_mem>>
      %dma_start3A_94 = arith.constant 0 : i32
      %dma_start3A_95 = arith.constant 0 : i32
      %dma_start3A_96 = tpu.memref_slice %arg8[%dma_start3A_94, %dma_start3A_95] : memref<128x128xf32, #tpu.memory_space<vmem>> -> memref<128x128xf32, #tpu.memory_space<vmem>>
      %dma_start3A_97 = arith.constant 128 : i32
      %dma_start3A_98 = arith.constant 0 : i32
      %dma_start3A_99 = tpu.memref_slice %arg5[%add3A, %dma_start3A_97, %dma_start3A_98] : memref<32x632x128xf32, #tpu.memory_space<hbm>> -> memref<1x128x128xf32, #tpu.memory_space<hbm>>
      %dma_start3A_100 = tpu.memref_squeeze %dma_start3A_99 : memref<1x128x128xf32, #tpu.memory_space<hbm>> -> memref<128x128xf32, #tpu.memory_space<hbm>>
      %dma_start3A_101 = arith.constant 128 : i32
      %dma_start3A_102 = arith.constant 0 : i32
      %dma_start3A_103 = tpu.memref_slice %arg5[%add3A, %dma_start3A_101, %dma_start3A_102] : memref<32x632x128xf32, #tpu.memory_space<hbm>> -> memref<1x128x128xf32, #tpu.memory_space<hbm>>
      %dma_start3A_104 = tpu.memref_squeeze %dma_start3A_103 : memref<1x128x128xf32, #tpu.memory_space<hbm>> -> memref<128x128xf32, #tpu.memory_space<hbm>>
      %dma_start3A_105 = arith.constant 0 : i32
      %dma_start3A_106 = arith.constant 0 : i32
      %dma_start3A_107 = tpu.memref_slice %arg8[%dma_start3A_105, %dma_start3A_106] : memref<128x128xf32, #tpu.memory_space<vmem>> -> memref<128x128xf32, #tpu.memory_space<vmem>>
      tpu.enqueue_dma source(%dma_start3A_107 : memref<128x128xf32, #tpu.memory_space<vmem>>) target(%dma_start3A_104 : memref<128x128xf32, #tpu.memory_space<hbm>>) target_semaphore(%run_scoped3A_93 : memref<!tpu.dma_semaphore, #tpu.memory_space<semaphore_mem>>)
      %dma_wait3A = arith.constant 0 : i32
      %dma_wait3A_108 = arith.constant 0 : i32
      %dma_wait3A_109 = tpu.memref_slice %arg8[%dma_wait3A, %dma_wait3A_108] : memref<128x128xf32, #tpu.memory_space<vmem>> -> memref<128x128xf32, #tpu.memory_space<vmem>>
      %dma_wait3A_110 = arith.constant 128 : i32
      %dma_wait3A_111 = arith.constant 0 : i32
      %dma_wait3A_112 = tpu.memref_slice %arg5[%add3A, %dma_wait3A_110, %dma_wait3A_111] : memref<32x632x128xf32, #tpu.memory_space<hbm>> -> memref<1x128x128xf32, #tpu.memory_space<hbm>>
      %dma_wait3A_113 = tpu.memref_squeeze %dma_wait3A_112 : memref<1x128x128xf32, #tpu.memory_space<hbm>> -> memref<128x128xf32, #tpu.memory_space<hbm>>
      %dma_wait3A_114 = arith.constant 128 : i32
      %dma_wait3A_115 = arith.constant 0 : i32
      %dma_wait3A_116 = tpu.memref_slice %arg5[%add3A, %dma_wait3A_114, %dma_wait3A_115] : memref<32x632x128xf32, #tpu.memory_space<hbm>> -> memref<1x128x128xf32, #tpu.memory_space<hbm>>
      %dma_wait3A_117 = tpu.memref_squeeze %dma_wait3A_116 : memref<1x128x128xf32, #tpu.memory_space<hbm>> -> memref<128x128xf32, #tpu.memory_space<hbm>>
      %dma_wait3A_118 = arith.constant 0 : i32
      %dma_wait3A_119 = arith.constant 0 : i32
      %dma_wait3A_120 = tpu.memref_slice %arg8[%dma_wait3A_118, %dma_wait3A_119] : memref<128x128xf32, #tpu.memory_space<vmem>> -> memref<128x128xf32, #tpu.memory_space<vmem>>
      tpu.wait_dma2 semaphore(%run_scoped3A_93 : memref<!tpu.dma_semaphore, #tpu.memory_space<semaphore_mem>>) src(%dma_wait3A_120 : memref<128x128xf32, #tpu.memory_space<vmem>>) dst(%dma_wait3A_117 : memref<128x128xf32, #tpu.memory_space<hbm>>)
      tpu.yield
    }) : () -> ()
    %add3A_87 = arith.constant 256 : i32
    %add3A_88 = arith.addi %mul3A_36, %add3A_87 : i32
    "tpu.region"() ({
      %run_scoped3A_93 = tpu.sem_alloc : memref<!tpu.dma_semaphore, #tpu.memory_space<semaphore_mem>>
      %dma_start3A_94 = arith.constant 0 : i32
      %dma_start3A_95 = arith.constant 0 : i32
      %dma_start3A_96 = tpu.memref_slice %arg8[%dma_start3A_94, %dma_start3A_95] : memref<128x128xf32, #tpu.memory_space<vmem>> -> memref<128x128xf32, #tpu.memory_space<vmem>>
      %dma_start3A_97 = arith.constant 0 : i32
      %dma_start3A_98 = tpu.memref_slice %arg10[%add3A_88, %dma_start3A_97] : memref<10112x128xf32, #tpu.memory_space<vmem_shared>> -> memref<128x128xf32, #tpu.memory_space<vmem_shared>>
      %dma_start3A_99 = arith.constant 0 : i32
      %dma_start3A_100 = arith.constant 0 : i32
      %dma_start3A_101 = tpu.memref_slice %arg8[%dma_start3A_99, %dma_start3A_100] : memref<128x128xf32, #tpu.memory_space<vmem>> -> memref<128x128xf32, #tpu.memory_space<vmem>>
      %dma_start3A_102 = arith.constant 0 : i32
      %dma_start3A_103 = tpu.memref_slice %arg10[%add3A_88, %dma_start3A_102] : memref<10112x128xf32, #tpu.memory_space<vmem_shared>> -> memref<128x128xf32, #tpu.memory_space<vmem_shared>>
      tpu.enqueue_dma source(%dma_start3A_103 : memref<128x128xf32, #tpu.memory_space<vmem_shared>>) target(%dma_start3A_101 : memref<128x128xf32, #tpu.memory_space<vmem>>) target_semaphore(%run_scoped3A_93 : memref<!tpu.dma_semaphore, #tpu.memory_space<semaphore_mem>>)
      %dma_wait3A = arith.constant 0 : i32
      %dma_wait3A_104 = arith.constant 0 : i32
      %dma_wait3A_105 = tpu.memref_slice %arg8[%dma_wait3A, %dma_wait3A_104] : memref<128x128xf32, #tpu.memory_space<vmem>> -> memref<128x128xf32, #tpu.memory_space<vmem>>
      %dma_wait3A_106 = arith.constant 0 : i32
      %dma_wait3A_107 = tpu.memref_slice %arg10[%add3A_88, %dma_wait3A_106] : memref<10112x128xf32, #tpu.memory_space<vmem_shared>> -> memref<128x128xf32, #tpu.memory_space<vmem_shared>>
      %dma_wait3A_108 = arith.constant 0 : i32
      %dma_wait3A_109 = arith.constant 0 : i32
      %dma_wait3A_110 = tpu.memref_slice %arg8[%dma_wait3A_108, %dma_wait3A_109] : memref<128x128xf32, #tpu.memory_space<vmem>> -> memref<128x128xf32, #tpu.memory_space<vmem>>
      %dma_wait3A_111 = arith.constant 0 : i32
      %dma_wait3A_112 = tpu.memref_slice %arg10[%add3A_88, %dma_wait3A_111] : memref<10112x128xf32, #tpu.memory_space<vmem_shared>> -> memref<128x128xf32, #tpu.memory_space<vmem_shared>>
      tpu.wait_dma2 semaphore(%run_scoped3A_93 : memref<!tpu.dma_semaphore, #tpu.memory_space<semaphore_mem>>) src(%dma_wait3A_112 : memref<128x128xf32, #tpu.memory_space<vmem_shared>>) dst(%dma_wait3A_110 : memref<128x128xf32, #tpu.memory_space<vmem>>)
      tpu.yield
    }) : () -> ()
    "tpu.region"() ({
      %run_scoped3A_93 = tpu.sem_alloc : memref<!tpu.dma_semaphore, #tpu.memory_space<semaphore_mem>>
      %dma_start3A_94 = arith.constant 0 : i32
      %dma_start3A_95 = arith.constant 0 : i32
      %dma_start3A_96 = tpu.memref_slice %arg8[%dma_start3A_94, %dma_start3A_95] : memref<128x128xf32, #tpu.memory_space<vmem>> -> memref<128x128xf32, #tpu.memory_space<vmem>>
      %dma_start3A_97 = arith.constant 256 : i32
      %dma_start3A_98 = arith.constant 0 : i32
      %dma_start3A_99 = tpu.memref_slice %arg5[%add3A, %dma_start3A_97, %dma_start3A_98] : memref<32x632x128xf32, #tpu.memory_space<hbm>> -> memref<1x128x128xf32, #tpu.memory_space<hbm>>
      %dma_start3A_100 = tpu.memref_squeeze %dma_start3A_99 : memref<1x128x128xf32, #tpu.memory_space<hbm>> -> memref<128x128xf32, #tpu.memory_space<hbm>>
      %dma_start3A_101 = arith.constant 256 : i32
      %dma_start3A_102 = arith.constant 0 : i32
      %dma_start3A_103 = tpu.memref_slice %arg5[%add3A, %dma_start3A_101, %dma_start3A_102] : memref<32x632x128xf32, #tpu.memory_space<hbm>> -> memref<1x128x128xf32, #tpu.memory_space<hbm>>
      %dma_start3A_104 = tpu.memref_squeeze %dma_start3A_103 : memref<1x128x128xf32, #tpu.memory_space<hbm>> -> memref<128x128xf32, #tpu.memory_space<hbm>>
      %dma_start3A_105 = arith.constant 0 : i32
      %dma_start3A_106 = arith.constant 0 : i32
      %dma_start3A_107 = tpu.memref_slice %arg8[%dma_start3A_105, %dma_start3A_106] : memref<128x128xf32, #tpu.memory_space<vmem>> -> memref<128x128xf32, #tpu.memory_space<vmem>>
      tpu.enqueue_dma source(%dma_start3A_107 : memref<128x128xf32, #tpu.memory_space<vmem>>) target(%dma_start3A_104 : memref<128x128xf32, #tpu.memory_space<hbm>>) target_semaphore(%run_scoped3A_93 : memref<!tpu.dma_semaphore, #tpu.memory_space<semaphore_mem>>)
      %dma_wait3A = arith.constant 0 : i32
      %dma_wait3A_108 = arith.constant 0 : i32
      %dma_wait3A_109 = tpu.memref_slice %arg8[%dma_wait3A, %dma_wait3A_108] : memref<128x128xf32, #tpu.memory_space<vmem>> -> memref<128x128xf32, #tpu.memory_space<vmem>>
      %dma_wait3A_110 = arith.constant 256 : i32
      %dma_wait3A_111 = arith.constant 0 : i32
      %dma_wait3A_112 = tpu.memref_slice %arg5[%add3A, %dma_wait3A_110, %dma_wait3A_111] : memref<32x632x128xf32, #tpu.memory_space<hbm>> -> memref<1x128x128xf32, #tpu.memory_space<hbm>>
      %dma_wait3A_113 = tpu.memref_squeeze %dma_wait3A_112 : memref<1x128x128xf32, #tpu.memory_space<hbm>> -> memref<128x128xf32, #tpu.memory_space<hbm>>
      %dma_wait3A_114 = arith.constant 256 : i32
      %dma_wait3A_115 = arith.constant 0 : i32
      %dma_wait3A_116 = tpu.memref_slice %arg5[%add3A, %dma_wait3A_114, %dma_wait3A_115] : memref<32x632x128xf32, #tpu.memory_space<hbm>> -> memref<1x128x128xf32, #tpu.memory_space<hbm>>
      %dma_wait3A_117 = tpu.memref_squeeze %dma_wait3A_116 : memref<1x128x128xf32, #tpu.memory_space<hbm>> -> memref<128x128xf32, #tpu.memory_space<hbm>>
      %dma_wait3A_118 = arith.constant 0 : i32
      %dma_wait3A_119 = arith.constant 0 : i32
      %dma_wait3A_120 = tpu.memref_slice %arg8[%dma_wait3A_118, %dma_wait3A_119] : memref<128x128xf32, #tpu.memory_space<vmem>> -> memref<128x128xf32, #tpu.memory_space<vmem>>
      tpu.wait_dma2 semaphore(%run_scoped3A_93 : memref<!tpu.dma_semaphore, #tpu.memory_space<semaphore_mem>>) src(%dma_wait3A_120 : memref<128x128xf32, #tpu.memory_space<vmem>>) dst(%dma_wait3A_117 : memref<128x128xf32, #tpu.memory_space<hbm>>)
      tpu.yield
    }) : () -> ()
    %add3A_89 = arith.constant 384 : i32
    %add3A_90 = arith.addi %mul3A_36, %add3A_89 : i32
    "tpu.region"() ({
      %run_scoped3A_93 = tpu.sem_alloc : memref<!tpu.dma_semaphore, #tpu.memory_space<semaphore_mem>>
      %dma_start3A_94 = arith.constant 0 : i32
      %dma_start3A_95 = arith.constant 0 : i32
      %dma_start3A_96 = tpu.memref_slice %arg8[%dma_start3A_94, %dma_start3A_95] : memref<128x128xf32, #tpu.memory_space<vmem>> -> memref<128x128xf32, #tpu.memory_space<vmem>>
      %dma_start3A_97 = arith.constant 0 : i32
      %dma_start3A_98 = tpu.memref_slice %arg10[%add3A_90, %dma_start3A_97] : memref<10112x128xf32, #tpu.memory_space<vmem_shared>> -> memref<128x128xf32, #tpu.memory_space<vmem_shared>>
      %dma_start3A_99 = arith.constant 0 : i32
      %dma_start3A_100 = arith.constant 0 : i32
      %dma_start3A_101 = tpu.memref_slice %arg8[%dma_start3A_99, %dma_start3A_100] : memref<128x128xf32, #tpu.memory_space<vmem>> -> memref<128x128xf32, #tpu.memory_space<vmem>>
      %dma_start3A_102 = arith.constant 0 : i32
      %dma_start3A_103 = tpu.memref_slice %arg10[%add3A_90, %dma_start3A_102] : memref<10112x128xf32, #tpu.memory_space<vmem_shared>> -> memref<128x128xf32, #tpu.memory_space<vmem_shared>>
      tpu.enqueue_dma source(%dma_start3A_103 : memref<128x128xf32, #tpu.memory_space<vmem_shared>>) target(%dma_start3A_101 : memref<128x128xf32, #tpu.memory_space<vmem>>) target_semaphore(%run_scoped3A_93 : memref<!tpu.dma_semaphore, #tpu.memory_space<semaphore_mem>>)
      %dma_wait3A = arith.constant 0 : i32
      %dma_wait3A_104 = arith.constant 0 : i32
      %dma_wait3A_105 = tpu.memref_slice %arg8[%dma_wait3A, %dma_wait3A_104] : memref<128x128xf32, #tpu.memory_space<vmem>> -> memref<128x128xf32, #tpu.memory_space<vmem>>
      %dma_wait3A_106 = arith.constant 0 : i32
      %dma_wait3A_107 = tpu.memref_slice %arg10[%add3A_90, %dma_wait3A_106] : memref<10112x128xf32, #tpu.memory_space<vmem_shared>> -> memref<128x128xf32, #tpu.memory_space<vmem_shared>>
      %dma_wait3A_108 = arith.constant 0 : i32
      %dma_wait3A_109 = arith.constant 0 : i32
      %dma_wait3A_110 = tpu.memref_slice %arg8[%dma_wait3A_108, %dma_wait3A_109] : memref<128x128xf32, #tpu.memory_space<vmem>> -> memref<128x128xf32, #tpu.memory_space<vmem>>
      %dma_wait3A_111 = arith.constant 0 : i32
      %dma_wait3A_112 = tpu.memref_slice %arg10[%add3A_90, %dma_wait3A_111] : memref<10112x128xf32, #tpu.memory_space<vmem_shared>> -> memref<128x128xf32, #tpu.memory_space<vmem_shared>>
      tpu.wait_dma2 semaphore(%run_scoped3A_93 : memref<!tpu.dma_semaphore, #tpu.memory_space<semaphore_mem>>) src(%dma_wait3A_112 : memref<128x128xf32, #tpu.memory_space<vmem_shared>>) dst(%dma_wait3A_110 : memref<128x128xf32, #tpu.memory_space<vmem>>)
      tpu.yield
    }) : () -> ()
    "tpu.region"() ({
      %run_scoped3A_93 = tpu.sem_alloc : memref<!tpu.dma_semaphore, #tpu.memory_space<semaphore_mem>>
      %dma_start3A_94 = arith.constant 0 : i32
      %dma_start3A_95 = arith.constant 0 : i32
      %dma_start3A_96 = tpu.memref_slice %arg8[%dma_start3A_94, %dma_start3A_95] : memref<128x128xf32, #tpu.memory_space<vmem>> -> memref<128x128xf32, #tpu.memory_space<vmem>>
      %dma_start3A_97 = arith.constant 384 : i32
      %dma_start3A_98 = arith.constant 0 : i32
      %dma_start3A_99 = tpu.memref_slice %arg5[%add3A, %dma_start3A_97, %dma_start3A_98] : memref<32x632x128xf32, #tpu.memory_space<hbm>> -> memref<1x128x128xf32, #tpu.memory_space<hbm>>
      %dma_start3A_100 = tpu.memref_squeeze %dma_start3A_99 : memref<1x128x128xf32, #tpu.memory_space<hbm>> -> memref<128x128xf32, #tpu.memory_space<hbm>>
      %dma_start3A_101 = arith.constant 384 : i32
      %dma_start3A_102 = arith.constant 0 : i32
      %dma_start3A_103 = tpu.memref_slice %arg5[%add3A, %dma_start3A_101, %dma_start3A_102] : memref<32x632x128xf32, #tpu.memory_space<hbm>> -> memref<1x128x128xf32, #tpu.memory_space<hbm>>
      %dma_start3A_104 = tpu.memref_squeeze %dma_start3A_103 : memref<1x128x128xf32, #tpu.memory_space<hbm>> -> memref<128x128xf32, #tpu.memory_space<hbm>>
      %dma_start3A_105 = arith.constant 0 : i32
      %dma_start3A_106 = arith.constant 0 : i32
      %dma_start3A_107 = tpu.memref_slice %arg8[%dma_start3A_105, %dma_start3A_106] : memref<128x128xf32, #tpu.memory_space<vmem>> -> memref<128x128xf32, #tpu.memory_space<vmem>>
      tpu.enqueue_dma source(%dma_start3A_107 : memref<128x128xf32, #tpu.memory_space<vmem>>) target(%dma_start3A_104 : memref<128x128xf32, #tpu.memory_space<hbm>>) target_semaphore(%run_scoped3A_93 : memref<!tpu.dma_semaphore, #tpu.memory_space<semaphore_mem>>)
      %dma_wait3A = arith.constant 0 : i32
      %dma_wait3A_108 = arith.constant 0 : i32
      %dma_wait3A_109 = tpu.memref_slice %arg8[%dma_wait3A, %dma_wait3A_108] : memref<128x128xf32, #tpu.memory_space<vmem>> -> memref<128x128xf32, #tpu.memory_space<vmem>>
      %dma_wait3A_110 = arith.constant 384 : i32
      %dma_wait3A_111 = arith.constant 0 : i32
      %dma_wait3A_112 = tpu.memref_slice %arg5[%add3A, %dma_wait3A_110, %dma_wait3A_111] : memref<32x632x128xf32, #tpu.memory_space<hbm>> -> memref<1x128x128xf32, #tpu.memory_space<hbm>>
      %dma_wait3A_113 = tpu.memref_squeeze %dma_wait3A_112 : memref<1x128x128xf32, #tpu.memory_space<hbm>> -> memref<128x128xf32, #tpu.memory_space<hbm>>
      %dma_wait3A_114 = arith.constant 384 : i32
      %dma_wait3A_115 = arith.constant 0 : i32
      %dma_wait3A_116 = tpu.memref_slice %arg5[%add3A, %dma_wait3A_114, %dma_wait3A_115] : memref<32x632x128xf32, #tpu.memory_space<hbm>> -> memref<1x128x128xf32, #tpu.memory_space<hbm>>
      %dma_wait3A_117 = tpu.memref_squeeze %dma_wait3A_116 : memref<1x128x128xf32, #tpu.memory_space<hbm>> -> memref<128x128xf32, #tpu.memory_space<hbm>>
      %dma_wait3A_118 = arith.constant 0 : i32
      %dma_wait3A_119 = arith.constant 0 : i32
      %dma_wait3A_120 = tpu.memref_slice %arg8[%dma_wait3A_118, %dma_wait3A_119] : memref<128x128xf32, #tpu.memory_space<vmem>> -> memref<128x128xf32, #tpu.memory_space<vmem>>
      tpu.wait_dma2 semaphore(%run_scoped3A_93 : memref<!tpu.dma_semaphore, #tpu.memory_space<semaphore_mem>>) src(%dma_wait3A_120 : memref<128x128xf32, #tpu.memory_space<vmem>>) dst(%dma_wait3A_117 : memref<128x128xf32, #tpu.memory_space<hbm>>)
      tpu.yield
    }) : () -> ()
    %add3A_91 = arith.constant 512 : i32
    %add3A_92 = arith.addi %mul3A_36, %add3A_91 : i32
    "tpu.region"() ({
      %run_scoped3A_93 = tpu.sem_alloc : memref<!tpu.dma_semaphore, #tpu.memory_space<semaphore_mem>>
      %dma_start3A_94 = arith.constant 0 : i32
      %dma_start3A_95 = arith.constant 0 : i32
      %dma_start3A_96 = tpu.memref_slice %arg8[%dma_start3A_94, %dma_start3A_95] : memref<128x128xf32, #tpu.memory_space<vmem>> -> memref<120x128xf32, #tpu.memory_space<vmem>>
      %dma_start3A_97 = arith.constant 0 : i32
      %dma_start3A_98 = tpu.memref_slice %arg10[%add3A_92, %dma_start3A_97] : memref<10112x128xf32, #tpu.memory_space<vmem_shared>> -> memref<120x128xf32, #tpu.memory_space<vmem_shared>>
      %dma_start3A_99 = arith.constant 0 : i32
      %dma_start3A_100 = arith.constant 0 : i32
      %dma_start3A_101 = tpu.memref_slice %arg8[%dma_start3A_99, %dma_start3A_100] : memref<128x128xf32, #tpu.memory_space<vmem>> -> memref<120x128xf32, #tpu.memory_space<vmem>>
      %dma_start3A_102 = arith.constant 0 : i32
      %dma_start3A_103 = tpu.memref_slice %arg10[%add3A_92, %dma_start3A_102] : memref<10112x128xf32, #tpu.memory_space<vmem_shared>> -> memref<120x128xf32, #tpu.memory_space<vmem_shared>>
      tpu.enqueue_dma source(%dma_start3A_103 : memref<120x128xf32, #tpu.memory_space<vmem_shared>>) target(%dma_start3A_101 : memref<120x128xf32, #tpu.memory_space<vmem>>) target_semaphore(%run_scoped3A_93 : memref<!tpu.dma_semaphore, #tpu.memory_space<semaphore_mem>>)
      %dma_wait3A = arith.constant 0 : i32
      %dma_wait3A_104 = arith.constant 0 : i32
      %dma_wait3A_105 = tpu.memref_slice %arg8[%dma_wait3A, %dma_wait3A_104] : memref<128x128xf32, #tpu.memory_space<vmem>> -> memref<120x128xf32, #tpu.memory_space<vmem>>
      %dma_wait3A_106 = arith.constant 0 : i32
      %dma_wait3A_107 = tpu.memref_slice %arg10[%add3A_92, %dma_wait3A_106] : memref<10112x128xf32, #tpu.memory_space<vmem_shared>> -> memref<120x128xf32, #tpu.memory_space<vmem_shared>>
      %dma_wait3A_108 = arith.constant 0 : i32
      %dma_wait3A_109 = arith.constant 0 : i32
      %dma_wait3A_110 = tpu.memref_slice %arg8[%dma_wait3A_108, %dma_wait3A_109] : memref<128x128xf32, #tpu.memory_space<vmem>> -> memref<120x128xf32, #tpu.memory_space<vmem>>
      %dma_wait3A_111 = arith.constant 0 : i32
      %dma_wait3A_112 = tpu.memref_slice %arg10[%add3A_92, %dma_wait3A_111] : memref<10112x128xf32, #tpu.memory_space<vmem_shared>> -> memref<120x128xf32, #tpu.memory_space<vmem_shared>>
      tpu.wait_dma2 semaphore(%run_scoped3A_93 : memref<!tpu.dma_semaphore, #tpu.memory_space<semaphore_mem>>) src(%dma_wait3A_112 : memref<120x128xf32, #tpu.memory_space<vmem_shared>>) dst(%dma_wait3A_110 : memref<120x128xf32, #tpu.memory_space<vmem>>)
      tpu.yield
    }) : () -> ()
    "tpu.region"() ({
      %run_scoped3A_93 = tpu.sem_alloc : memref<!tpu.dma_semaphore, #tpu.memory_space<semaphore_mem>>
      %dma_start3A_94 = arith.constant 0 : i32
      %dma_start3A_95 = arith.constant 0 : i32
      %dma_start3A_96 = tpu.memref_slice %arg8[%dma_start3A_94, %dma_start3A_95] : memref<128x128xf32, #tpu.memory_space<vmem>> -> memref<120x128xf32, #tpu.memory_space<vmem>>
      %dma_start3A_97 = arith.constant 512 : i32
      %dma_start3A_98 = arith.constant 0 : i32
      %dma_start3A_99 = tpu.memref_slice %arg5[%add3A, %dma_start3A_97, %dma_start3A_98] : memref<32x632x128xf32, #tpu.memory_space<hbm>> -> memref<1x120x128xf32, #tpu.memory_space<hbm>>
      %dma_start3A_100 = tpu.memref_squeeze %dma_start3A_99 : memref<1x120x128xf32, #tpu.memory_space<hbm>> -> memref<120x128xf32, #tpu.memory_space<hbm>>
      %dma_start3A_101 = arith.constant 512 : i32
      %dma_start3A_102 = arith.constant 0 : i32
      %dma_start3A_103 = tpu.memref_slice %arg5[%add3A, %dma_start3A_101, %dma_start3A_102] : memref<32x632x128xf32, #tpu.memory_space<hbm>> -> memref<1x120x128xf32, #tpu.memory_space<hbm>>
      %dma_start3A_104 = tpu.memref_squeeze %dma_start3A_103 : memref<1x120x128xf32, #tpu.memory_space<hbm>> -> memref<120x128xf32, #tpu.memory_space<hbm>>
      %dma_start3A_105 = arith.constant 0 : i32
      %dma_start3A_106 = arith.constant 0 : i32
      %dma_start3A_107 = tpu.memref_slice %arg8[%dma_start3A_105, %dma_start3A_106] : memref<128x128xf32, #tpu.memory_space<vmem>> -> memref<120x128xf32, #tpu.memory_space<vmem>>
      tpu.enqueue_dma source(%dma_start3A_107 : memref<120x128xf32, #tpu.memory_space<vmem>>) target(%dma_start3A_104 : memref<120x128xf32, #tpu.memory_space<hbm>>) target_semaphore(%run_scoped3A_93 : memref<!tpu.dma_semaphore, #tpu.memory_space<semaphore_mem>>)
      %dma_wait3A = arith.constant 0 : i32
      %dma_wait3A_108 = arith.constant 0 : i32
      %dma_wait3A_109 = tpu.memref_slice %arg8[%dma_wait3A, %dma_wait3A_108] : memref<128x128xf32, #tpu.memory_space<vmem>> -> memref<120x128xf32, #tpu.memory_space<vmem>>
      %dma_wait3A_110 = arith.constant 512 : i32
      %dma_wait3A_111 = arith.constant 0 : i32
      %dma_wait3A_112 = tpu.memref_slice %arg5[%add3A, %dma_wait3A_110, %dma_wait3A_111] : memref<32x632x128xf32, #tpu.memory_space<hbm>> -> memref<1x120x128xf32, #tpu.memory_space<hbm>>
      %dma_wait3A_113 = tpu.memref_squeeze %dma_wait3A_112 : memref<1x120x128xf32, #tpu.memory_space<hbm>> -> memref<120x128xf32, #tpu.memory_space<hbm>>
      %dma_wait3A_114 = arith.constant 512 : i32
      %dma_wait3A_115 = arith.constant 0 : i32
      %dma_wait3A_116 = tpu.memref_slice %arg5[%add3A, %dma_wait3A_114, %dma_wait3A_115] : memref<32x632x128xf32, #tpu.memory_space<hbm>> -> memref<1x120x128xf32, #tpu.memory_space<hbm>>
      %dma_wait3A_117 = tpu.memref_squeeze %dma_wait3A_116 : memref<1x120x128xf32, #tpu.memory_space<hbm>> -> memref<120x128xf32, #tpu.memory_space<hbm>>
      %dma_wait3A_118 = arith.constant 0 : i32
      %dma_wait3A_119 = arith.constant 0 : i32
      %dma_wait3A_120 = tpu.memref_slice %arg8[%dma_wait3A_118, %dma_wait3A_119] : memref<128x128xf32, #tpu.memory_space<vmem>> -> memref<120x128xf32, #tpu.memory_space<vmem>>
      tpu.wait_dma2 semaphore(%run_scoped3A_93 : memref<!tpu.dma_semaphore, #tpu.memory_space<semaphore_mem>>) src(%dma_wait3A_120 : memref<120x128xf32, #tpu.memory_space<vmem>>) dst(%dma_wait3A_117 : memref<120x128xf32, #tpu.memory_space<hbm>>)
      tpu.yield
    }) : () -> ()
    return
  }
}

module attributes {stable_mosaic.version = 14 : i64} {
  func.func @body(%arg0: i32, %arg1: memref<632x32xf32, #tpu.memory_space<vmem>>, %arg2: memref<632x128xf32, #tpu.memory_space<vmem>>, %arg3: memref<128x128xf32, #tpu.memory_space<vmem>>, %arg4: memref<632x128xf32, #tpu.memory_space<vmem>>, %arg5: memref<632x1xf32, #tpu.memory_space<vmem>>) attributes {dimension_semantics = [#tpu.dimension_semantics<arbitrary>], iteration_bounds = array<i64: 16>, scalar_prefetch = 0 : i64, scratch_operands = 0 : i64, tpu.core_type = #tpu.core_type<tc>, window_params = [{transform_indices = @transform_0, window_bounds = array<i64: 632, 32>}, {transform_indices = @transform_1, window_bounds = array<i64: 632, 128>}, {pipeline_mode = #tpu.pipeline_mode<synchronous>, transform_indices = @transform_2, window_bounds = array<i64: 128, 128>}, {transform_indices = @transform_3, window_bounds = array<i64: 632, 128>}, {transform_indices = @transform_4, window_bounds = array<i64: 632, 1>}]} {
    %get3A = arith.constant 0 : index
    %get3A_0 = arith.constant 0 : index
    %get3A_1 = vector.load %arg1[%get3A, %get3A_0] : memref<632x32xf32, #tpu.memory_space<vmem>>, vector<632x32xf32>
    %reduce_sum3A = arith.constant dense<0.000000e+00> : vector<632xf32>
    %reduce_sum3A_2 = vector.multi_reduction <add>, %get3A_1, %reduce_sum3A [1] : vector<632x32xf32> to vector<632xf32>
    %broadcast_in_dim3A = vector.shape_cast %reduce_sum3A_2 : vector<632xf32> to vector<632x1xf32>
    %add3A = arith.constant 1.000000e+00 : f32
    %add3A_3 = vector.broadcast %add3A : f32 to vector<632x1xf32>
    %add3A_4 = arith.addf %broadcast_in_dim3A, %add3A_3 : vector<632x1xf32>
    %rsqrt3A = math.rsqrt %add3A_4 : vector<632x1xf32>
    %get3A_5 = arith.constant 0 : index
    %get3A_6 = arith.constant 0 : index
    %get3A_7 = vector.load %arg2[%get3A_5, %get3A_6] : memref<632x128xf32, #tpu.memory_space<vmem>>, vector<632x128xf32>
    %get3A_8 = arith.constant 0 : index
    %get3A_9 = arith.constant 0 : index
    %get3A_10 = vector.load %arg3[%get3A_8, %get3A_9] : memref<128x128xf32, #tpu.memory_space<vmem>>, vector<128x128xf32>
    %dot_general3A = arith.constant dense<0.000000e+00> : vector<632x128xf32>
    %dot_general3A_11 = tpu.matmul %get3A_7, %get3A_10, %dot_general3A {dimension_numbers = #tpu.dot_dimension_numbers<[1], [0], [0], [1], [0, 0, 1, 1], [], []>, precision = #tpu.contract_precision<fp32>, transpose_lhs_hint = false} : vector<632x128xf32>, vector<128x128xf32>, vector<632x128xf32> -> vector<632x128xf32>
    %mul3A = vector.broadcast %rsqrt3A : vector<632x1xf32> to vector<632x128xf32>
    %mul3A_12 = arith.mulf %mul3A, %dot_general3A_11 : vector<632x128xf32>
    %swap3A = arith.constant 0 : index
    %swap3A_13 = arith.constant 0 : index
    %swap3A_14 = vector.load %arg4[%swap3A, %swap3A_13] : memref<632x128xf32, #tpu.memory_space<vmem>>, vector<632x128xf32>
    tpu.vector_store %arg4[%swap3A, %swap3A_13], %mul3A_12 {strides = array<i32>} : memref<632x128xf32, #tpu.memory_space<vmem>>, vector<632x128xf32>,
    %swap3A_15 = arith.constant 0 : index
    %swap3A_16 = arith.constant 0 : index
    %swap3A_17 = vector.load %arg5[%swap3A_15, %swap3A_16] : memref<632x1xf32, #tpu.memory_space<vmem>>, vector<632x1xf32>
    tpu.vector_store %arg5[%swap3A_15, %swap3A_16], %rsqrt3A {strides = array<i32>} : memref<632x1xf32, #tpu.memory_space<vmem>>, vector<632x1xf32>,
    return
  }
  func.func @transform_0(%arg0: i32) -> (i32, i32) {
    %c0_i32 = arith.constant 0 : i32
    %c0_i32_0 = arith.constant 0 : i32
    return %arg0, %c0_i32 : i32, i32
  }
  func.func @transform_1(%arg0: i32) -> (i32, i32) {
    %c0_i32 = arith.constant 0 : i32
    %c0_i32_0 = arith.constant 0 : i32
    return %arg0, %c0_i32 : i32, i32
  }
  func.func @transform_2(%arg0: i32) -> (i32, i32) {
    %c0_i32 = arith.constant 0 : i32
    %c0_i32_0 = arith.constant 0 : i32
    %c0_i32_1 = arith.constant 0 : i32
    return %c0_i32, %c0_i32_0 : i32, i32
  }
  func.func @transform_3(%arg0: i32) -> (i32, i32) {
    %c0_i32 = arith.constant 0 : i32
    %c0_i32_0 = arith.constant 0 : i32
    return %arg0, %c0_i32 : i32, i32
  }
  func.func @transform_4(%arg0: i32) -> (i32, i32) {
    %c0_i32 = arith.constant 0 : i32
    %c0_i32_0 = arith.constant 0 : i32
    return %arg0, %c0_i32 : i32, i32
  }
}

module attributes {stable_mosaic.version = 14 : i64} {
  func.func @body(%arg0: i32, %arg1: memref<1x2x632x128xf32, #tpu.memory_space<vmem>>, %arg2: memref<632x128xf32, #tpu.memory_space<vmem>>, %arg3: memref<632x1xf32, #tpu.memory_space<vmem>>, %arg4: memref<1x128xf32, #tpu.memory_space<vmem>>, %arg5: memref<128x128xf32, #tpu.memory_space<vmem>>, %arg6: memref<632x128xf32, #tpu.memory_space<vmem>>, %arg7: memref<632x128xf32, #tpu.memory_space<vmem>>) attributes {dimension_semantics = [#tpu.dimension_semantics<arbitrary>], iteration_bounds = array<i64: 16>, scalar_prefetch = 0 : i64, scratch_operands = 0 : i64, tpu.core_type = #tpu.core_type<tc>, window_params = [{transform_indices = @transform_0, window_bounds = array<i64: 1, 2, 632, 128>}, {transform_indices = @transform_1, window_bounds = array<i64: 632, 128>}, {transform_indices = @transform_2, window_bounds = array<i64: 632, 1>}, {pipeline_mode = #tpu.pipeline_mode<synchronous>, transform_indices = @transform_3, window_bounds = array<i64: 1, 128>}, {pipeline_mode = #tpu.pipeline_mode<synchronous>, transform_indices = @transform_4, window_bounds = array<i64: 128, 128>}, {transform_indices = @transform_5, window_bounds = array<i64: 632, 128>}, {transform_indices = @transform_6, window_bounds = array<i64: 632, 128>}]} {
    %get3A = arith.constant 0 : index
    %get3A_0 = arith.constant 0 : index
    %get3A_1 = arith.constant 0 : index
    %get3A_2 = arith.constant 0 : index
    %get3A_3 = vector.load %arg1[%get3A, %get3A_0, %get3A_1, %get3A_2] : memref<1x2x632x128xf32, #tpu.memory_space<vmem>>, vector<1x1x632x128xf32>
    %get3A_4 = vector.shape_cast %get3A_3 : vector<1x1x632x128xf32> to vector<632x128xf32>
    %get3A_5 = arith.constant 0 : index
    %get3A_6 = arith.constant 1 : index
    %get3A_7 = arith.constant 0 : index
    %get3A_8 = arith.constant 0 : index
    %get3A_9 = vector.load %arg1[%get3A_5, %get3A_6, %get3A_7, %get3A_8] : memref<1x2x632x128xf32, #tpu.memory_space<vmem>>, vector<1x1x632x128xf32>
    %get3A_10 = vector.shape_cast %get3A_9 : vector<1x1x632x128xf32> to vector<632x128xf32>
    %add3A = arith.addf %get3A_4, %get3A_10 : vector<632x128xf32>
    %get3A_11 = arith.constant 0 : index
    %get3A_12 = arith.constant 0 : index
    %get3A_13 = vector.load %arg2[%get3A_11, %get3A_12] : memref<632x128xf32, #tpu.memory_space<vmem>>, vector<632x128xf32>
    %add3A_14 = arith.addf %add3A, %get3A_13 : vector<632x128xf32>
    %get3A_15 = arith.constant 0 : index
    %get3A_16 = arith.constant 0 : index
    %get3A_17 = vector.load %arg3[%get3A_15, %get3A_16] : memref<632x1xf32, #tpu.memory_space<vmem>>, vector<632x1xf32>
    %mul3A = vector.broadcast %get3A_17 : vector<632x1xf32> to vector<632x128xf32>
    %mul3A_18 = arith.mulf %mul3A, %add3A_14 : vector<632x128xf32>
    %get3A_19 = arith.constant 0 : index
    %get3A_20 = arith.constant 0 : index
    %get3A_21 = vector.load %arg4[%get3A_19, %get3A_20] : memref<1x128xf32, #tpu.memory_space<vmem>>, vector<1x128xf32>
    %add3A_22 = vector.broadcast %get3A_21 : vector<1x128xf32> to vector<632x128xf32>
    %add3A_23 = arith.addf %mul3A_18, %add3A_22 : vector<632x128xf32>
    %max3A = arith.constant 0.000000e+00 : f32
    %max3A_24 = vector.broadcast %max3A : f32 to vector<632x128xf32>
    %max3A_25 = arith.maximumf %add3A_23, %max3A_24 : vector<632x128xf32>
    %swap3A = arith.constant 0 : index
    %swap3A_26 = arith.constant 0 : index
    %swap3A_27 = vector.load %arg6[%swap3A, %swap3A_26] : memref<632x128xf32, #tpu.memory_space<vmem>>, vector<632x128xf32>
    tpu.vector_store %arg6[%swap3A, %swap3A_26], %max3A_25 {strides = array<i32>} : memref<632x128xf32, #tpu.memory_space<vmem>>, vector<632x128xf32>,
    %get3A_28 = arith.constant 0 : index
    %get3A_29 = arith.constant 0 : index
    %get3A_30 = vector.load %arg5[%get3A_28, %get3A_29] : memref<128x128xf32, #tpu.memory_space<vmem>>, vector<128x128xf32>
    %dot_general3A = arith.constant dense<0.000000e+00> : vector<632x128xf32>
    %dot_general3A_31 = tpu.matmul %max3A_25, %get3A_30, %dot_general3A {dimension_numbers = #tpu.dot_dimension_numbers<[1], [0], [0], [1], [0, 0, 1, 1], [], []>, precision = #tpu.contract_precision<fp32>, transpose_lhs_hint = false} : vector<632x128xf32>, vector<128x128xf32>, vector<632x128xf32> -> vector<632x128xf32>
    %get3A_32 = arith.constant 0 : index
    %get3A_33 = arith.constant 0 : index
    %get3A_34 = vector.load %arg3[%get3A_32, %get3A_33] : memref<632x1xf32, #tpu.memory_space<vmem>>, vector<632x1xf32>
    %mul3A_35 = vector.broadcast %get3A_34 : vector<632x1xf32> to vector<632x128xf32>
    %mul3A_36 = arith.mulf %mul3A_35, %dot_general3A_31 : vector<632x128xf32>
    %swap3A_37 = arith.constant 0 : index
    %swap3A_38 = arith.constant 0 : index
    %swap3A_39 = vector.load %arg7[%swap3A_37, %swap3A_38] : memref<632x128xf32, #tpu.memory_space<vmem>>, vector<632x128xf32>
    tpu.vector_store %arg7[%swap3A_37, %swap3A_38], %mul3A_36 {strides = array<i32>} : memref<632x128xf32, #tpu.memory_space<vmem>>, vector<632x128xf32>,
    return
  }
  func.func @transform_0(%arg0: i32) -> (i32, i32, i32, i32) {
    %c0_i32 = arith.constant 0 : i32
    %c0_i32_0 = arith.constant 0 : i32
    %c0_i32_1 = arith.constant 0 : i32
    %c0_i32_2 = arith.constant 0 : i32
    return %arg0, %c0_i32, %c0_i32_0, %c0_i32_1 : i32, i32, i32, i32
  }
  func.func @transform_1(%arg0: i32) -> (i32, i32) {
    %c0_i32 = arith.constant 0 : i32
    %c0_i32_0 = arith.constant 0 : i32
    return %arg0, %c0_i32 : i32, i32
  }
  func.func @transform_2(%arg0: i32) -> (i32, i32) {
    %c0_i32 = arith.constant 0 : i32
    %c0_i32_0 = arith.constant 0 : i32
    return %arg0, %c0_i32 : i32, i32
  }
  func.func @transform_3(%arg0: i32) -> (i32, i32) {
    %c0_i32 = arith.constant 0 : i32
    %c0_i32_0 = arith.constant 0 : i32
    %c0_i32_1 = arith.constant 0 : i32
    return %c0_i32, %c0_i32_0 : i32, i32
  }
  func.func @transform_4(%arg0: i32) -> (i32, i32) {
    %c0_i32 = arith.constant 0 : i32
    %c0_i32_0 = arith.constant 0 : i32
    %c0_i32_1 = arith.constant 0 : i32
    return %c0_i32, %c0_i32_0 : i32, i32
  }
  func.func @transform_5(%arg0: i32) -> (i32, i32) {
    %c0_i32 = arith.constant 0 : i32
    %c0_i32_0 = arith.constant 0 : i32
    return %arg0, %c0_i32 : i32, i32
  }
  func.func @transform_6(%arg0: i32) -> (i32, i32) {
    %c0_i32 = arith.constant 0 : i32
    %c0_i32_0 = arith.constant 0 : i32
    return %arg0, %c0_i32 : i32, i32
  }
}

module attributes {stable_mosaic.version = 14 : i64} {
  func.func @body(%arg0: i32, %arg1: memref<1x2x632x128xf32, #tpu.memory_space<vmem>>, %arg2: memref<632x128xf32, #tpu.memory_space<vmem>>, %arg3: memref<632x1xf32, #tpu.memory_space<vmem>>, %arg4: memref<1x128xf32, #tpu.memory_space<vmem>>, %arg5: memref<128x128xf32, #tpu.memory_space<vmem>>, %arg6: memref<632x128xf32, #tpu.memory_space<vmem>>, %arg7: memref<632x128xf32, #tpu.memory_space<vmem>>, %arg8: memref<632x128xf32, #tpu.memory_space<vmem>>) attributes {dimension_semantics = [#tpu.dimension_semantics<arbitrary>], iteration_bounds = array<i64: 16>, scalar_prefetch = 0 : i64, scratch_operands = 0 : i64, tpu.core_type = #tpu.core_type<tc>, window_params = [{transform_indices = @transform_0, window_bounds = array<i64: 1, 2, 632, 128>}, {transform_indices = @transform_1, window_bounds = array<i64: 632, 128>}, {transform_indices = @transform_2, window_bounds = array<i64: 632, 1>}, {pipeline_mode = #tpu.pipeline_mode<synchronous>, transform_indices = @transform_3, window_bounds = array<i64: 1, 128>}, {pipeline_mode = #tpu.pipeline_mode<synchronous>, transform_indices = @transform_4, window_bounds = array<i64: 128, 128>}, {transform_indices = @transform_5, window_bounds = array<i64: 632, 128>}, {transform_indices = @transform_6, window_bounds = array<i64: 632, 128>}, {transform_indices = @transform_7, window_bounds = array<i64: 632, 128>}]} {
    %get3A = arith.constant 0 : index
    %get3A_0 = arith.constant 0 : index
    %get3A_1 = arith.constant 0 : index
    %get3A_2 = arith.constant 0 : index
    %get3A_3 = vector.load %arg1[%get3A, %get3A_0, %get3A_1, %get3A_2] : memref<1x2x632x128xf32, #tpu.memory_space<vmem>>, vector<1x1x632x128xf32>
    %get3A_4 = vector.shape_cast %get3A_3 : vector<1x1x632x128xf32> to vector<632x128xf32>
    %get3A_5 = arith.constant 0 : index
    %get3A_6 = arith.constant 1 : index
    %get3A_7 = arith.constant 0 : index
    %get3A_8 = arith.constant 0 : index
    %get3A_9 = vector.load %arg1[%get3A_5, %get3A_6, %get3A_7, %get3A_8] : memref<1x2x632x128xf32, #tpu.memory_space<vmem>>, vector<1x1x632x128xf32>
    %get3A_10 = vector.shape_cast %get3A_9 : vector<1x1x632x128xf32> to vector<632x128xf32>
    %add3A = arith.addf %get3A_4, %get3A_10 : vector<632x128xf32>
    %get3A_11 = arith.constant 0 : index
    %get3A_12 = arith.constant 0 : index
    %get3A_13 = vector.load %arg2[%get3A_11, %get3A_12] : memref<632x128xf32, #tpu.memory_space<vmem>>, vector<632x128xf32>
    %add3A_14 = arith.addf %add3A, %get3A_13 : vector<632x128xf32>
    %get3A_15 = arith.constant 0 : index
    %get3A_16 = arith.constant 0 : index
    %get3A_17 = vector.load %arg3[%get3A_15, %get3A_16] : memref<632x1xf32, #tpu.memory_space<vmem>>, vector<632x1xf32>
    %mul3A = vector.broadcast %get3A_17 : vector<632x1xf32> to vector<632x128xf32>
    %mul3A_18 = arith.mulf %mul3A, %add3A_14 : vector<632x128xf32>
    %get3A_19 = arith.constant 0 : index
    %get3A_20 = arith.constant 0 : index
    %get3A_21 = vector.load %arg4[%get3A_19, %get3A_20] : memref<1x128xf32, #tpu.memory_space<vmem>>, vector<1x128xf32>
    %add3A_22 = vector.broadcast %get3A_21 : vector<1x128xf32> to vector<632x128xf32>
    %add3A_23 = arith.addf %mul3A_18, %add3A_22 : vector<632x128xf32>
    %max3A = arith.constant 0.000000e+00 : f32
    %max3A_24 = vector.broadcast %max3A : f32 to vector<632x128xf32>
    %max3A_25 = arith.maximumf %add3A_23, %max3A_24 : vector<632x128xf32>
    %swap3A = arith.constant 0 : index
    %swap3A_26 = arith.constant 0 : index
    %swap3A_27 = vector.load %arg7[%swap3A, %swap3A_26] : memref<632x128xf32, #tpu.memory_space<vmem>>, vector<632x128xf32>
    tpu.vector_store %arg7[%swap3A, %swap3A_26], %max3A_25 {strides = array<i32>} : memref<632x128xf32, #tpu.memory_space<vmem>>, vector<632x128xf32>,
    %get3A_28 = arith.constant 0 : index
    %get3A_29 = arith.constant 0 : index
    %get3A_30 = vector.load %arg6[%get3A_28, %get3A_29] : memref<632x128xf32, #tpu.memory_space<vmem>>, vector<632x128xf32>
    %add3A_31 = arith.addf %max3A_25, %get3A_30 : vector<632x128xf32>
    %get3A_32 = arith.constant 0 : index
    %get3A_33 = arith.constant 0 : index
    %get3A_34 = vector.load %arg5[%get3A_32, %get3A_33] : memref<128x128xf32, #tpu.memory_space<vmem>>, vector<128x128xf32>
    %dot_general3A = arith.constant dense<0.000000e+00> : vector<632x128xf32>
    %dot_general3A_35 = tpu.matmul %add3A_31, %get3A_34, %dot_general3A {dimension_numbers = #tpu.dot_dimension_numbers<[1], [0], [0], [1], [0, 0, 1, 1], [], []>, precision = #tpu.contract_precision<fp32>, transpose_lhs_hint = false} : vector<632x128xf32>, vector<128x128xf32>, vector<632x128xf32> -> vector<632x128xf32>
    %get3A_36 = arith.constant 0 : index
    %get3A_37 = arith.constant 0 : index
    %get3A_38 = vector.load %arg3[%get3A_36, %get3A_37] : memref<632x1xf32, #tpu.memory_space<vmem>>, vector<632x1xf32>
    %mul3A_39 = vector.broadcast %get3A_38 : vector<632x1xf32> to vector<632x128xf32>
    %mul3A_40 = arith.mulf %mul3A_39, %dot_general3A_35 : vector<632x128xf32>
    %swap3A_41 = arith.constant 0 : index
    %swap3A_42 = arith.constant 0 : index
    %swap3A_43 = vector.load %arg8[%swap3A_41, %swap3A_42] : memref<632x128xf32, #tpu.memory_space<vmem>>, vector<632x128xf32>
    tpu.vector_store %arg8[%swap3A_41, %swap3A_42], %mul3A_40 {strides = array<i32>} : memref<632x128xf32, #tpu.memory_space<vmem>>, vector<632x128xf32>,
    return
  }
  func.func @transform_0(%arg0: i32) -> (i32, i32, i32, i32) {
    %c0_i32 = arith.constant 0 : i32
    %c0_i32_0 = arith.constant 0 : i32
    %c0_i32_1 = arith.constant 0 : i32
    %c0_i32_2 = arith.constant 0 : i32
    return %arg0, %c0_i32, %c0_i32_0, %c0_i32_1 : i32, i32, i32, i32
  }
  func.func @transform_1(%arg0: i32) -> (i32, i32) {
    %c0_i32 = arith.constant 0 : i32
    %c0_i32_0 = arith.constant 0 : i32
    return %arg0, %c0_i32 : i32, i32
  }
  func.func @transform_2(%arg0: i32) -> (i32, i32) {
    %c0_i32 = arith.constant 0 : i32
    %c0_i32_0 = arith.constant 0 : i32
    return %arg0, %c0_i32 : i32, i32
  }
  func.func @transform_3(%arg0: i32) -> (i32, i32) {
    %c0_i32 = arith.constant 0 : i32
    %c0_i32_0 = arith.constant 0 : i32
    %c0_i32_1 = arith.constant 0 : i32
    return %c0_i32, %c0_i32_0 : i32, i32
  }
  func.func @transform_4(%arg0: i32) -> (i32, i32) {
    %c0_i32 = arith.constant 0 : i32
    %c0_i32_0 = arith.constant 0 : i32
    %c0_i32_1 = arith.constant 0 : i32
    return %c0_i32, %c0_i32_0 : i32, i32
  }
  func.func @transform_5(%arg0: i32) -> (i32, i32) {
    %c0_i32 = arith.constant 0 : i32
    %c0_i32_0 = arith.constant 0 : i32
    return %arg0, %c0_i32 : i32, i32
  }
  func.func @transform_6(%arg0: i32) -> (i32, i32) {
    %c0_i32 = arith.constant 0 : i32
    %c0_i32_0 = arith.constant 0 : i32
    return %arg0, %c0_i32 : i32, i32
  }
  func.func @transform_7(%arg0: i32) -> (i32, i32) {
    %c0_i32 = arith.constant 0 : i32
    %c0_i32_0 = arith.constant 0 : i32
    return %arg0, %c0_i32 : i32, i32
  }
}

module attributes {stable_mosaic.version = 14 : i64} {
  func.func @body(%arg0: i32, %arg1: memref<1x2x632x128xf32, #tpu.memory_space<vmem>>, %arg2: memref<632x128xf32, #tpu.memory_space<vmem>>, %arg3: memref<632x1xf32, #tpu.memory_space<vmem>>, %arg4: memref<1x128xf32, #tpu.memory_space<vmem>>, %arg5: memref<632x1xi32, #tpu.memory_space<vmem>>, %arg6: memref<128x16xf32, #tpu.memory_space<vmem>>, %arg7: memref<1x16xf32, #tpu.memory_space<vmem>>, %arg8: memref<64x16xf32, #tpu.memory_space<vmem>>, %arg9: memref<64x128xf32, #tpu.memory_space<vmem>>, %arg10: memref<64x128xf32, #tpu.memory_space<vmem>>, %arg11: memref<64x1xf32, #tpu.memory_space<vmem>>) attributes {dimension_semantics = [#tpu.dimension_semantics<arbitrary>], iteration_bounds = array<i64: 16>, scalar_prefetch = 0 : i64, scratch_operands = 2 : i64, tpu.core_type = #tpu.core_type<tc>, window_params = [{transform_indices = @transform_0, window_bounds = array<i64: 1, 2, 632, 128>}, {transform_indices = @transform_1, window_bounds = array<i64: 632, 128>}, {transform_indices = @transform_2, window_bounds = array<i64: 632, 1>}, {pipeline_mode = #tpu.pipeline_mode<synchronous>, transform_indices = @transform_3, window_bounds = array<i64: 1, 128>}, {transform_indices = @transform_4, window_bounds = array<i64: 632, 1>}, {pipeline_mode = #tpu.pipeline_mode<synchronous>, transform_indices = @transform_5, window_bounds = array<i64: 128, 16>}, {pipeline_mode = #tpu.pipeline_mode<synchronous>, transform_indices = @transform_6, window_bounds = array<i64: 1, 16>}, {pipeline_mode = #tpu.pipeline_mode<synchronous>, transform_indices = @transform_7, window_bounds = array<i64: 64, 16>}, {pipeline_mode = #tpu.pipeline_mode<synchronous>, transform_indices = @transform_8, window_bounds = array<i64: 64, 128>}]} {
    %get3A = arith.constant 0 : index
    %get3A_0 = arith.constant 0 : index
    %get3A_1 = arith.constant 0 : index
    %get3A_2 = arith.constant 0 : index
    %get3A_3 = vector.load %arg1[%get3A, %get3A_0, %get3A_1, %get3A_2] : memref<1x2x632x128xf32, #tpu.memory_space<vmem>>, vector<1x1x632x128xf32>
    %get3A_4 = vector.shape_cast %get3A_3 : vector<1x1x632x128xf32> to vector<632x128xf32>
    %get3A_5 = arith.constant 0 : index
    %get3A_6 = arith.constant 1 : index
    %get3A_7 = arith.constant 0 : index
    %get3A_8 = arith.constant 0 : index
    %get3A_9 = vector.load %arg1[%get3A_5, %get3A_6, %get3A_7, %get3A_8] : memref<1x2x632x128xf32, #tpu.memory_space<vmem>>, vector<1x1x632x128xf32>
    %get3A_10 = vector.shape_cast %get3A_9 : vector<1x1x632x128xf32> to vector<632x128xf32>
    %add3A = arith.addf %get3A_4, %get3A_10 : vector<632x128xf32>
    %get3A_11 = arith.constant 0 : index
    %get3A_12 = arith.constant 0 : index
    %get3A_13 = vector.load %arg2[%get3A_11, %get3A_12] : memref<632x128xf32, #tpu.memory_space<vmem>>, vector<632x128xf32>
    %add3A_14 = arith.addf %add3A, %get3A_13 : vector<632x128xf32>
    %get3A_15 = arith.constant 0 : index
    %get3A_16 = arith.constant 0 : index
    %get3A_17 = vector.load %arg3[%get3A_15, %get3A_16] : memref<632x1xf32, #tpu.memory_space<vmem>>, vector<632x1xf32>
    %mul3A = vector.broadcast %get3A_17 : vector<632x1xf32> to vector<632x128xf32>
    %mul3A_18 = arith.mulf %mul3A, %add3A_14 : vector<632x128xf32>
    %get3A_19 = arith.constant 0 : index
    %get3A_20 = arith.constant 0 : index
    %get3A_21 = vector.load %arg4[%get3A_19, %get3A_20] : memref<1x128xf32, #tpu.memory_space<vmem>>, vector<1x128xf32>
    %add3A_22 = vector.broadcast %get3A_21 : vector<1x128xf32> to vector<632x128xf32>
    %add3A_23 = arith.addf %mul3A_18, %add3A_22 : vector<632x128xf32>
    %max3A = arith.constant 0.000000e+00 : f32
    %max3A_24 = vector.broadcast %max3A : f32 to vector<632x128xf32>
    %max3A_25 = arith.maximumf %add3A_23, %max3A_24 : vector<632x128xf32>
    %iota3A = tpu.iota {dimensions = array<i32: 1>} : vector<1x64xi32>
    %get3A_26 = arith.constant 0 : index
    %get3A_27 = arith.constant 0 : index
    %get3A_28 = vector.load %arg5[%get3A_26, %get3A_27] : memref<632x1xi32, #tpu.memory_space<vmem>>, vector<632x1xi32>
    %eq3A = vector.broadcast %get3A_28 : vector<632x1xi32> to vector<632x64xi32>
    %eq3A_29 = vector.broadcast %iota3A : vector<1x64xi32> to vector<632x64xi32>
    %eq3A_30 = arith.cmpi eq, %eq3A, %eq3A_29 : vector<632x64xi32>
    %convert_element_type3A = arith.extui %eq3A_30 : vector<632x64xi1> to vector<632x64xi32>
    %convert_element_type3A_31 = arith.sitofp %convert_element_type3A : vector<632x64xi32> to vector<632x64xf32>
    %dot_general3A = arith.constant dense<0.000000e+00> : vector<64x128xf32>
    %dot_general3A_32 = tpu.matmul %convert_element_type3A_31, %max3A_25, %dot_general3A {dimension_numbers = #tpu.dot_dimension_numbers<[0], [0], [1], [1], [0, 1, 1, 1], [], []>, precision = #tpu.contract_precision<fp32>, transpose_lhs_hint = false} : vector<632x64xf32>, vector<632x128xf32>, vector<64x128xf32> -> vector<64x128xf32>
    %broadcast_in_dim3A = arith.constant 1.000000e+00 : f32
    %broadcast_in_dim3A_33 = vector.broadcast %broadcast_in_dim3A : f32 to vector<632x1xf32>
    %dot_general3A_34 = arith.constant dense<0.000000e+00> : vector<64x1xf32>
    %dot_general3A_35 = tpu.matmul %convert_element_type3A_31, %broadcast_in_dim3A_33, %dot_general3A_34 {dimension_numbers = #tpu.dot_dimension_numbers<[0], [0], [1], [1], [0, 1, 1, 1], [], []>, precision = #tpu.contract_precision<fp32>, transpose_lhs_hint = false} : vector<632x64xf32>, vector<632x1xf32>, vector<64x1xf32> -> vector<64x1xf32>
    %eq3A_36 = arith.constant 0 : i32
    %eq3A_37 = arith.cmpi eq, %arg0, %eq3A_36 : i32
    %convert_element_type3A_38 = arith.extui %eq3A_37 : i1 to i32
    %cond3A = arith.constant 0 : i32
    %cond3A_39 = arith.cmpi ne, %convert_element_type3A_38, %cond3A : i32
    scf.if %cond3A_39 {
      %swap3A = arith.constant 0 : index
      %swap3A_49 = arith.constant 0 : index
      %swap3A_50 = vector.load %arg10[%swap3A, %swap3A_49] : memref<64x128xf32, #tpu.memory_space<vmem>>, vector<64x128xf32>
      tpu.vector_store %arg10[%swap3A, %swap3A_49], %dot_general3A_32 {strides = array<i32>} : memref<64x128xf32, #tpu.memory_space<vmem>>, vector<64x128xf32>,
      %swap3A_51 = arith.constant 0 : index
      %swap3A_52 = arith.constant 0 : index
      %swap3A_53 = vector.load %arg11[%swap3A_51, %swap3A_52] : memref<64x1xf32, #tpu.memory_space<vmem>>, vector<64x1xf32>
      tpu.vector_store %arg11[%swap3A_51, %swap3A_52], %dot_general3A_35 {strides = array<i32>} : memref<64x1xf32, #tpu.memory_space<vmem>>, vector<64x1xf32>,
    } else {
    }
    %gt3A = arith.constant 0 : i32
    %gt3A_40 = arith.cmpi sgt, %arg0, %gt3A : i32
    %convert_element_type3A_41 = arith.extui %gt3A_40 : i1 to i32
    %cond3A_42 = arith.constant 0 : i32
    %cond3A_43 = arith.cmpi ne, %convert_element_type3A_41, %cond3A_42 : i32
    scf.if %cond3A_43 {
      %get3A_49 = arith.constant 0 : index
      %get3A_50 = arith.constant 0 : index
      %get3A_51 = vector.load %arg10[%get3A_49, %get3A_50] : memref<64x128xf32, #tpu.memory_space<vmem>>, vector<64x128xf32>
      %add3A_52 = arith.addf %get3A_51, %dot_general3A_32 : vector<64x128xf32>
      %swap3A = arith.constant 0 : index
      %swap3A_53 = arith.constant 0 : index
      %swap3A_54 = vector.load %arg10[%swap3A, %swap3A_53] : memref<64x128xf32, #tpu.memory_space<vmem>>, vector<64x128xf32>
      tpu.vector_store %arg10[%swap3A, %swap3A_53], %add3A_52 {strides = array<i32>} : memref<64x128xf32, #tpu.memory_space<vmem>>, vector<64x128xf32>,
      %get3A_55 = arith.constant 0 : index
      %get3A_56 = arith.constant 0 : index
      %get3A_57 = vector.load %arg11[%get3A_55, %get3A_56] : memref<64x1xf32, #tpu.memory_space<vmem>>, vector<64x1xf32>
      %add3A_58 = arith.addf %get3A_57, %dot_general3A_35 : vector<64x1xf32>
      %swap3A_59 = arith.constant 0 : index
      %swap3A_60 = arith.constant 0 : index
      %swap3A_61 = vector.load %arg11[%swap3A_59, %swap3A_60] : memref<64x1xf32, #tpu.memory_space<vmem>>, vector<64x1xf32>
      tpu.vector_store %arg11[%swap3A_59, %swap3A_60], %add3A_58 {strides = array<i32>} : memref<64x1xf32, #tpu.memory_space<vmem>>, vector<64x1xf32>,
    } else {
    }
    %eq3A_44 = arith.constant 15 : i32
    %eq3A_45 = arith.cmpi eq, %arg0, %eq3A_44 : i32
    %convert_element_type3A_46 = arith.extui %eq3A_45 : i1 to i32
    %cond3A_47 = arith.constant 0 : i32
    %cond3A_48 = arith.cmpi ne, %convert_element_type3A_46, %cond3A_47 : i32
    scf.if %cond3A_48 {
      %get3A_49 = arith.constant 0 : index
      %get3A_50 = arith.constant 0 : index
      %get3A_51 = vector.load %arg10[%get3A_49, %get3A_50] : memref<64x128xf32, #tpu.memory_space<vmem>>, vector<64x128xf32>
      %get3A_52 = arith.constant 0 : index
      %get3A_53 = arith.constant 0 : index
      %get3A_54 = vector.load %arg11[%get3A_52, %get3A_53] : memref<64x1xf32, #tpu.memory_space<vmem>>, vector<64x1xf32>
      %max3A_55 = arith.constant 1.000000e+00 : f32
      %max3A_56 = vector.broadcast %max3A_55 : f32 to vector<64x1xf32>
      %max3A_57 = arith.maximumf %get3A_54, %max3A_56 : vector<64x1xf32>
      %div3A = vector.broadcast %max3A_57 : vector<64x1xf32> to vector<64x128xf32>
      %div3A_58 = arith.divf %get3A_51, %div3A : vector<64x128xf32>
      %swap3A = arith.constant 0 : index
      %swap3A_59 = arith.constant 0 : index
      %swap3A_60 = vector.load %arg9[%swap3A, %swap3A_59] : memref<64x128xf32, #tpu.memory_space<vmem>>, vector<64x128xf32>
      tpu.vector_store %arg9[%swap3A, %swap3A_59], %div3A_58 {strides = array<i32>} : memref<64x128xf32, #tpu.memory_space<vmem>>, vector<64x128xf32>,
      %get3A_61 = arith.constant 0 : index
      %get3A_62 = arith.constant 0 : index
      %get3A_63 = vector.load %arg6[%get3A_61, %get3A_62] : memref<128x16xf32, #tpu.memory_space<vmem>>, vector<128x16xf32>
      %dot_general3A_64 = arith.constant dense<0.000000e+00> : vector<64x16xf32>
      %dot_general3A_65 = tpu.matmul %div3A_58, %get3A_63, %dot_general3A_64 {dimension_numbers = #tpu.dot_dimension_numbers<[1], [0], [0], [1], [0, 0, 1, 1], [], []>, precision = #tpu.contract_precision<fp32>, transpose_lhs_hint = false} : vector<64x128xf32>, vector<128x16xf32>, vector<64x16xf32> -> vector<64x16xf32>
      %get3A_66 = arith.constant 0 : index
      %get3A_67 = arith.constant 0 : index
      %get3A_68 = vector.load %arg7[%get3A_66, %get3A_67] : memref<1x16xf32, #tpu.memory_space<vmem>>, vector<1x16xf32>
      %add3A_69 = vector.broadcast %get3A_68 : vector<1x16xf32> to vector<64x16xf32>
      %add3A_70 = arith.addf %dot_general3A_65, %add3A_69 : vector<64x16xf32>
      %swap3A_71 = arith.constant 0 : index
      %swap3A_72 = arith.constant 0 : index
      %swap3A_73 = vector.load %arg8[%swap3A_71, %swap3A_72] : memref<64x16xf32, #tpu.memory_space<vmem>>, vector<64x16xf32>
      tpu.vector_store %arg8[%swap3A_71, %swap3A_72], %add3A_70 {strides = array<i32>} : memref<64x16xf32, #tpu.memory_space<vmem>>, vector<64x16xf32>,
    } else {
    }
    return
  }
  func.func @transform_0(%arg0: i32) -> (i32, i32, i32, i32) {
    %c0_i32 = arith.constant 0 : i32
    %c0_i32_0 = arith.constant 0 : i32
    %c0_i32_1 = arith.constant 0 : i32
    %c0_i32_2 = arith.constant 0 : i32
    return %arg0, %c0_i32, %c0_i32_0, %c0_i32_1 : i32, i32, i32, i32
  }
  func.func @transform_1(%arg0: i32) -> (i32, i32) {
    %c0_i32 = arith.constant 0 : i32
    %c0_i32_0 = arith.constant 0 : i32
    return %arg0, %c0_i32 : i32, i32
  }
  func.func @transform_2(%arg0: i32) -> (i32, i32) {
    %c0_i32 = arith.constant 0 : i32
    %c0_i32_0 = arith.constant 0 : i32
    return %arg0, %c0_i32 : i32, i32
  }
  func.func @transform_3(%arg0: i32) -> (i32, i32) {
    %c0_i32 = arith.constant 0 : i32
    %c0_i32_0 = arith.constant 0 : i32
    %c0_i32_1 = arith.constant 0 : i32
    return %c0_i32, %c0_i32_0 : i32, i32
  }
  func.func @transform_4(%arg0: i32) -> (i32, i32) {
    %c0_i32 = arith.constant 0 : i32
    %c0_i32_0 = arith.constant 0 : i32
    return %arg0, %c0_i32 : i32, i32
  }
  func.func @transform_5(%arg0: i32) -> (i32, i32) {
    %c0_i32 = arith.constant 0 : i32
    %c0_i32_0 = arith.constant 0 : i32
    %c0_i32_1 = arith.constant 0 : i32
    return %c0_i32, %c0_i32_0 : i32, i32
  }
  func.func @transform_6(%arg0: i32) -> (i32, i32) {
    %c0_i32 = arith.constant 0 : i32
    %c0_i32_0 = arith.constant 0 : i32
    %c0_i32_1 = arith.constant 0 : i32
    return %c0_i32, %c0_i32_0 : i32, i32
  }
  func.func @transform_7(%arg0: i32) -> (i32, i32) {
    %c0_i32 = arith.constant 0 : i32
    %c0_i32_0 = arith.constant 0 : i32
    %c0_i32_1 = arith.constant 0 : i32
    return %c0_i32, %c0_i32_0 : i32, i32
  }
  func.func @transform_8(%arg0: i32) -> (i32, i32) {
    %c0_i32 = arith.constant 0 : i32
    %c0_i32_0 = arith.constant 0 : i32
    %c0_i32_1 = arith.constant 0 : i32
    return %c0_i32, %c0_i32_0 : i32, i32
  }
}

</mosaic_0001>

<sc_bundles>
// kernel: kernel.10.cloned.1.call-start
scs
__scs_entry_jumppad:
0x0: {  	(pc) =	sbr.rel $0x88, $3  }
0x1: {  	(tag) =	ssettag $0x0;
	lr =	simm.s32 $0x1  }
0x2: {  	[smem:$0x3F96] =	sst lr;
	_ =	strace $0xD0000000  }
0x3: {  	_ = 	snop  }
0x4: {  	_ = 	snop  }
0x5: {  	_ = 	snop  }
0x6: {  	_ = 	snop  }
0x7: {  	_ = 	snop  }
__scs_overlays_trampoline_lowered:
0x8: {  	[smem:$0x3FA5] =	sst s0  }
0x9: {  	[smem:$0x3FA6] =	sst s1  }
0xa: {  	[smem:$0x3FA7] =	sst s2  }
0xb: {  	[smem:$0x3FA8] =	sst s3  }
0xc: {  	[smem:$0x3FA9] =	sst s4  }
0xd: {  	[smem:$0x3FAA] =	sst s5  }
0xe: {  	[smem:$0x3FAB] =	sst s6  }
0xf: {  	[smem:$0x3FAC] =	sst s7  }
0x10: {  	[smem:$0x3FAD] =	sst s8  }
0x11: {  	[smem:$0x3FAE] =	sst s9;
	s0 =	simm.s32 @!p0 $0x0  }
0x12: {  	s1 =	sld [smem:$0x3F94];
	s0 =	simm.s32 @p0 $0x1  }
0x13: {  	[smem:$0x3FAF] =	sst s0;
	s0 =	simm.s32 @!p1 $0x0  }
0x14: {  	s2 =	sld [smem:$0x3F93];
	s0 =	simm.s32 @p1 $0x1  }
0x15: {  	[smem:$0x3FB0] =	sst s0;
	s0 =	simm.s32 @!p2 $0x0  }
0x16: {  	s3 =	sld [smem:$0x3FDB];
	s0 =	simm.s32 @p2 $0x1  }
0x17: {  	s4 =	simm.s32 $0x1BF5;
	[smem:$0x3FB2] =	sst s0  }
0x18: {  	s0 =	sld [smem:$0x3F95];
	_ =	swait.ge [sflag:s4], $0x0  }
0x19: {  	s7 =	sld [smem:$0x3F96]  }
0x1a: {  	s8 =	sadd.s32 $0xFFFFE003, lr  }
0x1b: {  	s9 =	sadd.s32 $0xFFFFFEF7, lr;
	s5 =	simm.s32 $0xFFFFFFFF;
	p2 =	slt.u32 s8, $0xFFFFF086  }
0x1c: {  	p1 =	slt.u32 s9, $0xF7A;
	s5 =	simm.s32 @!p2 $0x0  }
0x1d: {  	s5 =	simm.s32 @p1 $0x1;
	p0 =	seq.s32 s7, s2  }
0x1e: {  	s7 =	smul.u32 @!p0 $0xF7A, s2;
	p2 =	seq.s32 @!p0 s5, $0x0  }
0x1f: {  	s9 =	smul.u32 $0xF7A, s1;
	s8 =	simm.s32 @!p0 $0x1BF5;
	p2 =	por !p2, p0  }
0x20: {  	[sflag:s8] =	ssyncset.s32 @!p0 $0xFFFFF086;
	s6 =	sadd.s32 @!p0 s3, s7;
	s7 =	simm.s32 @!p0 $0x108  }
0x21: {  	s3 =	sadd.s32 s3, s9;
	s6 =	sadd.s32 @!p0 $0x88, s6;
	s7 =	simm.s32 @p2 $0x1082  }
0x22: {  	[simem:s7], [sflag:s8] =	dma.local @!p0 [hbm:s6], $0xF7A  }
0x23: {  	s9 =	sor.u32 $0xD0000000, s2;
	s6 =	simm.s32 $0x108;
	_ =	swait.ge @!p0 [sflag:s8], $0x0  }
0x24: {  	s3 =	sadd.s32 $0x88, s3;
	s6 =	simm.s32 @!p1 $0x1082;
	[sflag:s4] =	ssyncset.s32 $0xFFFFF086  }
0x25: {  	[simem:s6], [sflag:s4] =	dma.local [hbm:s3], $0xF7A  }
0x26: {  	[smem:$0x3F96] =	sst s1;
	(tag) =	ssettag s2;
	_ =	strace s9  }
0x27: {  	s1 =	sld [smem:$0x3FA6]  }
0x28: {  	s2 =	sld [smem:$0x3FA7]  }
0x29: {  	s4 =	sld [smem:$0x3FA9]  }
0x2a: {  	p0 =	seq.s32 s5, $0x0;
	s5 =	sld [smem:$0x3FAA]  }
0x2b: {  	s6 =	sld [smem:$0x3FAB]  }
0x2c: {  	s7 =	sld [smem:$0x3FAC]  }
0x2d: {  	s3 =	simm.s32 $0x108;
	s8 =	sld [smem:$0x3FAD]  }
0x2e: {  	s3 =	simm.s32 @!p0 $0x1082;
	s9 =	sld [smem:$0x3FAE]  }
0x2f: {  	lr =	sadd.s32 s0, s3;
	s0 =	sld [smem:$0x3FA5]  }
0x30: {  	s3 =	sld [smem:$0x3FA8]  }
0x31: {  	[smem:$0x3FB1] =	sst s10  }
0x32: {  	s10 =	sld [smem:$0x3FAF];
	_ =	sdelay $0x3  }
0x33: {  	p0 =	seq.s32 s10, $0x1;
	s10 =	sld [smem:$0x3FB1];
	_ =	sdelay $0x3  }
0x34: {  	[smem:$0x3FB1] =	sst s10  }
0x35: {  	s10 =	sld [smem:$0x3FB0];
	_ =	sdelay $0x3  }
0x36: {  	p1 =	seq.s32 s10, $0x1;
	s10 =	sld [smem:$0x3FB1];
	_ =	sdelay $0x3  }
0x37: {  	[smem:$0x3FB1] =	sst s10  }
0x38: {  	s10 =	sld [smem:$0x3FB2]  }
0x39: {  	_ = 	snop;
	(pc) =	sbr.ind lr, $3  }
0x3a: {  	_ = 	snop  }
0x3b: {  	_ = 	snop  }
0x3c: {  	p2 =	seq.s32 s10, $0x1;
	s10 =	sld [smem:$0x3FB1]  }
0x3d: {  	_ =	shalt  }
0x3e: {  	_ =	shalt  }
0x3f: {  	_ =	shalt  }
0x40: {  	_ =	shalt  }
0x41: {  	_ =	shalt  }
0x42: {  	_ =	shalt  }
0x43: {  	_ =	shalt  }
0x44: {  	_ =	shalt  }
0x45: {  	_ =	shalt  }
0x46: {  	_ =	shalt  }
0x47: {  	_ =	shalt  }
0x48: {  	_ =	shalt  }
0x49: {  	_ =	shalt  }
0x4a: {  	_ =	shalt  }
0x4b: {  	_ =	shalt  }
0x4c: {  	_ =	shalt  }
0x4d: {  	_ =	shalt  }
0x4e: {  	_ =	shalt  }
0x4f: {  	_ =	shalt  }
0x50: {  	_ =	shalt  }
0x51: {  	_ =	shalt  }
0x52: {  	_ =	shalt  }
0x53: {  	_ =	shalt  }
0x54: {  	_ =	shalt  }
0x55: {  	_ =	shalt  }
0x56: {  	_ =	shalt  }
0x57: {  	_ =	shalt  }
0x58: {  	_ =	shalt  }
0x59: {  	_ =	shalt  }
0x5a: {  	_ =	shalt  }
0x5b: {  	_ =	shalt  }
0x5c: {  	_ =	shalt  }
0x5d: {  	_ =	shalt  }
0x5e: {  	_ =	shalt  }
0x5f: {  	_ =	shalt  }
0x60: {  	_ =	shalt  }
0x61: {  	_ =	shalt  }
0x62: {  	_ =	shalt  }
0x63: {  	_ =	shalt  }
0x64: {  	_ =	shalt  }
0x65: {  	_ =	shalt  }
0x66: {  	_ =	shalt  }
0x67: {  	_ =	shalt  }
0x68: {  	_ =	shalt  }
0x69: {  	_ =	shalt  }
0x6a: {  	_ =	shalt  }
0x6b: {  	_ =	shalt  }
0x6c: {  	_ =	shalt  }
0x6d: {  	_ =	shalt  }
0x6e: {  	_ =	shalt  }
0x6f: {  	_ =	shalt  }
0x70: {  	_ =	shalt  }
0x71: {  	_ =	shalt  }
0x72: {  	_ =	shalt  }
0x73: {  	_ =	shalt  }
0x74: {  	_ =	shalt  }
0x75: {  	_ =	shalt  }
0x76: {  	_ =	shalt  }
0x77: {  	_ =	shalt  }
0x78: {  	_ =	shalt  }
0x79: {  	_ =	shalt  }
0x7a: {  	_ =	shalt  }
0x7b: {  	_ =	shalt  }
0x7c: {  	_ =	shalt  }
0x7d: {  	_ =	shalt  }
0x7e: {  	_ =	shalt  }
0x7f: {  	_ =	shalt  }
0x80: {  	_ =	shalt  }
0x81: {  	_ =	shalt  }
0x82: {  	_ =	shalt  }
0x83: {  	_ =	shalt  }
0x84: {  	_ =	shalt  }
0x85: {  	_ =	shalt  }
0x86: {  	_ =	shalt  }
0x87: {  	_ =	shalt  }
.Lfunc_end0:
.L_simem_size_0:
called_computation_lowered:
.L_overlay_start_0:
0x88: {  	s2 =	sld [smem:$0x3FD9]  }
0x89: {  	s3 =	sld [smem:$0x3FFE];
	_ =	sdelay $0x1  }
0x8a: {  	s1 =	srdreg.scid  }
0x8b: {  	s0 =	sand.u32 $0x1, s1  }
0x8c: {  	s16 =	sshll.u32 s0, $0xA;
	s2 =	sadd.s32 s3, s2  }
0x8d: {  	s2 =	sadd.s32 s2, s16  }
0x8e: {  	[smem:$0x3FBD] =	sst s2  }
0x8f: {  	_ = 	snop  }
0x90: {  	(tm) =	ssettm $0x1  }
0x91: {  	s17 =	sld [smem:$0x3FFB];
	_ =	sdelay $0x3  }
0x92: {  	_ =	strace s17  }
0x93: {  	s2 =	sld [smem:$0x3FFC];
	_ =	sdelay $0x3  }
0x94: {  	_ =	strace s2  }
0x95: {  	s2 =	sld [smem:$0x3FFD];
	_ =	sdelay $0x3  }
0x96: {  	_ =	strace s2  }
0x97: {  	_ =	strace $0x8FFFFFFF  }
0x98: {  	s18 =	sld [smem:$0x3FDB];
	_ =	sdelay $0x1  }
0x99: {  	s19 =	simm.s32 $_scs_section_size  }
0x9a: {  	s4 =	simm.s32 $_size__tile_overlayer_lowered;
	s5 =	simm.s32 $_tile_overlayer_lowered  }
0x9b: {  	s22 =	simm.s32 $0x1BFF;
	s21 =	sshll.u32 s5, $0x1;
	s2 =	sadd.s32 s19, s18  }
0x9c: {  	s6 =	simm.s32 $0x0;
	s20 =	sshll.u32 s4, $0x1;
	s4 =	sadd.s32 s21, s2  }
0x9d: {  	[timem:s6], [sflag:s22] =	dma.local [hbm:s4], s20  }
0x9e: {  	_ =	swait.ge [sflag:s22], s20  }
0x9f: {  	s3 =	ssub.s32 $0x0, s20;
	[sflag:s22] =	ssyncset.done $0x0  }
0xa0: {  	[sflag:s22] =	ssyncadd.s32 s3;
	_ =	sdelay $0x1  }
0xa1: {  	s23 =	simm.s32 $0x1B8B  }
0xa2: {  	_ =	swait.ge [sflag:s23], $0x1  }
0xa3: {  	[sflag:s23] =	ssyncset.done $0x0  }
0xa4: {  	s25 =	simm.s32 $0x1B8E;
	s24 =	sld [smem:$0x3FFE];
	[sflag:s23] =	ssyncadd.s32 $0xFFFFFFFF  }
0xa5: {  	s26 =	simm.s32 $execute0_lowered;
	[smem:$0x3FD2] =	sst s25  }
0xa6: {  	s4 =	sshll.u32 s26, $0x1;
	_ =	strace $0x80000046;
	[dreg:$0x1] =	wrdreg $0xFFFFFFFF  }
0xa7: {  	s28 =	simm.s32 $_size_execute0_lowered;
	s2 =	sadd.s32 s2, s4;
	[dreg:$0x0] =	wrdreg $0x0  }
0xa8: {  	s4 =	sshll.u32 s28, $0x1;
	[dreg:$0x2] =	wrdreg s2  }
0xa9: {  	[dreg:$0x3] =	wrdreg s4  }
0xaa: {  	[dreg:$0x4] =	wrdreg $0xC0  }
0xab: {  	_ =	task [dreg:s6], $0x5FFFF  }
0xac: {  	[dreg:$0x1] =	wrdreg $0xFFFFFFFF  }
0xad: {  	[dreg:$0x0] =	wrdreg $0x60  }
0xae: {  	[dreg:$0x2] =	wrdreg s24  }
0xaf: {  	[dreg:$0x3] =	wrdreg $0x9  }
0xb0: {  	_ =	task.clear_ibuf [dreg:s6], $0x4FFFF;
	_ =	strace $0x90000046  }
0xb1: {  	s29 =	simm.s32 $0x9;
	_ =	strace $0x80000048  }
0xb2: {  	_ =	swait.ge [sflag:s29], $0x1  }
0xb3: {  	[sflag:s29] =	ssyncadd.s32 $0xFFFFFFFF  }
0xb4: {  	_ =	strace $0x90000048  }
0xb5: {  	_ =	sfence  }
0xb6: {  	s30 =	sld [smem:$0x0];
	_ =	sdelay $0x2  }
0xb7: {  	s31 =	sshll.u32 s1, $0xD;
	s1 =	sshrl.u32 s1, $0x2  }
0xb8: {  	s3 =	sand.u32 $0x4000, s31;
	s1 =	sadd.s32 s1, s30  }
0xb9: {  	s0 =	sor.u32 s3, s0;
	s1 =	sshll.u32 s1, $0x11  }
0xba: {  	s0 =	sor.u32 s1, s0  }
0xbb: {  	s0 =	sadd.s32 $0x8F2B, s0  }
0xbc: {  	[sflag:s0] =	ssyncadd.remote.s32 $0x1  }
0xbd: {  	_ =	sfence.sel $0xFFFF  }
0xbe: {  	[dreg:$0x0] =	wrdreg $0xFFFFFFFF;
	(pc) =	sbr.abs _section_cstart, $3  }
0xbf: {  	[dreg:$0x1] =	wrdreg $0xFFFFFFFF  }
0xc0: {  	_ =	task.clear_ibuf [dreg:s6], $0x2FFFF;
	_ =	strace $0x9FFFFFFF  }
0xc1: {  	(tm) =	ssettm $0x7FFFFFFF  }
tec
execute0_lowered:
.L_overlay_start_1:
0x0: {  	(tag) =	ssettag $0x1  }
0x1: {  	s1 =	srdreg.scid;
	s0 =	stileid.u32  }
0x2: {  	s3 =	rddreg [dreg:$0x0];
	s8 =	simm.s32 $0x80;
	s9 =	simm.s32 $0x400  }
0x3: {  	s4 =	sand.u32 $0x1, s1;
	s2 =	sshll.u32 s0, $0x1;
	s1 =	rddreg [dreg:$0x1]  }
0x4: {  	s6 =	sshrl.u32 s0, $0x2;
	s5 =	sor.u32 s4, s2;
	s2 =	simm.s32 $0x0  }
0x5: {  	s6 =	smul.u32 $0x13C00, s6;
	s4 =	ssub.s32 $0x2, s4;
	s7 =	sshll.u32 s5, $0x7  }
0x6: {  	[smem:$0x7FF] =	sst s2;
	s5 =	smul.u32 $0x500, s5;
	s7 =	sand.u32 $0x380, s7  }
0x7: {  	s31 =	sshrl.u32 s4, $0x1;
	_ =	strace $0x80000047;
	s6 =	sor.u32 s6, s7  }
0x8: {  	s5 =	sadd.s32 s5, s3;
	s7 =	ssub.s32 s4, s31;
	s6 =	sshrl.u32 s6, $0x3  }
0x9: {  	s6 =	sadd.s32 s6, s3;
	s3 =	sadd.s32 $0xEC00, s5;
	s5 =	smax.u32 s7, $0x1  }
0xa: {  	v0 =	vimm.f32 $0.0e+00;
	v1 =	vimm.f32 $1.000000000e+00;
	s7 =	simm.s32 $0x2800;
	s4 =	sadd.s32 $0x18C00, s6;
	s6 =	simm.s32 $0x1  }
.LBB2_1:
0xb: {  	s10 =	simm.s32 $0x40;
	s11 =	simm.s32 $0x0  }
.LBB2_2:
0xc: {  	p0 =	sne.s32 s10, $0x9DC0;
	[tilespmem:s11+$0x2800] =	vst v0;
	s11 =	smov.u32 s10;
	s10 =	sadd.s32 $0x40, s10  }
.Ltmp0:
0xd: {  	(pc) =	sbr.rel @p0 .LBB2_2-.Ltmp0, $2  }
0xe: {  	_ =	sdelay $0x2  }
0xf: {  	s11 =	sshra.s32 s11, $0x2  }
0x10: {  	[tilespmem:s11+$0x2800] =	vst v0;
	s10 =	simm.s32 $0x0  }
0x11: {  	[tilespmem:s10], [sflag:$0x1] =	stream.linear.gather [hbm4b:s3+s10], $0x2800, $0x38;
	[tilespmem:$0x4F80] =	vst v63  }
0x12: {  	_ =	swait.ge [sflag:s6], $0x2800  }
0x13: {  	[sflag:s6] =	ssyncset.done $0x0  }
0x14: {  	[sflag:s6] =	ssyncadd.s32 $0xFFFFD800  }
.LBB2_4:
0x15: {  	s11 =	sshra.s32 s10, $0x2  }
0x16: {  	v2 =	vld [tilespmem:s11+$0x0];
	_ =	sdelay $0x7  }
0x17: {  	[tilespmem:v2+s7+$0x0] =	vst.idx.add.f32.msk $0xffff, v1  }
0x18: {  	v2 =	vld [tilespmem:s11+$0x10];
	_ =	sdelay $0x7  }
0x19: {  	[tilespmem:v2+s7+$0x0] =	vst.idx.add.f32.msk $0xffff, v1  }
0x1a: {  	v2 =	vld [tilespmem:s11+$0x20];
	_ =	sdelay $0x7  }
0x1b: {  	[tilespmem:v2+s7+$0x0] =	vst.idx.add.f32.msk $0xffff, v1  }
0x1c: {  	v2 =	vld [tilespmem:s11+$0x30];
	_ =	sdelay $0x7  }
0x1d: {  	[tilespmem:v2+s7+$0x0] =	vst.idx.add.f32.msk $0xffff, v1  }
0x1e: {  	v2 =	vld [tilespmem:s11+$0x40];
	_ =	sdelay $0x7  }
0x1f: {  	[tilespmem:v2+s7+$0x0] =	vst.idx.add.f32.msk $0xffff, v1  }
0x20: {  	v2 =	vld [tilespmem:s11+$0x50];
	_ =	sdelay $0x7  }
0x21: {  	[tilespmem:v2+s7+$0x0] =	vst.idx.add.f32.msk $0xffff, v1  }
0x22: {  	v2 =	vld [tilespmem:s11+$0x60];
	_ =	sdelay $0x7  }
0x23: {  	[tilespmem:v2+s7+$0x0] =	vst.idx.add.f32.msk $0xffff, v1  }
0x24: {  	v2 =	vld [tilespmem:s11+$0x70];
	_ =	sdelay $0x2  }
0x25: {  	p0 =	sne.s32 s10, $0x9E00  }
.Ltmp1:
0x26: {  	_ = 	snop;
	(pc) =	sbr.rel @p0 .LBB2_4-.Ltmp1, $2  }
0x27: {  	_ =	sdelay $0x2  }
0x28: {  	s10 =	sadd.s32 $0x200, s10;
	[tilespmem:v2+s7+$0x0] =	vst.idx.add.f32.msk $0xffff, v1  }
0x29: {  	s2 =	sadd.s32 $0x1, s2  }
0x2a: {  	p0 =	sne.s32 s2, s5  }
.Ltmp2:
0x2b: {  	_ = 	snop;
	(pc) =	sbr.rel @p0 .LBB2_1-.Ltmp2, $4  }
0x2c: {  	[hbm4b:s4+s8] =	stream.strided.scatter [tilespmem:s7], [sflag:$0x1], $0x2780, s9, s8, $0x38;
	[tilespmem:$0x4F80] =	vst v63  }
0x2d: {  	_ =	swait.ge [sflag:s6], $0x2780  }
0x2e: {  	[sflag:s6] =	ssyncset.done $0x0  }
0x2f: {  	[sflag:s6] =	ssyncadd.s32 $0xFFFFD880  }
0x30: {  	_ =	sfence.sel $0x180000  }
0x31: {  	[bflag:$0x0] =	sbarrier.arrive $0xFFFF  }
0x32: {  	p0 =	sne.s32 s0, $0x0;
	_ =	strace $0x90000047  }
0x33: {  	s0 =	sadd.s32 @!p0 $0x100000, s1;
	[bflag:$0x2] =	sbarrier.arrive $0xFFFF  }
0x34: {  	[sflag:s0] =	ssyncadd.tile.s32 @!p0 $0x1;
	_ =	shalt  }
.Lfunc_end2:
_tile_overlayer_lowered:
.L_overlay_start_2:
0x35: {  	(tag) =	ssettag $0x2  }
0x36: {  	s0 =	rddreg [dreg:$0x0];
	s2 =	stileid.u32  }
0x37: {  	s1 =	rddreg [dreg:$0x1];
	p0 =	sne.s32 s2, $0x0  }
0x38: {  	s3 =	rddreg [dreg:$0x2];
	[bflag:$0x3] =	sbarrier.arrive $0xFFFF;
	s2 =	simm.s32 @!p0 $0x1C01  }
0x39: {  	[timem:s3], [sflag:s2] =	dma.local @!p0 [hbm:s0], s1  }
0x3a: {  	s0 =	simm.s32 @!p0 $0x1  }
0x3b: {  	_ =	swait.ge @!p0 [sflag:s0], s1  }
0x3c: {  	s1 =	ssub.s32 @!p0 $0x0, s1;
	[sflag:s0] =	ssyncset.done @!p0 $0x0  }
0x3d: {  	[sflag:s0] =	ssyncadd.s32 @!p0 s1  }
0x3e: {  	[bflag:$0x3] =	sbarrier.arrive $0xFFFF  }
0x3f: {  	_ =	shalt  }

// kernel: kernel.13.cloned.1.call-start
scs
__scs_entry_jumppad:
0x0: {  	(pc) =	sbr.rel $0x88, $3  }
0x1: {  	(tag) =	ssettag $0x0;
	lr =	simm.s32 $0x1  }
0x2: {  	[smem:$0x3F96] =	sst lr;
	_ =	strace $0xD0000000  }
0x3: {  	_ = 	snop  }
0x4: {  	_ = 	snop  }
0x5: {  	_ = 	snop  }
0x6: {  	_ = 	snop  }
0x7: {  	_ = 	snop  }
__scs_overlays_trampoline_lowered:
0x8: {  	[smem:$0x3FA5] =	sst s0  }
0x9: {  	[smem:$0x3FA6] =	sst s1  }
0xa: {  	[smem:$0x3FA7] =	sst s2  }
0xb: {  	[smem:$0x3FA8] =	sst s3  }
0xc: {  	[smem:$0x3FA9] =	sst s4  }
0xd: {  	[smem:$0x3FAA] =	sst s5  }
0xe: {  	[smem:$0x3FAB] =	sst s6  }
0xf: {  	[smem:$0x3FAC] =	sst s7  }
0x10: {  	[smem:$0x3FAD] =	sst s8  }
0x11: {  	[smem:$0x3FAE] =	sst s9;
	s0 =	simm.s32 @!p0 $0x0  }
0x12: {  	s1 =	sld [smem:$0x3F94];
	s0 =	simm.s32 @p0 $0x1  }
0x13: {  	[smem:$0x3FAF] =	sst s0;
	s0 =	simm.s32 @!p1 $0x0  }
0x14: {  	s2 =	sld [smem:$0x3F93];
	s0 =	simm.s32 @p1 $0x1  }
0x15: {  	[smem:$0x3FB0] =	sst s0;
	s0 =	simm.s32 @!p2 $0x0  }
0x16: {  	s3 =	sld [smem:$0x3FDB];
	s0 =	simm.s32 @p2 $0x1  }
0x17: {  	s4 =	simm.s32 $0x1BF5;
	[smem:$0x3FB2] =	sst s0  }
0x18: {  	s0 =	sld [smem:$0x3F95];
	_ =	swait.ge [sflag:s4], $0x0  }
0x19: {  	s7 =	sld [smem:$0x3F96]  }
0x1a: {  	s8 =	sadd.s32 $0xFFFFE003, lr  }
0x1b: {  	s9 =	sadd.s32 $0xFFFFFEF7, lr;
	s5 =	simm.s32 $0xFFFFFFFF;
	p2 =	slt.u32 s8, $0xFFFFF086  }
0x1c: {  	p1 =	slt.u32 s9, $0xF7A;
	s5 =	simm.s32 @!p2 $0x0  }
0x1d: {  	s5 =	simm.s32 @p1 $0x1;
	p0 =	seq.s32 s7, s2  }
0x1e: {  	s7 =	smul.u32 @!p0 $0xF7A, s2;
	p2 =	seq.s32 @!p0 s5, $0x0  }
0x1f: {  	s9 =	smul.u32 $0xF7A, s1;
	s8 =	simm.s32 @!p0 $0x1BF5;
	p2 =	por !p2, p0  }
0x20: {  	[sflag:s8] =	ssyncset.s32 @!p0 $0xFFFFF086;
	s6 =	sadd.s32 @!p0 s3, s7;
	s7 =	simm.s32 @!p0 $0x108  }
0x21: {  	s3 =	sadd.s32 s3, s9;
	s6 =	sadd.s32 @!p0 $0x88, s6;
	s7 =	simm.s32 @p2 $0x1082  }
0x22: {  	[simem:s7], [sflag:s8] =	dma.local @!p0 [hbm:s6], $0xF7A  }
0x23: {  	s9 =	sor.u32 $0xD0000000, s2;
	s6 =	simm.s32 $0x108;
	_ =	swait.ge @!p0 [sflag:s8], $0x0  }
0x24: {  	s3 =	sadd.s32 $0x88, s3;
	s6 =	simm.s32 @!p1 $0x1082;
	[sflag:s4] =	ssyncset.s32 $0xFFFFF086  }
0x25: {  	[simem:s6], [sflag:s4] =	dma.local [hbm:s3], $0xF7A  }
0x26: {  	[smem:$0x3F96] =	sst s1;
	(tag) =	ssettag s2;
	_ =	strace s9  }
0x27: {  	s1 =	sld [smem:$0x3FA6]  }
0x28: {  	s2 =	sld [smem:$0x3FA7]  }
0x29: {  	s4 =	sld [smem:$0x3FA9]  }
0x2a: {  	p0 =	seq.s32 s5, $0x0;
	s5 =	sld [smem:$0x3FAA]  }
0x2b: {  	s6 =	sld [smem:$0x3FAB]  }
0x2c: {  	s7 =	sld [smem:$0x3FAC]  }
0x2d: {  	s3 =	simm.s32 $0x108;
	s8 =	sld [smem:$0x3FAD]  }
0x2e: {  	s3 =	simm.s32 @!p0 $0x1082;
	s9 =	sld [smem:$0x3FAE]  }
0x2f: {  	lr =	sadd.s32 s0, s3;
	s0 =	sld [smem:$0x3FA5]  }
0x30: {  	s3 =	sld [smem:$0x3FA8]  }
0x31: {  	[smem:$0x3FB1] =	sst s10  }
0x32: {  	s10 =	sld [smem:$0x3FAF];
	_ =	sdelay $0x3  }
0x33: {  	p0 =	seq.s32 s10, $0x1;
	s10 =	sld [smem:$0x3FB1];
	_ =	sdelay $0x3  }
0x34: {  	[smem:$0x3FB1] =	sst s10  }
0x35: {  	s10 =	sld [smem:$0x3FB0];
	_ =	sdelay $0x3  }
0x36: {  	p1 =	seq.s32 s10, $0x1;
	s10 =	sld [smem:$0x3FB1];
	_ =	sdelay $0x3  }
0x37: {  	[smem:$0x3FB1] =	sst s10  }
0x38: {  	s10 =	sld [smem:$0x3FB2]  }
0x39: {  	_ = 	snop;
	(pc) =	sbr.ind lr, $3  }
0x3a: {  	_ = 	snop  }
0x3b: {  	_ = 	snop  }
0x3c: {  	p2 =	seq.s32 s10, $0x1;
	s10 =	sld [smem:$0x3FB1]  }
0x3d: {  	_ =	shalt  }
0x3e: {  	_ =	shalt  }
0x3f: {  	_ =	shalt  }
0x40: {  	_ =	shalt  }
0x41: {  	_ =	shalt  }
0x42: {  	_ =	shalt  }
0x43: {  	_ =	shalt  }
0x44: {  	_ =	shalt  }
0x45: {  	_ =	shalt  }
0x46: {  	_ =	shalt  }
0x47: {  	_ =	shalt  }
0x48: {  	_ =	shalt  }
0x49: {  	_ =	shalt  }
0x4a: {  	_ =	shalt  }
0x4b: {  	_ =	shalt  }
0x4c: {  	_ =	shalt  }
0x4d: {  	_ =	shalt  }
0x4e: {  	_ =	shalt  }
0x4f: {  	_ =	shalt  }
0x50: {  	_ =	shalt  }
0x51: {  	_ =	shalt  }
0x52: {  	_ =	shalt  }
0x53: {  	_ =	shalt  }
0x54: {  	_ =	shalt  }
0x55: {  	_ =	shalt  }
0x56: {  	_ =	shalt  }
0x57: {  	_ =	shalt  }
0x58: {  	_ =	shalt  }
0x59: {  	_ =	shalt  }
0x5a: {  	_ =	shalt  }
0x5b: {  	_ =	shalt  }
0x5c: {  	_ =	shalt  }
0x5d: {  	_ =	shalt  }
0x5e: {  	_ =	shalt  }
0x5f: {  	_ =	shalt  }
0x60: {  	_ =	shalt  }
0x61: {  	_ =	shalt  }
0x62: {  	_ =	shalt  }
0x63: {  	_ =	shalt  }
0x64: {  	_ =	shalt  }
0x65: {  	_ =	shalt  }
0x66: {  	_ =	shalt  }
0x67: {  	_ =	shalt  }
0x68: {  	_ =	shalt  }
0x69: {  	_ =	shalt  }
0x6a: {  	_ =	shalt  }
0x6b: {  	_ =	shalt  }
0x6c: {  	_ =	shalt  }
0x6d: {  	_ =	shalt  }
0x6e: {  	_ =	shalt  }
0x6f: {  	_ =	shalt  }
0x70: {  	_ =	shalt  }
0x71: {  	_ =	shalt  }
0x72: {  	_ =	shalt  }
0x73: {  	_ =	shalt  }
0x74: {  	_ =	shalt  }
0x75: {  	_ =	shalt  }
0x76: {  	_ =	shalt  }
0x77: {  	_ =	shalt  }
0x78: {  	_ =	shalt  }
0x79: {  	_ =	shalt  }
0x7a: {  	_ =	shalt  }
0x7b: {  	_ =	shalt  }
0x7c: {  	_ =	shalt  }
0x7d: {  	_ =	shalt  }
0x7e: {  	_ =	shalt  }
0x7f: {  	_ =	shalt  }
0x80: {  	_ =	shalt  }
0x81: {  	_ =	shalt  }
0x82: {  	_ =	shalt  }
0x83: {  	_ =	shalt  }
0x84: {  	_ =	shalt  }
0x85: {  	_ =	shalt  }
0x86: {  	_ =	shalt  }
0x87: {  	_ =	shalt  }
.Lfunc_end0:
.L_simem_size_0:
called_computation.1_lowered:
.L_overlay_start_0:
0x88: {  	s2 =	sld [smem:$0x3FD9]  }
0x89: {  	s3 =	sld [smem:$0x3FFE];
	_ =	sdelay $0x1  }
0x8a: {  	s1 =	srdreg.scid  }
0x8b: {  	s0 =	sand.u32 $0x1, s1  }
0x8c: {  	s16 =	sshll.u32 s0, $0xA;
	s2 =	sadd.s32 s3, s2  }
0x8d: {  	s2 =	sadd.s32 s2, s16  }
0x8e: {  	[smem:$0x3FBD] =	sst s2  }
0x8f: {  	_ = 	snop  }
0x90: {  	(tm) =	ssettm $0x1  }
0x91: {  	s17 =	sld [smem:$0x3FFB];
	_ =	sdelay $0x3  }
0x92: {  	_ =	strace s17  }
0x93: {  	s2 =	sld [smem:$0x3FFC];
	_ =	sdelay $0x3  }
0x94: {  	_ =	strace s2  }
0x95: {  	s2 =	sld [smem:$0x3FFD];
	_ =	sdelay $0x3  }
0x96: {  	_ =	strace s2  }
0x97: {  	_ =	strace $0x8FFFFFFF  }
0x98: {  	s18 =	sld [smem:$0x3FDB];
	_ =	sdelay $0x1  }
0x99: {  	s19 =	simm.s32 $_scs_section_size  }
0x9a: {  	s4 =	simm.s32 $_size__tile_overlayer_lowered;
	s5 =	simm.s32 $_tile_overlayer_lowered  }
0x9b: {  	s22 =	simm.s32 $0x1BFF;
	s21 =	sshll.u32 s5, $0x1;
	s2 =	sadd.s32 s19, s18  }
0x9c: {  	s6 =	simm.s32 $0x0;
	s20 =	sshll.u32 s4, $0x1;
	s4 =	sadd.s32 s21, s2  }
0x9d: {  	[timem:s6], [sflag:s22] =	dma.local [hbm:s4], s20  }
0x9e: {  	_ =	swait.ge [sflag:s22], s20  }
0x9f: {  	s3 =	ssub.s32 $0x0, s20;
	[sflag:s22] =	ssyncset.done $0x0  }
0xa0: {  	[sflag:s22] =	ssyncadd.s32 s3;
	_ =	sdelay $0x1  }
0xa1: {  	s23 =	simm.s32 $0x1B8B  }
0xa2: {  	_ =	swait.ge [sflag:s23], $0x1  }
0xa3: {  	[sflag:s23] =	ssyncset.done $0x0  }
0xa4: {  	s25 =	simm.s32 $0x1B8E;
	s24 =	sld [smem:$0x3FFE];
	[sflag:s23] =	ssyncadd.s32 $0xFFFFFFFF  }
0xa5: {  	s26 =	simm.s32 $execute0_lowered;
	[smem:$0x3FD2] =	sst s25  }
0xa6: {  	s4 =	sshll.u32 s26, $0x1;
	_ =	strace $0x80000049;
	[dreg:$0x1] =	wrdreg $0xFFFFFFFF  }
0xa7: {  	s28 =	simm.s32 $_size_execute0_lowered;
	s2 =	sadd.s32 s2, s4;
	[dreg:$0x0] =	wrdreg $0x0  }
0xa8: {  	s4 =	sshll.u32 s28, $0x1;
	[dreg:$0x2] =	wrdreg s2  }
0xa9: {  	[dreg:$0x3] =	wrdreg s4  }
0xaa: {  	[dreg:$0x4] =	wrdreg $0xC0  }
0xab: {  	_ =	task [dreg:s6], $0x5FFFF  }
0xac: {  	[dreg:$0x1] =	wrdreg $0xFFFFFFFF  }
0xad: {  	[dreg:$0x0] =	wrdreg $0x60  }
0xae: {  	[dreg:$0x2] =	wrdreg s24  }
0xaf: {  	[dreg:$0x3] =	wrdreg $0x82000  }
0xb0: {  	[dreg:$0x4] =	wrdreg $0x9  }
0xb1: {  	_ =	task.clear_ibuf [dreg:s6], $0x5FFFF;
	_ =	strace $0x90000049  }
0xb2: {  	s29 =	simm.s32 $0x9;
	_ =	strace $0x8000004B  }
0xb3: {  	_ =	swait.ge [sflag:s29], $0x1  }
0xb4: {  	[sflag:s29] =	ssyncadd.s32 $0xFFFFFFFF  }
0xb5: {  	_ =	strace $0x9000004B  }
0xb6: {  	_ =	sfence  }
0xb7: {  	s30 =	sld [smem:$0x0];
	_ =	sdelay $0x2  }
0xb8: {  	s31 =	sshll.u32 s1, $0xD;
	s1 =	sshrl.u32 s1, $0x2  }
0xb9: {  	s3 =	sand.u32 $0x4000, s31;
	s1 =	sadd.s32 s1, s30  }
0xba: {  	s0 =	sor.u32 s3, s0;
	s1 =	sshll.u32 s1, $0x11  }
0xbb: {  	s0 =	sor.u32 s1, s0  }
0xbc: {  	s0 =	sadd.s32 $0x8F2B, s0  }
0xbd: {  	[sflag:s0] =	ssyncadd.remote.s32 $0x1  }
0xbe: {  	_ =	sfence.sel $0xFFFF  }
0xbf: {  	[dreg:$0x0] =	wrdreg $0xFFFFFFFF;
	(pc) =	sbr.abs _section_cstart, $3  }
0xc0: {  	[dreg:$0x1] =	wrdreg $0xFFFFFFFF  }
0xc1: {  	_ =	task.clear_ibuf [dreg:s6], $0x2FFFF;
	_ =	strace $0x9FFFFFFF  }
0xc2: {  	(tm) =	ssettm $0x7FFFFFFF  }
0xc3: {  	_ =	shalt  }
tec
execute0_lowered:
.L_overlay_start_1:
0x0: {  	(tag) =	ssettag $0x1  }
0x1: {  	s5 =	rddreg [dreg:$0x0]  }
0x2: {  	s2 =	rddreg [dreg:$0x1];
	s4 =	srdreg.scid  }
0x3: {  	s0 =	stileid.u32;
	s3 =	simm.s32 $0x0;
	s20 =	simm.s32 $0x200  }
0x4: {  	s21 =	simm.s32 $0x3;
	s22 =	simm.s32 $0x100;
	s23 =	simm.s32 $0x80  }
0x5: {  	s24 =	simm.s32 $0x180;
	s25 =	simm.s32 $0x4200;
	s28 =	simm.s32 $0x2  }
0x6: {  	s29 =	simm.s32 $0x0;
	s6 =	sand.u32 $0x1, s4;
	s26 =	sshll.u32 s0, $0x1  }
0x7: {  	[smem:$0x7FF] =	sst s3;
	s4 =	sadd.s32 $0x18C00, s5;
	s8 =	smul.u32 $0x4F000, s0  }
0x8: {  	s12 =	sadd.s32 $0x4C00, s5;
	s13 =	sadd.s32 $0xEC00, s5;
	s10 =	smul.u32 $0x50, s0  }
0x9: {  	s7 =	sor.u32 s6, s26;
	_ =	strace $0x8000004A;
	s9 =	ssub.s32 $0x2, s6  }
0xa: {  	p0 =	seq.s32 s6, $0x0;
	s26 =	simm.s32 $0x1;
	s7 =	smul.u32 $0x13C00, s7  }
0xb: {  	s30 =	sshrl.u32 s9, $0x1;
	s31 =	sshrl.u32 s8, $0x2;
	s11 =	sadd.s32 $0x500, s10  }
0xc: {  	s19 =	ssub.s32 s9, s30;
	s11 =	smov.u32 @p0 s10;
	s7 =	sshrl.u32 s7, $0x3  }
0xd: {  	s11 =	sshll.u32 s11, $0x4;
	s19 =	smax.u32 s19, $0x1;
	s18 =	sadd.s32 s7, s5  }
0xe: {  	s5 =	sadd.s32 s31, s2;
	s10 =	sadd.s32 s12, s11;
	s14 =	sor.u32 $0x10, s11  }
0xf: {  	s11 =	sadd.s32 s13, s11;
	s6 =	sadd.s32 $0x4000, s5;
	s7 =	sadd.s32 $0x8000, s5  }
0x10: {  	s8 =	sadd.s32 $0xC000, s5;
	s9 =	sadd.s32 $0x10000, s5;
	s12 =	sadd.s32 s12, s14  }
0x11: {  	s13 =	sadd.s32 s13, s14;
	s14 =	sadd.s32 $0x40400, s18;
	s15 =	sadd.s32 $0x40C00, s18  }
0x12: {  	v0 =	vimm.f32 $0.0e+00;
	s16 =	sadd.s32 $0x41400, s18;
	s17 =	sadd.s32 $0x41C00, s18;
	s18 =	sadd.s32 $0x42400, s18  }
.LBB2_1:
0x13: {  	s30 =	simm.s32 $0x0;
	s31 =	simm.s32 $0x200  }
.LBB2_2:
0x14: {  	p0 =	sne.s32 s31, $0xFE00;
	[tilespmem:s30+$0x270] =	vst v0  }
0x15: {  	[tilespmem:s30+$0x200] =	vst v0  }
0x16: {  	[tilespmem:s30+$0x210] =	vst v0  }
.Ltmp0:
0x17: {  	[tilespmem:s30+$0x220] =	vst v0;
	(pc) =	sbr.rel @p0 .LBB2_2-.Ltmp0, $4  }
0x18: {  	[tilespmem:s30+$0x230] =	vst v0  }
0x19: {  	[tilespmem:s30+$0x240] =	vst v0  }
0x1a: {  	[tilespmem:s30+$0x250] =	vst v0  }
0x1b: {  	[tilespmem:s30+$0x260] =	vst v0;
	s30 =	sshra.s32 s31, $0x2;
	s31 =	sadd.s32 $0x200, s31  }
0x1c: {  	[tilespmem:s30+$0x270] =	vst v0  }
0x1d: {  	[tilespmem:s30+$0x200] =	vst v0  }
0x1e: {  	[tilespmem:s30+$0x210] =	vst v0  }
0x1f: {  	[tilespmem:s30+$0x220] =	vst v0  }
0x20: {  	[tilespmem:s30+$0x230] =	vst v0  }
0x21: {  	[tilespmem:s30+$0x240] =	vst v0  }
0x22: {  	[tilespmem:s30+$0x250] =	vst v0  }
0x23: {  	[tilespmem:s30+$0x260] =	vst v0  }
0x24: {  	[spmem:s5] =	stream.linear.scatter [tilespmem:s20], [sflag:$0x3], $0x4000, $0x38;
	[tilespmem:$0x1BE00] =	vst v63  }
0x25: {  	_ =	swait.ge [sflag:s21], $0x4000  }
0x26: {  	[sflag:s21] =	ssyncset.done $0x0  }
0x27: {  	[sflag:s21] =	ssyncadd.s32 $0xFFFFC000  }
0x28: {  	[spmem:s6] =	stream.linear.scatter [tilespmem:s20], [sflag:$0x3], $0x4000, $0x38;
	[tilespmem:$0x1BE00] =	vst v63  }
0x29: {  	_ =	swait.ge [sflag:s21], $0x4000  }
0x2a: {  	[sflag:s21] =	ssyncset.done $0x0  }
0x2b: {  	[sflag:s21] =	ssyncadd.s32 $0xFFFFC000  }
0x2c: {  	[spmem:s7] =	stream.linear.scatter [tilespmem:s20], [sflag:$0x3], $0x4000, $0x38;
	[tilespmem:$0x1BE00] =	vst v63  }
0x2d: {  	_ =	swait.ge [sflag:s21], $0x4000  }
0x2e: {  	[sflag:s21] =	ssyncset.done $0x0  }
0x2f: {  	[sflag:s21] =	ssyncadd.s32 $0xFFFFC000  }
0x30: {  	[spmem:s8] =	stream.linear.scatter [tilespmem:s20], [sflag:$0x3], $0x4000, $0x38;
	[tilespmem:$0x1BE00] =	vst v63  }
0x31: {  	_ =	swait.ge [sflag:s21], $0x4000  }
0x32: {  	[sflag:s21] =	ssyncset.done $0x0  }
0x33: {  	[sflag:s21] =	ssyncadd.s32 $0xFFFFC000  }
0x34: {  	[spmem:s9] =	stream.linear.scatter [tilespmem:s20], [sflag:$0x3], $0x3C00, $0x38;
	[tilespmem:$0x1BE00] =	vst v63  }
0x35: {  	_ =	swait.ge [sflag:s21], $0x3C00  }
0x36: {  	[sflag:s21] =	ssyncset.done $0x0  }
0x37: {  	[sflag:s21] =	ssyncadd.s32 $0xFFFFC400  }
0x38: {  	[bflag:$0x0] =	sbarrier.arrive $0xFFFF  }
0x39: {  	[tilespmem:s3], [sflag:$0x3] =	stream.linear.gather [hbm4b:s10+s3], $0x80, $0x38;
	[tilespmem:$0x1BE00] =	vst v63  }
0x3a: {  	_ =	swait.ge [sflag:s21], $0x80  }
0x3b: {  	[sflag:s21] =	ssyncset.done $0x0  }
0x3c: {  	[sflag:s21] =	ssyncadd.s32 $0xFFFFFF80  }
0x3d: {  	[tilespmem:s22], [sflag:$0x3] =	stream.linear.gather [hbm4b:s11+s3], $0x80, $0x38;
	[tilespmem:$0x1BE00] =	vst v63  }
0x3e: {  	_ =	swait.ge [sflag:s21], $0x80  }
0x3f: {  	[sflag:s21] =	ssyncset.done $0x0  }
0x40: {  	[sflag:s21] =	ssyncadd.s32 $0xFFFFFF80  }
0x41: {  	[tilespmem:s20], [sflag:$0x1] =	stream.indirect.gather [hbm4b:s4+s23], $0x80, s3, s23, $0xb8;
	[tilespmem:$0x1BE00] =	vst v63  }
0x42: {  	_ = 	snop  }
0x43: {  	[tilespmem:s23], [sflag:$0x3] =	stream.linear.gather [hbm4b:s12+s3], $0x80, $0x38;
	[tilespmem:$0x1BE00] =	vst v63  }
0x44: {  	_ =	swait.ge [sflag:s21], $0x80  }
0x45: {  	[sflag:s21] =	ssyncset.done $0x0  }
0x46: {  	[sflag:s21] =	ssyncadd.s32 $0xFFFFFF80  }
0x47: {  	[tilespmem:s24], [sflag:$0x3] =	stream.linear.gather [hbm4b:s13+s3], $0x80, $0x38;
	[tilespmem:$0x1BE00] =	vst v63  }
0x48: {  	_ =	swait.ge [sflag:s21], $0x80  }
0x49: {  	[sflag:s21] =	ssyncset.done $0x0  }
0x4a: {  	[sflag:s21] =	ssyncadd.s32 $0xFFFFFF80  }
0x4b: {  	[tilespmem:s25], [sflag:$0x2] =	stream.indirect.gather [hbm4b:s4+s23], $0x80, s23, s23, $0xb8;
	[tilespmem:$0x1BE00] =	vst v63  }
0x4c: {  	_ =	swait.ge [sflag:s26], $0x4000  }
0x4d: {  	[sflag:s26] =	ssyncset.done $0x0  }
0x4e: {  	[sflag:s26] =	ssyncadd.s32 $0xFFFFC000  }
0x4f: {  	[spmem:s2] =	stream.indirect.scatter.add.f32 [tilespmem:s20], [sflag:$0x3], $0x80, s22, s23, $0xb8;
	[tilespmem:$0x1BE00] =	vst v63  }
0x50: {  	_ =	swait.ge [sflag:s21], $0x4000  }
0x51: {  	s30 =	sadd.s32 $0xFFFFFB20, s10;
	[sflag:s21] =	ssyncset.done $0x0  }
0x52: {  	s31 =	sadd.s32 $0x500, s30;
	[sflag:s21] =	ssyncadd.s32 $0xFFFFC000  }
0x53: {  	[tilespmem:s3], [sflag:$0x3] =	stream.linear.gather [hbm4b:s31+s3], $0x80, $0x38;
	[tilespmem:$0x1BE00] =	vst v63  }
0x54: {  	_ =	swait.ge [sflag:s21], $0x80  }
0x55: {  	s31 =	sadd.s32 $0xFFFFFB20, s11;
	[sflag:s21] =	ssyncset.done $0x0  }
0x56: {  	s0 =	sadd.s32 $0x500, s31;
	[sflag:s21] =	ssyncadd.s32 $0xFFFFFF80  }
0x57: {  	[tilespmem:s22], [sflag:$0x3] =	stream.linear.gather [hbm4b:s0+s3], $0x80, $0x38;
	[tilespmem:$0x1BE00] =	vst v63  }
0x58: {  	_ =	swait.ge [sflag:s21], $0x80  }
0x59: {  	[sflag:s21] =	ssyncset.done $0x0  }
0x5a: {  	[sflag:s21] =	ssyncadd.s32 $0xFFFFFF80  }
0x5b: {  	[tilespmem:s20], [sflag:$0x1] =	stream.indirect.gather [hbm4b:s4+s23], $0x80, s3, s23, $0xb8;
	[tilespmem:$0x1BE00] =	vst v63  }
0x5c: {  	_ =	swait.ge [sflag:s28], $0x4000  }
0x5d: {  	[sflag:s28] =	ssyncset.done $0x0  }
0x5e: {  	[sflag:s28] =	ssyncadd.s32 $0xFFFFC000  }
0x5f: {  	[spmem:s2] =	stream.indirect.scatter.add.f32 [tilespmem:s25], [sflag:$0x3], $0x80, s24, s23, $0xb8;
	[tilespmem:$0x1BE00] =	vst v63  }
0x60: {  	_ =	swait.ge [sflag:s21], $0x4000  }
0x61: {  	[sflag:s21] =	ssyncset.done $0x0  }
0x62: {  	s1 =	sadd.s32 $0x510, s30;
	[sflag:s21] =	ssyncadd.s32 $0xFFFFC000  }
0x63: {  	[tilespmem:s23], [sflag:$0x3] =	stream.linear.gather [hbm4b:s1+s3], $0x80, $0x38;
	[tilespmem:$0x1BE00] =	vst v63  }
0x64: {  	_ =	swait.ge [sflag:s21], $0x80  }
0x65: {  	[sflag:s21] =	ssyncset.done $0x0  }
0x66: {  	s31 =	sadd.s32 $0x510, s31;
	[sflag:s21] =	ssyncadd.s32 $0xFFFFFF80  }
0x67: {  	[tilespmem:s24], [sflag:$0x3] =	stream.linear.gather [hbm4b:s31+s3], $0x80, $0x38;
	[tilespmem:$0x1BE00] =	vst v63  }
0x68: {  	_ =	swait.ge [sflag:s21], $0x80  }
0x69: {  	[sflag:s21] =	ssyncset.done $0x0  }
0x6a: {  	s30 =	simm.s32 $0xFFFFFB40;
	[sflag:s21] =	ssyncadd.s32 $0xFFFFFF80  }
.LBB2_4:
0x6b: {  	[tilespmem:s25], [sflag:$0x2] =	stream.indirect.gather [hbm4b:s4+s23], $0x80, s23, s23, $0xb8;
	[tilespmem:$0x1BE00] =	vst v63  }
0x6c: {  	s0 =	smov.u32 s30  }
0x6d: {  	p0 =	sne.s32 s30, $0xFFFFFFE0;
	s30 =	sadd.s32 $0x20, s30;
	_ =	swait.ge [sflag:s26], $0x4000  }
0x6e: {  	[sflag:s26] =	ssyncset.done $0x0  }
0x6f: {  	[sflag:s26] =	ssyncadd.s32 $0xFFFFC000  }
0x70: {  	[spmem:s2] =	stream.indirect.scatter.add.f32 [tilespmem:s20], [sflag:$0x3], $0x80, s22, s23, $0xb8;
	[tilespmem:$0x1BE00] =	vst v63  }
0x71: {  	_ =	swait.ge [sflag:s21], $0x4000  }
0x72: {  	s31 =	sadd.s32 s0, s10;
	[sflag:s21] =	ssyncset.done $0x0  }
0x73: {  	s1 =	sadd.s32 $0x500, s31;
	[sflag:s21] =	ssyncadd.s32 $0xFFFFC000  }
0x74: {  	[tilespmem:s3], [sflag:$0x3] =	stream.linear.gather [hbm4b:s1+s3], $0x80, $0x38;
	[tilespmem:$0x1BE00] =	vst v63  }
0x75: {  	_ =	swait.ge [sflag:s21], $0x80  }
0x76: {  	s0 =	sadd.s32 s0, s11;
	[sflag:s21] =	ssyncset.done $0x0  }
0x77: {  	s1 =	sadd.s32 $0x500, s0;
	[sflag:s21] =	ssyncadd.s32 $0xFFFFFF80  }
0x78: {  	[tilespmem:s22], [sflag:$0x3] =	stream.linear.gather [hbm4b:s1+s3], $0x80, $0x38;
	[tilespmem:$0x1BE00] =	vst v63  }
0x79: {  	_ =	swait.ge [sflag:s21], $0x80  }
0x7a: {  	[sflag:s21] =	ssyncset.done $0x0  }
0x7b: {  	[sflag:s21] =	ssyncadd.s32 $0xFFFFFF80  }
0x7c: {  	[tilespmem:s20], [sflag:$0x1] =	stream.indirect.gather [hbm4b:s4+s23], $0x80, s3, s23, $0xb8;
	[tilespmem:$0x1BE00] =	vst v63  }
0x7d: {  	_ =	swait.ge [sflag:s28], $0x4000  }
0x7e: {  	[sflag:s28] =	ssyncset.done $0x0  }
0x7f: {  	[sflag:s28] =	ssyncadd.s32 $0xFFFFC000  }
0x80: {  	[spmem:s2] =	stream.indirect.scatter.add.f32 [tilespmem:s25], [sflag:$0x3], $0x80, s24, s23, $0xb8;
	[tilespmem:$0x1BE00] =	vst v63  }
0x81: {  	_ =	swait.ge [sflag:s21], $0x4000  }
0x82: {  	[sflag:s21] =	ssyncset.done $0x0  }
0x83: {  	s1 =	sadd.s32 $0x510, s31;
	[sflag:s21] =	ssyncadd.s32 $0xFFFFC000  }
0x84: {  	[tilespmem:s23], [sflag:$0x3] =	stream.linear.gather [hbm4b:s1+s3], $0x80, $0x38;
	[tilespmem:$0x1BE00] =	vst v63  }
0x85: {  	_ =	swait.ge [sflag:s21], $0x80  }
0x86: {  	[sflag:s21] =	ssyncset.done $0x0  }
.Ltmp1:
0x87: {  	s0 =	sadd.s32 $0x510, s0;
	[sflag:s21] =	ssyncadd.s32 $0xFFFFFF80;
	(pc) =	sbr.rel @p0 .LBB2_4-.Ltmp1, $4  }
0x88: {  	[tilespmem:s24], [sflag:$0x3] =	stream.linear.gather [hbm4b:s0+s3], $0x80, $0x38;
	[tilespmem:$0x1BE00] =	vst v63  }
0x89: {  	_ =	swait.ge [sflag:s21], $0x80  }
0x8a: {  	[sflag:s21] =	ssyncset.done $0x0  }
0x8b: {  	[sflag:s21] =	ssyncadd.s32 $0xFFFFFF80  }
0x8c: {  	[tilespmem:s25], [sflag:$0x2] =	stream.indirect.gather [hbm4b:s4+s23], $0x80, s23, s23, $0xb8;
	[tilespmem:$0x1BE00] =	vst v63  }
0x8d: {  	_ =	swait.ge [sflag:s26], $0x4000  }
0x8e: {  	[sflag:s26] =	ssyncset.done $0x0  }
0x8f: {  	[sflag:s26] =	ssyncadd.s32 $0xFFFFC000  }
0x90: {  	[spmem:s2] =	stream.indirect.scatter.add.f32 [tilespmem:s20], [sflag:$0x3], $0x80, s22, s23, $0xb8;
	[tilespmem:$0x1BE00] =	vst v63  }
0x91: {  	_ =	swait.ge [sflag:s21], $0x4000  }
0x92: {  	[sflag:s21] =	ssyncset.done $0x0  }
0x93: {  	[sflag:s21] =	ssyncadd.s32 $0xFFFFC000  }
0x94: {  	_ =	swait.ge [sflag:s28], $0x4000  }
0x95: {  	[sflag:s28] =	ssyncset.done $0x0  }
0x96: {  	[sflag:s28] =	ssyncadd.s32 $0xFFFFC000  }
0x97: {  	[spmem:s2] =	stream.indirect.scatter.add.f32 [tilespmem:s25], [sflag:$0x3], $0x80, s24, s23, $0xb8;
	[tilespmem:$0x1BE00] =	vst v63  }
0x98: {  	_ =	swait.ge [sflag:s21], $0x4000  }
0x99: {  	[sflag:s21] =	ssyncset.done $0x0  }
0x9a: {  	[sflag:s21] =	ssyncadd.s32 $0xFFFFC000  }
0x9b: {  	[bflag:$0x0] =	sbarrier.arrive $0xFFFF  }
0x9c: {  	[tilespmem:s20], [sflag:$0x3] =	stream.linear.gather [spmem:s5], $0x4000, $0x38;
	[tilespmem:$0x1BE00] =	vst v63  }
0x9d: {  	_ =	swait.ge [sflag:s21], $0x4000  }
0x9e: {  	[sflag:s21] =	ssyncset.done $0x0  }
0x9f: {  	[sflag:s21] =	ssyncadd.s32 $0xFFFFC000  }
0xa0: {  	[hbm4b:s14+s3] =	stream.linear.scatter [tilespmem:s20], [sflag:$0x3], $0x4000, $0x38;
	[tilespmem:$0x1BE00] =	vst v63  }
0xa1: {  	_ =	swait.ge [sflag:s21], $0x4000  }
0xa2: {  	[sflag:s21] =	ssyncset.done $0x0  }
0xa3: {  	[sflag:s21] =	ssyncadd.s32 $0xFFFFC000  }
0xa4: {  	[tilespmem:s20], [sflag:$0x3] =	stream.linear.gather [spmem:s6], $0x4000, $0x38;
	[tilespmem:$0x1BE00] =	vst v63  }
0xa5: {  	_ =	swait.ge [sflag:s21], $0x4000  }
0xa6: {  	[sflag:s21] =	ssyncset.done $0x0  }
0xa7: {  	[sflag:s21] =	ssyncadd.s32 $0xFFFFC000  }
0xa8: {  	[hbm4b:s15+s3] =	stream.linear.scatter [tilespmem:s20], [sflag:$0x3], $0x4000, $0x38;
	[tilespmem:$0x1BE00] =	vst v63  }
0xa9: {  	_ =	swait.ge [sflag:s21], $0x4000  }
0xaa: {  	[sflag:s21] =	ssyncset.done $0x0  }
0xab: {  	[sflag:s21] =	ssyncadd.s32 $0xFFFFC000  }
0xac: {  	[tilespmem:s20], [sflag:$0x3] =	stream.linear.gather [spmem:s7], $0x4000, $0x38;
	[tilespmem:$0x1BE00] =	vst v63  }
0xad: {  	_ =	swait.ge [sflag:s21], $0x4000  }
0xae: {  	[sflag:s21] =	ssyncset.done $0x0  }
0xaf: {  	[sflag:s21] =	ssyncadd.s32 $0xFFFFC000  }
0xb0: {  	[hbm4b:s16+s3] =	stream.linear.scatter [tilespmem:s20], [sflag:$0x3], $0x4000, $0x38;
	[tilespmem:$0x1BE00] =	vst v63  }
0xb1: {  	_ =	swait.ge [sflag:s21], $0x4000  }
0xb2: {  	[sflag:s21] =	ssyncset.done $0x0  }
0xb3: {  	[sflag:s21] =	ssyncadd.s32 $0xFFFFC000  }
0xb4: {  	[tilespmem:s20], [sflag:$0x3] =	stream.linear.gather [spmem:s8], $0x4000, $0x38;
	[tilespmem:$0x1BE00] =	vst v63  }
0xb5: {  	_ =	swait.ge [sflag:s21], $0x4000  }
0xb6: {  	[sflag:s21] =	ssyncset.done $0x0  }
0xb7: {  	[sflag:s21] =	ssyncadd.s32 $0xFFFFC000  }
0xb8: {  	[hbm4b:s17+s3] =	stream.linear.scatter [tilespmem:s20], [sflag:$0x3], $0x4000, $0x38;
	[tilespmem:$0x1BE00] =	vst v63  }
0xb9: {  	_ =	swait.ge [sflag:s21], $0x4000  }
0xba: {  	[sflag:s21] =	ssyncset.done $0x0  }
0xbb: {  	[sflag:s21] =	ssyncadd.s32 $0xFFFFC000  }
0xbc: {  	[tilespmem:s20], [sflag:$0x3] =	stream.linear.gather [spmem:s9], $0x3C00, $0x38;
	[tilespmem:$0x1BE00] =	vst v63  }
0xbd: {  	s29 =	sadd.s32 $0x1, s29;
	_ =	swait.ge [sflag:s21], $0x3C00  }
0xbe: {  	p0 =	sne.s32 s29, s19;
	[sflag:s21] =	ssyncset.done $0x0  }
.Ltmp2:
0xbf: {  	[sflag:s21] =	ssyncadd.s32 $0xFFFFC400;
	(pc) =	sbr.rel @p0 .LBB2_1-.Ltmp2, $4  }
0xc0: {  	[hbm4b:s18+s3] =	stream.linear.scatter [tilespmem:s20], [sflag:$0x3], $0x3C00, $0x38;
	[tilespmem:$0x1BE00] =	vst v63  }
0xc1: {  	_ =	swait.ge [sflag:s21], $0x3C00  }
0xc2: {  	[sflag:s21] =	ssyncset.done $0x0  }
0xc3: {  	[sflag:s21] =	ssyncadd.s32 $0xFFFFC400  }
0xc4: {  	_ =	sfence.sel $0x180000  }
0xc5: {  	[bflag:$0x0] =	sbarrier.arrive $0xFFFF  }
0xc6: {  	_ =	strace $0x9000004A  }
0xc7: {  	s0 =	stileid.u32;
	[bflag:$0x2] =	sbarrier.arrive $0xFFFF  }
0xc8: {  	p0 =	sne.s32 s0, $0x0;
	s0 =	rddreg [dreg:$0x2]  }
0xc9: {  	s0 =	sadd.s32 @!p0 $0x100000, s0  }
0xca: {  	[sflag:s0] =	ssyncadd.tile.s32 @!p0 $0x1;
	_ =	shalt  }
.Lfunc_end2:
_tile_overlayer_lowered:
.L_overlay_start_2:
0xcb: {  	(tag) =	ssettag $0x2  }
0xcc: {  	s0 =	rddreg [dreg:$0x0];
	s2 =	stileid.u32  }
0xcd: {  	s1 =	rddreg [dreg:$0x1];
	p0 =	sne.s32 s2, $0x0  }
0xce: {  	s3 =	rddreg [dreg:$0x2];
	[bflag:$0x3] =	sbarrier.arrive $0xFFFF;
	s2 =	simm.s32 @!p0 $0x1C03  }
0xcf: {  	[timem:s3], [sflag:s2] =	dma.local @!p0 [hbm:s0], s1  }
0xd0: {  	s0 =	simm.s32 @!p0 $0x3  }
0xd1: {  	_ =	swait.ge @!p0 [sflag:s0], s1  }
0xd2: {  	s1 =	ssub.s32 @!p0 $0x0, s1;
	[sflag:s0] =	ssyncset.done @!p0 $0x0  }
0xd3: {  	[sflag:s0] =	ssyncadd.s32 @!p0 s1  }
0xd4: {  	[bflag:$0x3] =	sbarrier.arrive $0xFFFF  }
0xd5: {  	_ =	shalt  }

// kernel: kernel.16.cloned.1.call-start
scs
__scs_entry_jumppad:
0x0: {  	(pc) =	sbr.rel $0x88, $3  }
0x1: {  	(tag) =	ssettag $0x0;
	lr =	simm.s32 $0x1  }
0x2: {  	[smem:$0x3F96] =	sst lr;
	_ =	strace $0xD0000000  }
0x3: {  	_ = 	snop  }
0x4: {  	_ = 	snop  }
0x5: {  	_ = 	snop  }
0x6: {  	_ = 	snop  }
0x7: {  	_ = 	snop  }
__scs_overlays_trampoline_lowered:
0x8: {  	[smem:$0x3FA5] =	sst s0  }
0x9: {  	[smem:$0x3FA6] =	sst s1  }
0xa: {  	[smem:$0x3FA7] =	sst s2  }
0xb: {  	[smem:$0x3FA8] =	sst s3  }
0xc: {  	[smem:$0x3FA9] =	sst s4  }
0xd: {  	[smem:$0x3FAA] =	sst s5  }
0xe: {  	[smem:$0x3FAB] =	sst s6  }
0xf: {  	[smem:$0x3FAC] =	sst s7  }
0x10: {  	[smem:$0x3FAD] =	sst s8  }
0x11: {  	[smem:$0x3FAE] =	sst s9;
	s0 =	simm.s32 @!p0 $0x0  }
0x12: {  	s1 =	sld [smem:$0x3F94];
	s0 =	simm.s32 @p0 $0x1  }
0x13: {  	[smem:$0x3FAF] =	sst s0;
	s0 =	simm.s32 @!p1 $0x0  }
0x14: {  	s2 =	sld [smem:$0x3F93];
	s0 =	simm.s32 @p1 $0x1  }
0x15: {  	[smem:$0x3FB0] =	sst s0;
	s0 =	simm.s32 @!p2 $0x0  }
0x16: {  	s3 =	sld [smem:$0x3FDB];
	s0 =	simm.s32 @p2 $0x1  }
0x17: {  	s4 =	simm.s32 $0x1BF5;
	[smem:$0x3FB2] =	sst s0  }
0x18: {  	s0 =	sld [smem:$0x3F95];
	_ =	swait.ge [sflag:s4], $0x0  }
0x19: {  	s7 =	sld [smem:$0x3F96]  }
0x1a: {  	s8 =	sadd.s32 $0xFFFFE003, lr  }
0x1b: {  	s9 =	sadd.s32 $0xFFFFFEF7, lr;
	s5 =	simm.s32 $0xFFFFFFFF;
	p2 =	slt.u32 s8, $0xFFFFF086  }
0x1c: {  	p1 =	slt.u32 s9, $0xF7A;
	s5 =	simm.s32 @!p2 $0x0  }
0x1d: {  	s5 =	simm.s32 @p1 $0x1;
	p0 =	seq.s32 s7, s2  }
0x1e: {  	s7 =	smul.u32 @!p0 $0xF7A, s2;
	p2 =	seq.s32 @!p0 s5, $0x0  }
0x1f: {  	s9 =	smul.u32 $0xF7A, s1;
	s8 =	simm.s32 @!p0 $0x1BF5;
	p2 =	por !p2, p0  }
0x20: {  	[sflag:s8] =	ssyncset.s32 @!p0 $0xFFFFF086;
	s6 =	sadd.s32 @!p0 s3, s7;
	s7 =	simm.s32 @!p0 $0x108  }
0x21: {  	s3 =	sadd.s32 s3, s9;
	s6 =	sadd.s32 @!p0 $0x88, s6;
	s7 =	simm.s32 @p2 $0x1082  }
0x22: {  	[simem:s7], [sflag:s8] =	dma.local @!p0 [hbm:s6], $0xF7A  }
0x23: {  	s9 =	sor.u32 $0xD0000000, s2;
	s6 =	simm.s32 $0x108;
	_ =	swait.ge @!p0 [sflag:s8], $0x0  }
0x24: {  	s3 =	sadd.s32 $0x88, s3;
	s6 =	simm.s32 @!p1 $0x1082;
	[sflag:s4] =	ssyncset.s32 $0xFFFFF086  }
0x25: {  	[simem:s6], [sflag:s4] =	dma.local [hbm:s3], $0xF7A  }
0x26: {  	[smem:$0x3F96] =	sst s1;
	(tag) =	ssettag s2;
	_ =	strace s9  }
0x27: {  	s1 =	sld [smem:$0x3FA6]  }
0x28: {  	s2 =	sld [smem:$0x3FA7]  }
0x29: {  	s4 =	sld [smem:$0x3FA9]  }
0x2a: {  	p0 =	seq.s32 s5, $0x0;
	s5 =	sld [smem:$0x3FAA]  }
0x2b: {  	s6 =	sld [smem:$0x3FAB]  }
0x2c: {  	s7 =	sld [smem:$0x3FAC]  }
0x2d: {  	s3 =	simm.s32 $0x108;
	s8 =	sld [smem:$0x3FAD]  }
0x2e: {  	s3 =	simm.s32 @!p0 $0x1082;
	s9 =	sld [smem:$0x3FAE]  }
0x2f: {  	lr =	sadd.s32 s0, s3;
	s0 =	sld [smem:$0x3FA5]  }
0x30: {  	s3 =	sld [smem:$0x3FA8]  }
0x31: {  	[smem:$0x3FB1] =	sst s10  }
0x32: {  	s10 =	sld [smem:$0x3FAF];
	_ =	sdelay $0x3  }
0x33: {  	p0 =	seq.s32 s10, $0x1;
	s10 =	sld [smem:$0x3FB1];
	_ =	sdelay $0x3  }
0x34: {  	[smem:$0x3FB1] =	sst s10  }
0x35: {  	s10 =	sld [smem:$0x3FB0];
	_ =	sdelay $0x3  }
0x36: {  	p1 =	seq.s32 s10, $0x1;
	s10 =	sld [smem:$0x3FB1];
	_ =	sdelay $0x3  }
0x37: {  	[smem:$0x3FB1] =	sst s10  }
0x38: {  	s10 =	sld [smem:$0x3FB2]  }
0x39: {  	_ = 	snop;
	(pc) =	sbr.ind lr, $3  }
0x3a: {  	_ = 	snop  }
0x3b: {  	_ = 	snop  }
0x3c: {  	p2 =	seq.s32 s10, $0x1;
	s10 =	sld [smem:$0x3FB1]  }
0x3d: {  	_ =	shalt  }
0x3e: {  	_ =	shalt  }
0x3f: {  	_ =	shalt  }
0x40: {  	_ =	shalt  }
0x41: {  	_ =	shalt  }
0x42: {  	_ =	shalt  }
0x43: {  	_ =	shalt  }
0x44: {  	_ =	shalt  }
0x45: {  	_ =	shalt  }
0x46: {  	_ =	shalt  }
0x47: {  	_ =	shalt  }
0x48: {  	_ =	shalt  }
0x49: {  	_ =	shalt  }
0x4a: {  	_ =	shalt  }
0x4b: {  	_ =	shalt  }
0x4c: {  	_ =	shalt  }
0x4d: {  	_ =	shalt  }
0x4e: {  	_ =	shalt  }
0x4f: {  	_ =	shalt  }
0x50: {  	_ =	shalt  }
0x51: {  	_ =	shalt  }
0x52: {  	_ =	shalt  }
0x53: {  	_ =	shalt  }
0x54: {  	_ =	shalt  }
0x55: {  	_ =	shalt  }
0x56: {  	_ =	shalt  }
0x57: {  	_ =	shalt  }
0x58: {  	_ =	shalt  }
0x59: {  	_ =	shalt  }
0x5a: {  	_ =	shalt  }
0x5b: {  	_ =	shalt  }
0x5c: {  	_ =	shalt  }
0x5d: {  	_ =	shalt  }
0x5e: {  	_ =	shalt  }
0x5f: {  	_ =	shalt  }
0x60: {  	_ =	shalt  }
0x61: {  	_ =	shalt  }
0x62: {  	_ =	shalt  }
0x63: {  	_ =	shalt  }
0x64: {  	_ =	shalt  }
0x65: {  	_ =	shalt  }
0x66: {  	_ =	shalt  }
0x67: {  	_ =	shalt  }
0x68: {  	_ =	shalt  }
0x69: {  	_ =	shalt  }
0x6a: {  	_ =	shalt  }
0x6b: {  	_ =	shalt  }
0x6c: {  	_ =	shalt  }
0x6d: {  	_ =	shalt  }
0x6e: {  	_ =	shalt  }
0x6f: {  	_ =	shalt  }
0x70: {  	_ =	shalt  }
0x71: {  	_ =	shalt  }
0x72: {  	_ =	shalt  }
0x73: {  	_ =	shalt  }
0x74: {  	_ =	shalt  }
0x75: {  	_ =	shalt  }
0x76: {  	_ =	shalt  }
0x77: {  	_ =	shalt  }
0x78: {  	_ =	shalt  }
0x79: {  	_ =	shalt  }
0x7a: {  	_ =	shalt  }
0x7b: {  	_ =	shalt  }
0x7c: {  	_ =	shalt  }
0x7d: {  	_ =	shalt  }
0x7e: {  	_ =	shalt  }
0x7f: {  	_ =	shalt  }
0x80: {  	_ =	shalt  }
0x81: {  	_ =	shalt  }
0x82: {  	_ =	shalt  }
0x83: {  	_ =	shalt  }
0x84: {  	_ =	shalt  }
0x85: {  	_ =	shalt  }
0x86: {  	_ =	shalt  }
0x87: {  	_ =	shalt  }
.Lfunc_end0:
.L_simem_size_0:
called_computation.2_lowered:
.L_overlay_start_0:
0x88: {  	s2 =	sld [smem:$0x3FD9]  }
0x89: {  	s3 =	sld [smem:$0x3FFE];
	_ =	sdelay $0x1  }
0x8a: {  	s1 =	srdreg.scid  }
0x8b: {  	s0 =	sand.u32 $0x1, s1  }
0x8c: {  	s16 =	sshll.u32 s0, $0xA;
	s2 =	sadd.s32 s3, s2  }
0x8d: {  	s2 =	sadd.s32 s2, s16  }
0x8e: {  	[smem:$0x3FBD] =	sst s2  }
0x8f: {  	_ = 	snop  }
0x90: {  	(tm) =	ssettm $0x1  }
0x91: {  	s17 =	sld [smem:$0x3FFB];
	_ =	sdelay $0x3  }
0x92: {  	_ =	strace s17  }
0x93: {  	s2 =	sld [smem:$0x3FFC];
	_ =	sdelay $0x3  }
0x94: {  	_ =	strace s2  }
0x95: {  	s2 =	sld [smem:$0x3FFD];
	_ =	sdelay $0x3  }
0x96: {  	_ =	strace s2  }
0x97: {  	_ =	strace $0x8FFFFFFF  }
0x98: {  	s18 =	sld [smem:$0x3FDB];
	_ =	sdelay $0x1  }
0x99: {  	s19 =	simm.s32 $_scs_section_size  }
0x9a: {  	s4 =	simm.s32 $_size__tile_overlayer_lowered;
	s5 =	simm.s32 $_tile_overlayer_lowered  }
0x9b: {  	s22 =	simm.s32 $0x1BFF;
	s21 =	sshll.u32 s5, $0x1;
	s2 =	sadd.s32 s19, s18  }
0x9c: {  	s6 =	simm.s32 $0x0;
	s20 =	sshll.u32 s4, $0x1;
	s4 =	sadd.s32 s21, s2  }
0x9d: {  	[timem:s6], [sflag:s22] =	dma.local [hbm:s4], s20  }
0x9e: {  	_ =	swait.ge [sflag:s22], s20  }
0x9f: {  	s3 =	ssub.s32 $0x0, s20;
	[sflag:s22] =	ssyncset.done $0x0  }
0xa0: {  	[sflag:s22] =	ssyncadd.s32 s3;
	_ =	sdelay $0x1  }
0xa1: {  	s23 =	simm.s32 $0x1B8B  }
0xa2: {  	_ =	swait.ge [sflag:s23], $0x1  }
0xa3: {  	[sflag:s23] =	ssyncset.done $0x0  }
0xa4: {  	s25 =	simm.s32 $0x1B8E;
	s24 =	sld [smem:$0x3FFE];
	[sflag:s23] =	ssyncadd.s32 $0xFFFFFFFF  }
0xa5: {  	s26 =	simm.s32 $execute0_lowered;
	[smem:$0x3FD2] =	sst s25  }
0xa6: {  	s4 =	sshll.u32 s26, $0x1;
	_ =	strace $0x8000004C;
	[dreg:$0x1] =	wrdreg $0xFFFFFFFF  }
0xa7: {  	s28 =	simm.s32 $_size_execute0_lowered;
	s2 =	sadd.s32 s2, s4;
	[dreg:$0x0] =	wrdreg $0x0  }
0xa8: {  	s4 =	sshll.u32 s28, $0x1;
	[dreg:$0x2] =	wrdreg s2  }
0xa9: {  	[dreg:$0x3] =	wrdreg s4  }
0xaa: {  	[dreg:$0x4] =	wrdreg $0xC0  }
0xab: {  	_ =	task [dreg:s6], $0x5FFFF  }
0xac: {  	[dreg:$0x1] =	wrdreg $0xFFFFFFFF  }
0xad: {  	[dreg:$0x0] =	wrdreg $0x60  }
0xae: {  	[dreg:$0x2] =	wrdreg s24  }
0xaf: {  	[dreg:$0x3] =	wrdreg $0x82000  }
0xb0: {  	[dreg:$0x4] =	wrdreg $0x9  }
0xb1: {  	_ =	task.clear_ibuf [dreg:s6], $0x5FFFF;
	_ =	strace $0x9000004C  }
0xb2: {  	s29 =	simm.s32 $0x9;
	_ =	strace $0x8000004E  }
0xb3: {  	_ =	swait.ge [sflag:s29], $0x1  }
0xb4: {  	[sflag:s29] =	ssyncadd.s32 $0xFFFFFFFF  }
0xb5: {  	_ =	strace $0x9000004E  }
0xb6: {  	_ =	sfence  }
0xb7: {  	s30 =	sld [smem:$0x0];
	_ =	sdelay $0x2  }
0xb8: {  	s31 =	sshll.u32 s1, $0xD;
	s1 =	sshrl.u32 s1, $0x2  }
0xb9: {  	s3 =	sand.u32 $0x4000, s31;
	s1 =	sadd.s32 s1, s30  }
0xba: {  	s0 =	sor.u32 s3, s0;
	s1 =	sshll.u32 s1, $0x11  }
0xbb: {  	s0 =	sor.u32 s1, s0  }
0xbc: {  	s0 =	sadd.s32 $0x8F2B, s0  }
0xbd: {  	[sflag:s0] =	ssyncadd.remote.s32 $0x1  }
0xbe: {  	_ =	sfence.sel $0xFFFF  }
0xbf: {  	[dreg:$0x0] =	wrdreg $0xFFFFFFFF;
	(pc) =	sbr.abs _section_cstart, $3  }
0xc0: {  	[dreg:$0x1] =	wrdreg $0xFFFFFFFF  }
0xc1: {  	_ =	task.clear_ibuf [dreg:s6], $0x2FFFF;
	_ =	strace $0x9FFFFFFF  }
0xc2: {  	(tm) =	ssettm $0x7FFFFFFF  }
0xc3: {  	_ =	shalt  }
tec
execute0_lowered:
.L_overlay_start_1:
0x0: {  	(tag) =	ssettag $0x1  }
0x1: {  	s5 =	rddreg [dreg:$0x0]  }
0x2: {  	s2 =	rddreg [dreg:$0x1];
	s4 =	srdreg.scid  }
0x3: {  	s0 =	stileid.u32;
	s3 =	simm.s32 $0x0;
	s20 =	simm.s32 $0x200  }
0x4: {  	s21 =	simm.s32 $0x3;
	s22 =	simm.s32 $0x100;
	s23 =	simm.s32 $0x80  }
0x5: {  	s24 =	simm.s32 $0x180;
	s25 =	simm.s32 $0x4200;
	s28 =	simm.s32 $0x2  }
0x6: {  	s29 =	simm.s32 $0x0;
	s6 =	sand.u32 $0x1, s4;
	s26 =	sshll.u32 s0, $0x1  }
0x7: {  	[smem:$0x7FF] =	sst s3;
	s4 =	sadd.s32 $0x18C00, s5;
	s8 =	smul.u32 $0x4F000, s0  }
0x8: {  	s12 =	sadd.s32 $0x4C00, s5;
	s13 =	sadd.s32 $0xEC00, s5;
	s10 =	smul.u32 $0x50, s0  }
0x9: {  	s7 =	sor.u32 s6, s26;
	_ =	strace $0x8000004D;
	s9 =	ssub.s32 $0x2, s6  }
0xa: {  	p0 =	seq.s32 s6, $0x0;
	s26 =	simm.s32 $0x1;
	s7 =	smul.u32 $0x13C00, s7  }
0xb: {  	s30 =	sshrl.u32 s9, $0x1;
	s31 =	sshrl.u32 s8, $0x2;
	s11 =	sadd.s32 $0x500, s10  }
0xc: {  	s19 =	ssub.s32 s9, s30;
	s11 =	smov.u32 @p0 s10;
	s7 =	sshrl.u32 s7, $0x3  }
0xd: {  	s11 =	sshll.u32 s11, $0x4;
	s19 =	smax.u32 s19, $0x1;
	s18 =	sadd.s32 s7, s5  }
0xe: {  	s5 =	sadd.s32 s31, s2;
	s10 =	sadd.s32 s12, s11;
	s14 =	sor.u32 $0x10, s11  }
0xf: {  	s11 =	sadd.s32 s13, s11;
	s6 =	sadd.s32 $0x4000, s5;
	s7 =	sadd.s32 $0x8000, s5  }
0x10: {  	s8 =	sadd.s32 $0xC000, s5;
	s9 =	sadd.s32 $0x10000, s5;
	s12 =	sadd.s32 s12, s14  }
0x11: {  	s13 =	sadd.s32 s13, s14;
	s14 =	sadd.s32 $0x67C00, s18;
	s15 =	sadd.s32 $0x68400, s18  }
0x12: {  	v0 =	vimm.f32 $0.0e+00;
	s16 =	sadd.s32 $0x68C00, s18;
	s17 =	sadd.s32 $0x69400, s18;
	s18 =	sadd.s32 $0x69C00, s18  }
.LBB2_1:
0x13: {  	s30 =	simm.s32 $0x0;
	s31 =	simm.s32 $0x200  }
.LBB2_2:
0x14: {  	p0 =	sne.s32 s31, $0xFE00;
	[tilespmem:s30+$0x270] =	vst v0  }
0x15: {  	[tilespmem:s30+$0x200] =	vst v0  }
0x16: {  	[tilespmem:s30+$0x210] =	vst v0  }
.Ltmp0:
0x17: {  	[tilespmem:s30+$0x220] =	vst v0;
	(pc) =	sbr.rel @p0 .LBB2_2-.Ltmp0, $4  }
0x18: {  	[tilespmem:s30+$0x230] =	vst v0  }
0x19: {  	[tilespmem:s30+$0x240] =	vst v0  }
0x1a: {  	[tilespmem:s30+$0x250] =	vst v0  }
0x1b: {  	[tilespmem:s30+$0x260] =	vst v0;
	s30 =	sshra.s32 s31, $0x2;
	s31 =	sadd.s32 $0x200, s31  }
0x1c: {  	[tilespmem:s30+$0x270] =	vst v0  }
0x1d: {  	[tilespmem:s30+$0x200] =	vst v0  }
0x1e: {  	[tilespmem:s30+$0x210] =	vst v0  }
0x1f: {  	[tilespmem:s30+$0x220] =	vst v0  }
0x20: {  	[tilespmem:s30+$0x230] =	vst v0  }
0x21: {  	[tilespmem:s30+$0x240] =	vst v0  }
0x22: {  	[tilespmem:s30+$0x250] =	vst v0  }
0x23: {  	[tilespmem:s30+$0x260] =	vst v0  }
0x24: {  	[spmem:s5] =	stream.linear.scatter [tilespmem:s20], [sflag:$0x3], $0x4000, $0x38;
	[tilespmem:$0x1BE00] =	vst v63  }
0x25: {  	_ =	swait.ge [sflag:s21], $0x4000  }
0x26: {  	[sflag:s21] =	ssyncset.done $0x0  }
0x27: {  	[sflag:s21] =	ssyncadd.s32 $0xFFFFC000  }
0x28: {  	[spmem:s6] =	stream.linear.scatter [tilespmem:s20], [sflag:$0x3], $0x4000, $0x38;
	[tilespmem:$0x1BE00] =	vst v63  }
0x29: {  	_ =	swait.ge [sflag:s21], $0x4000  }
0x2a: {  	[sflag:s21] =	ssyncset.done $0x0  }
0x2b: {  	[sflag:s21] =	ssyncadd.s32 $0xFFFFC000  }
0x2c: {  	[spmem:s7] =	stream.linear.scatter [tilespmem:s20], [sflag:$0x3], $0x4000, $0x38;
	[tilespmem:$0x1BE00] =	vst v63  }
0x2d: {  	_ =	swait.ge [sflag:s21], $0x4000  }
0x2e: {  	[sflag:s21] =	ssyncset.done $0x0  }
0x2f: {  	[sflag:s21] =	ssyncadd.s32 $0xFFFFC000  }
0x30: {  	[spmem:s8] =	stream.linear.scatter [tilespmem:s20], [sflag:$0x3], $0x4000, $0x38;
	[tilespmem:$0x1BE00] =	vst v63  }
0x31: {  	_ =	swait.ge [sflag:s21], $0x4000  }
0x32: {  	[sflag:s21] =	ssyncset.done $0x0  }
0x33: {  	[sflag:s21] =	ssyncadd.s32 $0xFFFFC000  }
0x34: {  	[spmem:s9] =	stream.linear.scatter [tilespmem:s20], [sflag:$0x3], $0x3C00, $0x38;
	[tilespmem:$0x1BE00] =	vst v63  }
0x35: {  	_ =	swait.ge [sflag:s21], $0x3C00  }
0x36: {  	[sflag:s21] =	ssyncset.done $0x0  }
0x37: {  	[sflag:s21] =	ssyncadd.s32 $0xFFFFC400  }
0x38: {  	[bflag:$0x0] =	sbarrier.arrive $0xFFFF  }
0x39: {  	[tilespmem:s3], [sflag:$0x3] =	stream.linear.gather [hbm4b:s10+s3], $0x80, $0x38;
	[tilespmem:$0x1BE00] =	vst v63  }
0x3a: {  	_ =	swait.ge [sflag:s21], $0x80  }
0x3b: {  	[sflag:s21] =	ssyncset.done $0x0  }
0x3c: {  	[sflag:s21] =	ssyncadd.s32 $0xFFFFFF80  }
0x3d: {  	[tilespmem:s22], [sflag:$0x3] =	stream.linear.gather [hbm4b:s11+s3], $0x80, $0x38;
	[tilespmem:$0x1BE00] =	vst v63  }
0x3e: {  	_ =	swait.ge [sflag:s21], $0x80  }
0x3f: {  	[sflag:s21] =	ssyncset.done $0x0  }
0x40: {  	[sflag:s21] =	ssyncadd.s32 $0xFFFFFF80  }
0x41: {  	[tilespmem:s20], [sflag:$0x1] =	stream.indirect.gather [hbm4b:s4+s23], $0x80, s3, s23, $0xb8;
	[tilespmem:$0x1BE00] =	vst v63  }
0x42: {  	_ = 	snop  }
0x43: {  	[tilespmem:s23], [sflag:$0x3] =	stream.linear.gather [hbm4b:s12+s3], $0x80, $0x38;
	[tilespmem:$0x1BE00] =	vst v63  }
0x44: {  	_ =	swait.ge [sflag:s21], $0x80  }
0x45: {  	[sflag:s21] =	ssyncset.done $0x0  }
0x46: {  	[sflag:s21] =	ssyncadd.s32 $0xFFFFFF80  }
0x47: {  	[tilespmem:s24], [sflag:$0x3] =	stream.linear.gather [hbm4b:s13+s3], $0x80, $0x38;
	[tilespmem:$0x1BE00] =	vst v63  }
0x48: {  	_ =	swait.ge [sflag:s21], $0x80  }
0x49: {  	[sflag:s21] =	ssyncset.done $0x0  }
0x4a: {  	[sflag:s21] =	ssyncadd.s32 $0xFFFFFF80  }
0x4b: {  	[tilespmem:s25], [sflag:$0x2] =	stream.indirect.gather [hbm4b:s4+s23], $0x80, s23, s23, $0xb8;
	[tilespmem:$0x1BE00] =	vst v63  }
0x4c: {  	_ =	swait.ge [sflag:s26], $0x4000  }
0x4d: {  	[sflag:s26] =	ssyncset.done $0x0  }
0x4e: {  	[sflag:s26] =	ssyncadd.s32 $0xFFFFC000  }
0x4f: {  	[spmem:s2] =	stream.indirect.scatter.add.f32 [tilespmem:s20], [sflag:$0x3], $0x80, s22, s23, $0xb8;
	[tilespmem:$0x1BE00] =	vst v63  }
0x50: {  	_ =	swait.ge [sflag:s21], $0x4000  }
0x51: {  	s30 =	sadd.s32 $0xFFFFFB20, s10;
	[sflag:s21] =	ssyncset.done $0x0  }
0x52: {  	s31 =	sadd.s32 $0x500, s30;
	[sflag:s21] =	ssyncadd.s32 $0xFFFFC000  }
0x53: {  	[tilespmem:s3], [sflag:$0x3] =	stream.linear.gather [hbm4b:s31+s3], $0x80, $0x38;
	[tilespmem:$0x1BE00] =	vst v63  }
0x54: {  	_ =	swait.ge [sflag:s21], $0x80  }
0x55: {  	s31 =	sadd.s32 $0xFFFFFB20, s11;
	[sflag:s21] =	ssyncset.done $0x0  }
0x56: {  	s0 =	sadd.s32 $0x500, s31;
	[sflag:s21] =	ssyncadd.s32 $0xFFFFFF80  }
0x57: {  	[tilespmem:s22], [sflag:$0x3] =	stream.linear.gather [hbm4b:s0+s3], $0x80, $0x38;
	[tilespmem:$0x1BE00] =	vst v63  }
0x58: {  	_ =	swait.ge [sflag:s21], $0x80  }
0x59: {  	[sflag:s21] =	ssyncset.done $0x0  }
0x5a: {  	[sflag:s21] =	ssyncadd.s32 $0xFFFFFF80  }
0x5b: {  	[tilespmem:s20], [sflag:$0x1] =	stream.indirect.gather [hbm4b:s4+s23], $0x80, s3, s23, $0xb8;
	[tilespmem:$0x1BE00] =	vst v63  }
0x5c: {  	_ =	swait.ge [sflag:s28], $0x4000  }
0x5d: {  	[sflag:s28] =	ssyncset.done $0x0  }
0x5e: {  	[sflag:s28] =	ssyncadd.s32 $0xFFFFC000  }
0x5f: {  	[spmem:s2] =	stream.indirect.scatter.add.f32 [tilespmem:s25], [sflag:$0x3], $0x80, s24, s23, $0xb8;
	[tilespmem:$0x1BE00] =	vst v63  }
0x60: {  	_ =	swait.ge [sflag:s21], $0x4000  }
0x61: {  	[sflag:s21] =	ssyncset.done $0x0  }
0x62: {  	s1 =	sadd.s32 $0x510, s30;
	[sflag:s21] =	ssyncadd.s32 $0xFFFFC000  }
0x63: {  	[tilespmem:s23], [sflag:$0x3] =	stream.linear.gather [hbm4b:s1+s3], $0x80, $0x38;
	[tilespmem:$0x1BE00] =	vst v63  }
0x64: {  	_ =	swait.ge [sflag:s21], $0x80  }
0x65: {  	[sflag:s21] =	ssyncset.done $0x0  }
0x66: {  	s31 =	sadd.s32 $0x510, s31;
	[sflag:s21] =	ssyncadd.s32 $0xFFFFFF80  }
0x67: {  	[tilespmem:s24], [sflag:$0x3] =	stream.linear.gather [hbm4b:s31+s3], $0x80, $0x38;
	[tilespmem:$0x1BE00] =	vst v63  }
0x68: {  	_ =	swait.ge [sflag:s21], $0x80  }
0x69: {  	[sflag:s21] =	ssyncset.done $0x0  }
0x6a: {  	s30 =	simm.s32 $0xFFFFFB40;
	[sflag:s21] =	ssyncadd.s32 $0xFFFFFF80  }
.LBB2_4:
0x6b: {  	[tilespmem:s25], [sflag:$0x2] =	stream.indirect.gather [hbm4b:s4+s23], $0x80, s23, s23, $0xb8;
	[tilespmem:$0x1BE00] =	vst v63  }
0x6c: {  	s0 =	smov.u32 s30  }
0x6d: {  	p0 =	sne.s32 s30, $0xFFFFFFE0;
	s30 =	sadd.s32 $0x20, s30;
	_ =	swait.ge [sflag:s26], $0x4000  }
0x6e: {  	[sflag:s26] =	ssyncset.done $0x0  }
0x6f: {  	[sflag:s26] =	ssyncadd.s32 $0xFFFFC000  }
0x70: {  	[spmem:s2] =	stream.indirect.scatter.add.f32 [tilespmem:s20], [sflag:$0x3], $0x80, s22, s23, $0xb8;
	[tilespmem:$0x1BE00] =	vst v63  }
0x71: {  	_ =	swait.ge [sflag:s21], $0x4000  }
0x72: {  	s31 =	sadd.s32 s0, s10;
	[sflag:s21] =	ssyncset.done $0x0  }
0x73: {  	s1 =	sadd.s32 $0x500, s31;
	[sflag:s21] =	ssyncadd.s32 $0xFFFFC000  }
0x74: {  	[tilespmem:s3], [sflag:$0x3] =	stream.linear.gather [hbm4b:s1+s3], $0x80, $0x38;
	[tilespmem:$0x1BE00] =	vst v63  }
0x75: {  	_ =	swait.ge [sflag:s21], $0x80  }
0x76: {  	s0 =	sadd.s32 s0, s11;
	[sflag:s21] =	ssyncset.done $0x0  }
0x77: {  	s1 =	sadd.s32 $0x500, s0;
	[sflag:s21] =	ssyncadd.s32 $0xFFFFFF80  }
0x78: {  	[tilespmem:s22], [sflag:$0x3] =	stream.linear.gather [hbm4b:s1+s3], $0x80, $0x38;
	[tilespmem:$0x1BE00] =	vst v63  }
0x79: {  	_ =	swait.ge [sflag:s21], $0x80  }
0x7a: {  	[sflag:s21] =	ssyncset.done $0x0  }
0x7b: {  	[sflag:s21] =	ssyncadd.s32 $0xFFFFFF80  }
0x7c: {  	[tilespmem:s20], [sflag:$0x1] =	stream.indirect.gather [hbm4b:s4+s23], $0x80, s3, s23, $0xb8;
	[tilespmem:$0x1BE00] =	vst v63  }
0x7d: {  	_ =	swait.ge [sflag:s28], $0x4000  }
0x7e: {  	[sflag:s28] =	ssyncset.done $0x0  }
0x7f: {  	[sflag:s28] =	ssyncadd.s32 $0xFFFFC000  }
0x80: {  	[spmem:s2] =	stream.indirect.scatter.add.f32 [tilespmem:s25], [sflag:$0x3], $0x80, s24, s23, $0xb8;
	[tilespmem:$0x1BE00] =	vst v63  }
0x81: {  	_ =	swait.ge [sflag:s21], $0x4000  }
0x82: {  	[sflag:s21] =	ssyncset.done $0x0  }
0x83: {  	s1 =	sadd.s32 $0x510, s31;
	[sflag:s21] =	ssyncadd.s32 $0xFFFFC000  }
0x84: {  	[tilespmem:s23], [sflag:$0x3] =	stream.linear.gather [hbm4b:s1+s3], $0x80, $0x38;
	[tilespmem:$0x1BE00] =	vst v63  }
0x85: {  	_ =	swait.ge [sflag:s21], $0x80  }
0x86: {  	[sflag:s21] =	ssyncset.done $0x0  }
.Ltmp1:
0x87: {  	s0 =	sadd.s32 $0x510, s0;
	[sflag:s21] =	ssyncadd.s32 $0xFFFFFF80;
	(pc) =	sbr.rel @p0 .LBB2_4-.Ltmp1, $4  }
0x88: {  	[tilespmem:s24], [sflag:$0x3] =	stream.linear.gather [hbm4b:s0+s3], $0x80, $0x38;
	[tilespmem:$0x1BE00] =	vst v63  }
0x89: {  	_ =	swait.ge [sflag:s21], $0x80  }
0x8a: {  	[sflag:s21] =	ssyncset.done $0x0  }
0x8b: {  	[sflag:s21] =	ssyncadd.s32 $0xFFFFFF80  }
0x8c: {  	[tilespmem:s25], [sflag:$0x2] =	stream.indirect.gather [hbm4b:s4+s23], $0x80, s23, s23, $0xb8;
	[tilespmem:$0x1BE00] =	vst v63  }
0x8d: {  	_ =	swait.ge [sflag:s26], $0x4000  }
0x8e: {  	[sflag:s26] =	ssyncset.done $0x0  }
0x8f: {  	[sflag:s26] =	ssyncadd.s32 $0xFFFFC000  }
0x90: {  	[spmem:s2] =	stream.indirect.scatter.add.f32 [tilespmem:s20], [sflag:$0x3], $0x80, s22, s23, $0xb8;
	[tilespmem:$0x1BE00] =	vst v63  }
0x91: {  	_ =	swait.ge [sflag:s21], $0x4000  }
0x92: {  	[sflag:s21] =	ssyncset.done $0x0  }
0x93: {  	[sflag:s21] =	ssyncadd.s32 $0xFFFFC000  }
0x94: {  	_ =	swait.ge [sflag:s28], $0x4000  }
0x95: {  	[sflag:s28] =	ssyncset.done $0x0  }
0x96: {  	[sflag:s28] =	ssyncadd.s32 $0xFFFFC000  }
0x97: {  	[spmem:s2] =	stream.indirect.scatter.add.f32 [tilespmem:s25], [sflag:$0x3], $0x80, s24, s23, $0xb8;
	[tilespmem:$0x1BE00] =	vst v63  }
0x98: {  	_ =	swait.ge [sflag:s21], $0x4000  }
0x99: {  	[sflag:s21] =	ssyncset.done $0x0  }
0x9a: {  	[sflag:s21] =	ssyncadd.s32 $0xFFFFC000  }
0x9b: {  	[bflag:$0x0] =	sbarrier.arrive $0xFFFF  }
0x9c: {  	[tilespmem:s20], [sflag:$0x3] =	stream.linear.gather [spmem:s5], $0x4000, $0x38;
	[tilespmem:$0x1BE00] =	vst v63  }
0x9d: {  	_ =	swait.ge [sflag:s21], $0x4000  }
0x9e: {  	[sflag:s21] =	ssyncset.done $0x0  }
0x9f: {  	[sflag:s21] =	ssyncadd.s32 $0xFFFFC000  }
0xa0: {  	[hbm4b:s14+s3] =	stream.linear.scatter [tilespmem:s20], [sflag:$0x3], $0x4000, $0x38;
	[tilespmem:$0x1BE00] =	vst v63  }
0xa1: {  	_ =	swait.ge [sflag:s21], $0x4000  }
0xa2: {  	[sflag:s21] =	ssyncset.done $0x0  }
0xa3: {  	[sflag:s21] =	ssyncadd.s32 $0xFFFFC000  }
0xa4: {  	[tilespmem:s20], [sflag:$0x3] =	stream.linear.gather [spmem:s6], $0x4000, $0x38;
	[tilespmem:$0x1BE00] =	vst v63  }
0xa5: {  	_ =	swait.ge [sflag:s21], $0x4000  }
0xa6: {  	[sflag:s21] =	ssyncset.done $0x0  }
0xa7: {  	[sflag:s21] =	ssyncadd.s32 $0xFFFFC000  }
0xa8: {  	[hbm4b:s15+s3] =	stream.linear.scatter [tilespmem:s20], [sflag:$0x3], $0x4000, $0x38;
	[tilespmem:$0x1BE00] =	vst v63  }
0xa9: {  	_ =	swait.ge [sflag:s21], $0x4000  }
0xaa: {  	[sflag:s21] =	ssyncset.done $0x0  }
0xab: {  	[sflag:s21] =	ssyncadd.s32 $0xFFFFC000  }
0xac: {  	[tilespmem:s20], [sflag:$0x3] =	stream.linear.gather [spmem:s7], $0x4000, $0x38;
	[tilespmem:$0x1BE00] =	vst v63  }
0xad: {  	_ =	swait.ge [sflag:s21], $0x4000  }
0xae: {  	[sflag:s21] =	ssyncset.done $0x0  }
0xaf: {  	[sflag:s21] =	ssyncadd.s32 $0xFFFFC000  }
0xb0: {  	[hbm4b:s16+s3] =	stream.linear.scatter [tilespmem:s20], [sflag:$0x3], $0x4000, $0x38;
	[tilespmem:$0x1BE00] =	vst v63  }
0xb1: {  	_ =	swait.ge [sflag:s21], $0x4000  }
0xb2: {  	[sflag:s21] =	ssyncset.done $0x0  }
0xb3: {  	[sflag:s21] =	ssyncadd.s32 $0xFFFFC000  }
0xb4: {  	[tilespmem:s20], [sflag:$0x3] =	stream.linear.gather [spmem:s8], $0x4000, $0x38;
	[tilespmem:$0x1BE00] =	vst v63  }
0xb5: {  	_ =	swait.ge [sflag:s21], $0x4000  }
0xb6: {  	[sflag:s21] =	ssyncset.done $0x0  }
0xb7: {  	[sflag:s21] =	ssyncadd.s32 $0xFFFFC000  }
0xb8: {  	[hbm4b:s17+s3] =	stream.linear.scatter [tilespmem:s20], [sflag:$0x3], $0x4000, $0x38;
	[tilespmem:$0x1BE00] =	vst v63  }
0xb9: {  	_ =	swait.ge [sflag:s21], $0x4000  }
0xba: {  	[sflag:s21] =	ssyncset.done $0x0  }
0xbb: {  	[sflag:s21] =	ssyncadd.s32 $0xFFFFC000  }
0xbc: {  	[tilespmem:s20], [sflag:$0x3] =	stream.linear.gather [spmem:s9], $0x3C00, $0x38;
	[tilespmem:$0x1BE00] =	vst v63  }
0xbd: {  	s29 =	sadd.s32 $0x1, s29;
	_ =	swait.ge [sflag:s21], $0x3C00  }
0xbe: {  	p0 =	sne.s32 s29, s19;
	[sflag:s21] =	ssyncset.done $0x0  }
.Ltmp2:
0xbf: {  	[sflag:s21] =	ssyncadd.s32 $0xFFFFC400;
	(pc) =	sbr.rel @p0 .LBB2_1-.Ltmp2, $4  }
0xc0: {  	[hbm4b:s18+s3] =	stream.linear.scatter [tilespmem:s20], [sflag:$0x3], $0x3C00, $0x38;
	[tilespmem:$0x1BE00] =	vst v63  }
0xc1: {  	_ =	swait.ge [sflag:s21], $0x3C00  }
0xc2: {  	[sflag:s21] =	ssyncset.done $0x0  }
0xc3: {  	[sflag:s21] =	ssyncadd.s32 $0xFFFFC400  }
0xc4: {  	_ =	sfence.sel $0x180000  }
0xc5: {  	[bflag:$0x0] =	sbarrier.arrive $0xFFFF  }
0xc6: {  	_ =	strace $0x9000004D  }
0xc7: {  	s0 =	stileid.u32;
	[bflag:$0x2] =	sbarrier.arrive $0xFFFF  }
0xc8: {  	p0 =	sne.s32 s0, $0x0;
	s0 =	rddreg [dreg:$0x2]  }
0xc9: {  	s0 =	sadd.s32 @!p0 $0x100000, s0  }
0xca: {  	[sflag:s0] =	ssyncadd.tile.s32 @!p0 $0x1;
	_ =	shalt  }
.Lfunc_end2:
_tile_overlayer_lowered:
.L_overlay_start_2:
0xcb: {  	(tag) =	ssettag $0x2  }
0xcc: {  	s0 =	rddreg [dreg:$0x0];
	s2 =	stileid.u32  }
0xcd: {  	s1 =	rddreg [dreg:$0x1];
	p0 =	sne.s32 s2, $0x0  }
0xce: {  	s3 =	rddreg [dreg:$0x2];
	[bflag:$0x3] =	sbarrier.arrive $0xFFFF;
	s2 =	simm.s32 @!p0 $0x1C03  }
0xcf: {  	[timem:s3], [sflag:s2] =	dma.local @!p0 [hbm:s0], s1  }
0xd0: {  	s0 =	simm.s32 @!p0 $0x3  }
0xd1: {  	_ =	swait.ge @!p0 [sflag:s0], s1  }
0xd2: {  	s1 =	ssub.s32 @!p0 $0x0, s1;
	[sflag:s0] =	ssyncset.done @!p0 $0x0  }
0xd3: {  	[sflag:s0] =	ssyncadd.s32 @!p0 s1  }
0xd4: {  	[bflag:$0x3] =	sbarrier.arrive $0xFFFF  }
0xd5: {  	_ =	shalt  }

// kernel: kernel.19.cloned.1.call-start
scs
__scs_entry_jumppad:
0x0: {  	(pc) =	sbr.rel $0x88, $3  }
0x1: {  	(tag) =	ssettag $0x0;
	lr =	simm.s32 $0x1  }
0x2: {  	[smem:$0x3F96] =	sst lr;
	_ =	strace $0xD0000000  }
0x3: {  	_ = 	snop  }
0x4: {  	_ = 	snop  }
0x5: {  	_ = 	snop  }
0x6: {  	_ = 	snop  }
0x7: {  	_ = 	snop  }
__scs_overlays_trampoline_lowered:
0x8: {  	[smem:$0x3FA5] =	sst s0  }
0x9: {  	[smem:$0x3FA6] =	sst s1  }
0xa: {  	[smem:$0x3FA7] =	sst s2  }
0xb: {  	[smem:$0x3FA8] =	sst s3  }
0xc: {  	[smem:$0x3FA9] =	sst s4  }
0xd: {  	[smem:$0x3FAA] =	sst s5  }
0xe: {  	[smem:$0x3FAB] =	sst s6  }
0xf: {  	[smem:$0x3FAC] =	sst s7  }
0x10: {  	[smem:$0x3FAD] =	sst s8  }
0x11: {  	[smem:$0x3FAE] =	sst s9;
	s0 =	simm.s32 @!p0 $0x0  }
0x12: {  	s1 =	sld [smem:$0x3F94];
	s0 =	simm.s32 @p0 $0x1  }
0x13: {  	[smem:$0x3FAF] =	sst s0;
	s0 =	simm.s32 @!p1 $0x0  }
0x14: {  	s2 =	sld [smem:$0x3F93];
	s0 =	simm.s32 @p1 $0x1  }
0x15: {  	[smem:$0x3FB0] =	sst s0;
	s0 =	simm.s32 @!p2 $0x0  }
0x16: {  	s3 =	sld [smem:$0x3FDB];
	s0 =	simm.s32 @p2 $0x1  }
0x17: {  	s4 =	simm.s32 $0x1BF5;
	[smem:$0x3FB2] =	sst s0  }
0x18: {  	s0 =	sld [smem:$0x3F95];
	_ =	swait.ge [sflag:s4], $0x0  }
0x19: {  	s7 =	sld [smem:$0x3F96]  }
0x1a: {  	s8 =	sadd.s32 $0xFFFFE003, lr  }
0x1b: {  	s9 =	sadd.s32 $0xFFFFFEF7, lr;
	s5 =	simm.s32 $0xFFFFFFFF;
	p2 =	slt.u32 s8, $0xFFFFF086  }
0x1c: {  	p1 =	slt.u32 s9, $0xF7A;
	s5 =	simm.s32 @!p2 $0x0  }
0x1d: {  	s5 =	simm.s32 @p1 $0x1;
	p0 =	seq.s32 s7, s2  }
0x1e: {  	s7 =	smul.u32 @!p0 $0xF7A, s2;
	p2 =	seq.s32 @!p0 s5, $0x0  }
0x1f: {  	s9 =	smul.u32 $0xF7A, s1;
	s8 =	simm.s32 @!p0 $0x1BF5;
	p2 =	por !p2, p0  }
0x20: {  	[sflag:s8] =	ssyncset.s32 @!p0 $0xFFFFF086;
	s6 =	sadd.s32 @!p0 s3, s7;
	s7 =	simm.s32 @!p0 $0x108  }
0x21: {  	s3 =	sadd.s32 s3, s9;
	s6 =	sadd.s32 @!p0 $0x88, s6;
	s7 =	simm.s32 @p2 $0x1082  }
0x22: {  	[simem:s7], [sflag:s8] =	dma.local @!p0 [hbm:s6], $0xF7A  }
0x23: {  	s9 =	sor.u32 $0xD0000000, s2;
	s6 =	simm.s32 $0x108;
	_ =	swait.ge @!p0 [sflag:s8], $0x0  }
0x24: {  	s3 =	sadd.s32 $0x88, s3;
	s6 =	simm.s32 @!p1 $0x1082;
	[sflag:s4] =	ssyncset.s32 $0xFFFFF086  }
0x25: {  	[simem:s6], [sflag:s4] =	dma.local [hbm:s3], $0xF7A  }
0x26: {  	[smem:$0x3F96] =	sst s1;
	(tag) =	ssettag s2;
	_ =	strace s9  }
0x27: {  	s1 =	sld [smem:$0x3FA6]  }
0x28: {  	s2 =	sld [smem:$0x3FA7]  }
0x29: {  	s4 =	sld [smem:$0x3FA9]  }
0x2a: {  	p0 =	seq.s32 s5, $0x0;
	s5 =	sld [smem:$0x3FAA]  }
0x2b: {  	s6 =	sld [smem:$0x3FAB]  }
0x2c: {  	s7 =	sld [smem:$0x3FAC]  }
0x2d: {  	s3 =	simm.s32 $0x108;
	s8 =	sld [smem:$0x3FAD]  }
0x2e: {  	s3 =	simm.s32 @!p0 $0x1082;
	s9 =	sld [smem:$0x3FAE]  }
0x2f: {  	lr =	sadd.s32 s0, s3;
	s0 =	sld [smem:$0x3FA5]  }
0x30: {  	s3 =	sld [smem:$0x3FA8]  }
0x31: {  	[smem:$0x3FB1] =	sst s10  }
0x32: {  	s10 =	sld [smem:$0x3FAF];
	_ =	sdelay $0x3  }
0x33: {  	p0 =	seq.s32 s10, $0x1;
	s10 =	sld [smem:$0x3FB1];
	_ =	sdelay $0x3  }
0x34: {  	[smem:$0x3FB1] =	sst s10  }
0x35: {  	s10 =	sld [smem:$0x3FB0];
	_ =	sdelay $0x3  }
0x36: {  	p1 =	seq.s32 s10, $0x1;
	s10 =	sld [smem:$0x3FB1];
	_ =	sdelay $0x3  }
0x37: {  	[smem:$0x3FB1] =	sst s10  }
0x38: {  	s10 =	sld [smem:$0x3FB2]  }
0x39: {  	_ = 	snop;
	(pc) =	sbr.ind lr, $3  }
0x3a: {  	_ = 	snop  }
0x3b: {  	_ = 	snop  }
0x3c: {  	p2 =	seq.s32 s10, $0x1;
	s10 =	sld [smem:$0x3FB1]  }
0x3d: {  	_ =	shalt  }
0x3e: {  	_ =	shalt  }
0x3f: {  	_ =	shalt  }
0x40: {  	_ =	shalt  }
0x41: {  	_ =	shalt  }
0x42: {  	_ =	shalt  }
0x43: {  	_ =	shalt  }
0x44: {  	_ =	shalt  }
0x45: {  	_ =	shalt  }
0x46: {  	_ =	shalt  }
0x47: {  	_ =	shalt  }
0x48: {  	_ =	shalt  }
0x49: {  	_ =	shalt  }
0x4a: {  	_ =	shalt  }
0x4b: {  	_ =	shalt  }
0x4c: {  	_ =	shalt  }
0x4d: {  	_ =	shalt  }
0x4e: {  	_ =	shalt  }
0x4f: {  	_ =	shalt  }
0x50: {  	_ =	shalt  }
0x51: {  	_ =	shalt  }
0x52: {  	_ =	shalt  }
0x53: {  	_ =	shalt  }
0x54: {  	_ =	shalt  }
0x55: {  	_ =	shalt  }
0x56: {  	_ =	shalt  }
0x57: {  	_ =	shalt  }
0x58: {  	_ =	shalt  }
0x59: {  	_ =	shalt  }
0x5a: {  	_ =	shalt  }
0x5b: {  	_ =	shalt  }
0x5c: {  	_ =	shalt  }
0x5d: {  	_ =	shalt  }
0x5e: {  	_ =	shalt  }
0x5f: {  	_ =	shalt  }
0x60: {  	_ =	shalt  }
0x61: {  	_ =	shalt  }
0x62: {  	_ =	shalt  }
0x63: {  	_ =	shalt  }
0x64: {  	_ =	shalt  }
0x65: {  	_ =	shalt  }
0x66: {  	_ =	shalt  }
0x67: {  	_ =	shalt  }
0x68: {  	_ =	shalt  }
0x69: {  	_ =	shalt  }
0x6a: {  	_ =	shalt  }
0x6b: {  	_ =	shalt  }
0x6c: {  	_ =	shalt  }
0x6d: {  	_ =	shalt  }
0x6e: {  	_ =	shalt  }
0x6f: {  	_ =	shalt  }
0x70: {  	_ =	shalt  }
0x71: {  	_ =	shalt  }
0x72: {  	_ =	shalt  }
0x73: {  	_ =	shalt  }
0x74: {  	_ =	shalt  }
0x75: {  	_ =	shalt  }
0x76: {  	_ =	shalt  }
0x77: {  	_ =	shalt  }
0x78: {  	_ =	shalt  }
0x79: {  	_ =	shalt  }
0x7a: {  	_ =	shalt  }
0x7b: {  	_ =	shalt  }
0x7c: {  	_ =	shalt  }
0x7d: {  	_ =	shalt  }
0x7e: {  	_ =	shalt  }
0x7f: {  	_ =	shalt  }
0x80: {  	_ =	shalt  }
0x81: {  	_ =	shalt  }
0x82: {  	_ =	shalt  }
0x83: {  	_ =	shalt  }
0x84: {  	_ =	shalt  }
0x85: {  	_ =	shalt  }
0x86: {  	_ =	shalt  }
0x87: {  	_ =	shalt  }
.Lfunc_end0:
.L_simem_size_0:
called_computation.3_lowered:
.L_overlay_start_0:
0x88: {  	s2 =	sld [smem:$0x3FD9]  }
0x89: {  	s3 =	sld [smem:$0x3FFE];
	_ =	sdelay $0x1  }
0x8a: {  	s1 =	srdreg.scid  }
0x8b: {  	s0 =	sand.u32 $0x1, s1  }
0x8c: {  	s16 =	sshll.u32 s0, $0xA;
	s2 =	sadd.s32 s3, s2  }
0x8d: {  	s2 =	sadd.s32 s2, s16  }
0x8e: {  	[smem:$0x3FBD] =	sst s2  }
0x8f: {  	_ = 	snop  }
0x90: {  	(tm) =	ssettm $0x1  }
0x91: {  	s17 =	sld [smem:$0x3FFB];
	_ =	sdelay $0x3  }
0x92: {  	_ =	strace s17  }
0x93: {  	s2 =	sld [smem:$0x3FFC];
	_ =	sdelay $0x3  }
0x94: {  	_ =	strace s2  }
0x95: {  	s2 =	sld [smem:$0x3FFD];
	_ =	sdelay $0x3  }
0x96: {  	_ =	strace s2  }
0x97: {  	_ =	strace $0x8FFFFFFF  }
0x98: {  	s18 =	sld [smem:$0x3FDB];
	_ =	sdelay $0x1  }
0x99: {  	s19 =	simm.s32 $_scs_section_size  }
0x9a: {  	s4 =	simm.s32 $_size__tile_overlayer_lowered;
	s5 =	simm.s32 $_tile_overlayer_lowered  }
0x9b: {  	s22 =	simm.s32 $0x1BFF;
	s21 =	sshll.u32 s5, $0x1;
	s2 =	sadd.s32 s19, s18  }
0x9c: {  	s6 =	simm.s32 $0x0;
	s20 =	sshll.u32 s4, $0x1;
	s4 =	sadd.s32 s21, s2  }
0x9d: {  	[timem:s6], [sflag:s22] =	dma.local [hbm:s4], s20  }
0x9e: {  	_ =	swait.ge [sflag:s22], s20  }
0x9f: {  	s3 =	ssub.s32 $0x0, s20;
	[sflag:s22] =	ssyncset.done $0x0  }
0xa0: {  	[sflag:s22] =	ssyncadd.s32 s3;
	_ =	sdelay $0x1  }
0xa1: {  	s23 =	simm.s32 $0x1B8B  }
0xa2: {  	_ =	swait.ge [sflag:s23], $0x1  }
0xa3: {  	[sflag:s23] =	ssyncset.done $0x0  }
0xa4: {  	s25 =	simm.s32 $0x1B8E;
	s24 =	sld [smem:$0x3FFE];
	[sflag:s23] =	ssyncadd.s32 $0xFFFFFFFF  }
0xa5: {  	s26 =	simm.s32 $execute0_lowered;
	[smem:$0x3FD2] =	sst s25  }
0xa6: {  	s4 =	sshll.u32 s26, $0x1;
	_ =	strace $0x8000004F;
	[dreg:$0x1] =	wrdreg $0xFFFFFFFF  }
0xa7: {  	s28 =	simm.s32 $_size_execute0_lowered;
	s2 =	sadd.s32 s2, s4;
	[dreg:$0x0] =	wrdreg $0x0  }
0xa8: {  	s4 =	sshll.u32 s28, $0x1;
	[dreg:$0x2] =	wrdreg s2  }
0xa9: {  	[dreg:$0x3] =	wrdreg s4  }
0xaa: {  	[dreg:$0x4] =	wrdreg $0xC0  }
0xab: {  	_ =	task [dreg:s6], $0x5FFFF  }
0xac: {  	[dreg:$0x1] =	wrdreg $0xFFFFFFFF  }
0xad: {  	[dreg:$0x0] =	wrdreg $0x60  }
0xae: {  	[dreg:$0x2] =	wrdreg s24  }
0xaf: {  	[dreg:$0x3] =	wrdreg $0x82000  }
0xb0: {  	[dreg:$0x4] =	wrdreg $0x9  }
0xb1: {  	_ =	task.clear_ibuf [dreg:s6], $0x5FFFF;
	_ =	strace $0x9000004F  }
0xb2: {  	s29 =	simm.s32 $0x9;
	_ =	strace $0x80000051  }
0xb3: {  	_ =	swait.ge [sflag:s29], $0x1  }
0xb4: {  	[sflag:s29] =	ssyncadd.s32 $0xFFFFFFFF  }
0xb5: {  	_ =	strace $0x90000051  }
0xb6: {  	_ =	sfence  }
0xb7: {  	s30 =	sld [smem:$0x0];
	_ =	sdelay $0x2  }
0xb8: {  	s31 =	sshll.u32 s1, $0xD;
	s1 =	sshrl.u32 s1, $0x2  }
0xb9: {  	s3 =	sand.u32 $0x4000, s31;
	s1 =	sadd.s32 s1, s30  }
0xba: {  	s0 =	sor.u32 s3, s0;
	s1 =	sshll.u32 s1, $0x11  }
0xbb: {  	s0 =	sor.u32 s1, s0  }
0xbc: {  	s0 =	sadd.s32 $0x8F2B, s0  }
0xbd: {  	[sflag:s0] =	ssyncadd.remote.s32 $0x1  }
0xbe: {  	_ =	sfence.sel $0xFFFF  }
0xbf: {  	[dreg:$0x0] =	wrdreg $0xFFFFFFFF;
	(pc) =	sbr.abs _section_cstart, $3  }
0xc0: {  	[dreg:$0x1] =	wrdreg $0xFFFFFFFF  }
0xc1: {  	_ =	task.clear_ibuf [dreg:s6], $0x2FFFF;
	_ =	strace $0x9FFFFFFF  }
0xc2: {  	(tm) =	ssettm $0x7FFFFFFF  }
0xc3: {  	_ =	shalt  }
tec
execute0_lowered:
.L_overlay_start_1:
0x0: {  	(tag) =	ssettag $0x1  }
0x1: {  	s5 =	rddreg [dreg:$0x0]  }
0x2: {  	s2 =	rddreg [dreg:$0x1];
	s4 =	srdreg.scid  }
0x3: {  	s0 =	stileid.u32;
	s3 =	simm.s32 $0x0;
	s20 =	simm.s32 $0x200  }
0x4: {  	s21 =	simm.s32 $0x3;
	s22 =	simm.s32 $0x100;
	s23 =	simm.s32 $0x80  }
0x5: {  	s24 =	simm.s32 $0x180;
	s25 =	simm.s32 $0x4200;
	s28 =	simm.s32 $0x2  }
0x6: {  	s29 =	simm.s32 $0x0;
	s6 =	sand.u32 $0x1, s4;
	s26 =	sshll.u32 s0, $0x1  }
0x7: {  	[smem:$0x7FF] =	sst s3;
	s4 =	sadd.s32 $0x18C00, s5;
	s8 =	smul.u32 $0x4F000, s0  }
0x8: {  	s12 =	sadd.s32 $0x4C00, s5;
	s13 =	sadd.s32 $0xEC00, s5;
	s10 =	smul.u32 $0x50, s0  }
0x9: {  	s7 =	sor.u32 s6, s26;
	_ =	strace $0x80000050;
	s9 =	ssub.s32 $0x2, s6  }
0xa: {  	p0 =	seq.s32 s6, $0x0;
	s26 =	simm.s32 $0x1;
	s7 =	smul.u32 $0x13C00, s7  }
0xb: {  	s30 =	sshrl.u32 s9, $0x1;
	s31 =	sshrl.u32 s8, $0x2;
	s11 =	sadd.s32 $0x500, s10  }
0xc: {  	s19 =	ssub.s32 s9, s30;
	s11 =	smov.u32 @p0 s10;
	s7 =	sshrl.u32 s7, $0x3  }
0xd: {  	s11 =	sshll.u32 s11, $0x4;
	s19 =	smax.u32 s19, $0x1;
	s18 =	sadd.s32 s7, s5  }
0xe: {  	s5 =	sadd.s32 s31, s2;
	s10 =	sadd.s32 s12, s11;
	s14 =	sor.u32 $0x10, s11  }
0xf: {  	s11 =	sadd.s32 s13, s11;
	s6 =	sadd.s32 $0x4000, s5;
	s7 =	sadd.s32 $0x8000, s5  }
0x10: {  	s8 =	sadd.s32 $0xC000, s5;
	s9 =	sadd.s32 $0x10000, s5;
	s12 =	sadd.s32 s12, s14  }
0x11: {  	s13 =	sadd.s32 s13, s14;
	s14 =	sadd.s32 $0x40400, s18;
	s15 =	sadd.s32 $0x40C00, s18  }
0x12: {  	v0 =	vimm.f32 $0.0e+00;
	s16 =	sadd.s32 $0x41400, s18;
	s17 =	sadd.s32 $0x41C00, s18;
	s18 =	sadd.s32 $0x42400, s18  }
.LBB2_1:
0x13: {  	s30 =	simm.s32 $0x0;
	s31 =	simm.s32 $0x200  }
.LBB2_2:
0x14: {  	p0 =	sne.s32 s31, $0xFE00;
	[tilespmem:s30+$0x270] =	vst v0  }
0x15: {  	[tilespmem:s30+$0x200] =	vst v0  }
0x16: {  	[tilespmem:s30+$0x210] =	vst v0  }
.Ltmp0:
0x17: {  	[tilespmem:s30+$0x220] =	vst v0;
	(pc) =	sbr.rel @p0 .LBB2_2-.Ltmp0, $4  }
0x18: {  	[tilespmem:s30+$0x230] =	vst v0  }
0x19: {  	[tilespmem:s30+$0x240] =	vst v0  }
0x1a: {  	[tilespmem:s30+$0x250] =	vst v0  }
0x1b: {  	[tilespmem:s30+$0x260] =	vst v0;
	s30 =	sshra.s32 s31, $0x2;
	s31 =	sadd.s32 $0x200, s31  }
0x1c: {  	[tilespmem:s30+$0x270] =	vst v0  }
0x1d: {  	[tilespmem:s30+$0x200] =	vst v0  }
0x1e: {  	[tilespmem:s30+$0x210] =	vst v0  }
0x1f: {  	[tilespmem:s30+$0x220] =	vst v0  }
0x20: {  	[tilespmem:s30+$0x230] =	vst v0  }
0x21: {  	[tilespmem:s30+$0x240] =	vst v0  }
0x22: {  	[tilespmem:s30+$0x250] =	vst v0  }
0x23: {  	[tilespmem:s30+$0x260] =	vst v0  }
0x24: {  	[spmem:s5] =	stream.linear.scatter [tilespmem:s20], [sflag:$0x3], $0x4000, $0x38;
	[tilespmem:$0x1BE00] =	vst v63  }
0x25: {  	_ =	swait.ge [sflag:s21], $0x4000  }
0x26: {  	[sflag:s21] =	ssyncset.done $0x0  }
0x27: {  	[sflag:s21] =	ssyncadd.s32 $0xFFFFC000  }
0x28: {  	[spmem:s6] =	stream.linear.scatter [tilespmem:s20], [sflag:$0x3], $0x4000, $0x38;
	[tilespmem:$0x1BE00] =	vst v63  }
0x29: {  	_ =	swait.ge [sflag:s21], $0x4000  }
0x2a: {  	[sflag:s21] =	ssyncset.done $0x0  }
0x2b: {  	[sflag:s21] =	ssyncadd.s32 $0xFFFFC000  }
0x2c: {  	[spmem:s7] =	stream.linear.scatter [tilespmem:s20], [sflag:$0x3], $0x4000, $0x38;
	[tilespmem:$0x1BE00] =	vst v63  }
0x2d: {  	_ =	swait.ge [sflag:s21], $0x4000  }
0x2e: {  	[sflag:s21] =	ssyncset.done $0x0  }
0x2f: {  	[sflag:s21] =	ssyncadd.s32 $0xFFFFC000  }
0x30: {  	[spmem:s8] =	stream.linear.scatter [tilespmem:s20], [sflag:$0x3], $0x4000, $0x38;
	[tilespmem:$0x1BE00] =	vst v63  }
0x31: {  	_ =	swait.ge [sflag:s21], $0x4000  }
0x32: {  	[sflag:s21] =	ssyncset.done $0x0  }
0x33: {  	[sflag:s21] =	ssyncadd.s32 $0xFFFFC000  }
0x34: {  	[spmem:s9] =	stream.linear.scatter [tilespmem:s20], [sflag:$0x3], $0x3C00, $0x38;
	[tilespmem:$0x1BE00] =	vst v63  }
0x35: {  	_ =	swait.ge [sflag:s21], $0x3C00  }
0x36: {  	[sflag:s21] =	ssyncset.done $0x0  }
0x37: {  	[sflag:s21] =	ssyncadd.s32 $0xFFFFC400  }
0x38: {  	[bflag:$0x0] =	sbarrier.arrive $0xFFFF  }
0x39: {  	[tilespmem:s3], [sflag:$0x3] =	stream.linear.gather [hbm4b:s10+s3], $0x80, $0x38;
	[tilespmem:$0x1BE00] =	vst v63  }
0x3a: {  	_ =	swait.ge [sflag:s21], $0x80  }
0x3b: {  	[sflag:s21] =	ssyncset.done $0x0  }
0x3c: {  	[sflag:s21] =	ssyncadd.s32 $0xFFFFFF80  }
0x3d: {  	[tilespmem:s22], [sflag:$0x3] =	stream.linear.gather [hbm4b:s11+s3], $0x80, $0x38;
	[tilespmem:$0x1BE00] =	vst v63  }
0x3e: {  	_ =	swait.ge [sflag:s21], $0x80  }
0x3f: {  	[sflag:s21] =	ssyncset.done $0x0  }
0x40: {  	[sflag:s21] =	ssyncadd.s32 $0xFFFFFF80  }
0x41: {  	[tilespmem:s20], [sflag:$0x1] =	stream.indirect.gather [hbm4b:s4+s23], $0x80, s3, s23, $0xb8;
	[tilespmem:$0x1BE00] =	vst v63  }
0x42: {  	_ = 	snop  }
0x43: {  	[tilespmem:s23], [sflag:$0x3] =	stream.linear.gather [hbm4b:s12+s3], $0x80, $0x38;
	[tilespmem:$0x1BE00] =	vst v63  }
0x44: {  	_ =	swait.ge [sflag:s21], $0x80  }
0x45: {  	[sflag:s21] =	ssyncset.done $0x0  }
0x46: {  	[sflag:s21] =	ssyncadd.s32 $0xFFFFFF80  }
0x47: {  	[tilespmem:s24], [sflag:$0x3] =	stream.linear.gather [hbm4b:s13+s3], $0x80, $0x38;
	[tilespmem:$0x1BE00] =	vst v63  }
0x48: {  	_ =	swait.ge [sflag:s21], $0x80  }
0x49: {  	[sflag:s21] =	ssyncset.done $0x0  }
0x4a: {  	[sflag:s21] =	ssyncadd.s32 $0xFFFFFF80  }
0x4b: {  	[tilespmem:s25], [sflag:$0x2] =	stream.indirect.gather [hbm4b:s4+s23], $0x80, s23, s23, $0xb8;
	[tilespmem:$0x1BE00] =	vst v63  }
0x4c: {  	_ =	swait.ge [sflag:s26], $0x4000  }
0x4d: {  	[sflag:s26] =	ssyncset.done $0x0  }
0x4e: {  	[sflag:s26] =	ssyncadd.s32 $0xFFFFC000  }
0x4f: {  	[spmem:s2] =	stream.indirect.scatter.add.f32 [tilespmem:s20], [sflag:$0x3], $0x80, s22, s23, $0xb8;
	[tilespmem:$0x1BE00] =	vst v63  }
0x50: {  	_ =	swait.ge [sflag:s21], $0x4000  }
0x51: {  	s30 =	sadd.s32 $0xFFFFFB20, s10;
	[sflag:s21] =	ssyncset.done $0x0  }
0x52: {  	s31 =	sadd.s32 $0x500, s30;
	[sflag:s21] =	ssyncadd.s32 $0xFFFFC000  }
0x53: {  	[tilespmem:s3], [sflag:$0x3] =	stream.linear.gather [hbm4b:s31+s3], $0x80, $0x38;
	[tilespmem:$0x1BE00] =	vst v63  }
0x54: {  	_ =	swait.ge [sflag:s21], $0x80  }
0x55: {  	s31 =	sadd.s32 $0xFFFFFB20, s11;
	[sflag:s21] =	ssyncset.done $0x0  }
0x56: {  	s0 =	sadd.s32 $0x500, s31;
	[sflag:s21] =	ssyncadd.s32 $0xFFFFFF80  }
0x57: {  	[tilespmem:s22], [sflag:$0x3] =	stream.linear.gather [hbm4b:s0+s3], $0x80, $0x38;
	[tilespmem:$0x1BE00] =	vst v63  }
0x58: {  	_ =	swait.ge [sflag:s21], $0x80  }
0x59: {  	[sflag:s21] =	ssyncset.done $0x0  }
0x5a: {  	[sflag:s21] =	ssyncadd.s32 $0xFFFFFF80  }
0x5b: {  	[tilespmem:s20], [sflag:$0x1] =	stream.indirect.gather [hbm4b:s4+s23], $0x80, s3, s23, $0xb8;
	[tilespmem:$0x1BE00] =	vst v63  }
0x5c: {  	_ =	swait.ge [sflag:s28], $0x4000  }
0x5d: {  	[sflag:s28] =	ssyncset.done $0x0  }
0x5e: {  	[sflag:s28] =	ssyncadd.s32 $0xFFFFC000  }
0x5f: {  	[spmem:s2] =	stream.indirect.scatter.add.f32 [tilespmem:s25], [sflag:$0x3], $0x80, s24, s23, $0xb8;
	[tilespmem:$0x1BE00] =	vst v63  }
0x60: {  	_ =	swait.ge [sflag:s21], $0x4000  }
0x61: {  	[sflag:s21] =	ssyncset.done $0x0  }
0x62: {  	s1 =	sadd.s32 $0x510, s30;
	[sflag:s21] =	ssyncadd.s32 $0xFFFFC000  }
0x63: {  	[tilespmem:s23], [sflag:$0x3] =	stream.linear.gather [hbm4b:s1+s3], $0x80, $0x38;
	[tilespmem:$0x1BE00] =	vst v63  }
0x64: {  	_ =	swait.ge [sflag:s21], $0x80  }
0x65: {  	[sflag:s21] =	ssyncset.done $0x0  }
0x66: {  	s31 =	sadd.s32 $0x510, s31;
	[sflag:s21] =	ssyncadd.s32 $0xFFFFFF80  }
0x67: {  	[tilespmem:s24], [sflag:$0x3] =	stream.linear.gather [hbm4b:s31+s3], $0x80, $0x38;
	[tilespmem:$0x1BE00] =	vst v63  }
0x68: {  	_ =	swait.ge [sflag:s21], $0x80  }
0x69: {  	[sflag:s21] =	ssyncset.done $0x0  }
0x6a: {  	s30 =	simm.s32 $0xFFFFFB40;
	[sflag:s21] =	ssyncadd.s32 $0xFFFFFF80  }
.LBB2_4:
0x6b: {  	[tilespmem:s25], [sflag:$0x2] =	stream.indirect.gather [hbm4b:s4+s23], $0x80, s23, s23, $0xb8;
	[tilespmem:$0x1BE00] =	vst v63  }
0x6c: {  	s0 =	smov.u32 s30  }
0x6d: {  	p0 =	sne.s32 s30, $0xFFFFFFE0;
	s30 =	sadd.s32 $0x20, s30;
	_ =	swait.ge [sflag:s26], $0x4000  }
0x6e: {  	[sflag:s26] =	ssyncset.done $0x0  }
0x6f: {  	[sflag:s26] =	ssyncadd.s32 $0xFFFFC000  }
0x70: {  	[spmem:s2] =	stream.indirect.scatter.add.f32 [tilespmem:s20], [sflag:$0x3], $0x80, s22, s23, $0xb8;
	[tilespmem:$0x1BE00] =	vst v63  }
0x71: {  	_ =	swait.ge [sflag:s21], $0x4000  }
0x72: {  	s31 =	sadd.s32 s0, s10;
	[sflag:s21] =	ssyncset.done $0x0  }
0x73: {  	s1 =	sadd.s32 $0x500, s31;
	[sflag:s21] =	ssyncadd.s32 $0xFFFFC000  }
0x74: {  	[tilespmem:s3], [sflag:$0x3] =	stream.linear.gather [hbm4b:s1+s3], $0x80, $0x38;
	[tilespmem:$0x1BE00] =	vst v63  }
0x75: {  	_ =	swait.ge [sflag:s21], $0x80  }
0x76: {  	s0 =	sadd.s32 s0, s11;
	[sflag:s21] =	ssyncset.done $0x0  }
0x77: {  	s1 =	sadd.s32 $0x500, s0;
	[sflag:s21] =	ssyncadd.s32 $0xFFFFFF80  }
0x78: {  	[tilespmem:s22], [sflag:$0x3] =	stream.linear.gather [hbm4b:s1+s3], $0x80, $0x38;
	[tilespmem:$0x1BE00] =	vst v63  }
0x79: {  	_ =	swait.ge [sflag:s21], $0x80  }
0x7a: {  	[sflag:s21] =	ssyncset.done $0x0  }
0x7b: {  	[sflag:s21] =	ssyncadd.s32 $0xFFFFFF80  }
0x7c: {  	[tilespmem:s20], [sflag:$0x1] =	stream.indirect.gather [hbm4b:s4+s23], $0x80, s3, s23, $0xb8;
	[tilespmem:$0x1BE00] =	vst v63  }
0x7d: {  	_ =	swait.ge [sflag:s28], $0x4000  }
0x7e: {  	[sflag:s28] =	ssyncset.done $0x0  }
0x7f: {  	[sflag:s28] =	ssyncadd.s32 $0xFFFFC000  }
0x80: {  	[spmem:s2] =	stream.indirect.scatter.add.f32 [tilespmem:s25], [sflag:$0x3], $0x80, s24, s23, $0xb8;
	[tilespmem:$0x1BE00] =	vst v63  }
0x81: {  	_ =	swait.ge [sflag:s21], $0x4000  }
0x82: {  	[sflag:s21] =	ssyncset.done $0x0  }
0x83: {  	s1 =	sadd.s32 $0x510, s31;
	[sflag:s21] =	ssyncadd.s32 $0xFFFFC000  }
0x84: {  	[tilespmem:s23], [sflag:$0x3] =	stream.linear.gather [hbm4b:s1+s3], $0x80, $0x38;
	[tilespmem:$0x1BE00] =	vst v63  }
0x85: {  	_ =	swait.ge [sflag:s21], $0x80  }
0x86: {  	[sflag:s21] =	ssyncset.done $0x0  }
.Ltmp1:
0x87: {  	s0 =	sadd.s32 $0x510, s0;
	[sflag:s21] =	ssyncadd.s32 $0xFFFFFF80;
	(pc) =	sbr.rel @p0 .LBB2_4-.Ltmp1, $4  }
0x88: {  	[tilespmem:s24], [sflag:$0x3] =	stream.linear.gather [hbm4b:s0+s3], $0x80, $0x38;
	[tilespmem:$0x1BE00] =	vst v63  }
0x89: {  	_ =	swait.ge [sflag:s21], $0x80  }
0x8a: {  	[sflag:s21] =	ssyncset.done $0x0  }
0x8b: {  	[sflag:s21] =	ssyncadd.s32 $0xFFFFFF80  }
0x8c: {  	[tilespmem:s25], [sflag:$0x2] =	stream.indirect.gather [hbm4b:s4+s23], $0x80, s23, s23, $0xb8;
	[tilespmem:$0x1BE00] =	vst v63  }
0x8d: {  	_ =	swait.ge [sflag:s26], $0x4000  }
0x8e: {  	[sflag:s26] =	ssyncset.done $0x0  }
0x8f: {  	[sflag:s26] =	ssyncadd.s32 $0xFFFFC000  }
0x90: {  	[spmem:s2] =	stream.indirect.scatter.add.f32 [tilespmem:s20], [sflag:$0x3], $0x80, s22, s23, $0xb8;
	[tilespmem:$0x1BE00] =	vst v63  }
0x91: {  	_ =	swait.ge [sflag:s21], $0x4000  }
0x92: {  	[sflag:s21] =	ssyncset.done $0x0  }
0x93: {  	[sflag:s21] =	ssyncadd.s32 $0xFFFFC000  }
0x94: {  	_ =	swait.ge [sflag:s28], $0x4000  }
0x95: {  	[sflag:s28] =	ssyncset.done $0x0  }
0x96: {  	[sflag:s28] =	ssyncadd.s32 $0xFFFFC000  }
0x97: {  	[spmem:s2] =	stream.indirect.scatter.add.f32 [tilespmem:s25], [sflag:$0x3], $0x80, s24, s23, $0xb8;
	[tilespmem:$0x1BE00] =	vst v63  }
0x98: {  	_ =	swait.ge [sflag:s21], $0x4000  }
0x99: {  	[sflag:s21] =	ssyncset.done $0x0  }
0x9a: {  	[sflag:s21] =	ssyncadd.s32 $0xFFFFC000  }
0x9b: {  	[bflag:$0x0] =	sbarrier.arrive $0xFFFF  }
0x9c: {  	[tilespmem:s20], [sflag:$0x3] =	stream.linear.gather [spmem:s5], $0x4000, $0x38;
	[tilespmem:$0x1BE00] =	vst v63  }
0x9d: {  	_ =	swait.ge [sflag:s21], $0x4000  }
0x9e: {  	[sflag:s21] =	ssyncset.done $0x0  }
0x9f: {  	[sflag:s21] =	ssyncadd.s32 $0xFFFFC000  }
0xa0: {  	[hbm4b:s14+s3] =	stream.linear.scatter [tilespmem:s20], [sflag:$0x3], $0x4000, $0x38;
	[tilespmem:$0x1BE00] =	vst v63  }
0xa1: {  	_ =	swait.ge [sflag:s21], $0x4000  }
0xa2: {  	[sflag:s21] =	ssyncset.done $0x0  }
0xa3: {  	[sflag:s21] =	ssyncadd.s32 $0xFFFFC000  }
0xa4: {  	[tilespmem:s20], [sflag:$0x3] =	stream.linear.gather [spmem:s6], $0x4000, $0x38;
	[tilespmem:$0x1BE00] =	vst v63  }
0xa5: {  	_ =	swait.ge [sflag:s21], $0x4000  }
0xa6: {  	[sflag:s21] =	ssyncset.done $0x0  }
0xa7: {  	[sflag:s21] =	ssyncadd.s32 $0xFFFFC000  }
0xa8: {  	[hbm4b:s15+s3] =	stream.linear.scatter [tilespmem:s20], [sflag:$0x3], $0x4000, $0x38;
	[tilespmem:$0x1BE00] =	vst v63  }
0xa9: {  	_ =	swait.ge [sflag:s21], $0x4000  }
0xaa: {  	[sflag:s21] =	ssyncset.done $0x0  }
0xab: {  	[sflag:s21] =	ssyncadd.s32 $0xFFFFC000  }
0xac: {  	[tilespmem:s20], [sflag:$0x3] =	stream.linear.gather [spmem:s7], $0x4000, $0x38;
	[tilespmem:$0x1BE00] =	vst v63  }
0xad: {  	_ =	swait.ge [sflag:s21], $0x4000  }
0xae: {  	[sflag:s21] =	ssyncset.done $0x0  }
0xaf: {  	[sflag:s21] =	ssyncadd.s32 $0xFFFFC000  }
0xb0: {  	[hbm4b:s16+s3] =	stream.linear.scatter [tilespmem:s20], [sflag:$0x3], $0x4000, $0x38;
	[tilespmem:$0x1BE00] =	vst v63  }
0xb1: {  	_ =	swait.ge [sflag:s21], $0x4000  }
0xb2: {  	[sflag:s21] =	ssyncset.done $0x0  }
0xb3: {  	[sflag:s21] =	ssyncadd.s32 $0xFFFFC000  }
0xb4: {  	[tilespmem:s20], [sflag:$0x3] =	stream.linear.gather [spmem:s8], $0x4000, $0x38;
	[tilespmem:$0x1BE00] =	vst v63  }
0xb5: {  	_ =	swait.ge [sflag:s21], $0x4000  }
0xb6: {  	[sflag:s21] =	ssyncset.done $0x0  }
0xb7: {  	[sflag:s21] =	ssyncadd.s32 $0xFFFFC000  }
0xb8: {  	[hbm4b:s17+s3] =	stream.linear.scatter [tilespmem:s20], [sflag:$0x3], $0x4000, $0x38;
	[tilespmem:$0x1BE00] =	vst v63  }
0xb9: {  	_ =	swait.ge [sflag:s21], $0x4000  }
0xba: {  	[sflag:s21] =	ssyncset.done $0x0  }
0xbb: {  	[sflag:s21] =	ssyncadd.s32 $0xFFFFC000  }
0xbc: {  	[tilespmem:s20], [sflag:$0x3] =	stream.linear.gather [spmem:s9], $0x3C00, $0x38;
	[tilespmem:$0x1BE00] =	vst v63  }
0xbd: {  	s29 =	sadd.s32 $0x1, s29;
	_ =	swait.ge [sflag:s21], $0x3C00  }
0xbe: {  	p0 =	sne.s32 s29, s19;
	[sflag:s21] =	ssyncset.done $0x0  }
.Ltmp2:
0xbf: {  	[sflag:s21] =	ssyncadd.s32 $0xFFFFC400;
	(pc) =	sbr.rel @p0 .LBB2_1-.Ltmp2, $4  }
0xc0: {  	[hbm4b:s18+s3] =	stream.linear.scatter [tilespmem:s20], [sflag:$0x3], $0x3C00, $0x38;
	[tilespmem:$0x1BE00] =	vst v63  }
0xc1: {  	_ =	swait.ge [sflag:s21], $0x3C00  }
0xc2: {  	[sflag:s21] =	ssyncset.done $0x0  }
0xc3: {  	[sflag:s21] =	ssyncadd.s32 $0xFFFFC400  }
0xc4: {  	_ =	sfence.sel $0x180000  }
0xc5: {  	[bflag:$0x0] =	sbarrier.arrive $0xFFFF  }
0xc6: {  	_ =	strace $0x90000050  }
0xc7: {  	s0 =	stileid.u32;
	[bflag:$0x2] =	sbarrier.arrive $0xFFFF  }
0xc8: {  	p0 =	sne.s32 s0, $0x0;
	s0 =	rddreg [dreg:$0x2]  }
0xc9: {  	s0 =	sadd.s32 @!p0 $0x100000, s0  }
0xca: {  	[sflag:s0] =	ssyncadd.tile.s32 @!p0 $0x1;
	_ =	shalt  }
.Lfunc_end2:
_tile_overlayer_lowered:
.L_overlay_start_2:
0xcb: {  	(tag) =	ssettag $0x2  }
0xcc: {  	s0 =	rddreg [dreg:$0x0];
	s2 =	stileid.u32  }
0xcd: {  	s1 =	rddreg [dreg:$0x1];
	p0 =	sne.s32 s2, $0x0  }
0xce: {  	s3 =	rddreg [dreg:$0x2];
	[bflag:$0x3] =	sbarrier.arrive $0xFFFF;
	s2 =	simm.s32 @!p0 $0x1C03  }
0xcf: {  	[timem:s3], [sflag:s2] =	dma.local @!p0 [hbm:s0], s1  }
0xd0: {  	s0 =	simm.s32 @!p0 $0x3  }
0xd1: {  	_ =	swait.ge @!p0 [sflag:s0], s1  }
0xd2: {  	s1 =	ssub.s32 @!p0 $0x0, s1;
	[sflag:s0] =	ssyncset.done @!p0 $0x0  }
0xd3: {  	[sflag:s0] =	ssyncadd.s32 @!p0 s1  }
0xd4: {  	[bflag:$0x3] =	sbarrier.arrive $0xFFFF  }
0xd5: {  	_ =	shalt  }

</sc_bundles>
